<compile_context>
chip_gen: v7x
topology: tpu7x:2x2x1
jax: 0.10.2.dev20260603
libtpu: 0.0.44.dev20260713+nightly
codegen_flags: <defaults>
</compile_context>

<pallas_src>
import functools

import jax
import jax.numpy as jnp
from jax import lax
from jax.experimental import pallas as pl
from jax.experimental.pallas import tpu as pltpu
from jax.experimental.pallas import tpu_sc as plsc

_RB = 8
_GW = 128
_NREF = 4
_SC_ROWS = 64
_SC_COLS = 99840
_CW = 4992
_QW = 24960
_TAILW = 256
_L = 16


def _gather_body(tstart_ref, p_ref, tmod_ref, v_ref, vmat_ref, x_scr, sem,
                 *, bsz, bszt):
    copies = [
        pltpu.make_async_copy(
            p_ref.at[pl.ds(8 * (r // 8), 8),
                     pl.ds(pl.multiple_of(tstart_ref[r], _GW), _GW)],
            x_scr.at[r],
            sem,
        )
        for r in range(bsz)
    ]
    for c in copies:
        c.start()
    for c in copies:
        c.wait()
    sub = jax.lax.broadcasted_iota(jnp.int32, (bsz, 8, _GW), 1)
    rmod = jax.lax.broadcasted_iota(jnp.int32, (bsz, 8, _GW), 0) % 8
    lane = jax.lax.broadcasted_iota(jnp.int32, (bsz, 8, _GW), 2)
    sel = jnp.where((sub == rmod) & (lane == tmod_ref[...]), x_scr[...], 0.0)
    v = jnp.sum(sel, axis=(1, 2)).reshape(bsz, 1)
    v_ref[...] = v
    vmat_ref[...] = jnp.broadcast_to(v[bszt:], (bsz - bszt, _GW))


def _tc_body(p_ref, v_ref, t_ref, *x_refs_and_outs, nsteps, bszt, bsz, n):
    x_refs = x_refs_and_outs[:_NREF]
    rank_ref, rtail_ref = x_refs_and_outs[_NREF:_NREF + 2]
    xt_scr, sem = x_refs_and_outs[_NREF + 2:]
    j = pl.program_id(0)

    for r, xr in enumerate(x_refs):
        g = j * _NREF + r
        x = xr[...]
        v = v_ref[pl.ds(g * _RB, _RB), :]
        t = t_ref[pl.ds(g * _RB, _RB), :]
        lane = jax.lax.broadcasted_iota(jnp.int32, x.shape, 1)
        beat = (x > v) | ((x == v) & (lane < t))
        rank_ref[pl.ds(g * _RB, _RB), :] = jnp.sum(beat.astype(jnp.int32),
                                                   axis=1, keepdims=True)

    @pl.when(j == nsteps - 1)
    def _tail():
        nsc = bsz - bszt
        cp = pltpu.make_async_copy(
            p_ref.at[pl.ds(bszt, nsc),
                     pl.ds(pl.multiple_of(0 * j + _SC_COLS, _GW), _TAILW)],
            xt_scr, sem)
        cp.start()
        cp.wait()
        xt = xt_scr[...]
        vt = v_ref[pl.ds(bszt, nsc), :]
        tt = t_ref[pl.ds(bszt, nsc), :]
        lane = _SC_COLS + jax.lax.broadcasted_iota(jnp.int32, xt.shape, 1)
        beat = ((xt > vt) | ((xt == vt) & (lane < tt))) & (lane < n)
        rtail_ref[...] = jnp.sum(beat.astype(jnp.int32), axis=1,
                                 keepdims=True)


def _merge_body(rtc_ref, rtail_ref, rsc_ref, out1_ref, out5_ref, *, bsz):
    r1 = rtc_ref[...]
    x = rsc_ref[...]
    r2 = jnp.sum(x[0:8] + x[8:16] + x[16:24] + x[24:32], axis=2)
    r2 = r2 + rtail_ref[...].reshape(8, 8)
    scale = 100.0 / bsz
    out1_ref[...] = ((jnp.sum((r1 < 1).astype(jnp.float32), axis=(0, 1),
                              keepdims=True)
                      + jnp.sum((r2 < 1).astype(jnp.float32), axis=(0, 1),
                                keepdims=True)) * scale)
    out5_ref[...] = ((jnp.sum((r1 < 5).astype(jnp.float32), axis=(0, 1),
                              keepdims=True)
                      + jnp.sum((r2 < 5).astype(jnp.float32), axis=(0, 1),
                                keepdims=True)) * scale)


def kernel(preds, targets):
    bsz, n = preds.shape
    bszt = bsz - _SC_ROWS
    t32 = targets.astype(jnp.int32)
    tstart = (t32 // _GW) * _GW
    tmod = (t32 % _GW).reshape(bsz, 1, 1)
    tmat = jnp.broadcast_to(t32[bszt:].reshape(_SC_ROWS, 1),
                            (_SC_ROWS, _GW))

    info = plsc.get_sparse_core_info()
    nc = info.num_cores

    v, vmat = pl.pallas_call(
        functools.partial(_gather_body, bsz=bsz, bszt=bszt),
        grid_spec=pltpu.PrefetchScalarGridSpec(
            num_scalar_prefetch=1,
            grid=(1,),
            in_specs=[
                pl.BlockSpec(memory_space=pl.ANY),
                pl.BlockSpec((bsz, 1, 1), lambda j, s: (0, 0, 0)),
            ],
            out_specs=[
                pl.BlockSpec((bsz, 1), lambda j, s: (0, 0)),
                pl.BlockSpec((_SC_ROWS, _GW), lambda j, s: (0, 0)),
            ],
            scratch_shapes=[
                pltpu.VMEM((bsz, 8, _GW), jnp.float32),
                pltpu.SemaphoreType.DMA,
            ],
        ),
        out_shape=[jax.ShapeDtypeStruct((bsz, 1), jnp.float32),
                   jax.ShapeDtypeStruct((_SC_ROWS, _GW), jnp.float32)],
    )(tstart, preds, tmod)

    @functools.partial(
        pl.kernel,
        out_type=jax.ShapeDtypeStruct((32, 8, _L), jnp.int32),
        mesh=plsc.VectorSubcoreMesh(core_axis_name="c", subcore_axis_name="s"),
        scratch_types=[
            pltpu.VMEM((8, _GW), jnp.float32),
            pltpu.VMEM((8, _GW), jnp.int32),
            pltpu.VMEM((8, _CW), jnp.float32),
            pltpu.VMEM((8, _CW), jnp.float32),
            pltpu.VMEM((_L,), jnp.int32),
            pltpu.SemaphoreType.DMA,
            pltpu.SemaphoreType.DMA,
            pltpu.SemaphoreType.DMA,
        ],
    )
    def _sc_count(p_ref, vmat_ref, tmat_ref, out_ref, vbufv, tbufv,
                  buf0, buf1, cnt_scr, sem0, sem1, semt):
        wid = lax.axis_index("s") * nc + lax.axis_index("c")
        s = wid % 8
        q = wid // 8
        base8 = pl.multiple_of(bszt + 8 * s, 8)
        base8v = pl.multiple_of(8 * s, 8)
        qb = pl.multiple_of(q * _QW, _GW)
        lanei = lax.iota(jnp.int32, _L)
        bufs = (buf0, buf1)
        sems = (sem0, sem1)
        pltpu.async_copy(vmat_ref.at[pl.ds(base8v, 8), :], vbufv, semt).wait()
        pltpu.async_copy(tmat_ref.at[pl.ds(base8v, 8), :], tbufv, semt).wait()
        vrs = [vbufv[ri, pl.ds(0, _L)] for ri in range(8)]
        trs = [tbufv[ri, pl.ds(0, _L)] for ri in range(8)]

        nch = _QW // _CW

        def _mk(k):
            return pltpu.make_async_copy(
                p_ref.at[pl.ds(base8, 8),
                         pl.ds(pl.multiple_of(qb + k * _CW, _GW), _CW)],
                bufs[k % 2], sems[k % 2])

        cps = [_mk(k) for k in range(nch)]
        cps[0].start()
        cnts = [jnp.zeros((_L,), jnp.int32) for _ in range(8)]
        for k in range(nch):
            if k + 1 < nch:
                cps[k + 1].start()
            cps[k].wait()
            buf = bufs[k % 2]

            def gbody(g, carry, buf=buf):
                cnts = list(carry[:8])
                lane = carry[8]
                for ri in range(8):
                    x16 = buf[ri, pl.ds(g * _L, _L)]
                    beat = (x16 > vrs[ri]) | ((x16 == vrs[ri])
                                              & (lane < trs[ri]))
                    cnts[ri] = cnts[ri] + jnp.where(beat, 1, 0)
                return tuple(cnts) + (lane + _L,)

            res = lax.fori_loop(0, _CW // _L, gbody,
                                tuple(cnts) + (qb + k * _CW + lanei,))
            cnts = list(res[:8])
        for ri in range(8):
            cnt_scr[...] = cnts[ri]
            pltpu.sync_copy(cnt_scr, out_ref.at[wid, ri])

    rank_sc = _sc_count(preds, vmat, tmat)

    nsteps = bszt // (_RB * _NREF)
    rank_tc, rank_tail = pl.pallas_call(
        functools.partial(_tc_body, nsteps=nsteps, bszt=bszt, bsz=bsz, n=n),
        grid=(nsteps,),
        in_specs=[
            pl.BlockSpec(memory_space=pl.ANY),
            pl.BlockSpec((bsz, 1), lambda j: (0, 0)),
            pl.BlockSpec((bsz, 1), lambda j: (0, 0)),
        ] + [
            pl.BlockSpec((_RB, n), lambda j, r=r: (j * _NREF + r, 0))
            for r in range(_NREF)
        ],
        out_specs=[
            pl.BlockSpec((bszt, 1), lambda j: (0, 0)),
            pl.BlockSpec((_SC_ROWS, 1), lambda j: (0, 0)),
        ],
        scratch_shapes=[
            pltpu.VMEM((_SC_ROWS, _TAILW), jnp.float32),
            pltpu.SemaphoreType.DMA,
        ],
        out_shape=[jax.ShapeDtypeStruct((bszt, 1), jnp.int32),
                   jax.ShapeDtypeStruct((_SC_ROWS, 1), jnp.int32)],
    )(preds, v, t32.reshape(bsz, 1), *([preds] * _NREF))

    out1, out5 = pl.pallas_call(
        functools.partial(_merge_body, bsz=bsz),
        in_specs=[
            pl.BlockSpec((bszt, 1), lambda: (0, 0)),
            pl.BlockSpec((_SC_ROWS, 1), lambda: (0, 0)),
            pl.BlockSpec((32, 8, _L), lambda: (0, 0, 0)),
        ],
        out_specs=[
            pl.BlockSpec((1, 1), lambda: (0, 0)),
            pl.BlockSpec((1, 1), lambda: (0, 0)),
        ],
        out_shape=[jax.ShapeDtypeStruct((1, 1), jnp.float32)] * 2,
    )(rank_tc, rank_tail, rank_sc)

    return (out1.reshape(1), out5.reshape(1))

# --- scband reference (transcript-rebuilt; emitter-appended) ---
"""Pipeline reference for scband-accuracy-15367392985529 (READ-ONLY COPY).

The authoritative reference and input builder live on the scoring server;
editing this copy changes nothing except your own understanding.
"""

import jax, jax.numpy as jnp
import numpy as np

TOPK = (1, 5)


def setup_inputs(seed: int = 0) -> dict:
    key = jax.random.key(seed)
    k1, k2 = jax.random.split(key)
    preds = jax.random.normal(k1, (128, 100000), dtype=jnp.float32)
    targets = jax.random.randint(k2, (128,), 0, 100000, dtype=jnp.int64)
    return {"preds": preds, "targets": targets}


def reference(preds, targets):
    maxk = max(TOPK)
    batch_size = targets.shape[0]
    _, topk_indices = jax.lax.top_k(preds, maxk)  # [B, maxk], sorted descending
    topk_preds = topk_indices.T  # [maxk, B]
    topk_targets = jnp.broadcast_to(targets.reshape(1, -1), topk_preds.shape)
    topk_corrects = topk_preds == topk_targets
    topk_results = []
    for k in TOPK:
        k_corrects = topk_corrects[:k].reshape(-1, 1).astype(jnp.float32).sum(axis=0)
        topk_results.append(k_corrects * 100.0 / batch_size)
    return tuple(topk_results)

if __name__ == "__main__":
    import jax
    _d = setup_inputs()
    print(jax.jit(kernel)(*tuple(_d.values())))

</pallas_src>

<mosaic_0001>
#map = affine_map<(d0, d1) -> (0, 0)>
#map1 = affine_map<(d0, d1) -> (0, 0, 0)>
module attributes {stable_mosaic.version = 14 : i64} {
  func.func @_sc_count(%arg0: i32, %arg1: i32, %arg2: memref<128x100000xf32, #tpu.memory_space<hbm>>, %arg3: memref<64x128xf32, #tpu.memory_space<hbm>>, %arg4: memref<64x128xi32, #tpu.memory_space<hbm>>, %arg5: memref<32x8x16xi32, #tpu.memory_space<hbm>>, %arg6: memref<8x128xf32, #tpu.memory_space<vmem>>, %arg7: memref<8x128xi32, #tpu.memory_space<vmem>>, %arg8: memref<8x4992xf32, #tpu.memory_space<vmem>>, %arg9: memref<8x4992xf32, #tpu.memory_space<vmem>>, %arg10: memref<16xi32, #tpu.memory_space<vmem>>, %arg11: memref<!tpu.dma_semaphore, #tpu.memory_space<semaphore_mem>>, %arg12: memref<!tpu.dma_semaphore, #tpu.memory_space<semaphore_mem>>, %arg13: memref<!tpu.dma_semaphore, #tpu.memory_space<semaphore_mem>>) attributes {dimension_semantics = [#tpu.dimension_semantics<core_parallel>, #tpu.dimension_semantics<subcore_parallel>], iteration_bounds = array<i64: 2, 16>, scalar_prefetch = 0 : i64, scratch_operands = 8 : i64, tpu.core_type = #tpu.core_type<sc_vector_subcore>, window_params = [{transform_indices = #map}, {transform_indices = #map}, {transform_indices = #map}, {transform_indices = #map1}]} {
    %mul3A = arith.constant 2 : i32
    %mul3A_0 = arith.muli %arg1, %mul3A : i32
    %add3A = arith.addi %mul3A_0, %arg0 : i32
    %jit3A = arith.constant 8 : i32
    %eq3A = arith.constant 0 : i32
    %eq3A_1 = arith.cmpi eq, %jit3A, %eq3A : i32
    %jit3A_2 = arith.constant 1 : i32
    %select_n3A = arith.select %eq3A_1, %jit3A_2, %jit3A : i32
    %rem3A = arith.remsi %add3A, %select_n3A : i32
    %ne3A = arith.constant 0 : i32
    %ne3A_3 = arith.cmpi ne, %rem3A, %ne3A : i32
    %lt3A = arith.constant 0 : i32
    %lt3A_4 = arith.cmpi slt, %rem3A, %lt3A : i32
    %lt3A_5 = arith.constant 0 : i32
    %lt3A_6 = arith.cmpi slt, %select_n3A, %lt3A_5 : i32
    %ne3A_7 = arith.xori %lt3A_4, %lt3A_6 : i1
    %and3A = arith.andi %ne3A_7, %ne3A_3 : i1
    %add3A_8 = arith.addi %rem3A, %select_n3A : i32
    %select_n3A_9 = arith.select %and3A, %add3A_8, %rem3A : i32
    %jit3A_10 = arith.constant 8 : i32
    %div3A = arith.divsi %add3A, %jit3A_10 : i32
    %sign3A = arith.constant 0 : i32
    %sign3A_11 = arith.cmpi sgt, %add3A, %sign3A : i32
    %sign3A_12 = arith.extui %sign3A_11 : i1 to i32
    %sign3A_13 = arith.constant 0 : i32
    %sign3A_14 = arith.cmpi slt, %add3A, %sign3A_13 : i32
    %sign3A_15 = arith.extui %sign3A_14 : i1 to i32
    %sign3A_16 = arith.subi %sign3A_12, %sign3A_15 : i32
    %sign3A_17 = arith.constant 0 : i32
    %sign3A_18 = arith.cmpi sgt, %jit3A_10, %sign3A_17 : i32
    %sign3A_19 = arith.extui %sign3A_18 : i1 to i32
    %sign3A_20 = arith.constant 0 : i32
    %sign3A_21 = arith.cmpi slt, %jit3A_10, %sign3A_20 : i32
    %sign3A_22 = arith.extui %sign3A_21 : i1 to i32
    %sign3A_23 = arith.subi %sign3A_19, %sign3A_22 : i32
    %ne3A_24 = arith.cmpi ne, %sign3A_16, %sign3A_23 : i32
    %rem3A_25 = arith.remsi %add3A, %jit3A_10 : i32
    %ne3A_26 = arith.constant 0 : i32
    %ne3A_27 = arith.cmpi ne, %rem3A_25, %ne3A_26 : i32
    %and3A_28 = arith.andi %ne3A_24, %ne3A_27 : i1
    %sub3A = arith.constant 1 : i32
    %sub3A_29 = arith.subi %div3A, %sub3A : i32
    %select_n3A_30 = arith.select %and3A_28, %sub3A_29, %div3A : i32
    %mul3A_31 = arith.constant 8 : i32
    %mul3A_32 = arith.muli %mul3A_31, %select_n3A_9 : i32
    %add3A_33 = arith.constant 64 : i32
    %add3A_34 = arith.addi %add3A_33, %mul3A_32 : i32
    %multiple_of3A = tpu.assume_multiple %add3A_34, 8 : i32
    %mul3A_35 = arith.constant 8 : i32
    %mul3A_36 = arith.muli %mul3A_35, %select_n3A_9 : i32
    %multiple_of3A_37 = tpu.assume_multiple %mul3A_36, 8 : i32
    %mul3A_38 = arith.constant 24960 : i32
    %mul3A_39 = arith.muli %select_n3A_30, %mul3A_38 : i32
    %multiple_of3A_40 = tpu.assume_multiple %mul3A_39, 128 : i32
    %iota3A = tpu.iota {dimensions = array<i32: 0>} : vector<16xi32>
    %dma_start3A = arith.constant 0 : i32
    %dma_start3A_41 = tpu.memref_slice %arg3[%multiple_of3A_37, %dma_start3A] : memref<64x128xf32, #tpu.memory_space<hbm>> -> memref<8x128xf32, #tpu.memory_space<hbm>>
    %dma_start3A_42 = arith.constant 0 : i32
    %dma_start3A_43 = tpu.memref_slice %arg3[%multiple_of3A_37, %dma_start3A_42] : memref<64x128xf32, #tpu.memory_space<hbm>> -> memref<8x128xf32, #tpu.memory_space<hbm>>
    tpu.enqueue_dma source(%dma_start3A_43 : memref<8x128xf32, #tpu.memory_space<hbm>>) target(%arg6 : memref<8x128xf32, #tpu.memory_space<vmem>>) target_semaphore(%arg13 : memref<!tpu.dma_semaphore, #tpu.memory_space<semaphore_mem>>)
    %dma_wait3A = arith.constant 0 : i32
    %dma_wait3A_44 = tpu.memref_slice %arg3[%multiple_of3A_37, %dma_wait3A] : memref<64x128xf32, #tpu.memory_space<hbm>> -> memref<8x128xf32, #tpu.memory_space<hbm>>
    %dma_wait3A_45 = arith.constant 0 : i32
    %dma_wait3A_46 = tpu.memref_slice %arg3[%multiple_of3A_37, %dma_wait3A_45] : memref<64x128xf32, #tpu.memory_space<hbm>> -> memref<8x128xf32, #tpu.memory_space<hbm>>
    tpu.wait_dma2 semaphore(%arg13 : memref<!tpu.dma_semaphore, #tpu.memory_space<semaphore_mem>>) src(%dma_wait3A_46 : memref<8x128xf32, #tpu.memory_space<hbm>>) dst(%arg6 : memref<8x128xf32, #tpu.memory_space<vmem>>)
    %dma_start3A_47 = arith.constant 0 : i32
    %dma_start3A_48 = tpu.memref_slice %arg4[%multiple_of3A_37, %dma_start3A_47] : memref<64x128xi32, #tpu.memory_space<hbm>> -> memref<8x128xi32, #tpu.memory_space<hbm>>
    %dma_start3A_49 = arith.constant 0 : i32
    %dma_start3A_50 = tpu.memref_slice %arg4[%multiple_of3A_37, %dma_start3A_49] : memref<64x128xi32, #tpu.memory_space<hbm>> -> memref<8x128xi32, #tpu.memory_space<hbm>>
    tpu.enqueue_dma source(%dma_start3A_50 : memref<8x128xi32, #tpu.memory_space<hbm>>) target(%arg7 : memref<8x128xi32, #tpu.memory_space<vmem>>) target_semaphore(%arg13 : memref<!tpu.dma_semaphore, #tpu.memory_space<semaphore_mem>>)
    %dma_wait3A_51 = arith.constant 0 : i32
    %dma_wait3A_52 = tpu.memref_slice %arg4[%multiple_of3A_37, %dma_wait3A_51] : memref<64x128xi32, #tpu.memory_space<hbm>> -> memref<8x128xi32, #tpu.memory_space<hbm>>
    %dma_wait3A_53 = arith.constant 0 : i32
    %dma_wait3A_54 = tpu.memref_slice %arg4[%multiple_of3A_37, %dma_wait3A_53] : memref<64x128xi32, #tpu.memory_space<hbm>> -> memref<8x128xi32, #tpu.memory_space<hbm>>
    tpu.wait_dma2 semaphore(%arg13 : memref<!tpu.dma_semaphore, #tpu.memory_space<semaphore_mem>>) src(%dma_wait3A_54 : memref<8x128xi32, #tpu.memory_space<hbm>>) dst(%arg7 : memref<8x128xi32, #tpu.memory_space<vmem>>)
    %get3A = arith.constant 0 : i32
    %get3A_55 = arith.index_cast %get3A : i32 to index
    %get3A_56 = arith.constant 0 : index
    %get3A_57 = tpu.vector_load %arg6[%get3A_55, %get3A_56] {strides = array<i32>} : memref<8x128xf32, #tpu.memory_space<vmem>>, vector<1x16xf32>,
    %get3A_58 = vector.shape_cast %get3A_57 : vector<1x16xf32> to vector<16xf32>
    %get3A_59 = arith.constant 1 : i32
    %get3A_60 = arith.index_cast %get3A_59 : i32 to index
    %get3A_61 = arith.constant 0 : index
    %get3A_62 = tpu.vector_load %arg6[%get3A_60, %get3A_61] {strides = array<i32>} : memref<8x128xf32, #tpu.memory_space<vmem>>, vector<1x16xf32>,
    %get3A_63 = vector.shape_cast %get3A_62 : vector<1x16xf32> to vector<16xf32>
    %get3A_64 = arith.constant 2 : i32
    %get3A_65 = arith.index_cast %get3A_64 : i32 to index
    %get3A_66 = arith.constant 0 : index
    %get3A_67 = tpu.vector_load %arg6[%get3A_65, %get3A_66] {strides = array<i32>} : memref<8x128xf32, #tpu.memory_space<vmem>>, vector<1x16xf32>,
    %get3A_68 = vector.shape_cast %get3A_67 : vector<1x16xf32> to vector<16xf32>
    %get3A_69 = arith.constant 3 : i32
    %get3A_70 = arith.index_cast %get3A_69 : i32 to index
    %get3A_71 = arith.constant 0 : index
    %get3A_72 = tpu.vector_load %arg6[%get3A_70, %get3A_71] {strides = array<i32>} : memref<8x128xf32, #tpu.memory_space<vmem>>, vector<1x16xf32>,
    %get3A_73 = vector.shape_cast %get3A_72 : vector<1x16xf32> to vector<16xf32>
    %get3A_74 = arith.constant 4 : i32
    %get3A_75 = arith.index_cast %get3A_74 : i32 to index
    %get3A_76 = arith.constant 0 : index
    %get3A_77 = tpu.vector_load %arg6[%get3A_75, %get3A_76] {strides = array<i32>} : memref<8x128xf32, #tpu.memory_space<vmem>>, vector<1x16xf32>,
    %get3A_78 = vector.shape_cast %get3A_77 : vector<1x16xf32> to vector<16xf32>
    %get3A_79 = arith.constant 5 : i32
    %get3A_80 = arith.index_cast %get3A_79 : i32 to index
    %get3A_81 = arith.constant 0 : index
    %get3A_82 = tpu.vector_load %arg6[%get3A_80, %get3A_81] {strides = array<i32>} : memref<8x128xf32, #tpu.memory_space<vmem>>, vector<1x16xf32>,
    %get3A_83 = vector.shape_cast %get3A_82 : vector<1x16xf32> to vector<16xf32>
    %get3A_84 = arith.constant 6 : i32
    %get3A_85 = arith.index_cast %get3A_84 : i32 to index
    %get3A_86 = arith.constant 0 : index
    %get3A_87 = tpu.vector_load %arg6[%get3A_85, %get3A_86] {strides = array<i32>} : memref<8x128xf32, #tpu.memory_space<vmem>>, vector<1x16xf32>,
    %get3A_88 = vector.shape_cast %get3A_87 : vector<1x16xf32> to vector<16xf32>
    %get3A_89 = arith.constant 7 : i32
    %get3A_90 = arith.index_cast %get3A_89 : i32 to index
    %get3A_91 = arith.constant 0 : index
    %get3A_92 = tpu.vector_load %arg6[%get3A_90, %get3A_91] {strides = array<i32>} : memref<8x128xf32, #tpu.memory_space<vmem>>, vector<1x16xf32>,
    %get3A_93 = vector.shape_cast %get3A_92 : vector<1x16xf32> to vector<16xf32>
    %get3A_94 = arith.constant 0 : i32
    %get3A_95 = arith.index_cast %get3A_94 : i32 to index
    %get3A_96 = arith.constant 0 : index
    %get3A_97 = tpu.vector_load %arg7[%get3A_95, %get3A_96] {strides = array<i32>} : memref<8x128xi32, #tpu.memory_space<vmem>>, vector<1x16xi32>,
    %get3A_98 = vector.shape_cast %get3A_97 : vector<1x16xi32> to vector<16xi32>
    %get3A_99 = arith.constant 1 : i32
    %get3A_100 = arith.index_cast %get3A_99 : i32 to index
    %get3A_101 = arith.constant 0 : index
    %get3A_102 = tpu.vector_load %arg7[%get3A_100, %get3A_101] {strides = array<i32>} : memref<8x128xi32, #tpu.memory_space<vmem>>, vector<1x16xi32>,
    %get3A_103 = vector.shape_cast %get3A_102 : vector<1x16xi32> to vector<16xi32>
    %get3A_104 = arith.constant 2 : i32
    %get3A_105 = arith.index_cast %get3A_104 : i32 to index
    %get3A_106 = arith.constant 0 : index
    %get3A_107 = tpu.vector_load %arg7[%get3A_105, %get3A_106] {strides = array<i32>} : memref<8x128xi32, #tpu.memory_space<vmem>>, vector<1x16xi32>,
    %get3A_108 = vector.shape_cast %get3A_107 : vector<1x16xi32> to vector<16xi32>
    %get3A_109 = arith.constant 3 : i32
    %get3A_110 = arith.index_cast %get3A_109 : i32 to index
    %get3A_111 = arith.constant 0 : index
    %get3A_112 = tpu.vector_load %arg7[%get3A_110, %get3A_111] {strides = array<i32>} : memref<8x128xi32, #tpu.memory_space<vmem>>, vector<1x16xi32>,
    %get3A_113 = vector.shape_cast %get3A_112 : vector<1x16xi32> to vector<16xi32>
    %get3A_114 = arith.constant 4 : i32
    %get3A_115 = arith.index_cast %get3A_114 : i32 to index
    %get3A_116 = arith.constant 0 : index
    %get3A_117 = tpu.vector_load %arg7[%get3A_115, %get3A_116] {strides = array<i32>} : memref<8x128xi32, #tpu.memory_space<vmem>>, vector<1x16xi32>,
    %get3A_118 = vector.shape_cast %get3A_117 : vector<1x16xi32> to vector<16xi32>
    %get3A_119 = arith.constant 5 : i32
    %get3A_120 = arith.index_cast %get3A_119 : i32 to index
    %get3A_121 = arith.constant 0 : index
    %get3A_122 = tpu.vector_load %arg7[%get3A_120, %get3A_121] {strides = array<i32>} : memref<8x128xi32, #tpu.memory_space<vmem>>, vector<1x16xi32>,
    %get3A_123 = vector.shape_cast %get3A_122 : vector<1x16xi32> to vector<16xi32>
    %get3A_124 = arith.constant 6 : i32
    %get3A_125 = arith.index_cast %get3A_124 : i32 to index
    %get3A_126 = arith.constant 0 : index
    %get3A_127 = tpu.vector_load %arg7[%get3A_125, %get3A_126] {strides = array<i32>} : memref<8x128xi32, #tpu.memory_space<vmem>>, vector<1x16xi32>,
    %get3A_128 = vector.shape_cast %get3A_127 : vector<1x16xi32> to vector<16xi32>
    %get3A_129 = arith.constant 7 : i32
    %get3A_130 = arith.index_cast %get3A_129 : i32 to index
    %get3A_131 = arith.constant 0 : index
    %get3A_132 = tpu.vector_load %arg7[%get3A_130, %get3A_131] {strides = array<i32>} : memref<8x128xi32, #tpu.memory_space<vmem>>, vector<1x16xi32>,
    %get3A_133 = vector.shape_cast %get3A_132 : vector<1x16xi32> to vector<16xi32>
    %add3A_134 = arith.constant 0 : i32
    %add3A_135 = arith.addi %multiple_of3A_40, %add3A_134 : i32
    %multiple_of3A_136 = tpu.assume_multiple %add3A_135, 128 : i32
    %add3A_137 = arith.constant 4992 : i32
    %add3A_138 = arith.addi %multiple_of3A_40, %add3A_137 : i32
    %multiple_of3A_139 = tpu.assume_multiple %add3A_138, 128 : i32
    %add3A_140 = arith.constant 9984 : i32
    %add3A_141 = arith.addi %multiple_of3A_40, %add3A_140 : i32
    %multiple_of3A_142 = tpu.assume_multiple %add3A_141, 128 : i32
    %add3A_143 = arith.constant 14976 : i32
    %add3A_144 = arith.addi %multiple_of3A_40, %add3A_143 : i32
    %multiple_of3A_145 = tpu.assume_multiple %add3A_144, 128 : i32
    %add3A_146 = arith.constant 19968 : i32
    %add3A_147 = arith.addi %multiple_of3A_40, %add3A_146 : i32
    %multiple_of3A_148 = tpu.assume_multiple %add3A_147, 128 : i32
    %dma_start3A_149 = tpu.memref_slice %arg2[%multiple_of3A, %multiple_of3A_136] : memref<128x100000xf32, #tpu.memory_space<hbm>> -> memref<8x4992xf32, #tpu.memory_space<hbm>>
    %dma_start3A_150 = tpu.memref_slice %arg2[%multiple_of3A, %multiple_of3A_136] : memref<128x100000xf32, #tpu.memory_space<hbm>> -> memref<8x4992xf32, #tpu.memory_space<hbm>>
    tpu.enqueue_dma source(%dma_start3A_150 : memref<8x4992xf32, #tpu.memory_space<hbm>>) target(%arg8 : memref<8x4992xf32, #tpu.memory_space<vmem>>) target_semaphore(%arg11 : memref<!tpu.dma_semaphore, #tpu.memory_space<semaphore_mem>>)
    %broadcast_in_dim3A = arith.constant 0 : i32
    %broadcast_in_dim3A_151 = vector.broadcast %broadcast_in_dim3A : i32 to vector<16xi32>
    %broadcast_in_dim3A_152 = arith.constant 0 : i32
    %broadcast_in_dim3A_153 = vector.broadcast %broadcast_in_dim3A_152 : i32 to vector<16xi32>
    %broadcast_in_dim3A_154 = arith.constant 0 : i32
    %broadcast_in_dim3A_155 = vector.broadcast %broadcast_in_dim3A_154 : i32 to vector<16xi32>
    %broadcast_in_dim3A_156 = arith.constant 0 : i32
    %broadcast_in_dim3A_157 = vector.broadcast %broadcast_in_dim3A_156 : i32 to vector<16xi32>
    %broadcast_in_dim3A_158 = arith.constant 0 : i32
    %broadcast_in_dim3A_159 = vector.broadcast %broadcast_in_dim3A_158 : i32 to vector<16xi32>
    %broadcast_in_dim3A_160 = arith.constant 0 : i32
    %broadcast_in_dim3A_161 = vector.broadcast %broadcast_in_dim3A_160 : i32 to vector<16xi32>
    %broadcast_in_dim3A_162 = arith.constant 0 : i32
    %broadcast_in_dim3A_163 = vector.broadcast %broadcast_in_dim3A_162 : i32 to vector<16xi32>
    %broadcast_in_dim3A_164 = arith.constant 0 : i32
    %broadcast_in_dim3A_165 = vector.broadcast %broadcast_in_dim3A_164 : i32 to vector<16xi32>
    %dma_start3A_166 = tpu.memref_slice %arg2[%multiple_of3A, %multiple_of3A_139] : memref<128x100000xf32, #tpu.memory_space<hbm>> -> memref<8x4992xf32, #tpu.memory_space<hbm>>
    %dma_start3A_167 = tpu.memref_slice %arg2[%multiple_of3A, %multiple_of3A_139] : memref<128x100000xf32, #tpu.memory_space<hbm>> -> memref<8x4992xf32, #tpu.memory_space<hbm>>
    tpu.enqueue_dma source(%dma_start3A_167 : memref<8x4992xf32, #tpu.memory_space<hbm>>) target(%arg9 : memref<8x4992xf32, #tpu.memory_space<vmem>>) target_semaphore(%arg12 : memref<!tpu.dma_semaphore, #tpu.memory_space<semaphore_mem>>)
    %dma_wait3A_168 = tpu.memref_slice %arg2[%multiple_of3A, %multiple_of3A_136] : memref<128x100000xf32, #tpu.memory_space<hbm>> -> memref<8x4992xf32, #tpu.memory_space<hbm>>
    %dma_wait3A_169 = tpu.memref_slice %arg2[%multiple_of3A, %multiple_of3A_136] : memref<128x100000xf32, #tpu.memory_space<hbm>> -> memref<8x4992xf32, #tpu.memory_space<hbm>>
    tpu.wait_dma2 semaphore(%arg11 : memref<!tpu.dma_semaphore, #tpu.memory_space<semaphore_mem>>) src(%dma_wait3A_169 : memref<8x4992xf32, #tpu.memory_space<hbm>>) dst(%arg8 : memref<8x4992xf32, #tpu.memory_space<vmem>>)
    %add3A_170 = arith.constant 0 : i32
    %add3A_171 = arith.addi %multiple_of3A_40, %add3A_170 : i32
    %add3A_172 = vector.broadcast %add3A_171 : i32 to vector<16xi32>
    %add3A_173 = arith.addi %add3A_172, %iota3A : vector<16xi32>
    %scan3A = arith.constant 0 : i32
    %scan3A_174 = arith.constant 312 : i32
    %scan3A_175 = arith.addi %scan3A, %scan3A_174 : i32
    %scan3A_176 = arith.constant 1 : i32
    %scan3A_177:9 = scf.for %scan3A_271 = %scan3A to %scan3A_175 step %scan3A_176 iter_args(%scan3A_272 = %broadcast_in_dim3A_151, %scan3A_273 = %broadcast_in_dim3A_153, %scan3A_274 = %broadcast_in_dim3A_155, %scan3A_275 = %broadcast_in_dim3A_157, %scan3A_276 = %broadcast_in_dim3A_159, %scan3A_277 = %broadcast_in_dim3A_161, %scan3A_278 = %broadcast_in_dim3A_163, %scan3A_279 = %broadcast_in_dim3A_165, %scan3A_280 = %add3A_173) -> (vector<16xi32>, vector<16xi32>, vector<16xi32>, vector<16xi32>, vector<16xi32>, vector<16xi32>, vector<16xi32>, vector<16xi32>, vector<16xi32>)  : i32 {
      %mul3A_281 = arith.constant 16 : i32
      %mul3A_282 = arith.muli %scan3A_271, %mul3A_281 : i32
      %get3A_283 = arith.constant 0 : i32
      %get3A_284 = arith.index_cast %get3A_283 : i32 to index
      %get3A_285 = arith.index_cast %mul3A_282 : i32 to index
      %get3A_286 = tpu.vector_load %arg8[%get3A_284, %get3A_285] {strides = array<i32>} : memref<8x4992xf32, #tpu.memory_space<vmem>>, vector<1x16xf32>,
      %get3A_287 = vector.shape_cast %get3A_286 : vector<1x16xf32> to vector<16xf32>
      %gt3A = arith.cmpf ogt, %get3A_287, %get3A_58 : vector<16xf32>
      %eq3A_288 = arith.cmpf oeq, %get3A_287, %get3A_58 : vector<16xf32>
      %lt3A_289 = arith.cmpi slt, %scan3A_280, %get3A_98 : vector<16xi32>
      %and3A_290 = arith.andi %eq3A_288, %lt3A_289 : vector<16xi1>
      %or3A = arith.ori %gt3A, %and3A_290 : vector<16xi1>
      %jit3A_291 = arith.constant 1 : i32
      %jit3A_292 = arith.constant 0 : i32
      %broadcast_in_dim3A_293 = vector.broadcast %jit3A_291 : i32 to vector<16xi32>
      %broadcast_in_dim3A_294 = vector.broadcast %jit3A_292 : i32 to vector<16xi32>
      %select_n3A_295 = arith.select %or3A, %broadcast_in_dim3A_293, %broadcast_in_dim3A_294 : vector<16xi1>, vector<16xi32>
      %add3A_296 = arith.addi %scan3A_272, %select_n3A_295 : vector<16xi32>
      %mul3A_297 = arith.constant 16 : i32
      %mul3A_298 = arith.muli %scan3A_271, %mul3A_297 : i32
      %get3A_299 = arith.constant 1 : i32
      %get3A_300 = arith.index_cast %get3A_299 : i32 to index
      %get3A_301 = arith.index_cast %mul3A_298 : i32 to index
      %get3A_302 = tpu.vector_load %arg8[%get3A_300, %get3A_301] {strides = array<i32>} : memref<8x4992xf32, #tpu.memory_space<vmem>>, vector<1x16xf32>,
      %get3A_303 = vector.shape_cast %get3A_302 : vector<1x16xf32> to vector<16xf32>
      %gt3A_304 = arith.cmpf ogt, %get3A_303, %get3A_63 : vector<16xf32>
      %eq3A_305 = arith.cmpf oeq, %get3A_303, %get3A_63 : vector<16xf32>
      %lt3A_306 = arith.cmpi slt, %scan3A_280, %get3A_103 : vector<16xi32>
      %and3A_307 = arith.andi %eq3A_305, %lt3A_306 : vector<16xi1>
      %or3A_308 = arith.ori %gt3A_304, %and3A_307 : vector<16xi1>
      %jit3A_309 = arith.constant 1 : i32
      %jit3A_310 = arith.constant 0 : i32
      %broadcast_in_dim3A_311 = vector.broadcast %jit3A_309 : i32 to vector<16xi32>
      %broadcast_in_dim3A_312 = vector.broadcast %jit3A_310 : i32 to vector<16xi32>
      %select_n3A_313 = arith.select %or3A_308, %broadcast_in_dim3A_311, %broadcast_in_dim3A_312 : vector<16xi1>, vector<16xi32>
      %add3A_314 = arith.addi %scan3A_273, %select_n3A_313 : vector<16xi32>
      %mul3A_315 = arith.constant 16 : i32
      %mul3A_316 = arith.muli %scan3A_271, %mul3A_315 : i32
      %get3A_317 = arith.constant 2 : i32
      %get3A_318 = arith.index_cast %get3A_317 : i32 to index
      %get3A_319 = arith.index_cast %mul3A_316 : i32 to index
      %get3A_320 = tpu.vector_load %arg8[%get3A_318, %get3A_319] {strides = array<i32>} : memref<8x4992xf32, #tpu.memory_space<vmem>>, vector<1x16xf32>,
      %get3A_321 = vector.shape_cast %get3A_320 : vector<1x16xf32> to vector<16xf32>
      %gt3A_322 = arith.cmpf ogt, %get3A_321, %get3A_68 : vector<16xf32>
      %eq3A_323 = arith.cmpf oeq, %get3A_321, %get3A_68 : vector<16xf32>
      %lt3A_324 = arith.cmpi slt, %scan3A_280, %get3A_108 : vector<16xi32>
      %and3A_325 = arith.andi %eq3A_323, %lt3A_324 : vector<16xi1>
      %or3A_326 = arith.ori %gt3A_322, %and3A_325 : vector<16xi1>
      %jit3A_327 = arith.constant 1 : i32
      %jit3A_328 = arith.constant 0 : i32
      %broadcast_in_dim3A_329 = vector.broadcast %jit3A_327 : i32 to vector<16xi32>
      %broadcast_in_dim3A_330 = vector.broadcast %jit3A_328 : i32 to vector<16xi32>
      %select_n3A_331 = arith.select %or3A_326, %broadcast_in_dim3A_329, %broadcast_in_dim3A_330 : vector<16xi1>, vector<16xi32>
      %add3A_332 = arith.addi %scan3A_274, %select_n3A_331 : vector<16xi32>
      %mul3A_333 = arith.constant 16 : i32
      %mul3A_334 = arith.muli %scan3A_271, %mul3A_333 : i32
      %get3A_335 = arith.constant 3 : i32
      %get3A_336 = arith.index_cast %get3A_335 : i32 to index
      %get3A_337 = arith.index_cast %mul3A_334 : i32 to index
      %get3A_338 = tpu.vector_load %arg8[%get3A_336, %get3A_337] {strides = array<i32>} : memref<8x4992xf32, #tpu.memory_space<vmem>>, vector<1x16xf32>,
      %get3A_339 = vector.shape_cast %get3A_338 : vector<1x16xf32> to vector<16xf32>
      %gt3A_340 = arith.cmpf ogt, %get3A_339, %get3A_73 : vector<16xf32>
      %eq3A_341 = arith.cmpf oeq, %get3A_339, %get3A_73 : vector<16xf32>
      %lt3A_342 = arith.cmpi slt, %scan3A_280, %get3A_113 : vector<16xi32>
      %and3A_343 = arith.andi %eq3A_341, %lt3A_342 : vector<16xi1>
      %or3A_344 = arith.ori %gt3A_340, %and3A_343 : vector<16xi1>
      %jit3A_345 = arith.constant 1 : i32
      %jit3A_346 = arith.constant 0 : i32
      %broadcast_in_dim3A_347 = vector.broadcast %jit3A_345 : i32 to vector<16xi32>
      %broadcast_in_dim3A_348 = vector.broadcast %jit3A_346 : i32 to vector<16xi32>
      %select_n3A_349 = arith.select %or3A_344, %broadcast_in_dim3A_347, %broadcast_in_dim3A_348 : vector<16xi1>, vector<16xi32>
      %add3A_350 = arith.addi %scan3A_275, %select_n3A_349 : vector<16xi32>
      %mul3A_351 = arith.constant 16 : i32
      %mul3A_352 = arith.muli %scan3A_271, %mul3A_351 : i32
      %get3A_353 = arith.constant 4 : i32
      %get3A_354 = arith.index_cast %get3A_353 : i32 to index
      %get3A_355 = arith.index_cast %mul3A_352 : i32 to index
      %get3A_356 = tpu.vector_load %arg8[%get3A_354, %get3A_355] {strides = array<i32>} : memref<8x4992xf32, #tpu.memory_space<vmem>>, vector<1x16xf32>,
      %get3A_357 = vector.shape_cast %get3A_356 : vector<1x16xf32> to vector<16xf32>
      %gt3A_358 = arith.cmpf ogt, %get3A_357, %get3A_78 : vector<16xf32>
      %eq3A_359 = arith.cmpf oeq, %get3A_357, %get3A_78 : vector<16xf32>
      %lt3A_360 = arith.cmpi slt, %scan3A_280, %get3A_118 : vector<16xi32>
      %and3A_361 = arith.andi %eq3A_359, %lt3A_360 : vector<16xi1>
      %or3A_362 = arith.ori %gt3A_358, %and3A_361 : vector<16xi1>
      %jit3A_363 = arith.constant 1 : i32
      %jit3A_364 = arith.constant 0 : i32
      %broadcast_in_dim3A_365 = vector.broadcast %jit3A_363 : i32 to vector<16xi32>
      %broadcast_in_dim3A_366 = vector.broadcast %jit3A_364 : i32 to vector<16xi32>
      %select_n3A_367 = arith.select %or3A_362, %broadcast_in_dim3A_365, %broadcast_in_dim3A_366 : vector<16xi1>, vector<16xi32>
      %add3A_368 = arith.addi %scan3A_276, %select_n3A_367 : vector<16xi32>
      %mul3A_369 = arith.constant 16 : i32
      %mul3A_370 = arith.muli %scan3A_271, %mul3A_369 : i32
      %get3A_371 = arith.constant 5 : i32
      %get3A_372 = arith.index_cast %get3A_371 : i32 to index
      %get3A_373 = arith.index_cast %mul3A_370 : i32 to index
      %get3A_374 = tpu.vector_load %arg8[%get3A_372, %get3A_373] {strides = array<i32>} : memref<8x4992xf32, #tpu.memory_space<vmem>>, vector<1x16xf32>,
      %get3A_375 = vector.shape_cast %get3A_374 : vector<1x16xf32> to vector<16xf32>
      %gt3A_376 = arith.cmpf ogt, %get3A_375, %get3A_83 : vector<16xf32>
      %eq3A_377 = arith.cmpf oeq, %get3A_375, %get3A_83 : vector<16xf32>
      %lt3A_378 = arith.cmpi slt, %scan3A_280, %get3A_123 : vector<16xi32>
      %and3A_379 = arith.andi %eq3A_377, %lt3A_378 : vector<16xi1>
      %or3A_380 = arith.ori %gt3A_376, %and3A_379 : vector<16xi1>
      %jit3A_381 = arith.constant 1 : i32
      %jit3A_382 = arith.constant 0 : i32
      %broadcast_in_dim3A_383 = vector.broadcast %jit3A_381 : i32 to vector<16xi32>
      %broadcast_in_dim3A_384 = vector.broadcast %jit3A_382 : i32 to vector<16xi32>
      %select_n3A_385 = arith.select %or3A_380, %broadcast_in_dim3A_383, %broadcast_in_dim3A_384 : vector<16xi1>, vector<16xi32>
      %add3A_386 = arith.addi %scan3A_277, %select_n3A_385 : vector<16xi32>
      %mul3A_387 = arith.constant 16 : i32
      %mul3A_388 = arith.muli %scan3A_271, %mul3A_387 : i32
      %get3A_389 = arith.constant 6 : i32
      %get3A_390 = arith.index_cast %get3A_389 : i32 to index
      %get3A_391 = arith.index_cast %mul3A_388 : i32 to index
      %get3A_392 = tpu.vector_load %arg8[%get3A_390, %get3A_391] {strides = array<i32>} : memref<8x4992xf32, #tpu.memory_space<vmem>>, vector<1x16xf32>,
      %get3A_393 = vector.shape_cast %get3A_392 : vector<1x16xf32> to vector<16xf32>
      %gt3A_394 = arith.cmpf ogt, %get3A_393, %get3A_88 : vector<16xf32>
      %eq3A_395 = arith.cmpf oeq, %get3A_393, %get3A_88 : vector<16xf32>
      %lt3A_396 = arith.cmpi slt, %scan3A_280, %get3A_128 : vector<16xi32>
      %and3A_397 = arith.andi %eq3A_395, %lt3A_396 : vector<16xi1>
      %or3A_398 = arith.ori %gt3A_394, %and3A_397 : vector<16xi1>
      %jit3A_399 = arith.constant 1 : i32
      %jit3A_400 = arith.constant 0 : i32
      %broadcast_in_dim3A_401 = vector.broadcast %jit3A_399 : i32 to vector<16xi32>
      %broadcast_in_dim3A_402 = vector.broadcast %jit3A_400 : i32 to vector<16xi32>
      %select_n3A_403 = arith.select %or3A_398, %broadcast_in_dim3A_401, %broadcast_in_dim3A_402 : vector<16xi1>, vector<16xi32>
      %add3A_404 = arith.addi %scan3A_278, %select_n3A_403 : vector<16xi32>
      %mul3A_405 = arith.constant 16 : i32
      %mul3A_406 = arith.muli %scan3A_271, %mul3A_405 : i32
      %get3A_407 = arith.constant 7 : i32
      %get3A_408 = arith.index_cast %get3A_407 : i32 to index
      %get3A_409 = arith.index_cast %mul3A_406 : i32 to index
      %get3A_410 = tpu.vector_load %arg8[%get3A_408, %get3A_409] {strides = array<i32>} : memref<8x4992xf32, #tpu.memory_space<vmem>>, vector<1x16xf32>,
      %get3A_411 = vector.shape_cast %get3A_410 : vector<1x16xf32> to vector<16xf32>
      %gt3A_412 = arith.cmpf ogt, %get3A_411, %get3A_93 : vector<16xf32>
      %eq3A_413 = arith.cmpf oeq, %get3A_411, %get3A_93 : vector<16xf32>
      %lt3A_414 = arith.cmpi slt, %scan3A_280, %get3A_133 : vector<16xi32>
      %and3A_415 = arith.andi %eq3A_413, %lt3A_414 : vector<16xi1>
      %or3A_416 = arith.ori %gt3A_412, %and3A_415 : vector<16xi1>
      %jit3A_417 = arith.constant 1 : i32
      %jit3A_418 = arith.constant 0 : i32
      %broadcast_in_dim3A_419 = vector.broadcast %jit3A_417 : i32 to vector<16xi32>
      %broadcast_in_dim3A_420 = vector.broadcast %jit3A_418 : i32 to vector<16xi32>
      %select_n3A_421 = arith.select %or3A_416, %broadcast_in_dim3A_419, %broadcast_in_dim3A_420 : vector<16xi1>, vector<16xi32>
      %add3A_422 = arith.addi %scan3A_279, %select_n3A_421 : vector<16xi32>
      %add3A_423 = arith.constant 16 : i32
      %add3A_424 = vector.broadcast %add3A_423 : i32 to vector<16xi32>
      %add3A_425 = arith.addi %scan3A_280, %add3A_424 : vector<16xi32>
      scf.yield %add3A_296, %add3A_314, %add3A_332, %add3A_350, %add3A_368, %add3A_386, %add3A_404, %add3A_422, %add3A_425 : vector<16xi32>, vector<16xi32>, vector<16xi32>, vector<16xi32>, vector<16xi32>, vector<16xi32>, vector<16xi32>, vector<16xi32>, vector<16xi32>
    }
    %scan3A_178 = arith.constant 312 : i32
    %dma_start3A_179 = tpu.memref_slice %arg2[%multiple_of3A, %multiple_of3A_142] : memref<128x100000xf32, #tpu.memory_space<hbm>> -> memref<8x4992xf32, #tpu.memory_space<hbm>>
    %dma_start3A_180 = tpu.memref_slice %arg2[%multiple_of3A, %multiple_of3A_142] : memref<128x100000xf32, #tpu.memory_space<hbm>> -> memref<8x4992xf32, #tpu.memory_space<hbm>>
    tpu.enqueue_dma source(%dma_start3A_180 : memref<8x4992xf32, #tpu.memory_space<hbm>>) target(%arg8 : memref<8x4992xf32, #tpu.memory_space<vmem>>) target_semaphore(%arg11 : memref<!tpu.dma_semaphore, #tpu.memory_space<semaphore_mem>>)
    %dma_wait3A_181 = tpu.memref_slice %arg2[%multiple_of3A, %multiple_of3A_139] : memref<128x100000xf32, #tpu.memory_space<hbm>> -> memref<8x4992xf32, #tpu.memory_space<hbm>>
    %dma_wait3A_182 = tpu.memref_slice %arg2[%multiple_of3A, %multiple_of3A_139] : memref<128x100000xf32, #tpu.memory_space<hbm>> -> memref<8x4992xf32, #tpu.memory_space<hbm>>
    tpu.wait_dma2 semaphore(%arg12 : memref<!tpu.dma_semaphore, #tpu.memory_space<semaphore_mem>>) src(%dma_wait3A_182 : memref<8x4992xf32, #tpu.memory_space<hbm>>) dst(%arg9 : memref<8x4992xf32, #tpu.memory_space<vmem>>)
    %add3A_183 = arith.constant 4992 : i32
    %add3A_184 = arith.addi %multiple_of3A_40, %add3A_183 : i32
    %add3A_185 = vector.broadcast %add3A_184 : i32 to vector<16xi32>
    %add3A_186 = arith.addi %add3A_185, %iota3A : vector<16xi32>
    %scan3A_187 = arith.constant 0 : i32
    %scan3A_188 = arith.constant 312 : i32
    %scan3A_189 = arith.addi %scan3A_187, %scan3A_188 : i32
    %scan3A_190 = arith.constant 1 : i32
    %scan3A_191:9 = scf.for %scan3A_271 = %scan3A_187 to %scan3A_189 step %scan3A_190 iter_args(%scan3A_272 = %scan3A_177#0, %scan3A_273 = %scan3A_177#1, %scan3A_274 = %scan3A_177#2, %scan3A_275 = %scan3A_177#3, %scan3A_276 = %scan3A_177#4, %scan3A_277 = %scan3A_177#5, %scan3A_278 = %scan3A_177#6, %scan3A_279 = %scan3A_177#7, %scan3A_280 = %add3A_186) -> (vector<16xi32>, vector<16xi32>, vector<16xi32>, vector<16xi32>, vector<16xi32>, vector<16xi32>, vector<16xi32>, vector<16xi32>, vector<16xi32>)  : i32 {
      %mul3A_281 = arith.constant 16 : i32
      %mul3A_282 = arith.muli %scan3A_271, %mul3A_281 : i32
      %get3A_283 = arith.constant 0 : i32
      %get3A_284 = arith.index_cast %get3A_283 : i32 to index
      %get3A_285 = arith.index_cast %mul3A_282 : i32 to index
      %get3A_286 = tpu.vector_load %arg9[%get3A_284, %get3A_285] {strides = array<i32>} : memref<8x4992xf32, #tpu.memory_space<vmem>>, vector<1x16xf32>,
      %get3A_287 = vector.shape_cast %get3A_286 : vector<1x16xf32> to vector<16xf32>
      %gt3A = arith.cmpf ogt, %get3A_287, %get3A_58 : vector<16xf32>
      %eq3A_288 = arith.cmpf oeq, %get3A_287, %get3A_58 : vector<16xf32>
      %lt3A_289 = arith.cmpi slt, %scan3A_280, %get3A_98 : vector<16xi32>
      %and3A_290 = arith.andi %eq3A_288, %lt3A_289 : vector<16xi1>
      %or3A = arith.ori %gt3A, %and3A_290 : vector<16xi1>
      %jit3A_291 = arith.constant 1 : i32
      %jit3A_292 = arith.constant 0 : i32
      %broadcast_in_dim3A_293 = vector.broadcast %jit3A_291 : i32 to vector<16xi32>
      %broadcast_in_dim3A_294 = vector.broadcast %jit3A_292 : i32 to vector<16xi32>
      %select_n3A_295 = arith.select %or3A, %broadcast_in_dim3A_293, %broadcast_in_dim3A_294 : vector<16xi1>, vector<16xi32>
      %add3A_296 = arith.addi %scan3A_272, %select_n3A_295 : vector<16xi32>
      %mul3A_297 = arith.constant 16 : i32
      %mul3A_298 = arith.muli %scan3A_271, %mul3A_297 : i32
      %get3A_299 = arith.constant 1 : i32
      %get3A_300 = arith.index_cast %get3A_299 : i32 to index
      %get3A_301 = arith.index_cast %mul3A_298 : i32 to index
      %get3A_302 = tpu.vector_load %arg9[%get3A_300, %get3A_301] {strides = array<i32>} : memref<8x4992xf32, #tpu.memory_space<vmem>>, vector<1x16xf32>,
      %get3A_303 = vector.shape_cast %get3A_302 : vector<1x16xf32> to vector<16xf32>
      %gt3A_304 = arith.cmpf ogt, %get3A_303, %get3A_63 : vector<16xf32>
      %eq3A_305 = arith.cmpf oeq, %get3A_303, %get3A_63 : vector<16xf32>
      %lt3A_306 = arith.cmpi slt, %scan3A_280, %get3A_103 : vector<16xi32>
      %and3A_307 = arith.andi %eq3A_305, %lt3A_306 : vector<16xi1>
      %or3A_308 = arith.ori %gt3A_304, %and3A_307 : vector<16xi1>
      %jit3A_309 = arith.constant 1 : i32
      %jit3A_310 = arith.constant 0 : i32
      %broadcast_in_dim3A_311 = vector.broadcast %jit3A_309 : i32 to vector<16xi32>
      %broadcast_in_dim3A_312 = vector.broadcast %jit3A_310 : i32 to vector<16xi32>
      %select_n3A_313 = arith.select %or3A_308, %broadcast_in_dim3A_311, %broadcast_in_dim3A_312 : vector<16xi1>, vector<16xi32>
      %add3A_314 = arith.addi %scan3A_273, %select_n3A_313 : vector<16xi32>
      %mul3A_315 = arith.constant 16 : i32
      %mul3A_316 = arith.muli %scan3A_271, %mul3A_315 : i32
      %get3A_317 = arith.constant 2 : i32
      %get3A_318 = arith.index_cast %get3A_317 : i32 to index
      %get3A_319 = arith.index_cast %mul3A_316 : i32 to index
      %get3A_320 = tpu.vector_load %arg9[%get3A_318, %get3A_319] {strides = array<i32>} : memref<8x4992xf32, #tpu.memory_space<vmem>>, vector<1x16xf32>,
      %get3A_321 = vector.shape_cast %get3A_320 : vector<1x16xf32> to vector<16xf32>
      %gt3A_322 = arith.cmpf ogt, %get3A_321, %get3A_68 : vector<16xf32>
      %eq3A_323 = arith.cmpf oeq, %get3A_321, %get3A_68 : vector<16xf32>
      %lt3A_324 = arith.cmpi slt, %scan3A_280, %get3A_108 : vector<16xi32>
      %and3A_325 = arith.andi %eq3A_323, %lt3A_324 : vector<16xi1>
      %or3A_326 = arith.ori %gt3A_322, %and3A_325 : vector<16xi1>
      %jit3A_327 = arith.constant 1 : i32
      %jit3A_328 = arith.constant 0 : i32
      %broadcast_in_dim3A_329 = vector.broadcast %jit3A_327 : i32 to vector<16xi32>
      %broadcast_in_dim3A_330 = vector.broadcast %jit3A_328 : i32 to vector<16xi32>
      %select_n3A_331 = arith.select %or3A_326, %broadcast_in_dim3A_329, %broadcast_in_dim3A_330 : vector<16xi1>, vector<16xi32>
      %add3A_332 = arith.addi %scan3A_274, %select_n3A_331 : vector<16xi32>
      %mul3A_333 = arith.constant 16 : i32
      %mul3A_334 = arith.muli %scan3A_271, %mul3A_333 : i32
      %get3A_335 = arith.constant 3 : i32
      %get3A_336 = arith.index_cast %get3A_335 : i32 to index
      %get3A_337 = arith.index_cast %mul3A_334 : i32 to index
      %get3A_338 = tpu.vector_load %arg9[%get3A_336, %get3A_337] {strides = array<i32>} : memref<8x4992xf32, #tpu.memory_space<vmem>>, vector<1x16xf32>,
      %get3A_339 = vector.shape_cast %get3A_338 : vector<1x16xf32> to vector<16xf32>
      %gt3A_340 = arith.cmpf ogt, %get3A_339, %get3A_73 : vector<16xf32>
      %eq3A_341 = arith.cmpf oeq, %get3A_339, %get3A_73 : vector<16xf32>
      %lt3A_342 = arith.cmpi slt, %scan3A_280, %get3A_113 : vector<16xi32>
      %and3A_343 = arith.andi %eq3A_341, %lt3A_342 : vector<16xi1>
      %or3A_344 = arith.ori %gt3A_340, %and3A_343 : vector<16xi1>
      %jit3A_345 = arith.constant 1 : i32
      %jit3A_346 = arith.constant 0 : i32
      %broadcast_in_dim3A_347 = vector.broadcast %jit3A_345 : i32 to vector<16xi32>
      %broadcast_in_dim3A_348 = vector.broadcast %jit3A_346 : i32 to vector<16xi32>
      %select_n3A_349 = arith.select %or3A_344, %broadcast_in_dim3A_347, %broadcast_in_dim3A_348 : vector<16xi1>, vector<16xi32>
      %add3A_350 = arith.addi %scan3A_275, %select_n3A_349 : vector<16xi32>
      %mul3A_351 = arith.constant 16 : i32
      %mul3A_352 = arith.muli %scan3A_271, %mul3A_351 : i32
      %get3A_353 = arith.constant 4 : i32
      %get3A_354 = arith.index_cast %get3A_353 : i32 to index
      %get3A_355 = arith.index_cast %mul3A_352 : i32 to index
      %get3A_356 = tpu.vector_load %arg9[%get3A_354, %get3A_355] {strides = array<i32>} : memref<8x4992xf32, #tpu.memory_space<vmem>>, vector<1x16xf32>,
      %get3A_357 = vector.shape_cast %get3A_356 : vector<1x16xf32> to vector<16xf32>
      %gt3A_358 = arith.cmpf ogt, %get3A_357, %get3A_78 : vector<16xf32>
      %eq3A_359 = arith.cmpf oeq, %get3A_357, %get3A_78 : vector<16xf32>
      %lt3A_360 = arith.cmpi slt, %scan3A_280, %get3A_118 : vector<16xi32>
      %and3A_361 = arith.andi %eq3A_359, %lt3A_360 : vector<16xi1>
      %or3A_362 = arith.ori %gt3A_358, %and3A_361 : vector<16xi1>
      %jit3A_363 = arith.constant 1 : i32
      %jit3A_364 = arith.constant 0 : i32
      %broadcast_in_dim3A_365 = vector.broadcast %jit3A_363 : i32 to vector<16xi32>
      %broadcast_in_dim3A_366 = vector.broadcast %jit3A_364 : i32 to vector<16xi32>
      %select_n3A_367 = arith.select %or3A_362, %broadcast_in_dim3A_365, %broadcast_in_dim3A_366 : vector<16xi1>, vector<16xi32>
      %add3A_368 = arith.addi %scan3A_276, %select_n3A_367 : vector<16xi32>
      %mul3A_369 = arith.constant 16 : i32
      %mul3A_370 = arith.muli %scan3A_271, %mul3A_369 : i32
      %get3A_371 = arith.constant 5 : i32
      %get3A_372 = arith.index_cast %get3A_371 : i32 to index
      %get3A_373 = arith.index_cast %mul3A_370 : i32 to index
      %get3A_374 = tpu.vector_load %arg9[%get3A_372, %get3A_373] {strides = array<i32>} : memref<8x4992xf32, #tpu.memory_space<vmem>>, vector<1x16xf32>,
      %get3A_375 = vector.shape_cast %get3A_374 : vector<1x16xf32> to vector<16xf32>
      %gt3A_376 = arith.cmpf ogt, %get3A_375, %get3A_83 : vector<16xf32>
      %eq3A_377 = arith.cmpf oeq, %get3A_375, %get3A_83 : vector<16xf32>
      %lt3A_378 = arith.cmpi slt, %scan3A_280, %get3A_123 : vector<16xi32>
      %and3A_379 = arith.andi %eq3A_377, %lt3A_378 : vector<16xi1>
      %or3A_380 = arith.ori %gt3A_376, %and3A_379 : vector<16xi1>
      %jit3A_381 = arith.constant 1 : i32
      %jit3A_382 = arith.constant 0 : i32
      %broadcast_in_dim3A_383 = vector.broadcast %jit3A_381 : i32 to vector<16xi32>
      %broadcast_in_dim3A_384 = vector.broadcast %jit3A_382 : i32 to vector<16xi32>
      %select_n3A_385 = arith.select %or3A_380, %broadcast_in_dim3A_383, %broadcast_in_dim3A_384 : vector<16xi1>, vector<16xi32>
      %add3A_386 = arith.addi %scan3A_277, %select_n3A_385 : vector<16xi32>
      %mul3A_387 = arith.constant 16 : i32
      %mul3A_388 = arith.muli %scan3A_271, %mul3A_387 : i32
      %get3A_389 = arith.constant 6 : i32
      %get3A_390 = arith.index_cast %get3A_389 : i32 to index
      %get3A_391 = arith.index_cast %mul3A_388 : i32 to index
      %get3A_392 = tpu.vector_load %arg9[%get3A_390, %get3A_391] {strides = array<i32>} : memref<8x4992xf32, #tpu.memory_space<vmem>>, vector<1x16xf32>,
      %get3A_393 = vector.shape_cast %get3A_392 : vector<1x16xf32> to vector<16xf32>
      %gt3A_394 = arith.cmpf ogt, %get3A_393, %get3A_88 : vector<16xf32>
      %eq3A_395 = arith.cmpf oeq, %get3A_393, %get3A_88 : vector<16xf32>
      %lt3A_396 = arith.cmpi slt, %scan3A_280, %get3A_128 : vector<16xi32>
      %and3A_397 = arith.andi %eq3A_395, %lt3A_396 : vector<16xi1>
      %or3A_398 = arith.ori %gt3A_394, %and3A_397 : vector<16xi1>
      %jit3A_399 = arith.constant 1 : i32
      %jit3A_400 = arith.constant 0 : i32
      %broadcast_in_dim3A_401 = vector.broadcast %jit3A_399 : i32 to vector<16xi32>
      %broadcast_in_dim3A_402 = vector.broadcast %jit3A_400 : i32 to vector<16xi32>
      %select_n3A_403 = arith.select %or3A_398, %broadcast_in_dim3A_401, %broadcast_in_dim3A_402 : vector<16xi1>, vector<16xi32>
      %add3A_404 = arith.addi %scan3A_278, %select_n3A_403 : vector<16xi32>
      %mul3A_405 = arith.constant 16 : i32
      %mul3A_406 = arith.muli %scan3A_271, %mul3A_405 : i32
      %get3A_407 = arith.constant 7 : i32
      %get3A_408 = arith.index_cast %get3A_407 : i32 to index
      %get3A_409 = arith.index_cast %mul3A_406 : i32 to index
      %get3A_410 = tpu.vector_load %arg9[%get3A_408, %get3A_409] {strides = array<i32>} : memref<8x4992xf32, #tpu.memory_space<vmem>>, vector<1x16xf32>,
      %get3A_411 = vector.shape_cast %get3A_410 : vector<1x16xf32> to vector<16xf32>
      %gt3A_412 = arith.cmpf ogt, %get3A_411, %get3A_93 : vector<16xf32>
      %eq3A_413 = arith.cmpf oeq, %get3A_411, %get3A_93 : vector<16xf32>
      %lt3A_414 = arith.cmpi slt, %scan3A_280, %get3A_133 : vector<16xi32>
      %and3A_415 = arith.andi %eq3A_413, %lt3A_414 : vector<16xi1>
      %or3A_416 = arith.ori %gt3A_412, %and3A_415 : vector<16xi1>
      %jit3A_417 = arith.constant 1 : i32
      %jit3A_418 = arith.constant 0 : i32
      %broadcast_in_dim3A_419 = vector.broadcast %jit3A_417 : i32 to vector<16xi32>
      %broadcast_in_dim3A_420 = vector.broadcast %jit3A_418 : i32 to vector<16xi32>
      %select_n3A_421 = arith.select %or3A_416, %broadcast_in_dim3A_419, %broadcast_in_dim3A_420 : vector<16xi1>, vector<16xi32>
      %add3A_422 = arith.addi %scan3A_279, %select_n3A_421 : vector<16xi32>
      %add3A_423 = arith.constant 16 : i32
      %add3A_424 = vector.broadcast %add3A_423 : i32 to vector<16xi32>
      %add3A_425 = arith.addi %scan3A_280, %add3A_424 : vector<16xi32>
      scf.yield %add3A_296, %add3A_314, %add3A_332, %add3A_350, %add3A_368, %add3A_386, %add3A_404, %add3A_422, %add3A_425 : vector<16xi32>, vector<16xi32>, vector<16xi32>, vector<16xi32>, vector<16xi32>, vector<16xi32>, vector<16xi32>, vector<16xi32>, vector<16xi32>
    }
    %scan3A_192 = arith.constant 312 : i32
    %dma_start3A_193 = tpu.memref_slice %arg2[%multiple_of3A, %multiple_of3A_145] : memref<128x100000xf32, #tpu.memory_space<hbm>> -> memref<8x4992xf32, #tpu.memory_space<hbm>>
    %dma_start3A_194 = tpu.memref_slice %arg2[%multiple_of3A, %multiple_of3A_145] : memref<128x100000xf32, #tpu.memory_space<hbm>> -> memref<8x4992xf32, #tpu.memory_space<hbm>>
    tpu.enqueue_dma source(%dma_start3A_194 : memref<8x4992xf32, #tpu.memory_space<hbm>>) target(%arg9 : memref<8x4992xf32, #tpu.memory_space<vmem>>) target_semaphore(%arg12 : memref<!tpu.dma_semaphore, #tpu.memory_space<semaphore_mem>>)
    %dma_wait3A_195 = tpu.memref_slice %arg2[%multiple_of3A, %multiple_of3A_142] : memref<128x100000xf32, #tpu.memory_space<hbm>> -> memref<8x4992xf32, #tpu.memory_space<hbm>>
    %dma_wait3A_196 = tpu.memref_slice %arg2[%multiple_of3A, %multiple_of3A_142] : memref<128x100000xf32, #tpu.memory_space<hbm>> -> memref<8x4992xf32, #tpu.memory_space<hbm>>
    tpu.wait_dma2 semaphore(%arg11 : memref<!tpu.dma_semaphore, #tpu.memory_space<semaphore_mem>>) src(%dma_wait3A_196 : memref<8x4992xf32, #tpu.memory_space<hbm>>) dst(%arg8 : memref<8x4992xf32, #tpu.memory_space<vmem>>)
    %add3A_197 = arith.constant 9984 : i32
    %add3A_198 = arith.addi %multiple_of3A_40, %add3A_197 : i32
    %add3A_199 = vector.broadcast %add3A_198 : i32 to vector<16xi32>
    %add3A_200 = arith.addi %add3A_199, %iota3A : vector<16xi32>
    %scan3A_201 = arith.constant 0 : i32
    %scan3A_202 = arith.constant 312 : i32
    %scan3A_203 = arith.addi %scan3A_201, %scan3A_202 : i32
    %scan3A_204 = arith.constant 1 : i32
    %scan3A_205:9 = scf.for %scan3A_271 = %scan3A_201 to %scan3A_203 step %scan3A_204 iter_args(%scan3A_272 = %scan3A_191#0, %scan3A_273 = %scan3A_191#1, %scan3A_274 = %scan3A_191#2, %scan3A_275 = %scan3A_191#3, %scan3A_276 = %scan3A_191#4, %scan3A_277 = %scan3A_191#5, %scan3A_278 = %scan3A_191#6, %scan3A_279 = %scan3A_191#7, %scan3A_280 = %add3A_200) -> (vector<16xi32>, vector<16xi32>, vector<16xi32>, vector<16xi32>, vector<16xi32>, vector<16xi32>, vector<16xi32>, vector<16xi32>, vector<16xi32>)  : i32 {
      %mul3A_281 = arith.constant 16 : i32
      %mul3A_282 = arith.muli %scan3A_271, %mul3A_281 : i32
      %get3A_283 = arith.constant 0 : i32
      %get3A_284 = arith.index_cast %get3A_283 : i32 to index
      %get3A_285 = arith.index_cast %mul3A_282 : i32 to index
      %get3A_286 = tpu.vector_load %arg8[%get3A_284, %get3A_285] {strides = array<i32>} : memref<8x4992xf32, #tpu.memory_space<vmem>>, vector<1x16xf32>,
      %get3A_287 = vector.shape_cast %get3A_286 : vector<1x16xf32> to vector<16xf32>
      %gt3A = arith.cmpf ogt, %get3A_287, %get3A_58 : vector<16xf32>
      %eq3A_288 = arith.cmpf oeq, %get3A_287, %get3A_58 : vector<16xf32>
      %lt3A_289 = arith.cmpi slt, %scan3A_280, %get3A_98 : vector<16xi32>
      %and3A_290 = arith.andi %eq3A_288, %lt3A_289 : vector<16xi1>
      %or3A = arith.ori %gt3A, %and3A_290 : vector<16xi1>
      %jit3A_291 = arith.constant 1 : i32
      %jit3A_292 = arith.constant 0 : i32
      %broadcast_in_dim3A_293 = vector.broadcast %jit3A_291 : i32 to vector<16xi32>
      %broadcast_in_dim3A_294 = vector.broadcast %jit3A_292 : i32 to vector<16xi32>
      %select_n3A_295 = arith.select %or3A, %broadcast_in_dim3A_293, %broadcast_in_dim3A_294 : vector<16xi1>, vector<16xi32>
      %add3A_296 = arith.addi %scan3A_272, %select_n3A_295 : vector<16xi32>
      %mul3A_297 = arith.constant 16 : i32
      %mul3A_298 = arith.muli %scan3A_271, %mul3A_297 : i32
      %get3A_299 = arith.constant 1 : i32
      %get3A_300 = arith.index_cast %get3A_299 : i32 to index
      %get3A_301 = arith.index_cast %mul3A_298 : i32 to index
      %get3A_302 = tpu.vector_load %arg8[%get3A_300, %get3A_301] {strides = array<i32>} : memref<8x4992xf32, #tpu.memory_space<vmem>>, vector<1x16xf32>,
      %get3A_303 = vector.shape_cast %get3A_302 : vector<1x16xf32> to vector<16xf32>
      %gt3A_304 = arith.cmpf ogt, %get3A_303, %get3A_63 : vector<16xf32>
      %eq3A_305 = arith.cmpf oeq, %get3A_303, %get3A_63 : vector<16xf32>
      %lt3A_306 = arith.cmpi slt, %scan3A_280, %get3A_103 : vector<16xi32>
      %and3A_307 = arith.andi %eq3A_305, %lt3A_306 : vector<16xi1>
      %or3A_308 = arith.ori %gt3A_304, %and3A_307 : vector<16xi1>
      %jit3A_309 = arith.constant 1 : i32
      %jit3A_310 = arith.constant 0 : i32
      %broadcast_in_dim3A_311 = vector.broadcast %jit3A_309 : i32 to vector<16xi32>
      %broadcast_in_dim3A_312 = vector.broadcast %jit3A_310 : i32 to vector<16xi32>
      %select_n3A_313 = arith.select %or3A_308, %broadcast_in_dim3A_311, %broadcast_in_dim3A_312 : vector<16xi1>, vector<16xi32>
      %add3A_314 = arith.addi %scan3A_273, %select_n3A_313 : vector<16xi32>
      %mul3A_315 = arith.constant 16 : i32
      %mul3A_316 = arith.muli %scan3A_271, %mul3A_315 : i32
      %get3A_317 = arith.constant 2 : i32
      %get3A_318 = arith.index_cast %get3A_317 : i32 to index
      %get3A_319 = arith.index_cast %mul3A_316 : i32 to index
      %get3A_320 = tpu.vector_load %arg8[%get3A_318, %get3A_319] {strides = array<i32>} : memref<8x4992xf32, #tpu.memory_space<vmem>>, vector<1x16xf32>,
      %get3A_321 = vector.shape_cast %get3A_320 : vector<1x16xf32> to vector<16xf32>
      %gt3A_322 = arith.cmpf ogt, %get3A_321, %get3A_68 : vector<16xf32>
      %eq3A_323 = arith.cmpf oeq, %get3A_321, %get3A_68 : vector<16xf32>
      %lt3A_324 = arith.cmpi slt, %scan3A_280, %get3A_108 : vector<16xi32>
      %and3A_325 = arith.andi %eq3A_323, %lt3A_324 : vector<16xi1>
      %or3A_326 = arith.ori %gt3A_322, %and3A_325 : vector<16xi1>
      %jit3A_327 = arith.constant 1 : i32
      %jit3A_328 = arith.constant 0 : i32
      %broadcast_in_dim3A_329 = vector.broadcast %jit3A_327 : i32 to vector<16xi32>
      %broadcast_in_dim3A_330 = vector.broadcast %jit3A_328 : i32 to vector<16xi32>
      %select_n3A_331 = arith.select %or3A_326, %broadcast_in_dim3A_329, %broadcast_in_dim3A_330 : vector<16xi1>, vector<16xi32>
      %add3A_332 = arith.addi %scan3A_274, %select_n3A_331 : vector<16xi32>
      %mul3A_333 = arith.constant 16 : i32
      %mul3A_334 = arith.muli %scan3A_271, %mul3A_333 : i32
      %get3A_335 = arith.constant 3 : i32
      %get3A_336 = arith.index_cast %get3A_335 : i32 to index
      %get3A_337 = arith.index_cast %mul3A_334 : i32 to index
      %get3A_338 = tpu.vector_load %arg8[%get3A_336, %get3A_337] {strides = array<i32>} : memref<8x4992xf32, #tpu.memory_space<vmem>>, vector<1x16xf32>,
      %get3A_339 = vector.shape_cast %get3A_338 : vector<1x16xf32> to vector<16xf32>
      %gt3A_340 = arith.cmpf ogt, %get3A_339, %get3A_73 : vector<16xf32>
      %eq3A_341 = arith.cmpf oeq, %get3A_339, %get3A_73 : vector<16xf32>
      %lt3A_342 = arith.cmpi slt, %scan3A_280, %get3A_113 : vector<16xi32>
      %and3A_343 = arith.andi %eq3A_341, %lt3A_342 : vector<16xi1>
      %or3A_344 = arith.ori %gt3A_340, %and3A_343 : vector<16xi1>
      %jit3A_345 = arith.constant 1 : i32
      %jit3A_346 = arith.constant 0 : i32
      %broadcast_in_dim3A_347 = vector.broadcast %jit3A_345 : i32 to vector<16xi32>
      %broadcast_in_dim3A_348 = vector.broadcast %jit3A_346 : i32 to vector<16xi32>
      %select_n3A_349 = arith.select %or3A_344, %broadcast_in_dim3A_347, %broadcast_in_dim3A_348 : vector<16xi1>, vector<16xi32>
      %add3A_350 = arith.addi %scan3A_275, %select_n3A_349 : vector<16xi32>
      %mul3A_351 = arith.constant 16 : i32
      %mul3A_352 = arith.muli %scan3A_271, %mul3A_351 : i32
      %get3A_353 = arith.constant 4 : i32
      %get3A_354 = arith.index_cast %get3A_353 : i32 to index
      %get3A_355 = arith.index_cast %mul3A_352 : i32 to index
      %get3A_356 = tpu.vector_load %arg8[%get3A_354, %get3A_355] {strides = array<i32>} : memref<8x4992xf32, #tpu.memory_space<vmem>>, vector<1x16xf32>,
      %get3A_357 = vector.shape_cast %get3A_356 : vector<1x16xf32> to vector<16xf32>
      %gt3A_358 = arith.cmpf ogt, %get3A_357, %get3A_78 : vector<16xf32>
      %eq3A_359 = arith.cmpf oeq, %get3A_357, %get3A_78 : vector<16xf32>
      %lt3A_360 = arith.cmpi slt, %scan3A_280, %get3A_118 : vector<16xi32>
      %and3A_361 = arith.andi %eq3A_359, %lt3A_360 : vector<16xi1>
      %or3A_362 = arith.ori %gt3A_358, %and3A_361 : vector<16xi1>
      %jit3A_363 = arith.constant 1 : i32
      %jit3A_364 = arith.constant 0 : i32
      %broadcast_in_dim3A_365 = vector.broadcast %jit3A_363 : i32 to vector<16xi32>
      %broadcast_in_dim3A_366 = vector.broadcast %jit3A_364 : i32 to vector<16xi32>
      %select_n3A_367 = arith.select %or3A_362, %broadcast_in_dim3A_365, %broadcast_in_dim3A_366 : vector<16xi1>, vector<16xi32>
      %add3A_368 = arith.addi %scan3A_276, %select_n3A_367 : vector<16xi32>
      %mul3A_369 = arith.constant 16 : i32
      %mul3A_370 = arith.muli %scan3A_271, %mul3A_369 : i32
      %get3A_371 = arith.constant 5 : i32
      %get3A_372 = arith.index_cast %get3A_371 : i32 to index
      %get3A_373 = arith.index_cast %mul3A_370 : i32 to index
      %get3A_374 = tpu.vector_load %arg8[%get3A_372, %get3A_373] {strides = array<i32>} : memref<8x4992xf32, #tpu.memory_space<vmem>>, vector<1x16xf32>,
      %get3A_375 = vector.shape_cast %get3A_374 : vector<1x16xf32> to vector<16xf32>
      %gt3A_376 = arith.cmpf ogt, %get3A_375, %get3A_83 : vector<16xf32>
      %eq3A_377 = arith.cmpf oeq, %get3A_375, %get3A_83 : vector<16xf32>
      %lt3A_378 = arith.cmpi slt, %scan3A_280, %get3A_123 : vector<16xi32>
      %and3A_379 = arith.andi %eq3A_377, %lt3A_378 : vector<16xi1>
      %or3A_380 = arith.ori %gt3A_376, %and3A_379 : vector<16xi1>
      %jit3A_381 = arith.constant 1 : i32
      %jit3A_382 = arith.constant 0 : i32
      %broadcast_in_dim3A_383 = vector.broadcast %jit3A_381 : i32 to vector<16xi32>
      %broadcast_in_dim3A_384 = vector.broadcast %jit3A_382 : i32 to vector<16xi32>
      %select_n3A_385 = arith.select %or3A_380, %broadcast_in_dim3A_383, %broadcast_in_dim3A_384 : vector<16xi1>, vector<16xi32>
      %add3A_386 = arith.addi %scan3A_277, %select_n3A_385 : vector<16xi32>
      %mul3A_387 = arith.constant 16 : i32
      %mul3A_388 = arith.muli %scan3A_271, %mul3A_387 : i32
      %get3A_389 = arith.constant 6 : i32
      %get3A_390 = arith.index_cast %get3A_389 : i32 to index
      %get3A_391 = arith.index_cast %mul3A_388 : i32 to index
      %get3A_392 = tpu.vector_load %arg8[%get3A_390, %get3A_391] {strides = array<i32>} : memref<8x4992xf32, #tpu.memory_space<vmem>>, vector<1x16xf32>,
      %get3A_393 = vector.shape_cast %get3A_392 : vector<1x16xf32> to vector<16xf32>
      %gt3A_394 = arith.cmpf ogt, %get3A_393, %get3A_88 : vector<16xf32>
      %eq3A_395 = arith.cmpf oeq, %get3A_393, %get3A_88 : vector<16xf32>
      %lt3A_396 = arith.cmpi slt, %scan3A_280, %get3A_128 : vector<16xi32>
      %and3A_397 = arith.andi %eq3A_395, %lt3A_396 : vector<16xi1>
      %or3A_398 = arith.ori %gt3A_394, %and3A_397 : vector<16xi1>
      %jit3A_399 = arith.constant 1 : i32
      %jit3A_400 = arith.constant 0 : i32
      %broadcast_in_dim3A_401 = vector.broadcast %jit3A_399 : i32 to vector<16xi32>
      %broadcast_in_dim3A_402 = vector.broadcast %jit3A_400 : i32 to vector<16xi32>
      %select_n3A_403 = arith.select %or3A_398, %broadcast_in_dim3A_401, %broadcast_in_dim3A_402 : vector<16xi1>, vector<16xi32>
      %add3A_404 = arith.addi %scan3A_278, %select_n3A_403 : vector<16xi32>
      %mul3A_405 = arith.constant 16 : i32
      %mul3A_406 = arith.muli %scan3A_271, %mul3A_405 : i32
      %get3A_407 = arith.constant 7 : i32
      %get3A_408 = arith.index_cast %get3A_407 : i32 to index
      %get3A_409 = arith.index_cast %mul3A_406 : i32 to index
      %get3A_410 = tpu.vector_load %arg8[%get3A_408, %get3A_409] {strides = array<i32>} : memref<8x4992xf32, #tpu.memory_space<vmem>>, vector<1x16xf32>,
      %get3A_411 = vector.shape_cast %get3A_410 : vector<1x16xf32> to vector<16xf32>
      %gt3A_412 = arith.cmpf ogt, %get3A_411, %get3A_93 : vector<16xf32>
      %eq3A_413 = arith.cmpf oeq, %get3A_411, %get3A_93 : vector<16xf32>
      %lt3A_414 = arith.cmpi slt, %scan3A_280, %get3A_133 : vector<16xi32>
      %and3A_415 = arith.andi %eq3A_413, %lt3A_414 : vector<16xi1>
      %or3A_416 = arith.ori %gt3A_412, %and3A_415 : vector<16xi1>
      %jit3A_417 = arith.constant 1 : i32
      %jit3A_418 = arith.constant 0 : i32
      %broadcast_in_dim3A_419 = vector.broadcast %jit3A_417 : i32 to vector<16xi32>
      %broadcast_in_dim3A_420 = vector.broadcast %jit3A_418 : i32 to vector<16xi32>
      %select_n3A_421 = arith.select %or3A_416, %broadcast_in_dim3A_419, %broadcast_in_dim3A_420 : vector<16xi1>, vector<16xi32>
      %add3A_422 = arith.addi %scan3A_279, %select_n3A_421 : vector<16xi32>
      %add3A_423 = arith.constant 16 : i32
      %add3A_424 = vector.broadcast %add3A_423 : i32 to vector<16xi32>
      %add3A_425 = arith.addi %scan3A_280, %add3A_424 : vector<16xi32>
      scf.yield %add3A_296, %add3A_314, %add3A_332, %add3A_350, %add3A_368, %add3A_386, %add3A_404, %add3A_422, %add3A_425 : vector<16xi32>, vector<16xi32>, vector<16xi32>, vector<16xi32>, vector<16xi32>, vector<16xi32>, vector<16xi32>, vector<16xi32>, vector<16xi32>
    }
    %scan3A_206 = arith.constant 312 : i32
    %dma_start3A_207 = tpu.memref_slice %arg2[%multiple_of3A, %multiple_of3A_148] : memref<128x100000xf32, #tpu.memory_space<hbm>> -> memref<8x4992xf32, #tpu.memory_space<hbm>>
    %dma_start3A_208 = tpu.memref_slice %arg2[%multiple_of3A, %multiple_of3A_148] : memref<128x100000xf32, #tpu.memory_space<hbm>> -> memref<8x4992xf32, #tpu.memory_space<hbm>>
    tpu.enqueue_dma source(%dma_start3A_208 : memref<8x4992xf32, #tpu.memory_space<hbm>>) target(%arg8 : memref<8x4992xf32, #tpu.memory_space<vmem>>) target_semaphore(%arg11 : memref<!tpu.dma_semaphore, #tpu.memory_space<semaphore_mem>>)
    %dma_wait3A_209 = tpu.memref_slice %arg2[%multiple_of3A, %multiple_of3A_145] : memref<128x100000xf32, #tpu.memory_space<hbm>> -> memref<8x4992xf32, #tpu.memory_space<hbm>>
    %dma_wait3A_210 = tpu.memref_slice %arg2[%multiple_of3A, %multiple_of3A_145] : memref<128x100000xf32, #tpu.memory_space<hbm>> -> memref<8x4992xf32, #tpu.memory_space<hbm>>
    tpu.wait_dma2 semaphore(%arg12 : memref<!tpu.dma_semaphore, #tpu.memory_space<semaphore_mem>>) src(%dma_wait3A_210 : memref<8x4992xf32, #tpu.memory_space<hbm>>) dst(%arg9 : memref<8x4992xf32, #tpu.memory_space<vmem>>)
    %add3A_211 = arith.constant 14976 : i32
    %add3A_212 = arith.addi %multiple_of3A_40, %add3A_211 : i32
    %add3A_213 = vector.broadcast %add3A_212 : i32 to vector<16xi32>
    %add3A_214 = arith.addi %add3A_213, %iota3A : vector<16xi32>
    %scan3A_215 = arith.constant 0 : i32
    %scan3A_216 = arith.constant 312 : i32
    %scan3A_217 = arith.addi %scan3A_215, %scan3A_216 : i32
    %scan3A_218 = arith.constant 1 : i32
    %scan3A_219:9 = scf.for %scan3A_271 = %scan3A_215 to %scan3A_217 step %scan3A_218 iter_args(%scan3A_272 = %scan3A_205#0, %scan3A_273 = %scan3A_205#1, %scan3A_274 = %scan3A_205#2, %scan3A_275 = %scan3A_205#3, %scan3A_276 = %scan3A_205#4, %scan3A_277 = %scan3A_205#5, %scan3A_278 = %scan3A_205#6, %scan3A_279 = %scan3A_205#7, %scan3A_280 = %add3A_214) -> (vector<16xi32>, vector<16xi32>, vector<16xi32>, vector<16xi32>, vector<16xi32>, vector<16xi32>, vector<16xi32>, vector<16xi32>, vector<16xi32>)  : i32 {
      %mul3A_281 = arith.constant 16 : i32
      %mul3A_282 = arith.muli %scan3A_271, %mul3A_281 : i32
      %get3A_283 = arith.constant 0 : i32
      %get3A_284 = arith.index_cast %get3A_283 : i32 to index
      %get3A_285 = arith.index_cast %mul3A_282 : i32 to index
      %get3A_286 = tpu.vector_load %arg9[%get3A_284, %get3A_285] {strides = array<i32>} : memref<8x4992xf32, #tpu.memory_space<vmem>>, vector<1x16xf32>,
      %get3A_287 = vector.shape_cast %get3A_286 : vector<1x16xf32> to vector<16xf32>
      %gt3A = arith.cmpf ogt, %get3A_287, %get3A_58 : vector<16xf32>
      %eq3A_288 = arith.cmpf oeq, %get3A_287, %get3A_58 : vector<16xf32>
      %lt3A_289 = arith.cmpi slt, %scan3A_280, %get3A_98 : vector<16xi32>
      %and3A_290 = arith.andi %eq3A_288, %lt3A_289 : vector<16xi1>
      %or3A = arith.ori %gt3A, %and3A_290 : vector<16xi1>
      %jit3A_291 = arith.constant 1 : i32
      %jit3A_292 = arith.constant 0 : i32
      %broadcast_in_dim3A_293 = vector.broadcast %jit3A_291 : i32 to vector<16xi32>
      %broadcast_in_dim3A_294 = vector.broadcast %jit3A_292 : i32 to vector<16xi32>
      %select_n3A_295 = arith.select %or3A, %broadcast_in_dim3A_293, %broadcast_in_dim3A_294 : vector<16xi1>, vector<16xi32>
      %add3A_296 = arith.addi %scan3A_272, %select_n3A_295 : vector<16xi32>
      %mul3A_297 = arith.constant 16 : i32
      %mul3A_298 = arith.muli %scan3A_271, %mul3A_297 : i32
      %get3A_299 = arith.constant 1 : i32
      %get3A_300 = arith.index_cast %get3A_299 : i32 to index
      %get3A_301 = arith.index_cast %mul3A_298 : i32 to index
      %get3A_302 = tpu.vector_load %arg9[%get3A_300, %get3A_301] {strides = array<i32>} : memref<8x4992xf32, #tpu.memory_space<vmem>>, vector<1x16xf32>,
      %get3A_303 = vector.shape_cast %get3A_302 : vector<1x16xf32> to vector<16xf32>
      %gt3A_304 = arith.cmpf ogt, %get3A_303, %get3A_63 : vector<16xf32>
      %eq3A_305 = arith.cmpf oeq, %get3A_303, %get3A_63 : vector<16xf32>
      %lt3A_306 = arith.cmpi slt, %scan3A_280, %get3A_103 : vector<16xi32>
      %and3A_307 = arith.andi %eq3A_305, %lt3A_306 : vector<16xi1>
      %or3A_308 = arith.ori %gt3A_304, %and3A_307 : vector<16xi1>
      %jit3A_309 = arith.constant 1 : i32
      %jit3A_310 = arith.constant 0 : i32
      %broadcast_in_dim3A_311 = vector.broadcast %jit3A_309 : i32 to vector<16xi32>
      %broadcast_in_dim3A_312 = vector.broadcast %jit3A_310 : i32 to vector<16xi32>
      %select_n3A_313 = arith.select %or3A_308, %broadcast_in_dim3A_311, %broadcast_in_dim3A_312 : vector<16xi1>, vector<16xi32>
      %add3A_314 = arith.addi %scan3A_273, %select_n3A_313 : vector<16xi32>
      %mul3A_315 = arith.constant 16 : i32
      %mul3A_316 = arith.muli %scan3A_271, %mul3A_315 : i32
      %get3A_317 = arith.constant 2 : i32
      %get3A_318 = arith.index_cast %get3A_317 : i32 to index
      %get3A_319 = arith.index_cast %mul3A_316 : i32 to index
      %get3A_320 = tpu.vector_load %arg9[%get3A_318, %get3A_319] {strides = array<i32>} : memref<8x4992xf32, #tpu.memory_space<vmem>>, vector<1x16xf32>,
      %get3A_321 = vector.shape_cast %get3A_320 : vector<1x16xf32> to vector<16xf32>
      %gt3A_322 = arith.cmpf ogt, %get3A_321, %get3A_68 : vector<16xf32>
      %eq3A_323 = arith.cmpf oeq, %get3A_321, %get3A_68 : vector<16xf32>
      %lt3A_324 = arith.cmpi slt, %scan3A_280, %get3A_108 : vector<16xi32>
      %and3A_325 = arith.andi %eq3A_323, %lt3A_324 : vector<16xi1>
      %or3A_326 = arith.ori %gt3A_322, %and3A_325 : vector<16xi1>
      %jit3A_327 = arith.constant 1 : i32
      %jit3A_328 = arith.constant 0 : i32
      %broadcast_in_dim3A_329 = vector.broadcast %jit3A_327 : i32 to vector<16xi32>
      %broadcast_in_dim3A_330 = vector.broadcast %jit3A_328 : i32 to vector<16xi32>
      %select_n3A_331 = arith.select %or3A_326, %broadcast_in_dim3A_329, %broadcast_in_dim3A_330 : vector<16xi1>, vector<16xi32>
      %add3A_332 = arith.addi %scan3A_274, %select_n3A_331 : vector<16xi32>
      %mul3A_333 = arith.constant 16 : i32
      %mul3A_334 = arith.muli %scan3A_271, %mul3A_333 : i32
      %get3A_335 = arith.constant 3 : i32
      %get3A_336 = arith.index_cast %get3A_335 : i32 to index
      %get3A_337 = arith.index_cast %mul3A_334 : i32 to index
      %get3A_338 = tpu.vector_load %arg9[%get3A_336, %get3A_337] {strides = array<i32>} : memref<8x4992xf32, #tpu.memory_space<vmem>>, vector<1x16xf32>,
      %get3A_339 = vector.shape_cast %get3A_338 : vector<1x16xf32> to vector<16xf32>
      %gt3A_340 = arith.cmpf ogt, %get3A_339, %get3A_73 : vector<16xf32>
      %eq3A_341 = arith.cmpf oeq, %get3A_339, %get3A_73 : vector<16xf32>
      %lt3A_342 = arith.cmpi slt, %scan3A_280, %get3A_113 : vector<16xi32>
      %and3A_343 = arith.andi %eq3A_341, %lt3A_342 : vector<16xi1>
      %or3A_344 = arith.ori %gt3A_340, %and3A_343 : vector<16xi1>
      %jit3A_345 = arith.constant 1 : i32
      %jit3A_346 = arith.constant 0 : i32
      %broadcast_in_dim3A_347 = vector.broadcast %jit3A_345 : i32 to vector<16xi32>
      %broadcast_in_dim3A_348 = vector.broadcast %jit3A_346 : i32 to vector<16xi32>
      %select_n3A_349 = arith.select %or3A_344, %broadcast_in_dim3A_347, %broadcast_in_dim3A_348 : vector<16xi1>, vector<16xi32>
      %add3A_350 = arith.addi %scan3A_275, %select_n3A_349 : vector<16xi32>
      %mul3A_351 = arith.constant 16 : i32
      %mul3A_352 = arith.muli %scan3A_271, %mul3A_351 : i32
      %get3A_353 = arith.constant 4 : i32
      %get3A_354 = arith.index_cast %get3A_353 : i32 to index
      %get3A_355 = arith.index_cast %mul3A_352 : i32 to index
      %get3A_356 = tpu.vector_load %arg9[%get3A_354, %get3A_355] {strides = array<i32>} : memref<8x4992xf32, #tpu.memory_space<vmem>>, vector<1x16xf32>,
      %get3A_357 = vector.shape_cast %get3A_356 : vector<1x16xf32> to vector<16xf32>
      %gt3A_358 = arith.cmpf ogt, %get3A_357, %get3A_78 : vector<16xf32>
      %eq3A_359 = arith.cmpf oeq, %get3A_357, %get3A_78 : vector<16xf32>
      %lt3A_360 = arith.cmpi slt, %scan3A_280, %get3A_118 : vector<16xi32>
      %and3A_361 = arith.andi %eq3A_359, %lt3A_360 : vector<16xi1>
      %or3A_362 = arith.ori %gt3A_358, %and3A_361 : vector<16xi1>
      %jit3A_363 = arith.constant 1 : i32
      %jit3A_364 = arith.constant 0 : i32
      %broadcast_in_dim3A_365 = vector.broadcast %jit3A_363 : i32 to vector<16xi32>
      %broadcast_in_dim3A_366 = vector.broadcast %jit3A_364 : i32 to vector<16xi32>
      %select_n3A_367 = arith.select %or3A_362, %broadcast_in_dim3A_365, %broadcast_in_dim3A_366 : vector<16xi1>, vector<16xi32>
      %add3A_368 = arith.addi %scan3A_276, %select_n3A_367 : vector<16xi32>
      %mul3A_369 = arith.constant 16 : i32
      %mul3A_370 = arith.muli %scan3A_271, %mul3A_369 : i32
      %get3A_371 = arith.constant 5 : i32
      %get3A_372 = arith.index_cast %get3A_371 : i32 to index
      %get3A_373 = arith.index_cast %mul3A_370 : i32 to index
      %get3A_374 = tpu.vector_load %arg9[%get3A_372, %get3A_373] {strides = array<i32>} : memref<8x4992xf32, #tpu.memory_space<vmem>>, vector<1x16xf32>,
      %get3A_375 = vector.shape_cast %get3A_374 : vector<1x16xf32> to vector<16xf32>
      %gt3A_376 = arith.cmpf ogt, %get3A_375, %get3A_83 : vector<16xf32>
      %eq3A_377 = arith.cmpf oeq, %get3A_375, %get3A_83 : vector<16xf32>
      %lt3A_378 = arith.cmpi slt, %scan3A_280, %get3A_123 : vector<16xi32>
      %and3A_379 = arith.andi %eq3A_377, %lt3A_378 : vector<16xi1>
      %or3A_380 = arith.ori %gt3A_376, %and3A_379 : vector<16xi1>
      %jit3A_381 = arith.constant 1 : i32
      %jit3A_382 = arith.constant 0 : i32
      %broadcast_in_dim3A_383 = vector.broadcast %jit3A_381 : i32 to vector<16xi32>
      %broadcast_in_dim3A_384 = vector.broadcast %jit3A_382 : i32 to vector<16xi32>
      %select_n3A_385 = arith.select %or3A_380, %broadcast_in_dim3A_383, %broadcast_in_dim3A_384 : vector<16xi1>, vector<16xi32>
      %add3A_386 = arith.addi %scan3A_277, %select_n3A_385 : vector<16xi32>
      %mul3A_387 = arith.constant 16 : i32
      %mul3A_388 = arith.muli %scan3A_271, %mul3A_387 : i32
      %get3A_389 = arith.constant 6 : i32
      %get3A_390 = arith.index_cast %get3A_389 : i32 to index
      %get3A_391 = arith.index_cast %mul3A_388 : i32 to index
      %get3A_392 = tpu.vector_load %arg9[%get3A_390, %get3A_391] {strides = array<i32>} : memref<8x4992xf32, #tpu.memory_space<vmem>>, vector<1x16xf32>,
      %get3A_393 = vector.shape_cast %get3A_392 : vector<1x16xf32> to vector<16xf32>
      %gt3A_394 = arith.cmpf ogt, %get3A_393, %get3A_88 : vector<16xf32>
      %eq3A_395 = arith.cmpf oeq, %get3A_393, %get3A_88 : vector<16xf32>
      %lt3A_396 = arith.cmpi slt, %scan3A_280, %get3A_128 : vector<16xi32>
      %and3A_397 = arith.andi %eq3A_395, %lt3A_396 : vector<16xi1>
      %or3A_398 = arith.ori %gt3A_394, %and3A_397 : vector<16xi1>
      %jit3A_399 = arith.constant 1 : i32
      %jit3A_400 = arith.constant 0 : i32
      %broadcast_in_dim3A_401 = vector.broadcast %jit3A_399 : i32 to vector<16xi32>
      %broadcast_in_dim3A_402 = vector.broadcast %jit3A_400 : i32 to vector<16xi32>
      %select_n3A_403 = arith.select %or3A_398, %broadcast_in_dim3A_401, %broadcast_in_dim3A_402 : vector<16xi1>, vector<16xi32>
      %add3A_404 = arith.addi %scan3A_278, %select_n3A_403 : vector<16xi32>
      %mul3A_405 = arith.constant 16 : i32
      %mul3A_406 = arith.muli %scan3A_271, %mul3A_405 : i32
      %get3A_407 = arith.constant 7 : i32
      %get3A_408 = arith.index_cast %get3A_407 : i32 to index
      %get3A_409 = arith.index_cast %mul3A_406 : i32 to index
      %get3A_410 = tpu.vector_load %arg9[%get3A_408, %get3A_409] {strides = array<i32>} : memref<8x4992xf32, #tpu.memory_space<vmem>>, vector<1x16xf32>,
      %get3A_411 = vector.shape_cast %get3A_410 : vector<1x16xf32> to vector<16xf32>
      %gt3A_412 = arith.cmpf ogt, %get3A_411, %get3A_93 : vector<16xf32>
      %eq3A_413 = arith.cmpf oeq, %get3A_411, %get3A_93 : vector<16xf32>
      %lt3A_414 = arith.cmpi slt, %scan3A_280, %get3A_133 : vector<16xi32>
      %and3A_415 = arith.andi %eq3A_413, %lt3A_414 : vector<16xi1>
      %or3A_416 = arith.ori %gt3A_412, %and3A_415 : vector<16xi1>
      %jit3A_417 = arith.constant 1 : i32
      %jit3A_418 = arith.constant 0 : i32
      %broadcast_in_dim3A_419 = vector.broadcast %jit3A_417 : i32 to vector<16xi32>
      %broadcast_in_dim3A_420 = vector.broadcast %jit3A_418 : i32 to vector<16xi32>
      %select_n3A_421 = arith.select %or3A_416, %broadcast_in_dim3A_419, %broadcast_in_dim3A_420 : vector<16xi1>, vector<16xi32>
      %add3A_422 = arith.addi %scan3A_279, %select_n3A_421 : vector<16xi32>
      %add3A_423 = arith.constant 16 : i32
      %add3A_424 = vector.broadcast %add3A_423 : i32 to vector<16xi32>
      %add3A_425 = arith.addi %scan3A_280, %add3A_424 : vector<16xi32>
      scf.yield %add3A_296, %add3A_314, %add3A_332, %add3A_350, %add3A_368, %add3A_386, %add3A_404, %add3A_422, %add3A_425 : vector<16xi32>, vector<16xi32>, vector<16xi32>, vector<16xi32>, vector<16xi32>, vector<16xi32>, vector<16xi32>, vector<16xi32>, vector<16xi32>
    }
    %scan3A_220 = arith.constant 312 : i32
    %dma_wait3A_221 = tpu.memref_slice %arg2[%multiple_of3A, %multiple_of3A_148] : memref<128x100000xf32, #tpu.memory_space<hbm>> -> memref<8x4992xf32, #tpu.memory_space<hbm>>
    %dma_wait3A_222 = tpu.memref_slice %arg2[%multiple_of3A, %multiple_of3A_148] : memref<128x100000xf32, #tpu.memory_space<hbm>> -> memref<8x4992xf32, #tpu.memory_space<hbm>>
    tpu.wait_dma2 semaphore(%arg11 : memref<!tpu.dma_semaphore, #tpu.memory_space<semaphore_mem>>) src(%dma_wait3A_222 : memref<8x4992xf32, #tpu.memory_space<hbm>>) dst(%arg8 : memref<8x4992xf32, #tpu.memory_space<vmem>>)
    %add3A_223 = arith.constant 19968 : i32
    %add3A_224 = arith.addi %multiple_of3A_40, %add3A_223 : i32
    %add3A_225 = vector.broadcast %add3A_224 : i32 to vector<16xi32>
    %add3A_226 = arith.addi %add3A_225, %iota3A : vector<16xi32>
    %scan3A_227 = arith.constant 0 : i32
    %scan3A_228 = arith.constant 312 : i32
    %scan3A_229 = arith.addi %scan3A_227, %scan3A_228 : i32
    %scan3A_230 = arith.constant 1 : i32
    %scan3A_231:9 = scf.for %scan3A_271 = %scan3A_227 to %scan3A_229 step %scan3A_230 iter_args(%scan3A_272 = %scan3A_219#0, %scan3A_273 = %scan3A_219#1, %scan3A_274 = %scan3A_219#2, %scan3A_275 = %scan3A_219#3, %scan3A_276 = %scan3A_219#4, %scan3A_277 = %scan3A_219#5, %scan3A_278 = %scan3A_219#6, %scan3A_279 = %scan3A_219#7, %scan3A_280 = %add3A_226) -> (vector<16xi32>, vector<16xi32>, vector<16xi32>, vector<16xi32>, vector<16xi32>, vector<16xi32>, vector<16xi32>, vector<16xi32>, vector<16xi32>)  : i32 {
      %mul3A_281 = arith.constant 16 : i32
      %mul3A_282 = arith.muli %scan3A_271, %mul3A_281 : i32
      %get3A_283 = arith.constant 0 : i32
      %get3A_284 = arith.index_cast %get3A_283 : i32 to index
      %get3A_285 = arith.index_cast %mul3A_282 : i32 to index
      %get3A_286 = tpu.vector_load %arg8[%get3A_284, %get3A_285] {strides = array<i32>} : memref<8x4992xf32, #tpu.memory_space<vmem>>, vector<1x16xf32>,
      %get3A_287 = vector.shape_cast %get3A_286 : vector<1x16xf32> to vector<16xf32>
      %gt3A = arith.cmpf ogt, %get3A_287, %get3A_58 : vector<16xf32>
      %eq3A_288 = arith.cmpf oeq, %get3A_287, %get3A_58 : vector<16xf32>
      %lt3A_289 = arith.cmpi slt, %scan3A_280, %get3A_98 : vector<16xi32>
      %and3A_290 = arith.andi %eq3A_288, %lt3A_289 : vector<16xi1>
      %or3A = arith.ori %gt3A, %and3A_290 : vector<16xi1>
      %jit3A_291 = arith.constant 1 : i32
      %jit3A_292 = arith.constant 0 : i32
      %broadcast_in_dim3A_293 = vector.broadcast %jit3A_291 : i32 to vector<16xi32>
      %broadcast_in_dim3A_294 = vector.broadcast %jit3A_292 : i32 to vector<16xi32>
      %select_n3A_295 = arith.select %or3A, %broadcast_in_dim3A_293, %broadcast_in_dim3A_294 : vector<16xi1>, vector<16xi32>
      %add3A_296 = arith.addi %scan3A_272, %select_n3A_295 : vector<16xi32>
      %mul3A_297 = arith.constant 16 : i32
      %mul3A_298 = arith.muli %scan3A_271, %mul3A_297 : i32
      %get3A_299 = arith.constant 1 : i32
      %get3A_300 = arith.index_cast %get3A_299 : i32 to index
      %get3A_301 = arith.index_cast %mul3A_298 : i32 to index
      %get3A_302 = tpu.vector_load %arg8[%get3A_300, %get3A_301] {strides = array<i32>} : memref<8x4992xf32, #tpu.memory_space<vmem>>, vector<1x16xf32>,
      %get3A_303 = vector.shape_cast %get3A_302 : vector<1x16xf32> to vector<16xf32>
      %gt3A_304 = arith.cmpf ogt, %get3A_303, %get3A_63 : vector<16xf32>
      %eq3A_305 = arith.cmpf oeq, %get3A_303, %get3A_63 : vector<16xf32>
      %lt3A_306 = arith.cmpi slt, %scan3A_280, %get3A_103 : vector<16xi32>
      %and3A_307 = arith.andi %eq3A_305, %lt3A_306 : vector<16xi1>
      %or3A_308 = arith.ori %gt3A_304, %and3A_307 : vector<16xi1>
      %jit3A_309 = arith.constant 1 : i32
      %jit3A_310 = arith.constant 0 : i32
      %broadcast_in_dim3A_311 = vector.broadcast %jit3A_309 : i32 to vector<16xi32>
      %broadcast_in_dim3A_312 = vector.broadcast %jit3A_310 : i32 to vector<16xi32>
      %select_n3A_313 = arith.select %or3A_308, %broadcast_in_dim3A_311, %broadcast_in_dim3A_312 : vector<16xi1>, vector<16xi32>
      %add3A_314 = arith.addi %scan3A_273, %select_n3A_313 : vector<16xi32>
      %mul3A_315 = arith.constant 16 : i32
      %mul3A_316 = arith.muli %scan3A_271, %mul3A_315 : i32
      %get3A_317 = arith.constant 2 : i32
      %get3A_318 = arith.index_cast %get3A_317 : i32 to index
      %get3A_319 = arith.index_cast %mul3A_316 : i32 to index
      %get3A_320 = tpu.vector_load %arg8[%get3A_318, %get3A_319] {strides = array<i32>} : memref<8x4992xf32, #tpu.memory_space<vmem>>, vector<1x16xf32>,
      %get3A_321 = vector.shape_cast %get3A_320 : vector<1x16xf32> to vector<16xf32>
      %gt3A_322 = arith.cmpf ogt, %get3A_321, %get3A_68 : vector<16xf32>
      %eq3A_323 = arith.cmpf oeq, %get3A_321, %get3A_68 : vector<16xf32>
      %lt3A_324 = arith.cmpi slt, %scan3A_280, %get3A_108 : vector<16xi32>
      %and3A_325 = arith.andi %eq3A_323, %lt3A_324 : vector<16xi1>
      %or3A_326 = arith.ori %gt3A_322, %and3A_325 : vector<16xi1>
      %jit3A_327 = arith.constant 1 : i32
      %jit3A_328 = arith.constant 0 : i32
      %broadcast_in_dim3A_329 = vector.broadcast %jit3A_327 : i32 to vector<16xi32>
      %broadcast_in_dim3A_330 = vector.broadcast %jit3A_328 : i32 to vector<16xi32>
      %select_n3A_331 = arith.select %or3A_326, %broadcast_in_dim3A_329, %broadcast_in_dim3A_330 : vector<16xi1>, vector<16xi32>
      %add3A_332 = arith.addi %scan3A_274, %select_n3A_331 : vector<16xi32>
      %mul3A_333 = arith.constant 16 : i32
      %mul3A_334 = arith.muli %scan3A_271, %mul3A_333 : i32
      %get3A_335 = arith.constant 3 : i32
      %get3A_336 = arith.index_cast %get3A_335 : i32 to index
      %get3A_337 = arith.index_cast %mul3A_334 : i32 to index
      %get3A_338 = tpu.vector_load %arg8[%get3A_336, %get3A_337] {strides = array<i32>} : memref<8x4992xf32, #tpu.memory_space<vmem>>, vector<1x16xf32>,
      %get3A_339 = vector.shape_cast %get3A_338 : vector<1x16xf32> to vector<16xf32>
      %gt3A_340 = arith.cmpf ogt, %get3A_339, %get3A_73 : vector<16xf32>
      %eq3A_341 = arith.cmpf oeq, %get3A_339, %get3A_73 : vector<16xf32>
      %lt3A_342 = arith.cmpi slt, %scan3A_280, %get3A_113 : vector<16xi32>
      %and3A_343 = arith.andi %eq3A_341, %lt3A_342 : vector<16xi1>
      %or3A_344 = arith.ori %gt3A_340, %and3A_343 : vector<16xi1>
      %jit3A_345 = arith.constant 1 : i32
      %jit3A_346 = arith.constant 0 : i32
      %broadcast_in_dim3A_347 = vector.broadcast %jit3A_345 : i32 to vector<16xi32>
      %broadcast_in_dim3A_348 = vector.broadcast %jit3A_346 : i32 to vector<16xi32>
      %select_n3A_349 = arith.select %or3A_344, %broadcast_in_dim3A_347, %broadcast_in_dim3A_348 : vector<16xi1>, vector<16xi32>
      %add3A_350 = arith.addi %scan3A_275, %select_n3A_349 : vector<16xi32>
      %mul3A_351 = arith.constant 16 : i32
      %mul3A_352 = arith.muli %scan3A_271, %mul3A_351 : i32
      %get3A_353 = arith.constant 4 : i32
      %get3A_354 = arith.index_cast %get3A_353 : i32 to index
      %get3A_355 = arith.index_cast %mul3A_352 : i32 to index
      %get3A_356 = tpu.vector_load %arg8[%get3A_354, %get3A_355] {strides = array<i32>} : memref<8x4992xf32, #tpu.memory_space<vmem>>, vector<1x16xf32>,
      %get3A_357 = vector.shape_cast %get3A_356 : vector<1x16xf32> to vector<16xf32>
      %gt3A_358 = arith.cmpf ogt, %get3A_357, %get3A_78 : vector<16xf32>
      %eq3A_359 = arith.cmpf oeq, %get3A_357, %get3A_78 : vector<16xf32>
      %lt3A_360 = arith.cmpi slt, %scan3A_280, %get3A_118 : vector<16xi32>
      %and3A_361 = arith.andi %eq3A_359, %lt3A_360 : vector<16xi1>
      %or3A_362 = arith.ori %gt3A_358, %and3A_361 : vector<16xi1>
      %jit3A_363 = arith.constant 1 : i32
      %jit3A_364 = arith.constant 0 : i32
      %broadcast_in_dim3A_365 = vector.broadcast %jit3A_363 : i32 to vector<16xi32>
      %broadcast_in_dim3A_366 = vector.broadcast %jit3A_364 : i32 to vector<16xi32>
      %select_n3A_367 = arith.select %or3A_362, %broadcast_in_dim3A_365, %broadcast_in_dim3A_366 : vector<16xi1>, vector<16xi32>
      %add3A_368 = arith.addi %scan3A_276, %select_n3A_367 : vector<16xi32>
      %mul3A_369 = arith.constant 16 : i32
      %mul3A_370 = arith.muli %scan3A_271, %mul3A_369 : i32
      %get3A_371 = arith.constant 5 : i32
      %get3A_372 = arith.index_cast %get3A_371 : i32 to index
      %get3A_373 = arith.index_cast %mul3A_370 : i32 to index
      %get3A_374 = tpu.vector_load %arg8[%get3A_372, %get3A_373] {strides = array<i32>} : memref<8x4992xf32, #tpu.memory_space<vmem>>, vector<1x16xf32>,
      %get3A_375 = vector.shape_cast %get3A_374 : vector<1x16xf32> to vector<16xf32>
      %gt3A_376 = arith.cmpf ogt, %get3A_375, %get3A_83 : vector<16xf32>
      %eq3A_377 = arith.cmpf oeq, %get3A_375, %get3A_83 : vector<16xf32>
      %lt3A_378 = arith.cmpi slt, %scan3A_280, %get3A_123 : vector<16xi32>
      %and3A_379 = arith.andi %eq3A_377, %lt3A_378 : vector<16xi1>
      %or3A_380 = arith.ori %gt3A_376, %and3A_379 : vector<16xi1>
      %jit3A_381 = arith.constant 1 : i32
      %jit3A_382 = arith.constant 0 : i32
      %broadcast_in_dim3A_383 = vector.broadcast %jit3A_381 : i32 to vector<16xi32>
      %broadcast_in_dim3A_384 = vector.broadcast %jit3A_382 : i32 to vector<16xi32>
      %select_n3A_385 = arith.select %or3A_380, %broadcast_in_dim3A_383, %broadcast_in_dim3A_384 : vector<16xi1>, vector<16xi32>
      %add3A_386 = arith.addi %scan3A_277, %select_n3A_385 : vector<16xi32>
      %mul3A_387 = arith.constant 16 : i32
      %mul3A_388 = arith.muli %scan3A_271, %mul3A_387 : i32
      %get3A_389 = arith.constant 6 : i32
      %get3A_390 = arith.index_cast %get3A_389 : i32 to index
      %get3A_391 = arith.index_cast %mul3A_388 : i32 to index
      %get3A_392 = tpu.vector_load %arg8[%get3A_390, %get3A_391] {strides = array<i32>} : memref<8x4992xf32, #tpu.memory_space<vmem>>, vector<1x16xf32>,
      %get3A_393 = vector.shape_cast %get3A_392 : vector<1x16xf32> to vector<16xf32>
      %gt3A_394 = arith.cmpf ogt, %get3A_393, %get3A_88 : vector<16xf32>
      %eq3A_395 = arith.cmpf oeq, %get3A_393, %get3A_88 : vector<16xf32>
      %lt3A_396 = arith.cmpi slt, %scan3A_280, %get3A_128 : vector<16xi32>
      %and3A_397 = arith.andi %eq3A_395, %lt3A_396 : vector<16xi1>
      %or3A_398 = arith.ori %gt3A_394, %and3A_397 : vector<16xi1>
      %jit3A_399 = arith.constant 1 : i32
      %jit3A_400 = arith.constant 0 : i32
      %broadcast_in_dim3A_401 = vector.broadcast %jit3A_399 : i32 to vector<16xi32>
      %broadcast_in_dim3A_402 = vector.broadcast %jit3A_400 : i32 to vector<16xi32>
      %select_n3A_403 = arith.select %or3A_398, %broadcast_in_dim3A_401, %broadcast_in_dim3A_402 : vector<16xi1>, vector<16xi32>
      %add3A_404 = arith.addi %scan3A_278, %select_n3A_403 : vector<16xi32>
      %mul3A_405 = arith.constant 16 : i32
      %mul3A_406 = arith.muli %scan3A_271, %mul3A_405 : i32
      %get3A_407 = arith.constant 7 : i32
      %get3A_408 = arith.index_cast %get3A_407 : i32 to index
      %get3A_409 = arith.index_cast %mul3A_406 : i32 to index
      %get3A_410 = tpu.vector_load %arg8[%get3A_408, %get3A_409] {strides = array<i32>} : memref<8x4992xf32, #tpu.memory_space<vmem>>, vector<1x16xf32>,
      %get3A_411 = vector.shape_cast %get3A_410 : vector<1x16xf32> to vector<16xf32>
      %gt3A_412 = arith.cmpf ogt, %get3A_411, %get3A_93 : vector<16xf32>
      %eq3A_413 = arith.cmpf oeq, %get3A_411, %get3A_93 : vector<16xf32>
      %lt3A_414 = arith.cmpi slt, %scan3A_280, %get3A_133 : vector<16xi32>
      %and3A_415 = arith.andi %eq3A_413, %lt3A_414 : vector<16xi1>
      %or3A_416 = arith.ori %gt3A_412, %and3A_415 : vector<16xi1>
      %jit3A_417 = arith.constant 1 : i32
      %jit3A_418 = arith.constant 0 : i32
      %broadcast_in_dim3A_419 = vector.broadcast %jit3A_417 : i32 to vector<16xi32>
      %broadcast_in_dim3A_420 = vector.broadcast %jit3A_418 : i32 to vector<16xi32>
      %select_n3A_421 = arith.select %or3A_416, %broadcast_in_dim3A_419, %broadcast_in_dim3A_420 : vector<16xi1>, vector<16xi32>
      %add3A_422 = arith.addi %scan3A_279, %select_n3A_421 : vector<16xi32>
      %add3A_423 = arith.constant 16 : i32
      %add3A_424 = vector.broadcast %add3A_423 : i32 to vector<16xi32>
      %add3A_425 = arith.addi %scan3A_280, %add3A_424 : vector<16xi32>
      scf.yield %add3A_296, %add3A_314, %add3A_332, %add3A_350, %add3A_368, %add3A_386, %add3A_404, %add3A_422, %add3A_425 : vector<16xi32>, vector<16xi32>, vector<16xi32>, vector<16xi32>, vector<16xi32>, vector<16xi32>, vector<16xi32>, vector<16xi32>, vector<16xi32>
    }
    %scan3A_232 = arith.constant 312 : i32
    %swap3A = arith.constant 0 : index
    %swap3A_233 = tpu.vector_load %arg10[%swap3A] {strides = array<i32>} : memref<16xi32, #tpu.memory_space<vmem>>, vector<16xi32>,
    %swap3A_234 = vector.shape_cast %swap3A_233 : vector<16xi32> to vector<16xi32>
    %swap3A_235 = vector.shape_cast %scan3A_231#0 : vector<16xi32> to vector<16xi32>
    tpu.vector_store %arg10[%swap3A], %swap3A_235 {strides = array<i32>} : memref<16xi32, #tpu.memory_space<vmem>>, vector<16xi32>,
    %run_scoped3A = arith.constant 0 : i32
    "tpu.region"() ({
      %run_scoped3A_271 = tpu.sem_alloc : memref<!tpu.dma_semaphore, #tpu.memory_space<semaphore_mem>>
      %dma_start3A_272 = arith.constant 0 : i32
      %dma_start3A_273 = tpu.memref_slice %arg5[%add3A, %run_scoped3A, %dma_start3A_272] : memref<32x8x16xi32, #tpu.memory_space<hbm>> -> memref<1x1x16xi32, #tpu.memory_space<hbm>>
      %dma_start3A_274 = tpu.memref_squeeze %dma_start3A_273 : memref<1x1x16xi32, #tpu.memory_space<hbm>> -> memref<16xi32, #tpu.memory_space<hbm>>
      %dma_start3A_275 = arith.constant 0 : i32
      %dma_start3A_276 = tpu.memref_slice %arg5[%add3A, %run_scoped3A, %dma_start3A_275] : memref<32x8x16xi32, #tpu.memory_space<hbm>> -> memref<1x1x16xi32, #tpu.memory_space<hbm>>
      %dma_start3A_277 = tpu.memref_squeeze %dma_start3A_276 : memref<1x1x16xi32, #tpu.memory_space<hbm>> -> memref<16xi32, #tpu.memory_space<hbm>>
      tpu.enqueue_dma source(%arg10 : memref<16xi32, #tpu.memory_space<vmem>>) target(%dma_start3A_277 : memref<16xi32, #tpu.memory_space<hbm>>) target_semaphore(%run_scoped3A_271 : memref<!tpu.dma_semaphore, #tpu.memory_space<semaphore_mem>>)
      %dma_wait3A_278 = arith.constant 0 : i32
      %dma_wait3A_279 = tpu.memref_slice %arg5[%add3A, %run_scoped3A, %dma_wait3A_278] : memref<32x8x16xi32, #tpu.memory_space<hbm>> -> memref<1x1x16xi32, #tpu.memory_space<hbm>>
      %dma_wait3A_280 = tpu.memref_squeeze %dma_wait3A_279 : memref<1x1x16xi32, #tpu.memory_space<hbm>> -> memref<16xi32, #tpu.memory_space<hbm>>
      %dma_wait3A_281 = arith.constant 0 : i32
      %dma_wait3A_282 = tpu.memref_slice %arg5[%add3A, %run_scoped3A, %dma_wait3A_281] : memref<32x8x16xi32, #tpu.memory_space<hbm>> -> memref<1x1x16xi32, #tpu.memory_space<hbm>>
      %dma_wait3A_283 = tpu.memref_squeeze %dma_wait3A_282 : memref<1x1x16xi32, #tpu.memory_space<hbm>> -> memref<16xi32, #tpu.memory_space<hbm>>
      tpu.wait_dma2 semaphore(%run_scoped3A_271 : memref<!tpu.dma_semaphore, #tpu.memory_space<semaphore_mem>>) src(%arg10 : memref<16xi32, #tpu.memory_space<vmem>>) dst(%dma_wait3A_283 : memref<16xi32, #tpu.memory_space<hbm>>)
      tpu.yield
    }) : () -> ()
    %swap3A_236 = arith.constant 0 : index
    %swap3A_237 = tpu.vector_load %arg10[%swap3A_236] {strides = array<i32>} : memref<16xi32, #tpu.memory_space<vmem>>, vector<16xi32>,
    %swap3A_238 = vector.shape_cast %swap3A_237 : vector<16xi32> to vector<16xi32>
    %swap3A_239 = vector.shape_cast %scan3A_231#1 : vector<16xi32> to vector<16xi32>
    tpu.vector_store %arg10[%swap3A_236], %swap3A_239 {strides = array<i32>} : memref<16xi32, #tpu.memory_space<vmem>>, vector<16xi32>,
    %run_scoped3A_240 = arith.constant 1 : i32
    "tpu.region"() ({
      %run_scoped3A_271 = tpu.sem_alloc : memref<!tpu.dma_semaphore, #tpu.memory_space<semaphore_mem>>
      %dma_start3A_272 = arith.constant 0 : i32
      %dma_start3A_273 = tpu.memref_slice %arg5[%add3A, %run_scoped3A_240, %dma_start3A_272] : memref<32x8x16xi32, #tpu.memory_space<hbm>> -> memref<1x1x16xi32, #tpu.memory_space<hbm>>
      %dma_start3A_274 = tpu.memref_squeeze %dma_start3A_273 : memref<1x1x16xi32, #tpu.memory_space<hbm>> -> memref<16xi32, #tpu.memory_space<hbm>>
      %dma_start3A_275 = arith.constant 0 : i32
      %dma_start3A_276 = tpu.memref_slice %arg5[%add3A, %run_scoped3A_240, %dma_start3A_275] : memref<32x8x16xi32, #tpu.memory_space<hbm>> -> memref<1x1x16xi32, #tpu.memory_space<hbm>>
      %dma_start3A_277 = tpu.memref_squeeze %dma_start3A_276 : memref<1x1x16xi32, #tpu.memory_space<hbm>> -> memref<16xi32, #tpu.memory_space<hbm>>
      tpu.enqueue_dma source(%arg10 : memref<16xi32, #tpu.memory_space<vmem>>) target(%dma_start3A_277 : memref<16xi32, #tpu.memory_space<hbm>>) target_semaphore(%run_scoped3A_271 : memref<!tpu.dma_semaphore, #tpu.memory_space<semaphore_mem>>)
      %dma_wait3A_278 = arith.constant 0 : i32
      %dma_wait3A_279 = tpu.memref_slice %arg5[%add3A, %run_scoped3A_240, %dma_wait3A_278] : memref<32x8x16xi32, #tpu.memory_space<hbm>> -> memref<1x1x16xi32, #tpu.memory_space<hbm>>
      %dma_wait3A_280 = tpu.memref_squeeze %dma_wait3A_279 : memref<1x1x16xi32, #tpu.memory_space<hbm>> -> memref<16xi32, #tpu.memory_space<hbm>>
      %dma_wait3A_281 = arith.constant 0 : i32
      %dma_wait3A_282 = tpu.memref_slice %arg5[%add3A, %run_scoped3A_240, %dma_wait3A_281] : memref<32x8x16xi32, #tpu.memory_space<hbm>> -> memref<1x1x16xi32, #tpu.memory_space<hbm>>
      %dma_wait3A_283 = tpu.memref_squeeze %dma_wait3A_282 : memref<1x1x16xi32, #tpu.memory_space<hbm>> -> memref<16xi32, #tpu.memory_space<hbm>>
      tpu.wait_dma2 semaphore(%run_scoped3A_271 : memref<!tpu.dma_semaphore, #tpu.memory_space<semaphore_mem>>) src(%arg10 : memref<16xi32, #tpu.memory_space<vmem>>) dst(%dma_wait3A_283 : memref<16xi32, #tpu.memory_space<hbm>>)
      tpu.yield
    }) : () -> ()
    %swap3A_241 = arith.constant 0 : index
    %swap3A_242 = tpu.vector_load %arg10[%swap3A_241] {strides = array<i32>} : memref<16xi32, #tpu.memory_space<vmem>>, vector<16xi32>,
    %swap3A_243 = vector.shape_cast %swap3A_242 : vector<16xi32> to vector<16xi32>
    %swap3A_244 = vector.shape_cast %scan3A_231#2 : vector<16xi32> to vector<16xi32>
    tpu.vector_store %arg10[%swap3A_241], %swap3A_244 {strides = array<i32>} : memref<16xi32, #tpu.memory_space<vmem>>, vector<16xi32>,
    %run_scoped3A_245 = arith.constant 2 : i32
    "tpu.region"() ({
      %run_scoped3A_271 = tpu.sem_alloc : memref<!tpu.dma_semaphore, #tpu.memory_space<semaphore_mem>>
      %dma_start3A_272 = arith.constant 0 : i32
      %dma_start3A_273 = tpu.memref_slice %arg5[%add3A, %run_scoped3A_245, %dma_start3A_272] : memref<32x8x16xi32, #tpu.memory_space<hbm>> -> memref<1x1x16xi32, #tpu.memory_space<hbm>>
      %dma_start3A_274 = tpu.memref_squeeze %dma_start3A_273 : memref<1x1x16xi32, #tpu.memory_space<hbm>> -> memref<16xi32, #tpu.memory_space<hbm>>
      %dma_start3A_275 = arith.constant 0 : i32
      %dma_start3A_276 = tpu.memref_slice %arg5[%add3A, %run_scoped3A_245, %dma_start3A_275] : memref<32x8x16xi32, #tpu.memory_space<hbm>> -> memref<1x1x16xi32, #tpu.memory_space<hbm>>
      %dma_start3A_277 = tpu.memref_squeeze %dma_start3A_276 : memref<1x1x16xi32, #tpu.memory_space<hbm>> -> memref<16xi32, #tpu.memory_space<hbm>>
      tpu.enqueue_dma source(%arg10 : memref<16xi32, #tpu.memory_space<vmem>>) target(%dma_start3A_277 : memref<16xi32, #tpu.memory_space<hbm>>) target_semaphore(%run_scoped3A_271 : memref<!tpu.dma_semaphore, #tpu.memory_space<semaphore_mem>>)
      %dma_wait3A_278 = arith.constant 0 : i32
      %dma_wait3A_279 = tpu.memref_slice %arg5[%add3A, %run_scoped3A_245, %dma_wait3A_278] : memref<32x8x16xi32, #tpu.memory_space<hbm>> -> memref<1x1x16xi32, #tpu.memory_space<hbm>>
      %dma_wait3A_280 = tpu.memref_squeeze %dma_wait3A_279 : memref<1x1x16xi32, #tpu.memory_space<hbm>> -> memref<16xi32, #tpu.memory_space<hbm>>
      %dma_wait3A_281 = arith.constant 0 : i32
      %dma_wait3A_282 = tpu.memref_slice %arg5[%add3A, %run_scoped3A_245, %dma_wait3A_281] : memref<32x8x16xi32, #tpu.memory_space<hbm>> -> memref<1x1x16xi32, #tpu.memory_space<hbm>>
      %dma_wait3A_283 = tpu.memref_squeeze %dma_wait3A_282 : memref<1x1x16xi32, #tpu.memory_space<hbm>> -> memref<16xi32, #tpu.memory_space<hbm>>
      tpu.wait_dma2 semaphore(%run_scoped3A_271 : memref<!tpu.dma_semaphore, #tpu.memory_space<semaphore_mem>>) src(%arg10 : memref<16xi32, #tpu.memory_space<vmem>>) dst(%dma_wait3A_283 : memref<16xi32, #tpu.memory_space<hbm>>)
      tpu.yield
    }) : () -> ()
    %swap3A_246 = arith.constant 0 : index
    %swap3A_247 = tpu.vector_load %arg10[%swap3A_246] {strides = array<i32>} : memref<16xi32, #tpu.memory_space<vmem>>, vector<16xi32>,
    %swap3A_248 = vector.shape_cast %swap3A_247 : vector<16xi32> to vector<16xi32>
    %swap3A_249 = vector.shape_cast %scan3A_231#3 : vector<16xi32> to vector<16xi32>
    tpu.vector_store %arg10[%swap3A_246], %swap3A_249 {strides = array<i32>} : memref<16xi32, #tpu.memory_space<vmem>>, vector<16xi32>,
    %run_scoped3A_250 = arith.constant 3 : i32
    "tpu.region"() ({
      %run_scoped3A_271 = tpu.sem_alloc : memref<!tpu.dma_semaphore, #tpu.memory_space<semaphore_mem>>
      %dma_start3A_272 = arith.constant 0 : i32
      %dma_start3A_273 = tpu.memref_slice %arg5[%add3A, %run_scoped3A_250, %dma_start3A_272] : memref<32x8x16xi32, #tpu.memory_space<hbm>> -> memref<1x1x16xi32, #tpu.memory_space<hbm>>
      %dma_start3A_274 = tpu.memref_squeeze %dma_start3A_273 : memref<1x1x16xi32, #tpu.memory_space<hbm>> -> memref<16xi32, #tpu.memory_space<hbm>>
      %dma_start3A_275 = arith.constant 0 : i32
      %dma_start3A_276 = tpu.memref_slice %arg5[%add3A, %run_scoped3A_250, %dma_start3A_275] : memref<32x8x16xi32, #tpu.memory_space<hbm>> -> memref<1x1x16xi32, #tpu.memory_space<hbm>>
      %dma_start3A_277 = tpu.memref_squeeze %dma_start3A_276 : memref<1x1x16xi32, #tpu.memory_space<hbm>> -> memref<16xi32, #tpu.memory_space<hbm>>
      tpu.enqueue_dma source(%arg10 : memref<16xi32, #tpu.memory_space<vmem>>) target(%dma_start3A_277 : memref<16xi32, #tpu.memory_space<hbm>>) target_semaphore(%run_scoped3A_271 : memref<!tpu.dma_semaphore, #tpu.memory_space<semaphore_mem>>)
      %dma_wait3A_278 = arith.constant 0 : i32
      %dma_wait3A_279 = tpu.memref_slice %arg5[%add3A, %run_scoped3A_250, %dma_wait3A_278] : memref<32x8x16xi32, #tpu.memory_space<hbm>> -> memref<1x1x16xi32, #tpu.memory_space<hbm>>
      %dma_wait3A_280 = tpu.memref_squeeze %dma_wait3A_279 : memref<1x1x16xi32, #tpu.memory_space<hbm>> -> memref<16xi32, #tpu.memory_space<hbm>>
      %dma_wait3A_281 = arith.constant 0 : i32
      %dma_wait3A_282 = tpu.memref_slice %arg5[%add3A, %run_scoped3A_250, %dma_wait3A_281] : memref<32x8x16xi32, #tpu.memory_space<hbm>> -> memref<1x1x16xi32, #tpu.memory_space<hbm>>
      %dma_wait3A_283 = tpu.memref_squeeze %dma_wait3A_282 : memref<1x1x16xi32, #tpu.memory_space<hbm>> -> memref<16xi32, #tpu.memory_space<hbm>>
      tpu.wait_dma2 semaphore(%run_scoped3A_271 : memref<!tpu.dma_semaphore, #tpu.memory_space<semaphore_mem>>) src(%arg10 : memref<16xi32, #tpu.memory_space<vmem>>) dst(%dma_wait3A_283 : memref<16xi32, #tpu.memory_space<hbm>>)
      tpu.yield
    }) : () -> ()
    %swap3A_251 = arith.constant 0 : index
    %swap3A_252 = tpu.vector_load %arg10[%swap3A_251] {strides = array<i32>} : memref<16xi32, #tpu.memory_space<vmem>>, vector<16xi32>,
    %swap3A_253 = vector.shape_cast %swap3A_252 : vector<16xi32> to vector<16xi32>
    %swap3A_254 = vector.shape_cast %scan3A_231#4 : vector<16xi32> to vector<16xi32>
    tpu.vector_store %arg10[%swap3A_251], %swap3A_254 {strides = array<i32>} : memref<16xi32, #tpu.memory_space<vmem>>, vector<16xi32>,
    %run_scoped3A_255 = arith.constant 4 : i32
    "tpu.region"() ({
      %run_scoped3A_271 = tpu.sem_alloc : memref<!tpu.dma_semaphore, #tpu.memory_space<semaphore_mem>>
      %dma_start3A_272 = arith.constant 0 : i32
      %dma_start3A_273 = tpu.memref_slice %arg5[%add3A, %run_scoped3A_255, %dma_start3A_272] : memref<32x8x16xi32, #tpu.memory_space<hbm>> -> memref<1x1x16xi32, #tpu.memory_space<hbm>>
      %dma_start3A_274 = tpu.memref_squeeze %dma_start3A_273 : memref<1x1x16xi32, #tpu.memory_space<hbm>> -> memref<16xi32, #tpu.memory_space<hbm>>
      %dma_start3A_275 = arith.constant 0 : i32
      %dma_start3A_276 = tpu.memref_slice %arg5[%add3A, %run_scoped3A_255, %dma_start3A_275] : memref<32x8x16xi32, #tpu.memory_space<hbm>> -> memref<1x1x16xi32, #tpu.memory_space<hbm>>
      %dma_start3A_277 = tpu.memref_squeeze %dma_start3A_276 : memref<1x1x16xi32, #tpu.memory_space<hbm>> -> memref<16xi32, #tpu.memory_space<hbm>>
      tpu.enqueue_dma source(%arg10 : memref<16xi32, #tpu.memory_space<vmem>>) target(%dma_start3A_277 : memref<16xi32, #tpu.memory_space<hbm>>) target_semaphore(%run_scoped3A_271 : memref<!tpu.dma_semaphore, #tpu.memory_space<semaphore_mem>>)
      %dma_wait3A_278 = arith.constant 0 : i32
      %dma_wait3A_279 = tpu.memref_slice %arg5[%add3A, %run_scoped3A_255, %dma_wait3A_278] : memref<32x8x16xi32, #tpu.memory_space<hbm>> -> memref<1x1x16xi32, #tpu.memory_space<hbm>>
      %dma_wait3A_280 = tpu.memref_squeeze %dma_wait3A_279 : memref<1x1x16xi32, #tpu.memory_space<hbm>> -> memref<16xi32, #tpu.memory_space<hbm>>
      %dma_wait3A_281 = arith.constant 0 : i32
      %dma_wait3A_282 = tpu.memref_slice %arg5[%add3A, %run_scoped3A_255, %dma_wait3A_281] : memref<32x8x16xi32, #tpu.memory_space<hbm>> -> memref<1x1x16xi32, #tpu.memory_space<hbm>>
      %dma_wait3A_283 = tpu.memref_squeeze %dma_wait3A_282 : memref<1x1x16xi32, #tpu.memory_space<hbm>> -> memref<16xi32, #tpu.memory_space<hbm>>
      tpu.wait_dma2 semaphore(%run_scoped3A_271 : memref<!tpu.dma_semaphore, #tpu.memory_space<semaphore_mem>>) src(%arg10 : memref<16xi32, #tpu.memory_space<vmem>>) dst(%dma_wait3A_283 : memref<16xi32, #tpu.memory_space<hbm>>)
      tpu.yield
    }) : () -> ()
    %swap3A_256 = arith.constant 0 : index
    %swap3A_257 = tpu.vector_load %arg10[%swap3A_256] {strides = array<i32>} : memref<16xi32, #tpu.memory_space<vmem>>, vector<16xi32>,
    %swap3A_258 = vector.shape_cast %swap3A_257 : vector<16xi32> to vector<16xi32>
    %swap3A_259 = vector.shape_cast %scan3A_231#5 : vector<16xi32> to vector<16xi32>
    tpu.vector_store %arg10[%swap3A_256], %swap3A_259 {strides = array<i32>} : memref<16xi32, #tpu.memory_space<vmem>>, vector<16xi32>,
    %run_scoped3A_260 = arith.constant 5 : i32
    "tpu.region"() ({
      %run_scoped3A_271 = tpu.sem_alloc : memref<!tpu.dma_semaphore, #tpu.memory_space<semaphore_mem>>
      %dma_start3A_272 = arith.constant 0 : i32
      %dma_start3A_273 = tpu.memref_slice %arg5[%add3A, %run_scoped3A_260, %dma_start3A_272] : memref<32x8x16xi32, #tpu.memory_space<hbm>> -> memref<1x1x16xi32, #tpu.memory_space<hbm>>
      %dma_start3A_274 = tpu.memref_squeeze %dma_start3A_273 : memref<1x1x16xi32, #tpu.memory_space<hbm>> -> memref<16xi32, #tpu.memory_space<hbm>>
      %dma_start3A_275 = arith.constant 0 : i32
      %dma_start3A_276 = tpu.memref_slice %arg5[%add3A, %run_scoped3A_260, %dma_start3A_275] : memref<32x8x16xi32, #tpu.memory_space<hbm>> -> memref<1x1x16xi32, #tpu.memory_space<hbm>>
      %dma_start3A_277 = tpu.memref_squeeze %dma_start3A_276 : memref<1x1x16xi32, #tpu.memory_space<hbm>> -> memref<16xi32, #tpu.memory_space<hbm>>
      tpu.enqueue_dma source(%arg10 : memref<16xi32, #tpu.memory_space<vmem>>) target(%dma_start3A_277 : memref<16xi32, #tpu.memory_space<hbm>>) target_semaphore(%run_scoped3A_271 : memref<!tpu.dma_semaphore, #tpu.memory_space<semaphore_mem>>)
      %dma_wait3A_278 = arith.constant 0 : i32
      %dma_wait3A_279 = tpu.memref_slice %arg5[%add3A, %run_scoped3A_260, %dma_wait3A_278] : memref<32x8x16xi32, #tpu.memory_space<hbm>> -> memref<1x1x16xi32, #tpu.memory_space<hbm>>
      %dma_wait3A_280 = tpu.memref_squeeze %dma_wait3A_279 : memref<1x1x16xi32, #tpu.memory_space<hbm>> -> memref<16xi32, #tpu.memory_space<hbm>>
      %dma_wait3A_281 = arith.constant 0 : i32
      %dma_wait3A_282 = tpu.memref_slice %arg5[%add3A, %run_scoped3A_260, %dma_wait3A_281] : memref<32x8x16xi32, #tpu.memory_space<hbm>> -> memref<1x1x16xi32, #tpu.memory_space<hbm>>
      %dma_wait3A_283 = tpu.memref_squeeze %dma_wait3A_282 : memref<1x1x16xi32, #tpu.memory_space<hbm>> -> memref<16xi32, #tpu.memory_space<hbm>>
      tpu.wait_dma2 semaphore(%run_scoped3A_271 : memref<!tpu.dma_semaphore, #tpu.memory_space<semaphore_mem>>) src(%arg10 : memref<16xi32, #tpu.memory_space<vmem>>) dst(%dma_wait3A_283 : memref<16xi32, #tpu.memory_space<hbm>>)
      tpu.yield
    }) : () -> ()
    %swap3A_261 = arith.constant 0 : index
    %swap3A_262 = tpu.vector_load %arg10[%swap3A_261] {strides = array<i32>} : memref<16xi32, #tpu.memory_space<vmem>>, vector<16xi32>,
    %swap3A_263 = vector.shape_cast %swap3A_262 : vector<16xi32> to vector<16xi32>
    %swap3A_264 = vector.shape_cast %scan3A_231#6 : vector<16xi32> to vector<16xi32>
    tpu.vector_store %arg10[%swap3A_261], %swap3A_264 {strides = array<i32>} : memref<16xi32, #tpu.memory_space<vmem>>, vector<16xi32>,
    %run_scoped3A_265 = arith.constant 6 : i32
    "tpu.region"() ({
      %run_scoped3A_271 = tpu.sem_alloc : memref<!tpu.dma_semaphore, #tpu.memory_space<semaphore_mem>>
      %dma_start3A_272 = arith.constant 0 : i32
      %dma_start3A_273 = tpu.memref_slice %arg5[%add3A, %run_scoped3A_265, %dma_start3A_272] : memref<32x8x16xi32, #tpu.memory_space<hbm>> -> memref<1x1x16xi32, #tpu.memory_space<hbm>>
      %dma_start3A_274 = tpu.memref_squeeze %dma_start3A_273 : memref<1x1x16xi32, #tpu.memory_space<hbm>> -> memref<16xi32, #tpu.memory_space<hbm>>
      %dma_start3A_275 = arith.constant 0 : i32
      %dma_start3A_276 = tpu.memref_slice %arg5[%add3A, %run_scoped3A_265, %dma_start3A_275] : memref<32x8x16xi32, #tpu.memory_space<hbm>> -> memref<1x1x16xi32, #tpu.memory_space<hbm>>
      %dma_start3A_277 = tpu.memref_squeeze %dma_start3A_276 : memref<1x1x16xi32, #tpu.memory_space<hbm>> -> memref<16xi32, #tpu.memory_space<hbm>>
      tpu.enqueue_dma source(%arg10 : memref<16xi32, #tpu.memory_space<vmem>>) target(%dma_start3A_277 : memref<16xi32, #tpu.memory_space<hbm>>) target_semaphore(%run_scoped3A_271 : memref<!tpu.dma_semaphore, #tpu.memory_space<semaphore_mem>>)
      %dma_wait3A_278 = arith.constant 0 : i32
      %dma_wait3A_279 = tpu.memref_slice %arg5[%add3A, %run_scoped3A_265, %dma_wait3A_278] : memref<32x8x16xi32, #tpu.memory_space<hbm>> -> memref<1x1x16xi32, #tpu.memory_space<hbm>>
      %dma_wait3A_280 = tpu.memref_squeeze %dma_wait3A_279 : memref<1x1x16xi32, #tpu.memory_space<hbm>> -> memref<16xi32, #tpu.memory_space<hbm>>
      %dma_wait3A_281 = arith.constant 0 : i32
      %dma_wait3A_282 = tpu.memref_slice %arg5[%add3A, %run_scoped3A_265, %dma_wait3A_281] : memref<32x8x16xi32, #tpu.memory_space<hbm>> -> memref<1x1x16xi32, #tpu.memory_space<hbm>>
      %dma_wait3A_283 = tpu.memref_squeeze %dma_wait3A_282 : memref<1x1x16xi32, #tpu.memory_space<hbm>> -> memref<16xi32, #tpu.memory_space<hbm>>
      tpu.wait_dma2 semaphore(%run_scoped3A_271 : memref<!tpu.dma_semaphore, #tpu.memory_space<semaphore_mem>>) src(%arg10 : memref<16xi32, #tpu.memory_space<vmem>>) dst(%dma_wait3A_283 : memref<16xi32, #tpu.memory_space<hbm>>)
      tpu.yield
    }) : () -> ()
    %swap3A_266 = arith.constant 0 : index
    %swap3A_267 = tpu.vector_load %arg10[%swap3A_266] {strides = array<i32>} : memref<16xi32, #tpu.memory_space<vmem>>, vector<16xi32>,
    %swap3A_268 = vector.shape_cast %swap3A_267 : vector<16xi32> to vector<16xi32>
    %swap3A_269 = vector.shape_cast %scan3A_231#7 : vector<16xi32> to vector<16xi32>
    tpu.vector_store %arg10[%swap3A_266], %swap3A_269 {strides = array<i32>} : memref<16xi32, #tpu.memory_space<vmem>>, vector<16xi32>,
    %run_scoped3A_270 = arith.constant 7 : i32
    "tpu.region"() ({
      %run_scoped3A_271 = tpu.sem_alloc : memref<!tpu.dma_semaphore, #tpu.memory_space<semaphore_mem>>
      %dma_start3A_272 = arith.constant 0 : i32
      %dma_start3A_273 = tpu.memref_slice %arg5[%add3A, %run_scoped3A_270, %dma_start3A_272] : memref<32x8x16xi32, #tpu.memory_space<hbm>> -> memref<1x1x16xi32, #tpu.memory_space<hbm>>
      %dma_start3A_274 = tpu.memref_squeeze %dma_start3A_273 : memref<1x1x16xi32, #tpu.memory_space<hbm>> -> memref<16xi32, #tpu.memory_space<hbm>>
      %dma_start3A_275 = arith.constant 0 : i32
      %dma_start3A_276 = tpu.memref_slice %arg5[%add3A, %run_scoped3A_270, %dma_start3A_275] : memref<32x8x16xi32, #tpu.memory_space<hbm>> -> memref<1x1x16xi32, #tpu.memory_space<hbm>>
      %dma_start3A_277 = tpu.memref_squeeze %dma_start3A_276 : memref<1x1x16xi32, #tpu.memory_space<hbm>> -> memref<16xi32, #tpu.memory_space<hbm>>
      tpu.enqueue_dma source(%arg10 : memref<16xi32, #tpu.memory_space<vmem>>) target(%dma_start3A_277 : memref<16xi32, #tpu.memory_space<hbm>>) target_semaphore(%run_scoped3A_271 : memref<!tpu.dma_semaphore, #tpu.memory_space<semaphore_mem>>)
      %dma_wait3A_278 = arith.constant 0 : i32
      %dma_wait3A_279 = tpu.memref_slice %arg5[%add3A, %run_scoped3A_270, %dma_wait3A_278] : memref<32x8x16xi32, #tpu.memory_space<hbm>> -> memref<1x1x16xi32, #tpu.memory_space<hbm>>
      %dma_wait3A_280 = tpu.memref_squeeze %dma_wait3A_279 : memref<1x1x16xi32, #tpu.memory_space<hbm>> -> memref<16xi32, #tpu.memory_space<hbm>>
      %dma_wait3A_281 = arith.constant 0 : i32
      %dma_wait3A_282 = tpu.memref_slice %arg5[%add3A, %run_scoped3A_270, %dma_wait3A_281] : memref<32x8x16xi32, #tpu.memory_space<hbm>> -> memref<1x1x16xi32, #tpu.memory_space<hbm>>
      %dma_wait3A_283 = tpu.memref_squeeze %dma_wait3A_282 : memref<1x1x16xi32, #tpu.memory_space<hbm>> -> memref<16xi32, #tpu.memory_space<hbm>>
      tpu.wait_dma2 semaphore(%run_scoped3A_271 : memref<!tpu.dma_semaphore, #tpu.memory_space<semaphore_mem>>) src(%arg10 : memref<16xi32, #tpu.memory_space<vmem>>) dst(%dma_wait3A_283 : memref<16xi32, #tpu.memory_space<hbm>>)
      tpu.yield
    }) : () -> ()
    return
  }
}

module attributes {stable_mosaic.version = 14 : i64} {
  func.func @_tc_body(%arg0: i32, %arg1: memref<128x100000xf32, #tpu.memory_space<any>>, %arg2: memref<128x1xf32, #tpu.memory_space<vmem>>, %arg3: memref<128x1xi32, #tpu.memory_space<vmem>>, %arg4: memref<8x100000xf32, #tpu.memory_space<vmem>>, %arg5: memref<8x100000xf32, #tpu.memory_space<vmem>>, %arg6: memref<8x100000xf32, #tpu.memory_space<vmem>>, %arg7: memref<8x100000xf32, #tpu.memory_space<vmem>>, %arg8: memref<64x1xi32, #tpu.memory_space<vmem>>, %arg9: memref<64x1xi32, #tpu.memory_space<vmem>>, %arg10: memref<64x256xf32, #tpu.memory_space<vmem>>, %arg11: memref<!tpu.dma_semaphore, #tpu.memory_space<semaphore_mem>>) attributes {dimension_semantics = [#tpu.dimension_semantics<arbitrary>], iteration_bounds = array<i64: 2>, scalar_prefetch = 0 : i64, scratch_operands = 2 : i64, tpu.core_type = #tpu.core_type<tc>, window_params = [{}, {pipeline_mode = #tpu.pipeline_mode<synchronous>, transform_indices = @transform_1, window_bounds = array<i64: 128, 1>}, {pipeline_mode = #tpu.pipeline_mode<synchronous>, transform_indices = @transform_2, window_bounds = array<i64: 128, 1>}, {transform_indices = @transform_3, window_bounds = array<i64: 8, 100000>}, {transform_indices = @transform_4, window_bounds = array<i64: 8, 100000>}, {transform_indices = @transform_5, window_bounds = array<i64: 8, 100000>}, {transform_indices = @transform_6, window_bounds = array<i64: 8, 100000>}, {pipeline_mode = #tpu.pipeline_mode<synchronous>, transform_indices = @transform_7, window_bounds = array<i64: 64, 1>}, {pipeline_mode = #tpu.pipeline_mode<synchronous>, transform_indices = @transform_8, window_bounds = array<i64: 64, 1>}]} {
    %mul3A = arith.constant 4 : i32
    %mul3A_0 = arith.muli %arg0, %mul3A : i32
    %add3A = arith.constant 0 : i32
    %add3A_1 = arith.addi %mul3A_0, %add3A : i32
    %get3A = arith.constant 0 : index
    %get3A_2 = arith.constant 0 : index
    %get3A_3 = vector.load %arg4[%get3A, %get3A_2] : memref<8x100000xf32, #tpu.memory_space<vmem>>, vector<8x100000xf32>
    %mul3A_4 = arith.constant 8 : i32
    %mul3A_5 = arith.muli %add3A_1, %mul3A_4 : i32
    %get3A_6 = arith.index_cast %mul3A_5 : i32 to index
    %get3A_7 = arith.constant 0 : index
    %get3A_8 = vector.load %arg2[%get3A_6, %get3A_7] : memref<128x1xf32, #tpu.memory_space<vmem>>, vector<8x1xf32>
    %mul3A_9 = arith.constant 8 : i32
    %mul3A_10 = arith.muli %add3A_1, %mul3A_9 : i32
    %get3A_11 = arith.index_cast %mul3A_10 : i32 to index
    %get3A_12 = arith.constant 0 : index
    %get3A_13 = vector.load %arg3[%get3A_11, %get3A_12] : memref<128x1xi32, #tpu.memory_space<vmem>>, vector<8x1xi32>
    %iota3A = tpu.iota {dimensions = array<i32: 1>} : vector<8x100000xi32>
    %gt3A = vector.broadcast %get3A_8 : vector<8x1xf32> to vector<8x100000xf32>
    %gt3A_14 = arith.cmpf ogt, %get3A_3, %gt3A : vector<8x100000xf32>
    %eq3A = vector.broadcast %get3A_8 : vector<8x1xf32> to vector<8x100000xf32>
    %eq3A_15 = arith.cmpf oeq, %get3A_3, %eq3A : vector<8x100000xf32>
    %lt3A = vector.broadcast %get3A_13 : vector<8x1xi32> to vector<8x100000xi32>
    %lt3A_16 = arith.cmpi slt, %iota3A, %lt3A : vector<8x100000xi32>
    %and3A = arith.andi %eq3A_15, %lt3A_16 : vector<8x100000xi1>
    %or3A = arith.ori %gt3A_14, %and3A : vector<8x100000xi1>
    %convert_element_type3A = arith.extui %or3A : vector<8x100000xi1> to vector<8x100000xi32>
    %reduce_sum3A = arith.constant dense<0> : vector<8xi32>
    %reduce_sum3A_17 = vector.multi_reduction <add>, %convert_element_type3A, %reduce_sum3A [1] : vector<8x100000xi32> to vector<8xi32>
    %broadcast_in_dim3A = vector.shape_cast %reduce_sum3A_17 : vector<8xi32> to vector<8x1xi32>
    %mul3A_18 = arith.constant 8 : i32
    %mul3A_19 = arith.muli %add3A_1, %mul3A_18 : i32
    %swap3A = arith.index_cast %mul3A_19 : i32 to index
    %swap3A_20 = arith.constant 0 : index
    %swap3A_21 = vector.load %arg8[%swap3A, %swap3A_20] : memref<64x1xi32, #tpu.memory_space<vmem>>, vector<8x1xi32>
    tpu.vector_store %arg8[%swap3A, %swap3A_20], %broadcast_in_dim3A {strides = array<i32>} : memref<64x1xi32, #tpu.memory_space<vmem>>, vector<8x1xi32>,
    %mul3A_22 = arith.constant 4 : i32
    %mul3A_23 = arith.muli %arg0, %mul3A_22 : i32
    %add3A_24 = arith.constant 1 : i32
    %add3A_25 = arith.addi %mul3A_23, %add3A_24 : i32
    %get3A_26 = arith.constant 0 : index
    %get3A_27 = arith.constant 0 : index
    %get3A_28 = vector.load %arg5[%get3A_26, %get3A_27] : memref<8x100000xf32, #tpu.memory_space<vmem>>, vector<8x100000xf32>
    %mul3A_29 = arith.constant 8 : i32
    %mul3A_30 = arith.muli %add3A_25, %mul3A_29 : i32
    %get3A_31 = arith.index_cast %mul3A_30 : i32 to index
    %get3A_32 = arith.constant 0 : index
    %get3A_33 = vector.load %arg2[%get3A_31, %get3A_32] : memref<128x1xf32, #tpu.memory_space<vmem>>, vector<8x1xf32>
    %mul3A_34 = arith.constant 8 : i32
    %mul3A_35 = arith.muli %add3A_25, %mul3A_34 : i32
    %get3A_36 = arith.index_cast %mul3A_35 : i32 to index
    %get3A_37 = arith.constant 0 : index
    %get3A_38 = vector.load %arg3[%get3A_36, %get3A_37] : memref<128x1xi32, #tpu.memory_space<vmem>>, vector<8x1xi32>
    %iota3A_39 = tpu.iota {dimensions = array<i32: 1>} : vector<8x100000xi32>
    %gt3A_40 = vector.broadcast %get3A_33 : vector<8x1xf32> to vector<8x100000xf32>
    %gt3A_41 = arith.cmpf ogt, %get3A_28, %gt3A_40 : vector<8x100000xf32>
    %eq3A_42 = vector.broadcast %get3A_33 : vector<8x1xf32> to vector<8x100000xf32>
    %eq3A_43 = arith.cmpf oeq, %get3A_28, %eq3A_42 : vector<8x100000xf32>
    %lt3A_44 = vector.broadcast %get3A_38 : vector<8x1xi32> to vector<8x100000xi32>
    %lt3A_45 = arith.cmpi slt, %iota3A_39, %lt3A_44 : vector<8x100000xi32>
    %and3A_46 = arith.andi %eq3A_43, %lt3A_45 : vector<8x100000xi1>
    %or3A_47 = arith.ori %gt3A_41, %and3A_46 : vector<8x100000xi1>
    %convert_element_type3A_48 = arith.extui %or3A_47 : vector<8x100000xi1> to vector<8x100000xi32>
    %reduce_sum3A_49 = arith.constant dense<0> : vector<8xi32>
    %reduce_sum3A_50 = vector.multi_reduction <add>, %convert_element_type3A_48, %reduce_sum3A_49 [1] : vector<8x100000xi32> to vector<8xi32>
    %broadcast_in_dim3A_51 = vector.shape_cast %reduce_sum3A_50 : vector<8xi32> to vector<8x1xi32>
    %mul3A_52 = arith.constant 8 : i32
    %mul3A_53 = arith.muli %add3A_25, %mul3A_52 : i32
    %swap3A_54 = arith.index_cast %mul3A_53 : i32 to index
    %swap3A_55 = arith.constant 0 : index
    %swap3A_56 = vector.load %arg8[%swap3A_54, %swap3A_55] : memref<64x1xi32, #tpu.memory_space<vmem>>, vector<8x1xi32>
    tpu.vector_store %arg8[%swap3A_54, %swap3A_55], %broadcast_in_dim3A_51 {strides = array<i32>} : memref<64x1xi32, #tpu.memory_space<vmem>>, vector<8x1xi32>,
    %mul3A_57 = arith.constant 4 : i32
    %mul3A_58 = arith.muli %arg0, %mul3A_57 : i32
    %add3A_59 = arith.constant 2 : i32
    %add3A_60 = arith.addi %mul3A_58, %add3A_59 : i32
    %get3A_61 = arith.constant 0 : index
    %get3A_62 = arith.constant 0 : index
    %get3A_63 = vector.load %arg6[%get3A_61, %get3A_62] : memref<8x100000xf32, #tpu.memory_space<vmem>>, vector<8x100000xf32>
    %mul3A_64 = arith.constant 8 : i32
    %mul3A_65 = arith.muli %add3A_60, %mul3A_64 : i32
    %get3A_66 = arith.index_cast %mul3A_65 : i32 to index
    %get3A_67 = arith.constant 0 : index
    %get3A_68 = vector.load %arg2[%get3A_66, %get3A_67] : memref<128x1xf32, #tpu.memory_space<vmem>>, vector<8x1xf32>
    %mul3A_69 = arith.constant 8 : i32
    %mul3A_70 = arith.muli %add3A_60, %mul3A_69 : i32
    %get3A_71 = arith.index_cast %mul3A_70 : i32 to index
    %get3A_72 = arith.constant 0 : index
    %get3A_73 = vector.load %arg3[%get3A_71, %get3A_72] : memref<128x1xi32, #tpu.memory_space<vmem>>, vector<8x1xi32>
    %iota3A_74 = tpu.iota {dimensions = array<i32: 1>} : vector<8x100000xi32>
    %gt3A_75 = vector.broadcast %get3A_68 : vector<8x1xf32> to vector<8x100000xf32>
    %gt3A_76 = arith.cmpf ogt, %get3A_63, %gt3A_75 : vector<8x100000xf32>
    %eq3A_77 = vector.broadcast %get3A_68 : vector<8x1xf32> to vector<8x100000xf32>
    %eq3A_78 = arith.cmpf oeq, %get3A_63, %eq3A_77 : vector<8x100000xf32>
    %lt3A_79 = vector.broadcast %get3A_73 : vector<8x1xi32> to vector<8x100000xi32>
    %lt3A_80 = arith.cmpi slt, %iota3A_74, %lt3A_79 : vector<8x100000xi32>
    %and3A_81 = arith.andi %eq3A_78, %lt3A_80 : vector<8x100000xi1>
    %or3A_82 = arith.ori %gt3A_76, %and3A_81 : vector<8x100000xi1>
    %convert_element_type3A_83 = arith.extui %or3A_82 : vector<8x100000xi1> to vector<8x100000xi32>
    %reduce_sum3A_84 = arith.constant dense<0> : vector<8xi32>
    %reduce_sum3A_85 = vector.multi_reduction <add>, %convert_element_type3A_83, %reduce_sum3A_84 [1] : vector<8x100000xi32> to vector<8xi32>
    %broadcast_in_dim3A_86 = vector.shape_cast %reduce_sum3A_85 : vector<8xi32> to vector<8x1xi32>
    %mul3A_87 = arith.constant 8 : i32
    %mul3A_88 = arith.muli %add3A_60, %mul3A_87 : i32
    %swap3A_89 = arith.index_cast %mul3A_88 : i32 to index
    %swap3A_90 = arith.constant 0 : index
    %swap3A_91 = vector.load %arg8[%swap3A_89, %swap3A_90] : memref<64x1xi32, #tpu.memory_space<vmem>>, vector<8x1xi32>
    tpu.vector_store %arg8[%swap3A_89, %swap3A_90], %broadcast_in_dim3A_86 {strides = array<i32>} : memref<64x1xi32, #tpu.memory_space<vmem>>, vector<8x1xi32>,
    %mul3A_92 = arith.constant 4 : i32
    %mul3A_93 = arith.muli %arg0, %mul3A_92 : i32
    %add3A_94 = arith.constant 3 : i32
    %add3A_95 = arith.addi %mul3A_93, %add3A_94 : i32
    %get3A_96 = arith.constant 0 : index
    %get3A_97 = arith.constant 0 : index
    %get3A_98 = vector.load %arg7[%get3A_96, %get3A_97] : memref<8x100000xf32, #tpu.memory_space<vmem>>, vector<8x100000xf32>
    %mul3A_99 = arith.constant 8 : i32
    %mul3A_100 = arith.muli %add3A_95, %mul3A_99 : i32
    %get3A_101 = arith.index_cast %mul3A_100 : i32 to index
    %get3A_102 = arith.constant 0 : index
    %get3A_103 = vector.load %arg2[%get3A_101, %get3A_102] : memref<128x1xf32, #tpu.memory_space<vmem>>, vector<8x1xf32>
    %mul3A_104 = arith.constant 8 : i32
    %mul3A_105 = arith.muli %add3A_95, %mul3A_104 : i32
    %get3A_106 = arith.index_cast %mul3A_105 : i32 to index
    %get3A_107 = arith.constant 0 : index
    %get3A_108 = vector.load %arg3[%get3A_106, %get3A_107] : memref<128x1xi32, #tpu.memory_space<vmem>>, vector<8x1xi32>
    %iota3A_109 = tpu.iota {dimensions = array<i32: 1>} : vector<8x100000xi32>
    %gt3A_110 = vector.broadcast %get3A_103 : vector<8x1xf32> to vector<8x100000xf32>
    %gt3A_111 = arith.cmpf ogt, %get3A_98, %gt3A_110 : vector<8x100000xf32>
    %eq3A_112 = vector.broadcast %get3A_103 : vector<8x1xf32> to vector<8x100000xf32>
    %eq3A_113 = arith.cmpf oeq, %get3A_98, %eq3A_112 : vector<8x100000xf32>
    %lt3A_114 = vector.broadcast %get3A_108 : vector<8x1xi32> to vector<8x100000xi32>
    %lt3A_115 = arith.cmpi slt, %iota3A_109, %lt3A_114 : vector<8x100000xi32>
    %and3A_116 = arith.andi %eq3A_113, %lt3A_115 : vector<8x100000xi1>
    %or3A_117 = arith.ori %gt3A_111, %and3A_116 : vector<8x100000xi1>
    %convert_element_type3A_118 = arith.extui %or3A_117 : vector<8x100000xi1> to vector<8x100000xi32>
    %reduce_sum3A_119 = arith.constant dense<0> : vector<8xi32>
    %reduce_sum3A_120 = vector.multi_reduction <add>, %convert_element_type3A_118, %reduce_sum3A_119 [1] : vector<8x100000xi32> to vector<8xi32>
    %broadcast_in_dim3A_121 = vector.shape_cast %reduce_sum3A_120 : vector<8xi32> to vector<8x1xi32>
    %mul3A_122 = arith.constant 8 : i32
    %mul3A_123 = arith.muli %add3A_95, %mul3A_122 : i32
    %swap3A_124 = arith.index_cast %mul3A_123 : i32 to index
    %swap3A_125 = arith.constant 0 : index
    %swap3A_126 = vector.load %arg8[%swap3A_124, %swap3A_125] : memref<64x1xi32, #tpu.memory_space<vmem>>, vector<8x1xi32>
    tpu.vector_store %arg8[%swap3A_124, %swap3A_125], %broadcast_in_dim3A_121 {strides = array<i32>} : memref<64x1xi32, #tpu.memory_space<vmem>>, vector<8x1xi32>,
    %eq3A_127 = arith.constant 1 : i32
    %eq3A_128 = arith.cmpi eq, %arg0, %eq3A_127 : i32
    %convert_element_type3A_129 = arith.extui %eq3A_128 : i1 to i32
    %cond3A = arith.constant 0 : i32
    %cond3A_130 = arith.cmpi ne, %convert_element_type3A_129, %cond3A : i32
    scf.if %cond3A_130 {
      %mul3A_131 = arith.constant 0 : i32
      %mul3A_132 = arith.muli %mul3A_131, %arg0 : i32
      %add3A_133 = arith.constant 99840 : i32
      %add3A_134 = arith.addi %mul3A_132, %add3A_133 : i32
      %multiple_of3A = tpu.assume_multiple %add3A_134, 128 : i32
      %dma_start3A = arith.constant 64 : i32
      %dma_start3A_135 = tpu.memref_slice %arg1[%dma_start3A, %multiple_of3A] : memref<128x100000xf32, #tpu.memory_space<any>> -> memref<64x256xf32, #tpu.memory_space<any>>
      tpu.enqueue_dma source(%dma_start3A_135 : memref<64x256xf32, #tpu.memory_space<any>>) target(%arg10 : memref<64x256xf32, #tpu.memory_space<vmem>>) target_semaphore(%arg11 : memref<!tpu.dma_semaphore, #tpu.memory_space<semaphore_mem>>)
      %dma_wait3A = arith.constant 64 : i32
      %dma_wait3A_136 = tpu.memref_slice %arg1[%dma_wait3A, %multiple_of3A] : memref<128x100000xf32, #tpu.memory_space<any>> -> memref<64x256xf32, #tpu.memory_space<any>>
      tpu.wait_dma2 semaphore(%arg11 : memref<!tpu.dma_semaphore, #tpu.memory_space<semaphore_mem>>) src(%dma_wait3A_136 : memref<64x256xf32, #tpu.memory_space<any>>) dst(%arg10 : memref<64x256xf32, #tpu.memory_space<vmem>>)
      %get3A_137 = arith.constant 0 : index
      %get3A_138 = arith.constant 0 : index
      %get3A_139 = vector.load %arg10[%get3A_137, %get3A_138] : memref<64x256xf32, #tpu.memory_space<vmem>>, vector<64x256xf32>
      %get3A_140 = arith.constant 64 : index
      %get3A_141 = arith.constant 0 : index
      %get3A_142 = vector.load %arg2[%get3A_140, %get3A_141] : memref<128x1xf32, #tpu.memory_space<vmem>>, vector<64x1xf32>
      %get3A_143 = arith.constant 64 : index
      %get3A_144 = arith.constant 0 : index
      %get3A_145 = vector.load %arg3[%get3A_143, %get3A_144] : memref<128x1xi32, #tpu.memory_space<vmem>>, vector<64x1xi32>
      %iota3A_146 = tpu.iota {dimensions = array<i32: 1>} : vector<64x256xi32>
      %add3A_147 = arith.constant 99840 : i32
      %add3A_148 = vector.broadcast %add3A_147 : i32 to vector<64x256xi32>
      %add3A_149 = arith.addi %add3A_148, %iota3A_146 : vector<64x256xi32>
      %gt3A_150 = vector.broadcast %get3A_142 : vector<64x1xf32> to vector<64x256xf32>
      %gt3A_151 = arith.cmpf ogt, %get3A_139, %gt3A_150 : vector<64x256xf32>
      %eq3A_152 = vector.broadcast %get3A_142 : vector<64x1xf32> to vector<64x256xf32>
      %eq3A_153 = arith.cmpf oeq, %get3A_139, %eq3A_152 : vector<64x256xf32>
      %lt3A_154 = vector.broadcast %get3A_145 : vector<64x1xi32> to vector<64x256xi32>
      %lt3A_155 = arith.cmpi slt, %add3A_149, %lt3A_154 : vector<64x256xi32>
      %and3A_156 = arith.andi %eq3A_153, %lt3A_155 : vector<64x256xi1>
      %or3A_157 = arith.ori %gt3A_151, %and3A_156 : vector<64x256xi1>
      %lt3A_158 = arith.constant 100000 : i32
      %lt3A_159 = vector.broadcast %lt3A_158 : i32 to vector<64x256xi32>
      %lt3A_160 = arith.cmpi slt, %add3A_149, %lt3A_159 : vector<64x256xi32>
      %and3A_161 = arith.andi %or3A_157, %lt3A_160 : vector<64x256xi1>
      %convert_element_type3A_162 = arith.extui %and3A_161 : vector<64x256xi1> to vector<64x256xi32>
      %reduce_sum3A_163 = arith.constant dense<0> : vector<64xi32>
      %reduce_sum3A_164 = vector.multi_reduction <add>, %convert_element_type3A_162, %reduce_sum3A_163 [1] : vector<64x256xi32> to vector<64xi32>
      %broadcast_in_dim3A_165 = vector.shape_cast %reduce_sum3A_164 : vector<64xi32> to vector<64x1xi32>
      %swap3A_166 = arith.constant 0 : index
      %swap3A_167 = arith.constant 0 : index
      %swap3A_168 = vector.load %arg9[%swap3A_166, %swap3A_167] : memref<64x1xi32, #tpu.memory_space<vmem>>, vector<64x1xi32>
      tpu.vector_store %arg9[%swap3A_166, %swap3A_167], %broadcast_in_dim3A_165 {strides = array<i32>} : memref<64x1xi32, #tpu.memory_space<vmem>>, vector<64x1xi32>,
    } else {
    }
    return
  }
  func.func @transform_1(%arg0: i32) -> (i32, i32) {
    %c0_i32 = arith.constant 0 : i32
    %c0_i32_0 = arith.constant 0 : i32
    %c0_i32_1 = arith.constant 0 : i32
    return %c0_i32, %c0_i32_0 : i32, i32
  }
  func.func @transform_2(%arg0: i32) -> (i32, i32) {
    %c0_i32 = arith.constant 0 : i32
    %c0_i32_0 = arith.constant 0 : i32
    %c0_i32_1 = arith.constant 0 : i32
    return %c0_i32, %c0_i32_0 : i32, i32
  }
  func.func @transform_3(%arg0: i32) -> (i32, i32) {
    %mul3A = arith.constant 4 : i32
    %mul3A_0 = arith.muli %arg0, %mul3A : i32
    %add3A = arith.constant 0 : i32
    %add3A_1 = arith.addi %mul3A_0, %add3A : i32
    %c0_i32 = arith.constant 0 : i32
    %c0_i32_2 = arith.constant 0 : i32
    return %add3A_1, %c0_i32 : i32, i32
  }
  func.func @transform_4(%arg0: i32) -> (i32, i32) {
    %mul3A = arith.constant 4 : i32
    %mul3A_0 = arith.muli %arg0, %mul3A : i32
    %add3A = arith.constant 1 : i32
    %add3A_1 = arith.addi %mul3A_0, %add3A : i32
    %c0_i32 = arith.constant 0 : i32
    %c0_i32_2 = arith.constant 0 : i32
    return %add3A_1, %c0_i32 : i32, i32
  }
  func.func @transform_5(%arg0: i32) -> (i32, i32) {
    %mul3A = arith.constant 4 : i32
    %mul3A_0 = arith.muli %arg0, %mul3A : i32
    %add3A = arith.constant 2 : i32
    %add3A_1 = arith.addi %mul3A_0, %add3A : i32
    %c0_i32 = arith.constant 0 : i32
    %c0_i32_2 = arith.constant 0 : i32
    return %add3A_1, %c0_i32 : i32, i32
  }
  func.func @transform_6(%arg0: i32) -> (i32, i32) {
    %mul3A = arith.constant 4 : i32
    %mul3A_0 = arith.muli %arg0, %mul3A : i32
    %add3A = arith.constant 3 : i32
    %add3A_1 = arith.addi %mul3A_0, %add3A : i32
    %c0_i32 = arith.constant 0 : i32
    %c0_i32_2 = arith.constant 0 : i32
    return %add3A_1, %c0_i32 : i32, i32
  }
  func.func @transform_7(%arg0: i32) -> (i32, i32) {
    %c0_i32 = arith.constant 0 : i32
    %c0_i32_0 = arith.constant 0 : i32
    %c0_i32_1 = arith.constant 0 : i32
    return %c0_i32, %c0_i32_0 : i32, i32
  }
  func.func @transform_8(%arg0: i32) -> (i32, i32) {
    %c0_i32 = arith.constant 0 : i32
    %c0_i32_0 = arith.constant 0 : i32
    %c0_i32_1 = arith.constant 0 : i32
    return %c0_i32, %c0_i32_0 : i32, i32
  }
}

module attributes {stable_mosaic.version = 14 : i64} {
  func.func @_merge_body(%arg0: memref<64x1xi32, #tpu.memory_space<vmem>>, %arg1: memref<64x1xi32, #tpu.memory_space<vmem>>, %arg2: memref<32x8x16xi32, #tpu.memory_space<vmem>>, %arg3: memref<1x1xf32, #tpu.memory_space<vmem>>, %arg4: memref<1x1xf32, #tpu.memory_space<vmem>>) attributes {dimension_semantics = [], scalar_prefetch = 0 : i64, scratch_operands = 0 : i64, tpu.core_type = #tpu.core_type<tc>} {
    %get3A = arith.constant 0 : index
    %get3A_0 = arith.constant 0 : index
    %get3A_1 = vector.load %arg0[%get3A, %get3A_0] : memref<64x1xi32, #tpu.memory_space<vmem>>, vector<64x1xi32>
    %get3A_2 = arith.constant 0 : index
    %get3A_3 = arith.constant 0 : index
    %get3A_4 = arith.constant 0 : index
    %get3A_5 = vector.load %arg2[%get3A_2, %get3A_3, %get3A_4] : memref<32x8x16xi32, #tpu.memory_space<vmem>>, vector<32x8x16xi32>
    %slice3A = vector.extract_strided_slice %get3A_5 {offsets = [0, 0, 0], sizes = [8, 8, 16], strides = [1, 1, 1]} : vector<32x8x16xi32> to vector<8x8x16xi32>
    %slice3A_6 = vector.extract_strided_slice %get3A_5 {offsets = [8, 0, 0], sizes = [8, 8, 16], strides = [1, 1, 1]} : vector<32x8x16xi32> to vector<8x8x16xi32>
    %add3A = arith.addi %slice3A, %slice3A_6 : vector<8x8x16xi32>
    %slice3A_7 = vector.extract_strided_slice %get3A_5 {offsets = [16, 0, 0], sizes = [8, 8, 16], strides = [1, 1, 1]} : vector<32x8x16xi32> to vector<8x8x16xi32>
    %add3A_8 = arith.addi %add3A, %slice3A_7 : vector<8x8x16xi32>
    %slice3A_9 = vector.extract_strided_slice %get3A_5 {offsets = [24, 0, 0], sizes = [8, 8, 16], strides = [1, 1, 1]} : vector<32x8x16xi32> to vector<8x8x16xi32>
    %add3A_10 = arith.addi %add3A_8, %slice3A_9 : vector<8x8x16xi32>
    %reduce_sum3A = arith.constant dense<0> : vector<8x8xi32>
    %reduce_sum3A_11 = vector.multi_reduction <add>, %add3A_10, %reduce_sum3A [2] : vector<8x8x16xi32> to vector<8x8xi32>
    %get3A_12 = arith.constant 0 : index
    %get3A_13 = arith.constant 0 : index
    %get3A_14 = vector.load %arg1[%get3A_12, %get3A_13] : memref<64x1xi32, #tpu.memory_space<vmem>>, vector<64x1xi32>
    %reshape3A = vector.shape_cast %get3A_14 : vector<64x1xi32> to vector<8x8xi32>
    %add3A_15 = arith.addi %reduce_sum3A_11, %reshape3A : vector<8x8xi32>
    %lt3A = arith.constant 1 : i32
    %lt3A_16 = vector.broadcast %lt3A : i32 to vector<64x1xi32>
    %lt3A_17 = arith.cmpi slt, %get3A_1, %lt3A_16 : vector<64x1xi32>
    %convert_element_type3A = arith.extui %lt3A_17 : vector<64x1xi1> to vector<64x1xi32>
    %convert_element_type3A_18 = arith.sitofp %convert_element_type3A : vector<64x1xi32> to vector<64x1xf32>
    %reduce_sum3A_19 = vector.shape_cast %convert_element_type3A_18 : vector<64x1xf32> to vector<1x64x1xf32>
    %reduce_sum3A_20 = arith.constant dense<0.000000e+00> : vector<1xf32>
    %reduce_sum3A_21 = vector.multi_reduction <add>, %reduce_sum3A_19, %reduce_sum3A_20 [1, 2] : vector<1x64x1xf32> to vector<1xf32>
    %reduce_sum3A_22 = vector.shape_cast %reduce_sum3A_21 : vector<1xf32> to vector<1x1x1xf32>
    %reduce_sum3A_23 = vector.extract %reduce_sum3A_22[0, 0, 0] : f32 from vector<1x1x1xf32>
    %broadcast_in_dim3A = vector.broadcast %reduce_sum3A_23 : f32 to vector<1x1xf32>
    %lt3A_24 = arith.constant 1 : i32
    %lt3A_25 = vector.broadcast %lt3A_24 : i32 to vector<8x8xi32>
    %lt3A_26 = arith.cmpi slt, %add3A_15, %lt3A_25 : vector<8x8xi32>
    %convert_element_type3A_27 = arith.extui %lt3A_26 : vector<8x8xi1> to vector<8x8xi32>
    %convert_element_type3A_28 = arith.sitofp %convert_element_type3A_27 : vector<8x8xi32> to vector<8x8xf32>
    %reduce_sum3A_29 = vector.shape_cast %convert_element_type3A_28 : vector<8x8xf32> to vector<1x8x8xf32>
    %reduce_sum3A_30 = arith.constant dense<0.000000e+00> : vector<1xf32>
    %reduce_sum3A_31 = vector.multi_reduction <add>, %reduce_sum3A_29, %reduce_sum3A_30 [1, 2] : vector<1x8x8xf32> to vector<1xf32>
    %reduce_sum3A_32 = vector.shape_cast %reduce_sum3A_31 : vector<1xf32> to vector<1x1x1xf32>
    %reduce_sum3A_33 = vector.extract %reduce_sum3A_32[0, 0, 0] : f32 from vector<1x1x1xf32>
    %broadcast_in_dim3A_34 = vector.broadcast %reduce_sum3A_33 : f32 to vector<1x1xf32>
    %add3A_35 = arith.addf %broadcast_in_dim3A, %broadcast_in_dim3A_34 : vector<1x1xf32>
    %mul3A = arith.constant 7.812500e-01 : f32
    %mul3A_36 = vector.broadcast %mul3A : f32 to vector<1x1xf32>
    %mul3A_37 = arith.mulf %add3A_35, %mul3A_36 : vector<1x1xf32>
    %swap3A = arith.constant 0 : index
    %swap3A_38 = arith.constant 0 : index
    %swap3A_39 = vector.load %arg3[%swap3A, %swap3A_38] : memref<1x1xf32, #tpu.memory_space<vmem>>, vector<1x1xf32>
    tpu.vector_store %arg3[%swap3A, %swap3A_38], %mul3A_37 {strides = array<i32>} : memref<1x1xf32, #tpu.memory_space<vmem>>, vector<1x1xf32>,
    %lt3A_40 = arith.constant 5 : i32
    %lt3A_41 = vector.broadcast %lt3A_40 : i32 to vector<64x1xi32>
    %lt3A_42 = arith.cmpi slt, %get3A_1, %lt3A_41 : vector<64x1xi32>
    %convert_element_type3A_43 = arith.extui %lt3A_42 : vector<64x1xi1> to vector<64x1xi32>
    %convert_element_type3A_44 = arith.sitofp %convert_element_type3A_43 : vector<64x1xi32> to vector<64x1xf32>
    %reduce_sum3A_45 = vector.shape_cast %convert_element_type3A_44 : vector<64x1xf32> to vector<1x64x1xf32>
    %reduce_sum3A_46 = arith.constant dense<0.000000e+00> : vector<1xf32>
    %reduce_sum3A_47 = vector.multi_reduction <add>, %reduce_sum3A_45, %reduce_sum3A_46 [1, 2] : vector<1x64x1xf32> to vector<1xf32>
    %reduce_sum3A_48 = vector.shape_cast %reduce_sum3A_47 : vector<1xf32> to vector<1x1x1xf32>
    %reduce_sum3A_49 = vector.extract %reduce_sum3A_48[0, 0, 0] : f32 from vector<1x1x1xf32>
    %broadcast_in_dim3A_50 = vector.broadcast %reduce_sum3A_49 : f32 to vector<1x1xf32>
    %lt3A_51 = arith.constant 5 : i32
    %lt3A_52 = vector.broadcast %lt3A_51 : i32 to vector<8x8xi32>
    %lt3A_53 = arith.cmpi slt, %add3A_15, %lt3A_52 : vector<8x8xi32>
    %convert_element_type3A_54 = arith.extui %lt3A_53 : vector<8x8xi1> to vector<8x8xi32>
    %convert_element_type3A_55 = arith.sitofp %convert_element_type3A_54 : vector<8x8xi32> to vector<8x8xf32>
    %reduce_sum3A_56 = vector.shape_cast %convert_element_type3A_55 : vector<8x8xf32> to vector<1x8x8xf32>
    %reduce_sum3A_57 = arith.constant dense<0.000000e+00> : vector<1xf32>
    %reduce_sum3A_58 = vector.multi_reduction <add>, %reduce_sum3A_56, %reduce_sum3A_57 [1, 2] : vector<1x8x8xf32> to vector<1xf32>
    %reduce_sum3A_59 = vector.shape_cast %reduce_sum3A_58 : vector<1xf32> to vector<1x1x1xf32>
    %reduce_sum3A_60 = vector.extract %reduce_sum3A_59[0, 0, 0] : f32 from vector<1x1x1xf32>
    %broadcast_in_dim3A_61 = vector.broadcast %reduce_sum3A_60 : f32 to vector<1x1xf32>
    %add3A_62 = arith.addf %broadcast_in_dim3A_50, %broadcast_in_dim3A_61 : vector<1x1xf32>
    %mul3A_63 = arith.constant 7.812500e-01 : f32
    %mul3A_64 = vector.broadcast %mul3A_63 : f32 to vector<1x1xf32>
    %mul3A_65 = arith.mulf %add3A_62, %mul3A_64 : vector<1x1xf32>
    %swap3A_66 = arith.constant 0 : index
    %swap3A_67 = arith.constant 0 : index
    %swap3A_68 = vector.load %arg4[%swap3A_66, %swap3A_67] : memref<1x1xf32, #tpu.memory_space<vmem>>, vector<1x1xf32>
    tpu.vector_store %arg4[%swap3A_66, %swap3A_67], %mul3A_65 {strides = array<i32>} : memref<1x1xf32, #tpu.memory_space<vmem>>, vector<1x1xf32>,
    return
  }
}

module attributes {stable_mosaic.version = 14 : i64} {
  func.func @_gather_body(%arg0: i32, %arg1: memref<128xi32, #tpu.memory_space<smem>>, %arg2: memref<128x100000xf32, #tpu.memory_space<any>>, %arg3: memref<128x1x1xi32, #tpu.memory_space<vmem>>, %arg4: memref<128x1xf32, #tpu.memory_space<vmem>>, %arg5: memref<64x128xf32, #tpu.memory_space<vmem>>, %arg6: memref<128x8x128xf32, #tpu.memory_space<vmem>>, %arg7: memref<!tpu.dma_semaphore, #tpu.memory_space<semaphore_mem>>) attributes {dimension_semantics = [#tpu.dimension_semantics<arbitrary>], iteration_bounds = array<i64: 1>, scalar_prefetch = 1 : i64, scratch_operands = 2 : i64, tpu.core_type = #tpu.core_type<tc>, window_params = [{}, {pipeline_mode = #tpu.pipeline_mode<synchronous>, transform_indices = @transform_1, window_bounds = array<i64: 128, 1, 1>}, {pipeline_mode = #tpu.pipeline_mode<synchronous>, transform_indices = @transform_2, window_bounds = array<i64: 128, 1>}, {pipeline_mode = #tpu.pipeline_mode<synchronous>, transform_indices = @transform_3, window_bounds = array<i64: 64, 128>}]} {
    %get3A = arith.constant 0 : index
    %get3A_0 = memref.load %arg1[%get3A] : memref<128xi32, #tpu.memory_space<smem>>
    %multiple_of3A = tpu.assume_multiple %get3A_0, 128 : i32
    %get3A_1 = arith.constant 1 : index
    %get3A_2 = memref.load %arg1[%get3A_1] : memref<128xi32, #tpu.memory_space<smem>>
    %multiple_of3A_3 = tpu.assume_multiple %get3A_2, 128 : i32
    %get3A_4 = arith.constant 2 : index
    %get3A_5 = memref.load %arg1[%get3A_4] : memref<128xi32, #tpu.memory_space<smem>>
    %multiple_of3A_6 = tpu.assume_multiple %get3A_5, 128 : i32
    %get3A_7 = arith.constant 3 : index
    %get3A_8 = memref.load %arg1[%get3A_7] : memref<128xi32, #tpu.memory_space<smem>>
    %multiple_of3A_9 = tpu.assume_multiple %get3A_8, 128 : i32
    %get3A_10 = arith.constant 4 : index
    %get3A_11 = memref.load %arg1[%get3A_10] : memref<128xi32, #tpu.memory_space<smem>>
    %multiple_of3A_12 = tpu.assume_multiple %get3A_11, 128 : i32
    %get3A_13 = arith.constant 5 : index
    %get3A_14 = memref.load %arg1[%get3A_13] : memref<128xi32, #tpu.memory_space<smem>>
    %multiple_of3A_15 = tpu.assume_multiple %get3A_14, 128 : i32
    %get3A_16 = arith.constant 6 : index
    %get3A_17 = memref.load %arg1[%get3A_16] : memref<128xi32, #tpu.memory_space<smem>>
    %multiple_of3A_18 = tpu.assume_multiple %get3A_17, 128 : i32
    %get3A_19 = arith.constant 7 : index
    %get3A_20 = memref.load %arg1[%get3A_19] : memref<128xi32, #tpu.memory_space<smem>>
    %multiple_of3A_21 = tpu.assume_multiple %get3A_20, 128 : i32
    %get3A_22 = arith.constant 8 : index
    %get3A_23 = memref.load %arg1[%get3A_22] : memref<128xi32, #tpu.memory_space<smem>>
    %multiple_of3A_24 = tpu.assume_multiple %get3A_23, 128 : i32
    %get3A_25 = arith.constant 9 : index
    %get3A_26 = memref.load %arg1[%get3A_25] : memref<128xi32, #tpu.memory_space<smem>>
    %multiple_of3A_27 = tpu.assume_multiple %get3A_26, 128 : i32
    %get3A_28 = arith.constant 10 : index
    %get3A_29 = memref.load %arg1[%get3A_28] : memref<128xi32, #tpu.memory_space<smem>>
    %multiple_of3A_30 = tpu.assume_multiple %get3A_29, 128 : i32
    %get3A_31 = arith.constant 11 : index
    %get3A_32 = memref.load %arg1[%get3A_31] : memref<128xi32, #tpu.memory_space<smem>>
    %multiple_of3A_33 = tpu.assume_multiple %get3A_32, 128 : i32
    %get3A_34 = arith.constant 12 : index
    %get3A_35 = memref.load %arg1[%get3A_34] : memref<128xi32, #tpu.memory_space<smem>>
    %multiple_of3A_36 = tpu.assume_multiple %get3A_35, 128 : i32
    %get3A_37 = arith.constant 13 : index
    %get3A_38 = memref.load %arg1[%get3A_37] : memref<128xi32, #tpu.memory_space<smem>>
    %multiple_of3A_39 = tpu.assume_multiple %get3A_38, 128 : i32
    %get3A_40 = arith.constant 14 : index
    %get3A_41 = memref.load %arg1[%get3A_40] : memref<128xi32, #tpu.memory_space<smem>>
    %multiple_of3A_42 = tpu.assume_multiple %get3A_41, 128 : i32
    %get3A_43 = arith.constant 15 : index
    %get3A_44 = memref.load %arg1[%get3A_43] : memref<128xi32, #tpu.memory_space<smem>>
    %multiple_of3A_45 = tpu.assume_multiple %get3A_44, 128 : i32
    %get3A_46 = arith.constant 16 : index
    %get3A_47 = memref.load %arg1[%get3A_46] : memref<128xi32, #tpu.memory_space<smem>>
    %multiple_of3A_48 = tpu.assume_multiple %get3A_47, 128 : i32
    %get3A_49 = arith.constant 17 : index
    %get3A_50 = memref.load %arg1[%get3A_49] : memref<128xi32, #tpu.memory_space<smem>>
    %multiple_of3A_51 = tpu.assume_multiple %get3A_50, 128 : i32
    %get3A_52 = arith.constant 18 : index
    %get3A_53 = memref.load %arg1[%get3A_52] : memref<128xi32, #tpu.memory_space<smem>>
    %multiple_of3A_54 = tpu.assume_multiple %get3A_53, 128 : i32
    %get3A_55 = arith.constant 19 : index
    %get3A_56 = memref.load %arg1[%get3A_55] : memref<128xi32, #tpu.memory_space<smem>>
    %multiple_of3A_57 = tpu.assume_multiple %get3A_56, 128 : i32
    %get3A_58 = arith.constant 20 : index
    %get3A_59 = memref.load %arg1[%get3A_58] : memref<128xi32, #tpu.memory_space<smem>>
    %multiple_of3A_60 = tpu.assume_multiple %get3A_59, 128 : i32
    %get3A_61 = arith.constant 21 : index
    %get3A_62 = memref.load %arg1[%get3A_61] : memref<128xi32, #tpu.memory_space<smem>>
    %multiple_of3A_63 = tpu.assume_multiple %get3A_62, 128 : i32
    %get3A_64 = arith.constant 22 : index
    %get3A_65 = memref.load %arg1[%get3A_64] : memref<128xi32, #tpu.memory_space<smem>>
    %multiple_of3A_66 = tpu.assume_multiple %get3A_65, 128 : i32
    %get3A_67 = arith.constant 23 : index
    %get3A_68 = memref.load %arg1[%get3A_67] : memref<128xi32, #tpu.memory_space<smem>>
    %multiple_of3A_69 = tpu.assume_multiple %get3A_68, 128 : i32
    %get3A_70 = arith.constant 24 : index
    %get3A_71 = memref.load %arg1[%get3A_70] : memref<128xi32, #tpu.memory_space<smem>>
    %multiple_of3A_72 = tpu.assume_multiple %get3A_71, 128 : i32
    %get3A_73 = arith.constant 25 : index
    %get3A_74 = memref.load %arg1[%get3A_73] : memref<128xi32, #tpu.memory_space<smem>>
    %multiple_of3A_75 = tpu.assume_multiple %get3A_74, 128 : i32
    %get3A_76 = arith.constant 26 : index
    %get3A_77 = memref.load %arg1[%get3A_76] : memref<128xi32, #tpu.memory_space<smem>>
    %multiple_of3A_78 = tpu.assume_multiple %get3A_77, 128 : i32
    %get3A_79 = arith.constant 27 : index
    %get3A_80 = memref.load %arg1[%get3A_79] : memref<128xi32, #tpu.memory_space<smem>>
    %multiple_of3A_81 = tpu.assume_multiple %get3A_80, 128 : i32
    %get3A_82 = arith.constant 28 : index
    %get3A_83 = memref.load %arg1[%get3A_82] : memref<128xi32, #tpu.memory_space<smem>>
    %multiple_of3A_84 = tpu.assume_multiple %get3A_83, 128 : i32
    %get3A_85 = arith.constant 29 : index
    %get3A_86 = memref.load %arg1[%get3A_85] : memref<128xi32, #tpu.memory_space<smem>>
    %multiple_of3A_87 = tpu.assume_multiple %get3A_86, 128 : i32
    %get3A_88 = arith.constant 30 : index
    %get3A_89 = memref.load %arg1[%get3A_88] : memref<128xi32, #tpu.memory_space<smem>>
    %multiple_of3A_90 = tpu.assume_multiple %get3A_89, 128 : i32
    %get3A_91 = arith.constant 31 : index
    %get3A_92 = memref.load %arg1[%get3A_91] : memref<128xi32, #tpu.memory_space<smem>>
    %multiple_of3A_93 = tpu.assume_multiple %get3A_92, 128 : i32
    %get3A_94 = arith.constant 32 : index
    %get3A_95 = memref.load %arg1[%get3A_94] : memref<128xi32, #tpu.memory_space<smem>>
    %multiple_of3A_96 = tpu.assume_multiple %get3A_95, 128 : i32
    %get3A_97 = arith.constant 33 : index
    %get3A_98 = memref.load %arg1[%get3A_97] : memref<128xi32, #tpu.memory_space<smem>>
    %multiple_of3A_99 = tpu.assume_multiple %get3A_98, 128 : i32
    %get3A_100 = arith.constant 34 : index
    %get3A_101 = memref.load %arg1[%get3A_100] : memref<128xi32, #tpu.memory_space<smem>>
    %multiple_of3A_102 = tpu.assume_multiple %get3A_101, 128 : i32
    %get3A_103 = arith.constant 35 : index
    %get3A_104 = memref.load %arg1[%get3A_103] : memref<128xi32, #tpu.memory_space<smem>>
    %multiple_of3A_105 = tpu.assume_multiple %get3A_104, 128 : i32
    %get3A_106 = arith.constant 36 : index
    %get3A_107 = memref.load %arg1[%get3A_106] : memref<128xi32, #tpu.memory_space<smem>>
    %multiple_of3A_108 = tpu.assume_multiple %get3A_107, 128 : i32
    %get3A_109 = arith.constant 37 : index
    %get3A_110 = memref.load %arg1[%get3A_109] : memref<128xi32, #tpu.memory_space<smem>>
    %multiple_of3A_111 = tpu.assume_multiple %get3A_110, 128 : i32
    %get3A_112 = arith.constant 38 : index
    %get3A_113 = memref.load %arg1[%get3A_112] : memref<128xi32, #tpu.memory_space<smem>>
    %multiple_of3A_114 = tpu.assume_multiple %get3A_113, 128 : i32
    %get3A_115 = arith.constant 39 : index
    %get3A_116 = memref.load %arg1[%get3A_115] : memref<128xi32, #tpu.memory_space<smem>>
    %multiple_of3A_117 = tpu.assume_multiple %get3A_116, 128 : i32
    %get3A_118 = arith.constant 40 : index
    %get3A_119 = memref.load %arg1[%get3A_118] : memref<128xi32, #tpu.memory_space<smem>>
    %multiple_of3A_120 = tpu.assume_multiple %get3A_119, 128 : i32
    %get3A_121 = arith.constant 41 : index
    %get3A_122 = memref.load %arg1[%get3A_121] : memref<128xi32, #tpu.memory_space<smem>>
    %multiple_of3A_123 = tpu.assume_multiple %get3A_122, 128 : i32
    %get3A_124 = arith.constant 42 : index
    %get3A_125 = memref.load %arg1[%get3A_124] : memref<128xi32, #tpu.memory_space<smem>>
    %multiple_of3A_126 = tpu.assume_multiple %get3A_125, 128 : i32
    %get3A_127 = arith.constant 43 : index
    %get3A_128 = memref.load %arg1[%get3A_127] : memref<128xi32, #tpu.memory_space<smem>>
    %multiple_of3A_129 = tpu.assume_multiple %get3A_128, 128 : i32
    %get3A_130 = arith.constant 44 : index
    %get3A_131 = memref.load %arg1[%get3A_130] : memref<128xi32, #tpu.memory_space<smem>>
    %multiple_of3A_132 = tpu.assume_multiple %get3A_131, 128 : i32
    %get3A_133 = arith.constant 45 : index
    %get3A_134 = memref.load %arg1[%get3A_133] : memref<128xi32, #tpu.memory_space<smem>>
    %multiple_of3A_135 = tpu.assume_multiple %get3A_134, 128 : i32
    %get3A_136 = arith.constant 46 : index
    %get3A_137 = memref.load %arg1[%get3A_136] : memref<128xi32, #tpu.memory_space<smem>>
    %multiple_of3A_138 = tpu.assume_multiple %get3A_137, 128 : i32
    %get3A_139 = arith.constant 47 : index
    %get3A_140 = memref.load %arg1[%get3A_139] : memref<128xi32, #tpu.memory_space<smem>>
    %multiple_of3A_141 = tpu.assume_multiple %get3A_140, 128 : i32
    %get3A_142 = arith.constant 48 : index
    %get3A_143 = memref.load %arg1[%get3A_142] : memref<128xi32, #tpu.memory_space<smem>>
    %multiple_of3A_144 = tpu.assume_multiple %get3A_143, 128 : i32
    %get3A_145 = arith.constant 49 : index
    %get3A_146 = memref.load %arg1[%get3A_145] : memref<128xi32, #tpu.memory_space<smem>>
    %multiple_of3A_147 = tpu.assume_multiple %get3A_146, 128 : i32
    %get3A_148 = arith.constant 50 : index
    %get3A_149 = memref.load %arg1[%get3A_148] : memref<128xi32, #tpu.memory_space<smem>>
    %multiple_of3A_150 = tpu.assume_multiple %get3A_149, 128 : i32
    %get3A_151 = arith.constant 51 : index
    %get3A_152 = memref.load %arg1[%get3A_151] : memref<128xi32, #tpu.memory_space<smem>>
    %multiple_of3A_153 = tpu.assume_multiple %get3A_152, 128 : i32
    %get3A_154 = arith.constant 52 : index
    %get3A_155 = memref.load %arg1[%get3A_154] : memref<128xi32, #tpu.memory_space<smem>>
    %multiple_of3A_156 = tpu.assume_multiple %get3A_155, 128 : i32
    %get3A_157 = arith.constant 53 : index
    %get3A_158 = memref.load %arg1[%get3A_157] : memref<128xi32, #tpu.memory_space<smem>>
    %multiple_of3A_159 = tpu.assume_multiple %get3A_158, 128 : i32
    %get3A_160 = arith.constant 54 : index
    %get3A_161 = memref.load %arg1[%get3A_160] : memref<128xi32, #tpu.memory_space<smem>>
    %multiple_of3A_162 = tpu.assume_multiple %get3A_161, 128 : i32
    %get3A_163 = arith.constant 55 : index
    %get3A_164 = memref.load %arg1[%get3A_163] : memref<128xi32, #tpu.memory_space<smem>>
    %multiple_of3A_165 = tpu.assume_multiple %get3A_164, 128 : i32
    %get3A_166 = arith.constant 56 : index
    %get3A_167 = memref.load %arg1[%get3A_166] : memref<128xi32, #tpu.memory_space<smem>>
    %multiple_of3A_168 = tpu.assume_multiple %get3A_167, 128 : i32
    %get3A_169 = arith.constant 57 : index
    %get3A_170 = memref.load %arg1[%get3A_169] : memref<128xi32, #tpu.memory_space<smem>>
    %multiple_of3A_171 = tpu.assume_multiple %get3A_170, 128 : i32
    %get3A_172 = arith.constant 58 : index
    %get3A_173 = memref.load %arg1[%get3A_172] : memref<128xi32, #tpu.memory_space<smem>>
    %multiple_of3A_174 = tpu.assume_multiple %get3A_173, 128 : i32
    %get3A_175 = arith.constant 59 : index
    %get3A_176 = memref.load %arg1[%get3A_175] : memref<128xi32, #tpu.memory_space<smem>>
    %multiple_of3A_177 = tpu.assume_multiple %get3A_176, 128 : i32
    %get3A_178 = arith.constant 60 : index
    %get3A_179 = memref.load %arg1[%get3A_178] : memref<128xi32, #tpu.memory_space<smem>>
    %multiple_of3A_180 = tpu.assume_multiple %get3A_179, 128 : i32
    %get3A_181 = arith.constant 61 : index
    %get3A_182 = memref.load %arg1[%get3A_181] : memref<128xi32, #tpu.memory_space<smem>>
    %multiple_of3A_183 = tpu.assume_multiple %get3A_182, 128 : i32
    %get3A_184 = arith.constant 62 : index
    %get3A_185 = memref.load %arg1[%get3A_184] : memref<128xi32, #tpu.memory_space<smem>>
    %multiple_of3A_186 = tpu.assume_multiple %get3A_185, 128 : i32
    %get3A_187 = arith.constant 63 : index
    %get3A_188 = memref.load %arg1[%get3A_187] : memref<128xi32, #tpu.memory_space<smem>>
    %multiple_of3A_189 = tpu.assume_multiple %get3A_188, 128 : i32
    %get3A_190 = arith.constant 64 : index
    %get3A_191 = memref.load %arg1[%get3A_190] : memref<128xi32, #tpu.memory_space<smem>>
    %multiple_of3A_192 = tpu.assume_multiple %get3A_191, 128 : i32
    %get3A_193 = arith.constant 65 : index
    %get3A_194 = memref.load %arg1[%get3A_193] : memref<128xi32, #tpu.memory_space<smem>>
    %multiple_of3A_195 = tpu.assume_multiple %get3A_194, 128 : i32
    %get3A_196 = arith.constant 66 : index
    %get3A_197 = memref.load %arg1[%get3A_196] : memref<128xi32, #tpu.memory_space<smem>>
    %multiple_of3A_198 = tpu.assume_multiple %get3A_197, 128 : i32
    %get3A_199 = arith.constant 67 : index
    %get3A_200 = memref.load %arg1[%get3A_199] : memref<128xi32, #tpu.memory_space<smem>>
    %multiple_of3A_201 = tpu.assume_multiple %get3A_200, 128 : i32
    %get3A_202 = arith.constant 68 : index
    %get3A_203 = memref.load %arg1[%get3A_202] : memref<128xi32, #tpu.memory_space<smem>>
    %multiple_of3A_204 = tpu.assume_multiple %get3A_203, 128 : i32
    %get3A_205 = arith.constant 69 : index
    %get3A_206 = memref.load %arg1[%get3A_205] : memref<128xi32, #tpu.memory_space<smem>>
    %multiple_of3A_207 = tpu.assume_multiple %get3A_206, 128 : i32
    %get3A_208 = arith.constant 70 : index
    %get3A_209 = memref.load %arg1[%get3A_208] : memref<128xi32, #tpu.memory_space<smem>>
    %multiple_of3A_210 = tpu.assume_multiple %get3A_209, 128 : i32
    %get3A_211 = arith.constant 71 : index
    %get3A_212 = memref.load %arg1[%get3A_211] : memref<128xi32, #tpu.memory_space<smem>>
    %multiple_of3A_213 = tpu.assume_multiple %get3A_212, 128 : i32
    %get3A_214 = arith.constant 72 : index
    %get3A_215 = memref.load %arg1[%get3A_214] : memref<128xi32, #tpu.memory_space<smem>>
    %multiple_of3A_216 = tpu.assume_multiple %get3A_215, 128 : i32
    %get3A_217 = arith.constant 73 : index
    %get3A_218 = memref.load %arg1[%get3A_217] : memref<128xi32, #tpu.memory_space<smem>>
    %multiple_of3A_219 = tpu.assume_multiple %get3A_218, 128 : i32
    %get3A_220 = arith.constant 74 : index
    %get3A_221 = memref.load %arg1[%get3A_220] : memref<128xi32, #tpu.memory_space<smem>>
    %multiple_of3A_222 = tpu.assume_multiple %get3A_221, 128 : i32
    %get3A_223 = arith.constant 75 : index
    %get3A_224 = memref.load %arg1[%get3A_223] : memref<128xi32, #tpu.memory_space<smem>>
    %multiple_of3A_225 = tpu.assume_multiple %get3A_224, 128 : i32
    %get3A_226 = arith.constant 76 : index
    %get3A_227 = memref.load %arg1[%get3A_226] : memref<128xi32, #tpu.memory_space<smem>>
    %multiple_of3A_228 = tpu.assume_multiple %get3A_227, 128 : i32
    %get3A_229 = arith.constant 77 : index
    %get3A_230 = memref.load %arg1[%get3A_229] : memref<128xi32, #tpu.memory_space<smem>>
    %multiple_of3A_231 = tpu.assume_multiple %get3A_230, 128 : i32
    %get3A_232 = arith.constant 78 : index
    %get3A_233 = memref.load %arg1[%get3A_232] : memref<128xi32, #tpu.memory_space<smem>>
    %multiple_of3A_234 = tpu.assume_multiple %get3A_233, 128 : i32
    %get3A_235 = arith.constant 79 : index
    %get3A_236 = memref.load %arg1[%get3A_235] : memref<128xi32, #tpu.memory_space<smem>>
    %multiple_of3A_237 = tpu.assume_multiple %get3A_236, 128 : i32
    %get3A_238 = arith.constant 80 : index
    %get3A_239 = memref.load %arg1[%get3A_238] : memref<128xi32, #tpu.memory_space<smem>>
    %multiple_of3A_240 = tpu.assume_multiple %get3A_239, 128 : i32
    %get3A_241 = arith.constant 81 : index
    %get3A_242 = memref.load %arg1[%get3A_241] : memref<128xi32, #tpu.memory_space<smem>>
    %multiple_of3A_243 = tpu.assume_multiple %get3A_242, 128 : i32
    %get3A_244 = arith.constant 82 : index
    %get3A_245 = memref.load %arg1[%get3A_244] : memref<128xi32, #tpu.memory_space<smem>>
    %multiple_of3A_246 = tpu.assume_multiple %get3A_245, 128 : i32
    %get3A_247 = arith.constant 83 : index
    %get3A_248 = memref.load %arg1[%get3A_247] : memref<128xi32, #tpu.memory_space<smem>>
    %multiple_of3A_249 = tpu.assume_multiple %get3A_248, 128 : i32
    %get3A_250 = arith.constant 84 : index
    %get3A_251 = memref.load %arg1[%get3A_250] : memref<128xi32, #tpu.memory_space<smem>>
    %multiple_of3A_252 = tpu.assume_multiple %get3A_251, 128 : i32
    %get3A_253 = arith.constant 85 : index
    %get3A_254 = memref.load %arg1[%get3A_253] : memref<128xi32, #tpu.memory_space<smem>>
    %multiple_of3A_255 = tpu.assume_multiple %get3A_254, 128 : i32
    %get3A_256 = arith.constant 86 : index
    %get3A_257 = memref.load %arg1[%get3A_256] : memref<128xi32, #tpu.memory_space<smem>>
    %multiple_of3A_258 = tpu.assume_multiple %get3A_257, 128 : i32
    %get3A_259 = arith.constant 87 : index
    %get3A_260 = memref.load %arg1[%get3A_259] : memref<128xi32, #tpu.memory_space<smem>>
    %multiple_of3A_261 = tpu.assume_multiple %get3A_260, 128 : i32
    %get3A_262 = arith.constant 88 : index
    %get3A_263 = memref.load %arg1[%get3A_262] : memref<128xi32, #tpu.memory_space<smem>>
    %multiple_of3A_264 = tpu.assume_multiple %get3A_263, 128 : i32
    %get3A_265 = arith.constant 89 : index
    %get3A_266 = memref.load %arg1[%get3A_265] : memref<128xi32, #tpu.memory_space<smem>>
    %multiple_of3A_267 = tpu.assume_multiple %get3A_266, 128 : i32
    %get3A_268 = arith.constant 90 : index
    %get3A_269 = memref.load %arg1[%get3A_268] : memref<128xi32, #tpu.memory_space<smem>>
    %multiple_of3A_270 = tpu.assume_multiple %get3A_269, 128 : i32
    %get3A_271 = arith.constant 91 : index
    %get3A_272 = memref.load %arg1[%get3A_271] : memref<128xi32, #tpu.memory_space<smem>>
    %multiple_of3A_273 = tpu.assume_multiple %get3A_272, 128 : i32
    %get3A_274 = arith.constant 92 : index
    %get3A_275 = memref.load %arg1[%get3A_274] : memref<128xi32, #tpu.memory_space<smem>>
    %multiple_of3A_276 = tpu.assume_multiple %get3A_275, 128 : i32
    %get3A_277 = arith.constant 93 : index
    %get3A_278 = memref.load %arg1[%get3A_277] : memref<128xi32, #tpu.memory_space<smem>>
    %multiple_of3A_279 = tpu.assume_multiple %get3A_278, 128 : i32
    %get3A_280 = arith.constant 94 : index
    %get3A_281 = memref.load %arg1[%get3A_280] : memref<128xi32, #tpu.memory_space<smem>>
    %multiple_of3A_282 = tpu.assume_multiple %get3A_281, 128 : i32
    %get3A_283 = arith.constant 95 : index
    %get3A_284 = memref.load %arg1[%get3A_283] : memref<128xi32, #tpu.memory_space<smem>>
    %multiple_of3A_285 = tpu.assume_multiple %get3A_284, 128 : i32
    %get3A_286 = arith.constant 96 : index
    %get3A_287 = memref.load %arg1[%get3A_286] : memref<128xi32, #tpu.memory_space<smem>>
    %multiple_of3A_288 = tpu.assume_multiple %get3A_287, 128 : i32
    %get3A_289 = arith.constant 97 : index
    %get3A_290 = memref.load %arg1[%get3A_289] : memref<128xi32, #tpu.memory_space<smem>>
    %multiple_of3A_291 = tpu.assume_multiple %get3A_290, 128 : i32
    %get3A_292 = arith.constant 98 : index
    %get3A_293 = memref.load %arg1[%get3A_292] : memref<128xi32, #tpu.memory_space<smem>>
    %multiple_of3A_294 = tpu.assume_multiple %get3A_293, 128 : i32
    %get3A_295 = arith.constant 99 : index
    %get3A_296 = memref.load %arg1[%get3A_295] : memref<128xi32, #tpu.memory_space<smem>>
    %multiple_of3A_297 = tpu.assume_multiple %get3A_296, 128 : i32
    %get3A_298 = arith.constant 100 : index
    %get3A_299 = memref.load %arg1[%get3A_298] : memref<128xi32, #tpu.memory_space<smem>>
    %multiple_of3A_300 = tpu.assume_multiple %get3A_299, 128 : i32
    %get3A_301 = arith.constant 101 : index
    %get3A_302 = memref.load %arg1[%get3A_301] : memref<128xi32, #tpu.memory_space<smem>>
    %multiple_of3A_303 = tpu.assume_multiple %get3A_302, 128 : i32
    %get3A_304 = arith.constant 102 : index
    %get3A_305 = memref.load %arg1[%get3A_304] : memref<128xi32, #tpu.memory_space<smem>>
    %multiple_of3A_306 = tpu.assume_multiple %get3A_305, 128 : i32
    %get3A_307 = arith.constant 103 : index
    %get3A_308 = memref.load %arg1[%get3A_307] : memref<128xi32, #tpu.memory_space<smem>>
    %multiple_of3A_309 = tpu.assume_multiple %get3A_308, 128 : i32
    %get3A_310 = arith.constant 104 : index
    %get3A_311 = memref.load %arg1[%get3A_310] : memref<128xi32, #tpu.memory_space<smem>>
    %multiple_of3A_312 = tpu.assume_multiple %get3A_311, 128 : i32
    %get3A_313 = arith.constant 105 : index
    %get3A_314 = memref.load %arg1[%get3A_313] : memref<128xi32, #tpu.memory_space<smem>>
    %multiple_of3A_315 = tpu.assume_multiple %get3A_314, 128 : i32
    %get3A_316 = arith.constant 106 : index
    %get3A_317 = memref.load %arg1[%get3A_316] : memref<128xi32, #tpu.memory_space<smem>>
    %multiple_of3A_318 = tpu.assume_multiple %get3A_317, 128 : i32
    %get3A_319 = arith.constant 107 : index
    %get3A_320 = memref.load %arg1[%get3A_319] : memref<128xi32, #tpu.memory_space<smem>>
    %multiple_of3A_321 = tpu.assume_multiple %get3A_320, 128 : i32
    %get3A_322 = arith.constant 108 : index
    %get3A_323 = memref.load %arg1[%get3A_322] : memref<128xi32, #tpu.memory_space<smem>>
    %multiple_of3A_324 = tpu.assume_multiple %get3A_323, 128 : i32
    %get3A_325 = arith.constant 109 : index
    %get3A_326 = memref.load %arg1[%get3A_325] : memref<128xi32, #tpu.memory_space<smem>>
    %multiple_of3A_327 = tpu.assume_multiple %get3A_326, 128 : i32
    %get3A_328 = arith.constant 110 : index
    %get3A_329 = memref.load %arg1[%get3A_328] : memref<128xi32, #tpu.memory_space<smem>>
    %multiple_of3A_330 = tpu.assume_multiple %get3A_329, 128 : i32
    %get3A_331 = arith.constant 111 : index
    %get3A_332 = memref.load %arg1[%get3A_331] : memref<128xi32, #tpu.memory_space<smem>>
    %multiple_of3A_333 = tpu.assume_multiple %get3A_332, 128 : i32
    %get3A_334 = arith.constant 112 : index
    %get3A_335 = memref.load %arg1[%get3A_334] : memref<128xi32, #tpu.memory_space<smem>>
    %multiple_of3A_336 = tpu.assume_multiple %get3A_335, 128 : i32
    %get3A_337 = arith.constant 113 : index
    %get3A_338 = memref.load %arg1[%get3A_337] : memref<128xi32, #tpu.memory_space<smem>>
    %multiple_of3A_339 = tpu.assume_multiple %get3A_338, 128 : i32
    %get3A_340 = arith.constant 114 : index
    %get3A_341 = memref.load %arg1[%get3A_340] : memref<128xi32, #tpu.memory_space<smem>>
    %multiple_of3A_342 = tpu.assume_multiple %get3A_341, 128 : i32
    %get3A_343 = arith.constant 115 : index
    %get3A_344 = memref.load %arg1[%get3A_343] : memref<128xi32, #tpu.memory_space<smem>>
    %multiple_of3A_345 = tpu.assume_multiple %get3A_344, 128 : i32
    %get3A_346 = arith.constant 116 : index
    %get3A_347 = memref.load %arg1[%get3A_346] : memref<128xi32, #tpu.memory_space<smem>>
    %multiple_of3A_348 = tpu.assume_multiple %get3A_347, 128 : i32
    %get3A_349 = arith.constant 117 : index
    %get3A_350 = memref.load %arg1[%get3A_349] : memref<128xi32, #tpu.memory_space<smem>>
    %multiple_of3A_351 = tpu.assume_multiple %get3A_350, 128 : i32
    %get3A_352 = arith.constant 118 : index
    %get3A_353 = memref.load %arg1[%get3A_352] : memref<128xi32, #tpu.memory_space<smem>>
    %multiple_of3A_354 = tpu.assume_multiple %get3A_353, 128 : i32
    %get3A_355 = arith.constant 119 : index
    %get3A_356 = memref.load %arg1[%get3A_355] : memref<128xi32, #tpu.memory_space<smem>>
    %multiple_of3A_357 = tpu.assume_multiple %get3A_356, 128 : i32
    %get3A_358 = arith.constant 120 : index
    %get3A_359 = memref.load %arg1[%get3A_358] : memref<128xi32, #tpu.memory_space<smem>>
    %multiple_of3A_360 = tpu.assume_multiple %get3A_359, 128 : i32
    %get3A_361 = arith.constant 121 : index
    %get3A_362 = memref.load %arg1[%get3A_361] : memref<128xi32, #tpu.memory_space<smem>>
    %multiple_of3A_363 = tpu.assume_multiple %get3A_362, 128 : i32
    %get3A_364 = arith.constant 122 : index
    %get3A_365 = memref.load %arg1[%get3A_364] : memref<128xi32, #tpu.memory_space<smem>>
    %multiple_of3A_366 = tpu.assume_multiple %get3A_365, 128 : i32
    %get3A_367 = arith.constant 123 : index
    %get3A_368 = memref.load %arg1[%get3A_367] : memref<128xi32, #tpu.memory_space<smem>>
    %multiple_of3A_369 = tpu.assume_multiple %get3A_368, 128 : i32
    %get3A_370 = arith.constant 124 : index
    %get3A_371 = memref.load %arg1[%get3A_370] : memref<128xi32, #tpu.memory_space<smem>>
    %multiple_of3A_372 = tpu.assume_multiple %get3A_371, 128 : i32
    %get3A_373 = arith.constant 125 : index
    %get3A_374 = memref.load %arg1[%get3A_373] : memref<128xi32, #tpu.memory_space<smem>>
    %multiple_of3A_375 = tpu.assume_multiple %get3A_374, 128 : i32
    %get3A_376 = arith.constant 126 : index
    %get3A_377 = memref.load %arg1[%get3A_376] : memref<128xi32, #tpu.memory_space<smem>>
    %multiple_of3A_378 = tpu.assume_multiple %get3A_377, 128 : i32
    %get3A_379 = arith.constant 127 : index
    %get3A_380 = memref.load %arg1[%get3A_379] : memref<128xi32, #tpu.memory_space<smem>>
    %multiple_of3A_381 = tpu.assume_multiple %get3A_380, 128 : i32
    %dma_start3A = arith.constant 0 : i32
    %dma_start3A_382 = arith.constant 0 : i32
    %dma_start3A_383 = arith.constant 0 : i32
    %dma_start3A_384 = tpu.memref_slice %arg6[%dma_start3A, %dma_start3A_382, %dma_start3A_383] : memref<128x8x128xf32, #tpu.memory_space<vmem>> -> memref<1x8x128xf32, #tpu.memory_space<vmem>>
    %dma_start3A_385 = tpu.memref_squeeze %dma_start3A_384 : memref<1x8x128xf32, #tpu.memory_space<vmem>> -> memref<8x128xf32, #tpu.memory_space<vmem>>
    %dma_start3A_386 = arith.constant 0 : i32
    %dma_start3A_387 = tpu.memref_slice %arg2[%dma_start3A_386, %multiple_of3A] : memref<128x100000xf32, #tpu.memory_space<any>> -> memref<8x128xf32, #tpu.memory_space<any>>
    tpu.enqueue_dma source(%dma_start3A_387 : memref<8x128xf32, #tpu.memory_space<any>>) target(%dma_start3A_385 : memref<8x128xf32, #tpu.memory_space<vmem>>) target_semaphore(%arg7 : memref<!tpu.dma_semaphore, #tpu.memory_space<semaphore_mem>>)
    %dma_start3A_388 = arith.constant 1 : i32
    %dma_start3A_389 = arith.constant 0 : i32
    %dma_start3A_390 = arith.constant 0 : i32
    %dma_start3A_391 = tpu.memref_slice %arg6[%dma_start3A_388, %dma_start3A_389, %dma_start3A_390] : memref<128x8x128xf32, #tpu.memory_space<vmem>> -> memref<1x8x128xf32, #tpu.memory_space<vmem>>
    %dma_start3A_392 = tpu.memref_squeeze %dma_start3A_391 : memref<1x8x128xf32, #tpu.memory_space<vmem>> -> memref<8x128xf32, #tpu.memory_space<vmem>>
    %dma_start3A_393 = arith.constant 0 : i32
    %dma_start3A_394 = tpu.memref_slice %arg2[%dma_start3A_393, %multiple_of3A_3] : memref<128x100000xf32, #tpu.memory_space<any>> -> memref<8x128xf32, #tpu.memory_space<any>>
    tpu.enqueue_dma source(%dma_start3A_394 : memref<8x128xf32, #tpu.memory_space<any>>) target(%dma_start3A_392 : memref<8x128xf32, #tpu.memory_space<vmem>>) target_semaphore(%arg7 : memref<!tpu.dma_semaphore, #tpu.memory_space<semaphore_mem>>)
    %dma_start3A_395 = arith.constant 2 : i32
    %dma_start3A_396 = arith.constant 0 : i32
    %dma_start3A_397 = arith.constant 0 : i32
    %dma_start3A_398 = tpu.memref_slice %arg6[%dma_start3A_395, %dma_start3A_396, %dma_start3A_397] : memref<128x8x128xf32, #tpu.memory_space<vmem>> -> memref<1x8x128xf32, #tpu.memory_space<vmem>>
    %dma_start3A_399 = tpu.memref_squeeze %dma_start3A_398 : memref<1x8x128xf32, #tpu.memory_space<vmem>> -> memref<8x128xf32, #tpu.memory_space<vmem>>
    %dma_start3A_400 = arith.constant 0 : i32
    %dma_start3A_401 = tpu.memref_slice %arg2[%dma_start3A_400, %multiple_of3A_6] : memref<128x100000xf32, #tpu.memory_space<any>> -> memref<8x128xf32, #tpu.memory_space<any>>
    tpu.enqueue_dma source(%dma_start3A_401 : memref<8x128xf32, #tpu.memory_space<any>>) target(%dma_start3A_399 : memref<8x128xf32, #tpu.memory_space<vmem>>) target_semaphore(%arg7 : memref<!tpu.dma_semaphore, #tpu.memory_space<semaphore_mem>>)
    %dma_start3A_402 = arith.constant 3 : i32
    %dma_start3A_403 = arith.constant 0 : i32
    %dma_start3A_404 = arith.constant 0 : i32
    %dma_start3A_405 = tpu.memref_slice %arg6[%dma_start3A_402, %dma_start3A_403, %dma_start3A_404] : memref<128x8x128xf32, #tpu.memory_space<vmem>> -> memref<1x8x128xf32, #tpu.memory_space<vmem>>
    %dma_start3A_406 = tpu.memref_squeeze %dma_start3A_405 : memref<1x8x128xf32, #tpu.memory_space<vmem>> -> memref<8x128xf32, #tpu.memory_space<vmem>>
    %dma_start3A_407 = arith.constant 0 : i32
    %dma_start3A_408 = tpu.memref_slice %arg2[%dma_start3A_407, %multiple_of3A_9] : memref<128x100000xf32, #tpu.memory_space<any>> -> memref<8x128xf32, #tpu.memory_space<any>>
    tpu.enqueue_dma source(%dma_start3A_408 : memref<8x128xf32, #tpu.memory_space<any>>) target(%dma_start3A_406 : memref<8x128xf32, #tpu.memory_space<vmem>>) target_semaphore(%arg7 : memref<!tpu.dma_semaphore, #tpu.memory_space<semaphore_mem>>)
    %dma_start3A_409 = arith.constant 4 : i32
    %dma_start3A_410 = arith.constant 0 : i32
    %dma_start3A_411 = arith.constant 0 : i32
    %dma_start3A_412 = tpu.memref_slice %arg6[%dma_start3A_409, %dma_start3A_410, %dma_start3A_411] : memref<128x8x128xf32, #tpu.memory_space<vmem>> -> memref<1x8x128xf32, #tpu.memory_space<vmem>>
    %dma_start3A_413 = tpu.memref_squeeze %dma_start3A_412 : memref<1x8x128xf32, #tpu.memory_space<vmem>> -> memref<8x128xf32, #tpu.memory_space<vmem>>
    %dma_start3A_414 = arith.constant 0 : i32
    %dma_start3A_415 = tpu.memref_slice %arg2[%dma_start3A_414, %multiple_of3A_12] : memref<128x100000xf32, #tpu.memory_space<any>> -> memref<8x128xf32, #tpu.memory_space<any>>
    tpu.enqueue_dma source(%dma_start3A_415 : memref<8x128xf32, #tpu.memory_space<any>>) target(%dma_start3A_413 : memref<8x128xf32, #tpu.memory_space<vmem>>) target_semaphore(%arg7 : memref<!tpu.dma_semaphore, #tpu.memory_space<semaphore_mem>>)
    %dma_start3A_416 = arith.constant 5 : i32
    %dma_start3A_417 = arith.constant 0 : i32
    %dma_start3A_418 = arith.constant 0 : i32
    %dma_start3A_419 = tpu.memref_slice %arg6[%dma_start3A_416, %dma_start3A_417, %dma_start3A_418] : memref<128x8x128xf32, #tpu.memory_space<vmem>> -> memref<1x8x128xf32, #tpu.memory_space<vmem>>
    %dma_start3A_420 = tpu.memref_squeeze %dma_start3A_419 : memref<1x8x128xf32, #tpu.memory_space<vmem>> -> memref<8x128xf32, #tpu.memory_space<vmem>>
    %dma_start3A_421 = arith.constant 0 : i32
    %dma_start3A_422 = tpu.memref_slice %arg2[%dma_start3A_421, %multiple_of3A_15] : memref<128x100000xf32, #tpu.memory_space<any>> -> memref<8x128xf32, #tpu.memory_space<any>>
    tpu.enqueue_dma source(%dma_start3A_422 : memref<8x128xf32, #tpu.memory_space<any>>) target(%dma_start3A_420 : memref<8x128xf32, #tpu.memory_space<vmem>>) target_semaphore(%arg7 : memref<!tpu.dma_semaphore, #tpu.memory_space<semaphore_mem>>)
    %dma_start3A_423 = arith.constant 6 : i32
    %dma_start3A_424 = arith.constant 0 : i32
    %dma_start3A_425 = arith.constant 0 : i32
    %dma_start3A_426 = tpu.memref_slice %arg6[%dma_start3A_423, %dma_start3A_424, %dma_start3A_425] : memref<128x8x128xf32, #tpu.memory_space<vmem>> -> memref<1x8x128xf32, #tpu.memory_space<vmem>>
    %dma_start3A_427 = tpu.memref_squeeze %dma_start3A_426 : memref<1x8x128xf32, #tpu.memory_space<vmem>> -> memref<8x128xf32, #tpu.memory_space<vmem>>
    %dma_start3A_428 = arith.constant 0 : i32
    %dma_start3A_429 = tpu.memref_slice %arg2[%dma_start3A_428, %multiple_of3A_18] : memref<128x100000xf32, #tpu.memory_space<any>> -> memref<8x128xf32, #tpu.memory_space<any>>
    tpu.enqueue_dma source(%dma_start3A_429 : memref<8x128xf32, #tpu.memory_space<any>>) target(%dma_start3A_427 : memref<8x128xf32, #tpu.memory_space<vmem>>) target_semaphore(%arg7 : memref<!tpu.dma_semaphore, #tpu.memory_space<semaphore_mem>>)
    %dma_start3A_430 = arith.constant 7 : i32
    %dma_start3A_431 = arith.constant 0 : i32
    %dma_start3A_432 = arith.constant 0 : i32
    %dma_start3A_433 = tpu.memref_slice %arg6[%dma_start3A_430, %dma_start3A_431, %dma_start3A_432] : memref<128x8x128xf32, #tpu.memory_space<vmem>> -> memref<1x8x128xf32, #tpu.memory_space<vmem>>
    %dma_start3A_434 = tpu.memref_squeeze %dma_start3A_433 : memref<1x8x128xf32, #tpu.memory_space<vmem>> -> memref<8x128xf32, #tpu.memory_space<vmem>>
    %dma_start3A_435 = arith.constant 0 : i32
    %dma_start3A_436 = tpu.memref_slice %arg2[%dma_start3A_435, %multiple_of3A_21] : memref<128x100000xf32, #tpu.memory_space<any>> -> memref<8x128xf32, #tpu.memory_space<any>>
    tpu.enqueue_dma source(%dma_start3A_436 : memref<8x128xf32, #tpu.memory_space<any>>) target(%dma_start3A_434 : memref<8x128xf32, #tpu.memory_space<vmem>>) target_semaphore(%arg7 : memref<!tpu.dma_semaphore, #tpu.memory_space<semaphore_mem>>)
    %dma_start3A_437 = arith.constant 8 : i32
    %dma_start3A_438 = arith.constant 0 : i32
    %dma_start3A_439 = arith.constant 0 : i32
    %dma_start3A_440 = tpu.memref_slice %arg6[%dma_start3A_437, %dma_start3A_438, %dma_start3A_439] : memref<128x8x128xf32, #tpu.memory_space<vmem>> -> memref<1x8x128xf32, #tpu.memory_space<vmem>>
    %dma_start3A_441 = tpu.memref_squeeze %dma_start3A_440 : memref<1x8x128xf32, #tpu.memory_space<vmem>> -> memref<8x128xf32, #tpu.memory_space<vmem>>
    %dma_start3A_442 = arith.constant 8 : i32
    %dma_start3A_443 = tpu.memref_slice %arg2[%dma_start3A_442, %multiple_of3A_24] : memref<128x100000xf32, #tpu.memory_space<any>> -> memref<8x128xf32, #tpu.memory_space<any>>
    tpu.enqueue_dma source(%dma_start3A_443 : memref<8x128xf32, #tpu.memory_space<any>>) target(%dma_start3A_441 : memref<8x128xf32, #tpu.memory_space<vmem>>) target_semaphore(%arg7 : memref<!tpu.dma_semaphore, #tpu.memory_space<semaphore_mem>>)
    %dma_start3A_444 = arith.constant 9 : i32
    %dma_start3A_445 = arith.constant 0 : i32
    %dma_start3A_446 = arith.constant 0 : i32
    %dma_start3A_447 = tpu.memref_slice %arg6[%dma_start3A_444, %dma_start3A_445, %dma_start3A_446] : memref<128x8x128xf32, #tpu.memory_space<vmem>> -> memref<1x8x128xf32, #tpu.memory_space<vmem>>
    %dma_start3A_448 = tpu.memref_squeeze %dma_start3A_447 : memref<1x8x128xf32, #tpu.memory_space<vmem>> -> memref<8x128xf32, #tpu.memory_space<vmem>>
    %dma_start3A_449 = arith.constant 8 : i32
    %dma_start3A_450 = tpu.memref_slice %arg2[%dma_start3A_449, %multiple_of3A_27] : memref<128x100000xf32, #tpu.memory_space<any>> -> memref<8x128xf32, #tpu.memory_space<any>>
    tpu.enqueue_dma source(%dma_start3A_450 : memref<8x128xf32, #tpu.memory_space<any>>) target(%dma_start3A_448 : memref<8x128xf32, #tpu.memory_space<vmem>>) target_semaphore(%arg7 : memref<!tpu.dma_semaphore, #tpu.memory_space<semaphore_mem>>)
    %dma_start3A_451 = arith.constant 10 : i32
    %dma_start3A_452 = arith.constant 0 : i32
    %dma_start3A_453 = arith.constant 0 : i32
    %dma_start3A_454 = tpu.memref_slice %arg6[%dma_start3A_451, %dma_start3A_452, %dma_start3A_453] : memref<128x8x128xf32, #tpu.memory_space<vmem>> -> memref<1x8x128xf32, #tpu.memory_space<vmem>>
    %dma_start3A_455 = tpu.memref_squeeze %dma_start3A_454 : memref<1x8x128xf32, #tpu.memory_space<vmem>> -> memref<8x128xf32, #tpu.memory_space<vmem>>
    %dma_start3A_456 = arith.constant 8 : i32
    %dma_start3A_457 = tpu.memref_slice %arg2[%dma_start3A_456, %multiple_of3A_30] : memref<128x100000xf32, #tpu.memory_space<any>> -> memref<8x128xf32, #tpu.memory_space<any>>
    tpu.enqueue_dma source(%dma_start3A_457 : memref<8x128xf32, #tpu.memory_space<any>>) target(%dma_start3A_455 : memref<8x128xf32, #tpu.memory_space<vmem>>) target_semaphore(%arg7 : memref<!tpu.dma_semaphore, #tpu.memory_space<semaphore_mem>>)
    %dma_start3A_458 = arith.constant 11 : i32
    %dma_start3A_459 = arith.constant 0 : i32
    %dma_start3A_460 = arith.constant 0 : i32
    %dma_start3A_461 = tpu.memref_slice %arg6[%dma_start3A_458, %dma_start3A_459, %dma_start3A_460] : memref<128x8x128xf32, #tpu.memory_space<vmem>> -> memref<1x8x128xf32, #tpu.memory_space<vmem>>
    %dma_start3A_462 = tpu.memref_squeeze %dma_start3A_461 : memref<1x8x128xf32, #tpu.memory_space<vmem>> -> memref<8x128xf32, #tpu.memory_space<vmem>>
    %dma_start3A_463 = arith.constant 8 : i32
    %dma_start3A_464 = tpu.memref_slice %arg2[%dma_start3A_463, %multiple_of3A_33] : memref<128x100000xf32, #tpu.memory_space<any>> -> memref<8x128xf32, #tpu.memory_space<any>>
    tpu.enqueue_dma source(%dma_start3A_464 : memref<8x128xf32, #tpu.memory_space<any>>) target(%dma_start3A_462 : memref<8x128xf32, #tpu.memory_space<vmem>>) target_semaphore(%arg7 : memref<!tpu.dma_semaphore, #tpu.memory_space<semaphore_mem>>)
    %dma_start3A_465 = arith.constant 12 : i32
    %dma_start3A_466 = arith.constant 0 : i32
    %dma_start3A_467 = arith.constant 0 : i32
    %dma_start3A_468 = tpu.memref_slice %arg6[%dma_start3A_465, %dma_start3A_466, %dma_start3A_467] : memref<128x8x128xf32, #tpu.memory_space<vmem>> -> memref<1x8x128xf32, #tpu.memory_space<vmem>>
    %dma_start3A_469 = tpu.memref_squeeze %dma_start3A_468 : memref<1x8x128xf32, #tpu.memory_space<vmem>> -> memref<8x128xf32, #tpu.memory_space<vmem>>
    %dma_start3A_470 = arith.constant 8 : i32
    %dma_start3A_471 = tpu.memref_slice %arg2[%dma_start3A_470, %multiple_of3A_36] : memref<128x100000xf32, #tpu.memory_space<any>> -> memref<8x128xf32, #tpu.memory_space<any>>
    tpu.enqueue_dma source(%dma_start3A_471 : memref<8x128xf32, #tpu.memory_space<any>>) target(%dma_start3A_469 : memref<8x128xf32, #tpu.memory_space<vmem>>) target_semaphore(%arg7 : memref<!tpu.dma_semaphore, #tpu.memory_space<semaphore_mem>>)
    %dma_start3A_472 = arith.constant 13 : i32
    %dma_start3A_473 = arith.constant 0 : i32
    %dma_start3A_474 = arith.constant 0 : i32
    %dma_start3A_475 = tpu.memref_slice %arg6[%dma_start3A_472, %dma_start3A_473, %dma_start3A_474] : memref<128x8x128xf32, #tpu.memory_space<vmem>> -> memref<1x8x128xf32, #tpu.memory_space<vmem>>
    %dma_start3A_476 = tpu.memref_squeeze %dma_start3A_475 : memref<1x8x128xf32, #tpu.memory_space<vmem>> -> memref<8x128xf32, #tpu.memory_space<vmem>>
    %dma_start3A_477 = arith.constant 8 : i32
    %dma_start3A_478 = tpu.memref_slice %arg2[%dma_start3A_477, %multiple_of3A_39] : memref<128x100000xf32, #tpu.memory_space<any>> -> memref<8x128xf32, #tpu.memory_space<any>>
    tpu.enqueue_dma source(%dma_start3A_478 : memref<8x128xf32, #tpu.memory_space<any>>) target(%dma_start3A_476 : memref<8x128xf32, #tpu.memory_space<vmem>>) target_semaphore(%arg7 : memref<!tpu.dma_semaphore, #tpu.memory_space<semaphore_mem>>)
    %dma_start3A_479 = arith.constant 14 : i32
    %dma_start3A_480 = arith.constant 0 : i32
    %dma_start3A_481 = arith.constant 0 : i32
    %dma_start3A_482 = tpu.memref_slice %arg6[%dma_start3A_479, %dma_start3A_480, %dma_start3A_481] : memref<128x8x128xf32, #tpu.memory_space<vmem>> -> memref<1x8x128xf32, #tpu.memory_space<vmem>>
    %dma_start3A_483 = tpu.memref_squeeze %dma_start3A_482 : memref<1x8x128xf32, #tpu.memory_space<vmem>> -> memref<8x128xf32, #tpu.memory_space<vmem>>
    %dma_start3A_484 = arith.constant 8 : i32
    %dma_start3A_485 = tpu.memref_slice %arg2[%dma_start3A_484, %multiple_of3A_42] : memref<128x100000xf32, #tpu.memory_space<any>> -> memref<8x128xf32, #tpu.memory_space<any>>
    tpu.enqueue_dma source(%dma_start3A_485 : memref<8x128xf32, #tpu.memory_space<any>>) target(%dma_start3A_483 : memref<8x128xf32, #tpu.memory_space<vmem>>) target_semaphore(%arg7 : memref<!tpu.dma_semaphore, #tpu.memory_space<semaphore_mem>>)
    %dma_start3A_486 = arith.constant 15 : i32
    %dma_start3A_487 = arith.constant 0 : i32
    %dma_start3A_488 = arith.constant 0 : i32
    %dma_start3A_489 = tpu.memref_slice %arg6[%dma_start3A_486, %dma_start3A_487, %dma_start3A_488] : memref<128x8x128xf32, #tpu.memory_space<vmem>> -> memref<1x8x128xf32, #tpu.memory_space<vmem>>
    %dma_start3A_490 = tpu.memref_squeeze %dma_start3A_489 : memref<1x8x128xf32, #tpu.memory_space<vmem>> -> memref<8x128xf32, #tpu.memory_space<vmem>>
    %dma_start3A_491 = arith.constant 8 : i32
    %dma_start3A_492 = tpu.memref_slice %arg2[%dma_start3A_491, %multiple_of3A_45] : memref<128x100000xf32, #tpu.memory_space<any>> -> memref<8x128xf32, #tpu.memory_space<any>>
    tpu.enqueue_dma source(%dma_start3A_492 : memref<8x128xf32, #tpu.memory_space<any>>) target(%dma_start3A_490 : memref<8x128xf32, #tpu.memory_space<vmem>>) target_semaphore(%arg7 : memref<!tpu.dma_semaphore, #tpu.memory_space<semaphore_mem>>)
    %dma_start3A_493 = arith.constant 16 : i32
    %dma_start3A_494 = arith.constant 0 : i32
    %dma_start3A_495 = arith.constant 0 : i32
    %dma_start3A_496 = tpu.memref_slice %arg6[%dma_start3A_493, %dma_start3A_494, %dma_start3A_495] : memref<128x8x128xf32, #tpu.memory_space<vmem>> -> memref<1x8x128xf32, #tpu.memory_space<vmem>>
    %dma_start3A_497 = tpu.memref_squeeze %dma_start3A_496 : memref<1x8x128xf32, #tpu.memory_space<vmem>> -> memref<8x128xf32, #tpu.memory_space<vmem>>
    %dma_start3A_498 = arith.constant 16 : i32
    %dma_start3A_499 = tpu.memref_slice %arg2[%dma_start3A_498, %multiple_of3A_48] : memref<128x100000xf32, #tpu.memory_space<any>> -> memref<8x128xf32, #tpu.memory_space<any>>
    tpu.enqueue_dma source(%dma_start3A_499 : memref<8x128xf32, #tpu.memory_space<any>>) target(%dma_start3A_497 : memref<8x128xf32, #tpu.memory_space<vmem>>) target_semaphore(%arg7 : memref<!tpu.dma_semaphore, #tpu.memory_space<semaphore_mem>>)
    %dma_start3A_500 = arith.constant 17 : i32
    %dma_start3A_501 = arith.constant 0 : i32
    %dma_start3A_502 = arith.constant 0 : i32
    %dma_start3A_503 = tpu.memref_slice %arg6[%dma_start3A_500, %dma_start3A_501, %dma_start3A_502] : memref<128x8x128xf32, #tpu.memory_space<vmem>> -> memref<1x8x128xf32, #tpu.memory_space<vmem>>
    %dma_start3A_504 = tpu.memref_squeeze %dma_start3A_503 : memref<1x8x128xf32, #tpu.memory_space<vmem>> -> memref<8x128xf32, #tpu.memory_space<vmem>>
    %dma_start3A_505 = arith.constant 16 : i32
    %dma_start3A_506 = tpu.memref_slice %arg2[%dma_start3A_505, %multiple_of3A_51] : memref<128x100000xf32, #tpu.memory_space<any>> -> memref<8x128xf32, #tpu.memory_space<any>>
    tpu.enqueue_dma source(%dma_start3A_506 : memref<8x128xf32, #tpu.memory_space<any>>) target(%dma_start3A_504 : memref<8x128xf32, #tpu.memory_space<vmem>>) target_semaphore(%arg7 : memref<!tpu.dma_semaphore, #tpu.memory_space<semaphore_mem>>)
    %dma_start3A_507 = arith.constant 18 : i32
    %dma_start3A_508 = arith.constant 0 : i32
    %dma_start3A_509 = arith.constant 0 : i32
    %dma_start3A_510 = tpu.memref_slice %arg6[%dma_start3A_507, %dma_start3A_508, %dma_start3A_509] : memref<128x8x128xf32, #tpu.memory_space<vmem>> -> memref<1x8x128xf32, #tpu.memory_space<vmem>>
    %dma_start3A_511 = tpu.memref_squeeze %dma_start3A_510 : memref<1x8x128xf32, #tpu.memory_space<vmem>> -> memref<8x128xf32, #tpu.memory_space<vmem>>
    %dma_start3A_512 = arith.constant 16 : i32
    %dma_start3A_513 = tpu.memref_slice %arg2[%dma_start3A_512, %multiple_of3A_54] : memref<128x100000xf32, #tpu.memory_space<any>> -> memref<8x128xf32, #tpu.memory_space<any>>
    tpu.enqueue_dma source(%dma_start3A_513 : memref<8x128xf32, #tpu.memory_space<any>>) target(%dma_start3A_511 : memref<8x128xf32, #tpu.memory_space<vmem>>) target_semaphore(%arg7 : memref<!tpu.dma_semaphore, #tpu.memory_space<semaphore_mem>>)
    %dma_start3A_514 = arith.constant 19 : i32
    %dma_start3A_515 = arith.constant 0 : i32
    %dma_start3A_516 = arith.constant 0 : i32
    %dma_start3A_517 = tpu.memref_slice %arg6[%dma_start3A_514, %dma_start3A_515, %dma_start3A_516] : memref<128x8x128xf32, #tpu.memory_space<vmem>> -> memref<1x8x128xf32, #tpu.memory_space<vmem>>
    %dma_start3A_518 = tpu.memref_squeeze %dma_start3A_517 : memref<1x8x128xf32, #tpu.memory_space<vmem>> -> memref<8x128xf32, #tpu.memory_space<vmem>>
    %dma_start3A_519 = arith.constant 16 : i32
    %dma_start3A_520 = tpu.memref_slice %arg2[%dma_start3A_519, %multiple_of3A_57] : memref<128x100000xf32, #tpu.memory_space<any>> -> memref<8x128xf32, #tpu.memory_space<any>>
    tpu.enqueue_dma source(%dma_start3A_520 : memref<8x128xf32, #tpu.memory_space<any>>) target(%dma_start3A_518 : memref<8x128xf32, #tpu.memory_space<vmem>>) target_semaphore(%arg7 : memref<!tpu.dma_semaphore, #tpu.memory_space<semaphore_mem>>)
    %dma_start3A_521 = arith.constant 20 : i32
    %dma_start3A_522 = arith.constant 0 : i32
    %dma_start3A_523 = arith.constant 0 : i32
    %dma_start3A_524 = tpu.memref_slice %arg6[%dma_start3A_521, %dma_start3A_522, %dma_start3A_523] : memref<128x8x128xf32, #tpu.memory_space<vmem>> -> memref<1x8x128xf32, #tpu.memory_space<vmem>>
    %dma_start3A_525 = tpu.memref_squeeze %dma_start3A_524 : memref<1x8x128xf32, #tpu.memory_space<vmem>> -> memref<8x128xf32, #tpu.memory_space<vmem>>
    %dma_start3A_526 = arith.constant 16 : i32
    %dma_start3A_527 = tpu.memref_slice %arg2[%dma_start3A_526, %multiple_of3A_60] : memref<128x100000xf32, #tpu.memory_space<any>> -> memref<8x128xf32, #tpu.memory_space<any>>
    tpu.enqueue_dma source(%dma_start3A_527 : memref<8x128xf32, #tpu.memory_space<any>>) target(%dma_start3A_525 : memref<8x128xf32, #tpu.memory_space<vmem>>) target_semaphore(%arg7 : memref<!tpu.dma_semaphore, #tpu.memory_space<semaphore_mem>>)
    %dma_start3A_528 = arith.constant 21 : i32
    %dma_start3A_529 = arith.constant 0 : i32
    %dma_start3A_530 = arith.constant 0 : i32
    %dma_start3A_531 = tpu.memref_slice %arg6[%dma_start3A_528, %dma_start3A_529, %dma_start3A_530] : memref<128x8x128xf32, #tpu.memory_space<vmem>> -> memref<1x8x128xf32, #tpu.memory_space<vmem>>
    %dma_start3A_532 = tpu.memref_squeeze %dma_start3A_531 : memref<1x8x128xf32, #tpu.memory_space<vmem>> -> memref<8x128xf32, #tpu.memory_space<vmem>>
    %dma_start3A_533 = arith.constant 16 : i32
    %dma_start3A_534 = tpu.memref_slice %arg2[%dma_start3A_533, %multiple_of3A_63] : memref<128x100000xf32, #tpu.memory_space<any>> -> memref<8x128xf32, #tpu.memory_space<any>>
    tpu.enqueue_dma source(%dma_start3A_534 : memref<8x128xf32, #tpu.memory_space<any>>) target(%dma_start3A_532 : memref<8x128xf32, #tpu.memory_space<vmem>>) target_semaphore(%arg7 : memref<!tpu.dma_semaphore, #tpu.memory_space<semaphore_mem>>)
    %dma_start3A_535 = arith.constant 22 : i32
    %dma_start3A_536 = arith.constant 0 : i32
    %dma_start3A_537 = arith.constant 0 : i32
    %dma_start3A_538 = tpu.memref_slice %arg6[%dma_start3A_535, %dma_start3A_536, %dma_start3A_537] : memref<128x8x128xf32, #tpu.memory_space<vmem>> -> memref<1x8x128xf32, #tpu.memory_space<vmem>>
    %dma_start3A_539 = tpu.memref_squeeze %dma_start3A_538 : memref<1x8x128xf32, #tpu.memory_space<vmem>> -> memref<8x128xf32, #tpu.memory_space<vmem>>
    %dma_start3A_540 = arith.constant 16 : i32
    %dma_start3A_541 = tpu.memref_slice %arg2[%dma_start3A_540, %multiple_of3A_66] : memref<128x100000xf32, #tpu.memory_space<any>> -> memref<8x128xf32, #tpu.memory_space<any>>
    tpu.enqueue_dma source(%dma_start3A_541 : memref<8x128xf32, #tpu.memory_space<any>>) target(%dma_start3A_539 : memref<8x128xf32, #tpu.memory_space<vmem>>) target_semaphore(%arg7 : memref<!tpu.dma_semaphore, #tpu.memory_space<semaphore_mem>>)
    %dma_start3A_542 = arith.constant 23 : i32
    %dma_start3A_543 = arith.constant 0 : i32
    %dma_start3A_544 = arith.constant 0 : i32
    %dma_start3A_545 = tpu.memref_slice %arg6[%dma_start3A_542, %dma_start3A_543, %dma_start3A_544] : memref<128x8x128xf32, #tpu.memory_space<vmem>> -> memref<1x8x128xf32, #tpu.memory_space<vmem>>
    %dma_start3A_546 = tpu.memref_squeeze %dma_start3A_545 : memref<1x8x128xf32, #tpu.memory_space<vmem>> -> memref<8x128xf32, #tpu.memory_space<vmem>>
    %dma_start3A_547 = arith.constant 16 : i32
    %dma_start3A_548 = tpu.memref_slice %arg2[%dma_start3A_547, %multiple_of3A_69] : memref<128x100000xf32, #tpu.memory_space<any>> -> memref<8x128xf32, #tpu.memory_space<any>>
    tpu.enqueue_dma source(%dma_start3A_548 : memref<8x128xf32, #tpu.memory_space<any>>) target(%dma_start3A_546 : memref<8x128xf32, #tpu.memory_space<vmem>>) target_semaphore(%arg7 : memref<!tpu.dma_semaphore, #tpu.memory_space<semaphore_mem>>)
    %dma_start3A_549 = arith.constant 24 : i32
    %dma_start3A_550 = arith.constant 0 : i32
    %dma_start3A_551 = arith.constant 0 : i32
    %dma_start3A_552 = tpu.memref_slice %arg6[%dma_start3A_549, %dma_start3A_550, %dma_start3A_551] : memref<128x8x128xf32, #tpu.memory_space<vmem>> -> memref<1x8x128xf32, #tpu.memory_space<vmem>>
    %dma_start3A_553 = tpu.memref_squeeze %dma_start3A_552 : memref<1x8x128xf32, #tpu.memory_space<vmem>> -> memref<8x128xf32, #tpu.memory_space<vmem>>
    %dma_start3A_554 = arith.constant 24 : i32
    %dma_start3A_555 = tpu.memref_slice %arg2[%dma_start3A_554, %multiple_of3A_72] : memref<128x100000xf32, #tpu.memory_space<any>> -> memref<8x128xf32, #tpu.memory_space<any>>
    tpu.enqueue_dma source(%dma_start3A_555 : memref<8x128xf32, #tpu.memory_space<any>>) target(%dma_start3A_553 : memref<8x128xf32, #tpu.memory_space<vmem>>) target_semaphore(%arg7 : memref<!tpu.dma_semaphore, #tpu.memory_space<semaphore_mem>>)
    %dma_start3A_556 = arith.constant 25 : i32
    %dma_start3A_557 = arith.constant 0 : i32
    %dma_start3A_558 = arith.constant 0 : i32
    %dma_start3A_559 = tpu.memref_slice %arg6[%dma_start3A_556, %dma_start3A_557, %dma_start3A_558] : memref<128x8x128xf32, #tpu.memory_space<vmem>> -> memref<1x8x128xf32, #tpu.memory_space<vmem>>
    %dma_start3A_560 = tpu.memref_squeeze %dma_start3A_559 : memref<1x8x128xf32, #tpu.memory_space<vmem>> -> memref<8x128xf32, #tpu.memory_space<vmem>>
    %dma_start3A_561 = arith.constant 24 : i32
    %dma_start3A_562 = tpu.memref_slice %arg2[%dma_start3A_561, %multiple_of3A_75] : memref<128x100000xf32, #tpu.memory_space<any>> -> memref<8x128xf32, #tpu.memory_space<any>>
    tpu.enqueue_dma source(%dma_start3A_562 : memref<8x128xf32, #tpu.memory_space<any>>) target(%dma_start3A_560 : memref<8x128xf32, #tpu.memory_space<vmem>>) target_semaphore(%arg7 : memref<!tpu.dma_semaphore, #tpu.memory_space<semaphore_mem>>)
    %dma_start3A_563 = arith.constant 26 : i32
    %dma_start3A_564 = arith.constant 0 : i32
    %dma_start3A_565 = arith.constant 0 : i32
    %dma_start3A_566 = tpu.memref_slice %arg6[%dma_start3A_563, %dma_start3A_564, %dma_start3A_565] : memref<128x8x128xf32, #tpu.memory_space<vmem>> -> memref<1x8x128xf32, #tpu.memory_space<vmem>>
    %dma_start3A_567 = tpu.memref_squeeze %dma_start3A_566 : memref<1x8x128xf32, #tpu.memory_space<vmem>> -> memref<8x128xf32, #tpu.memory_space<vmem>>
    %dma_start3A_568 = arith.constant 24 : i32
    %dma_start3A_569 = tpu.memref_slice %arg2[%dma_start3A_568, %multiple_of3A_78] : memref<128x100000xf32, #tpu.memory_space<any>> -> memref<8x128xf32, #tpu.memory_space<any>>
    tpu.enqueue_dma source(%dma_start3A_569 : memref<8x128xf32, #tpu.memory_space<any>>) target(%dma_start3A_567 : memref<8x128xf32, #tpu.memory_space<vmem>>) target_semaphore(%arg7 : memref<!tpu.dma_semaphore, #tpu.memory_space<semaphore_mem>>)
    %dma_start3A_570 = arith.constant 27 : i32
    %dma_start3A_571 = arith.constant 0 : i32
    %dma_start3A_572 = arith.constant 0 : i32
    %dma_start3A_573 = tpu.memref_slice %arg6[%dma_start3A_570, %dma_start3A_571, %dma_start3A_572] : memref<128x8x128xf32, #tpu.memory_space<vmem>> -> memref<1x8x128xf32, #tpu.memory_space<vmem>>
    %dma_start3A_574 = tpu.memref_squeeze %dma_start3A_573 : memref<1x8x128xf32, #tpu.memory_space<vmem>> -> memref<8x128xf32, #tpu.memory_space<vmem>>
    %dma_start3A_575 = arith.constant 24 : i32
    %dma_start3A_576 = tpu.memref_slice %arg2[%dma_start3A_575, %multiple_of3A_81] : memref<128x100000xf32, #tpu.memory_space<any>> -> memref<8x128xf32, #tpu.memory_space<any>>
    tpu.enqueue_dma source(%dma_start3A_576 : memref<8x128xf32, #tpu.memory_space<any>>) target(%dma_start3A_574 : memref<8x128xf32, #tpu.memory_space<vmem>>) target_semaphore(%arg7 : memref<!tpu.dma_semaphore, #tpu.memory_space<semaphore_mem>>)
    %dma_start3A_577 = arith.constant 28 : i32
    %dma_start3A_578 = arith.constant 0 : i32
    %dma_start3A_579 = arith.constant 0 : i32
    %dma_start3A_580 = tpu.memref_slice %arg6[%dma_start3A_577, %dma_start3A_578, %dma_start3A_579] : memref<128x8x128xf32, #tpu.memory_space<vmem>> -> memref<1x8x128xf32, #tpu.memory_space<vmem>>
    %dma_start3A_581 = tpu.memref_squeeze %dma_start3A_580 : memref<1x8x128xf32, #tpu.memory_space<vmem>> -> memref<8x128xf32, #tpu.memory_space<vmem>>
    %dma_start3A_582 = arith.constant 24 : i32
    %dma_start3A_583 = tpu.memref_slice %arg2[%dma_start3A_582, %multiple_of3A_84] : memref<128x100000xf32, #tpu.memory_space<any>> -> memref<8x128xf32, #tpu.memory_space<any>>
    tpu.enqueue_dma source(%dma_start3A_583 : memref<8x128xf32, #tpu.memory_space<any>>) target(%dma_start3A_581 : memref<8x128xf32, #tpu.memory_space<vmem>>) target_semaphore(%arg7 : memref<!tpu.dma_semaphore, #tpu.memory_space<semaphore_mem>>)
    %dma_start3A_584 = arith.constant 29 : i32
    %dma_start3A_585 = arith.constant 0 : i32
    %dma_start3A_586 = arith.constant 0 : i32
    %dma_start3A_587 = tpu.memref_slice %arg6[%dma_start3A_584, %dma_start3A_585, %dma_start3A_586] : memref<128x8x128xf32, #tpu.memory_space<vmem>> -> memref<1x8x128xf32, #tpu.memory_space<vmem>>
    %dma_start3A_588 = tpu.memref_squeeze %dma_start3A_587 : memref<1x8x128xf32, #tpu.memory_space<vmem>> -> memref<8x128xf32, #tpu.memory_space<vmem>>
    %dma_start3A_589 = arith.constant 24 : i32
    %dma_start3A_590 = tpu.memref_slice %arg2[%dma_start3A_589, %multiple_of3A_87] : memref<128x100000xf32, #tpu.memory_space<any>> -> memref<8x128xf32, #tpu.memory_space<any>>
    tpu.enqueue_dma source(%dma_start3A_590 : memref<8x128xf32, #tpu.memory_space<any>>) target(%dma_start3A_588 : memref<8x128xf32, #tpu.memory_space<vmem>>) target_semaphore(%arg7 : memref<!tpu.dma_semaphore, #tpu.memory_space<semaphore_mem>>)
    %dma_start3A_591 = arith.constant 30 : i32
    %dma_start3A_592 = arith.constant 0 : i32
    %dma_start3A_593 = arith.constant 0 : i32
    %dma_start3A_594 = tpu.memref_slice %arg6[%dma_start3A_591, %dma_start3A_592, %dma_start3A_593] : memref<128x8x128xf32, #tpu.memory_space<vmem>> -> memref<1x8x128xf32, #tpu.memory_space<vmem>>
    %dma_start3A_595 = tpu.memref_squeeze %dma_start3A_594 : memref<1x8x128xf32, #tpu.memory_space<vmem>> -> memref<8x128xf32, #tpu.memory_space<vmem>>
    %dma_start3A_596 = arith.constant 24 : i32
    %dma_start3A_597 = tpu.memref_slice %arg2[%dma_start3A_596, %multiple_of3A_90] : memref<128x100000xf32, #tpu.memory_space<any>> -> memref<8x128xf32, #tpu.memory_space<any>>
    tpu.enqueue_dma source(%dma_start3A_597 : memref<8x128xf32, #tpu.memory_space<any>>) target(%dma_start3A_595 : memref<8x128xf32, #tpu.memory_space<vmem>>) target_semaphore(%arg7 : memref<!tpu.dma_semaphore, #tpu.memory_space<semaphore_mem>>)
    %dma_start3A_598 = arith.constant 31 : i32
    %dma_start3A_599 = arith.constant 0 : i32
    %dma_start3A_600 = arith.constant 0 : i32
    %dma_start3A_601 = tpu.memref_slice %arg6[%dma_start3A_598, %dma_start3A_599, %dma_start3A_600] : memref<128x8x128xf32, #tpu.memory_space<vmem>> -> memref<1x8x128xf32, #tpu.memory_space<vmem>>
    %dma_start3A_602 = tpu.memref_squeeze %dma_start3A_601 : memref<1x8x128xf32, #tpu.memory_space<vmem>> -> memref<8x128xf32, #tpu.memory_space<vmem>>
    %dma_start3A_603 = arith.constant 24 : i32
    %dma_start3A_604 = tpu.memref_slice %arg2[%dma_start3A_603, %multiple_of3A_93] : memref<128x100000xf32, #tpu.memory_space<any>> -> memref<8x128xf32, #tpu.memory_space<any>>
    tpu.enqueue_dma source(%dma_start3A_604 : memref<8x128xf32, #tpu.memory_space<any>>) target(%dma_start3A_602 : memref<8x128xf32, #tpu.memory_space<vmem>>) target_semaphore(%arg7 : memref<!tpu.dma_semaphore, #tpu.memory_space<semaphore_mem>>)
    %dma_start3A_605 = arith.constant 32 : i32
    %dma_start3A_606 = arith.constant 0 : i32
    %dma_start3A_607 = arith.constant 0 : i32
    %dma_start3A_608 = tpu.memref_slice %arg6[%dma_start3A_605, %dma_start3A_606, %dma_start3A_607] : memref<128x8x128xf32, #tpu.memory_space<vmem>> -> memref<1x8x128xf32, #tpu.memory_space<vmem>>
    %dma_start3A_609 = tpu.memref_squeeze %dma_start3A_608 : memref<1x8x128xf32, #tpu.memory_space<vmem>> -> memref<8x128xf32, #tpu.memory_space<vmem>>
    %dma_start3A_610 = arith.constant 32 : i32
    %dma_start3A_611 = tpu.memref_slice %arg2[%dma_start3A_610, %multiple_of3A_96] : memref<128x100000xf32, #tpu.memory_space<any>> -> memref<8x128xf32, #tpu.memory_space<any>>
    tpu.enqueue_dma source(%dma_start3A_611 : memref<8x128xf32, #tpu.memory_space<any>>) target(%dma_start3A_609 : memref<8x128xf32, #tpu.memory_space<vmem>>) target_semaphore(%arg7 : memref<!tpu.dma_semaphore, #tpu.memory_space<semaphore_mem>>)
    %dma_start3A_612 = arith.constant 33 : i32
    %dma_start3A_613 = arith.constant 0 : i32
    %dma_start3A_614 = arith.constant 0 : i32
    %dma_start3A_615 = tpu.memref_slice %arg6[%dma_start3A_612, %dma_start3A_613, %dma_start3A_614] : memref<128x8x128xf32, #tpu.memory_space<vmem>> -> memref<1x8x128xf32, #tpu.memory_space<vmem>>
    %dma_start3A_616 = tpu.memref_squeeze %dma_start3A_615 : memref<1x8x128xf32, #tpu.memory_space<vmem>> -> memref<8x128xf32, #tpu.memory_space<vmem>>
    %dma_start3A_617 = arith.constant 32 : i32
    %dma_start3A_618 = tpu.memref_slice %arg2[%dma_start3A_617, %multiple_of3A_99] : memref<128x100000xf32, #tpu.memory_space<any>> -> memref<8x128xf32, #tpu.memory_space<any>>
    tpu.enqueue_dma source(%dma_start3A_618 : memref<8x128xf32, #tpu.memory_space<any>>) target(%dma_start3A_616 : memref<8x128xf32, #tpu.memory_space<vmem>>) target_semaphore(%arg7 : memref<!tpu.dma_semaphore, #tpu.memory_space<semaphore_mem>>)
    %dma_start3A_619 = arith.constant 34 : i32
    %dma_start3A_620 = arith.constant 0 : i32
    %dma_start3A_621 = arith.constant 0 : i32
    %dma_start3A_622 = tpu.memref_slice %arg6[%dma_start3A_619, %dma_start3A_620, %dma_start3A_621] : memref<128x8x128xf32, #tpu.memory_space<vmem>> -> memref<1x8x128xf32, #tpu.memory_space<vmem>>
    %dma_start3A_623 = tpu.memref_squeeze %dma_start3A_622 : memref<1x8x128xf32, #tpu.memory_space<vmem>> -> memref<8x128xf32, #tpu.memory_space<vmem>>
    %dma_start3A_624 = arith.constant 32 : i32
    %dma_start3A_625 = tpu.memref_slice %arg2[%dma_start3A_624, %multiple_of3A_102] : memref<128x100000xf32, #tpu.memory_space<any>> -> memref<8x128xf32, #tpu.memory_space<any>>
    tpu.enqueue_dma source(%dma_start3A_625 : memref<8x128xf32, #tpu.memory_space<any>>) target(%dma_start3A_623 : memref<8x128xf32, #tpu.memory_space<vmem>>) target_semaphore(%arg7 : memref<!tpu.dma_semaphore, #tpu.memory_space<semaphore_mem>>)
    %dma_start3A_626 = arith.constant 35 : i32
    %dma_start3A_627 = arith.constant 0 : i32
    %dma_start3A_628 = arith.constant 0 : i32
    %dma_start3A_629 = tpu.memref_slice %arg6[%dma_start3A_626, %dma_start3A_627, %dma_start3A_628] : memref<128x8x128xf32, #tpu.memory_space<vmem>> -> memref<1x8x128xf32, #tpu.memory_space<vmem>>
    %dma_start3A_630 = tpu.memref_squeeze %dma_start3A_629 : memref<1x8x128xf32, #tpu.memory_space<vmem>> -> memref<8x128xf32, #tpu.memory_space<vmem>>
    %dma_start3A_631 = arith.constant 32 : i32
    %dma_start3A_632 = tpu.memref_slice %arg2[%dma_start3A_631, %multiple_of3A_105] : memref<128x100000xf32, #tpu.memory_space<any>> -> memref<8x128xf32, #tpu.memory_space<any>>
    tpu.enqueue_dma source(%dma_start3A_632 : memref<8x128xf32, #tpu.memory_space<any>>) target(%dma_start3A_630 : memref<8x128xf32, #tpu.memory_space<vmem>>) target_semaphore(%arg7 : memref<!tpu.dma_semaphore, #tpu.memory_space<semaphore_mem>>)
    %dma_start3A_633 = arith.constant 36 : i32
    %dma_start3A_634 = arith.constant 0 : i32
    %dma_start3A_635 = arith.constant 0 : i32
    %dma_start3A_636 = tpu.memref_slice %arg6[%dma_start3A_633, %dma_start3A_634, %dma_start3A_635] : memref<128x8x128xf32, #tpu.memory_space<vmem>> -> memref<1x8x128xf32, #tpu.memory_space<vmem>>
    %dma_start3A_637 = tpu.memref_squeeze %dma_start3A_636 : memref<1x8x128xf32, #tpu.memory_space<vmem>> -> memref<8x128xf32, #tpu.memory_space<vmem>>
    %dma_start3A_638 = arith.constant 32 : i32
    %dma_start3A_639 = tpu.memref_slice %arg2[%dma_start3A_638, %multiple_of3A_108] : memref<128x100000xf32, #tpu.memory_space<any>> -> memref<8x128xf32, #tpu.memory_space<any>>
    tpu.enqueue_dma source(%dma_start3A_639 : memref<8x128xf32, #tpu.memory_space<any>>) target(%dma_start3A_637 : memref<8x128xf32, #tpu.memory_space<vmem>>) target_semaphore(%arg7 : memref<!tpu.dma_semaphore, #tpu.memory_space<semaphore_mem>>)
    %dma_start3A_640 = arith.constant 37 : i32
    %dma_start3A_641 = arith.constant 0 : i32
    %dma_start3A_642 = arith.constant 0 : i32
    %dma_start3A_643 = tpu.memref_slice %arg6[%dma_start3A_640, %dma_start3A_641, %dma_start3A_642] : memref<128x8x128xf32, #tpu.memory_space<vmem>> -> memref<1x8x128xf32, #tpu.memory_space<vmem>>
    %dma_start3A_644 = tpu.memref_squeeze %dma_start3A_643 : memref<1x8x128xf32, #tpu.memory_space<vmem>> -> memref<8x128xf32, #tpu.memory_space<vmem>>
    %dma_start3A_645 = arith.constant 32 : i32
    %dma_start3A_646 = tpu.memref_slice %arg2[%dma_start3A_645, %multiple_of3A_111] : memref<128x100000xf32, #tpu.memory_space<any>> -> memref<8x128xf32, #tpu.memory_space<any>>
    tpu.enqueue_dma source(%dma_start3A_646 : memref<8x128xf32, #tpu.memory_space<any>>) target(%dma_start3A_644 : memref<8x128xf32, #tpu.memory_space<vmem>>) target_semaphore(%arg7 : memref<!tpu.dma_semaphore, #tpu.memory_space<semaphore_mem>>)
    %dma_start3A_647 = arith.constant 38 : i32
    %dma_start3A_648 = arith.constant 0 : i32
    %dma_start3A_649 = arith.constant 0 : i32
    %dma_start3A_650 = tpu.memref_slice %arg6[%dma_start3A_647, %dma_start3A_648, %dma_start3A_649] : memref<128x8x128xf32, #tpu.memory_space<vmem>> -> memref<1x8x128xf32, #tpu.memory_space<vmem>>
    %dma_start3A_651 = tpu.memref_squeeze %dma_start3A_650 : memref<1x8x128xf32, #tpu.memory_space<vmem>> -> memref<8x128xf32, #tpu.memory_space<vmem>>
    %dma_start3A_652 = arith.constant 32 : i32
    %dma_start3A_653 = tpu.memref_slice %arg2[%dma_start3A_652, %multiple_of3A_114] : memref<128x100000xf32, #tpu.memory_space<any>> -> memref<8x128xf32, #tpu.memory_space<any>>
    tpu.enqueue_dma source(%dma_start3A_653 : memref<8x128xf32, #tpu.memory_space<any>>) target(%dma_start3A_651 : memref<8x128xf32, #tpu.memory_space<vmem>>) target_semaphore(%arg7 : memref<!tpu.dma_semaphore, #tpu.memory_space<semaphore_mem>>)
    %dma_start3A_654 = arith.constant 39 : i32
    %dma_start3A_655 = arith.constant 0 : i32
    %dma_start3A_656 = arith.constant 0 : i32
    %dma_start3A_657 = tpu.memref_slice %arg6[%dma_start3A_654, %dma_start3A_655, %dma_start3A_656] : memref<128x8x128xf32, #tpu.memory_space<vmem>> -> memref<1x8x128xf32, #tpu.memory_space<vmem>>
    %dma_start3A_658 = tpu.memref_squeeze %dma_start3A_657 : memref<1x8x128xf32, #tpu.memory_space<vmem>> -> memref<8x128xf32, #tpu.memory_space<vmem>>
    %dma_start3A_659 = arith.constant 32 : i32
    %dma_start3A_660 = tpu.memref_slice %arg2[%dma_start3A_659, %multiple_of3A_117] : memref<128x100000xf32, #tpu.memory_space<any>> -> memref<8x128xf32, #tpu.memory_space<any>>
    tpu.enqueue_dma source(%dma_start3A_660 : memref<8x128xf32, #tpu.memory_space<any>>) target(%dma_start3A_658 : memref<8x128xf32, #tpu.memory_space<vmem>>) target_semaphore(%arg7 : memref<!tpu.dma_semaphore, #tpu.memory_space<semaphore_mem>>)
    %dma_start3A_661 = arith.constant 40 : i32
    %dma_start3A_662 = arith.constant 0 : i32
    %dma_start3A_663 = arith.constant 0 : i32
    %dma_start3A_664 = tpu.memref_slice %arg6[%dma_start3A_661, %dma_start3A_662, %dma_start3A_663] : memref<128x8x128xf32, #tpu.memory_space<vmem>> -> memref<1x8x128xf32, #tpu.memory_space<vmem>>
    %dma_start3A_665 = tpu.memref_squeeze %dma_start3A_664 : memref<1x8x128xf32, #tpu.memory_space<vmem>> -> memref<8x128xf32, #tpu.memory_space<vmem>>
    %dma_start3A_666 = arith.constant 40 : i32
    %dma_start3A_667 = tpu.memref_slice %arg2[%dma_start3A_666, %multiple_of3A_120] : memref<128x100000xf32, #tpu.memory_space<any>> -> memref<8x128xf32, #tpu.memory_space<any>>
    tpu.enqueue_dma source(%dma_start3A_667 : memref<8x128xf32, #tpu.memory_space<any>>) target(%dma_start3A_665 : memref<8x128xf32, #tpu.memory_space<vmem>>) target_semaphore(%arg7 : memref<!tpu.dma_semaphore, #tpu.memory_space<semaphore_mem>>)
    %dma_start3A_668 = arith.constant 41 : i32
    %dma_start3A_669 = arith.constant 0 : i32
    %dma_start3A_670 = arith.constant 0 : i32
    %dma_start3A_671 = tpu.memref_slice %arg6[%dma_start3A_668, %dma_start3A_669, %dma_start3A_670] : memref<128x8x128xf32, #tpu.memory_space<vmem>> -> memref<1x8x128xf32, #tpu.memory_space<vmem>>
    %dma_start3A_672 = tpu.memref_squeeze %dma_start3A_671 : memref<1x8x128xf32, #tpu.memory_space<vmem>> -> memref<8x128xf32, #tpu.memory_space<vmem>>
    %dma_start3A_673 = arith.constant 40 : i32
    %dma_start3A_674 = tpu.memref_slice %arg2[%dma_start3A_673, %multiple_of3A_123] : memref<128x100000xf32, #tpu.memory_space<any>> -> memref<8x128xf32, #tpu.memory_space<any>>
    tpu.enqueue_dma source(%dma_start3A_674 : memref<8x128xf32, #tpu.memory_space<any>>) target(%dma_start3A_672 : memref<8x128xf32, #tpu.memory_space<vmem>>) target_semaphore(%arg7 : memref<!tpu.dma_semaphore, #tpu.memory_space<semaphore_mem>>)
    %dma_start3A_675 = arith.constant 42 : i32
    %dma_start3A_676 = arith.constant 0 : i32
    %dma_start3A_677 = arith.constant 0 : i32
    %dma_start3A_678 = tpu.memref_slice %arg6[%dma_start3A_675, %dma_start3A_676, %dma_start3A_677] : memref<128x8x128xf32, #tpu.memory_space<vmem>> -> memref<1x8x128xf32, #tpu.memory_space<vmem>>
    %dma_start3A_679 = tpu.memref_squeeze %dma_start3A_678 : memref<1x8x128xf32, #tpu.memory_space<vmem>> -> memref<8x128xf32, #tpu.memory_space<vmem>>
    %dma_start3A_680 = arith.constant 40 : i32
    %dma_start3A_681 = tpu.memref_slice %arg2[%dma_start3A_680, %multiple_of3A_126] : memref<128x100000xf32, #tpu.memory_space<any>> -> memref<8x128xf32, #tpu.memory_space<any>>
    tpu.enqueue_dma source(%dma_start3A_681 : memref<8x128xf32, #tpu.memory_space<any>>) target(%dma_start3A_679 : memref<8x128xf32, #tpu.memory_space<vmem>>) target_semaphore(%arg7 : memref<!tpu.dma_semaphore, #tpu.memory_space<semaphore_mem>>)
    %dma_start3A_682 = arith.constant 43 : i32
    %dma_start3A_683 = arith.constant 0 : i32
    %dma_start3A_684 = arith.constant 0 : i32
    %dma_start3A_685 = tpu.memref_slice %arg6[%dma_start3A_682, %dma_start3A_683, %dma_start3A_684] : memref<128x8x128xf32, #tpu.memory_space<vmem>> -> memref<1x8x128xf32, #tpu.memory_space<vmem>>
    %dma_start3A_686 = tpu.memref_squeeze %dma_start3A_685 : memref<1x8x128xf32, #tpu.memory_space<vmem>> -> memref<8x128xf32, #tpu.memory_space<vmem>>
    %dma_start3A_687 = arith.constant 40 : i32
    %dma_start3A_688 = tpu.memref_slice %arg2[%dma_start3A_687, %multiple_of3A_129] : memref<128x100000xf32, #tpu.memory_space<any>> -> memref<8x128xf32, #tpu.memory_space<any>>
    tpu.enqueue_dma source(%dma_start3A_688 : memref<8x128xf32, #tpu.memory_space<any>>) target(%dma_start3A_686 : memref<8x128xf32, #tpu.memory_space<vmem>>) target_semaphore(%arg7 : memref<!tpu.dma_semaphore, #tpu.memory_space<semaphore_mem>>)
    %dma_start3A_689 = arith.constant 44 : i32
    %dma_start3A_690 = arith.constant 0 : i32
    %dma_start3A_691 = arith.constant 0 : i32
    %dma_start3A_692 = tpu.memref_slice %arg6[%dma_start3A_689, %dma_start3A_690, %dma_start3A_691] : memref<128x8x128xf32, #tpu.memory_space<vmem>> -> memref<1x8x128xf32, #tpu.memory_space<vmem>>
    %dma_start3A_693 = tpu.memref_squeeze %dma_start3A_692 : memref<1x8x128xf32, #tpu.memory_space<vmem>> -> memref<8x128xf32, #tpu.memory_space<vmem>>
    %dma_start3A_694 = arith.constant 40 : i32
    %dma_start3A_695 = tpu.memref_slice %arg2[%dma_start3A_694, %multiple_of3A_132] : memref<128x100000xf32, #tpu.memory_space<any>> -> memref<8x128xf32, #tpu.memory_space<any>>
    tpu.enqueue_dma source(%dma_start3A_695 : memref<8x128xf32, #tpu.memory_space<any>>) target(%dma_start3A_693 : memref<8x128xf32, #tpu.memory_space<vmem>>) target_semaphore(%arg7 : memref<!tpu.dma_semaphore, #tpu.memory_space<semaphore_mem>>)
    %dma_start3A_696 = arith.constant 45 : i32
    %dma_start3A_697 = arith.constant 0 : i32
    %dma_start3A_698 = arith.constant 0 : i32
    %dma_start3A_699 = tpu.memref_slice %arg6[%dma_start3A_696, %dma_start3A_697, %dma_start3A_698] : memref<128x8x128xf32, #tpu.memory_space<vmem>> -> memref<1x8x128xf32, #tpu.memory_space<vmem>>
    %dma_start3A_700 = tpu.memref_squeeze %dma_start3A_699 : memref<1x8x128xf32, #tpu.memory_space<vmem>> -> memref<8x128xf32, #tpu.memory_space<vmem>>
    %dma_start3A_701 = arith.constant 40 : i32
    %dma_start3A_702 = tpu.memref_slice %arg2[%dma_start3A_701, %multiple_of3A_135] : memref<128x100000xf32, #tpu.memory_space<any>> -> memref<8x128xf32, #tpu.memory_space<any>>
    tpu.enqueue_dma source(%dma_start3A_702 : memref<8x128xf32, #tpu.memory_space<any>>) target(%dma_start3A_700 : memref<8x128xf32, #tpu.memory_space<vmem>>) target_semaphore(%arg7 : memref<!tpu.dma_semaphore, #tpu.memory_space<semaphore_mem>>)
    %dma_start3A_703 = arith.constant 46 : i32
    %dma_start3A_704 = arith.constant 0 : i32
    %dma_start3A_705 = arith.constant 0 : i32
    %dma_start3A_706 = tpu.memref_slice %arg6[%dma_start3A_703, %dma_start3A_704, %dma_start3A_705] : memref<128x8x128xf32, #tpu.memory_space<vmem>> -> memref<1x8x128xf32, #tpu.memory_space<vmem>>
    %dma_start3A_707 = tpu.memref_squeeze %dma_start3A_706 : memref<1x8x128xf32, #tpu.memory_space<vmem>> -> memref<8x128xf32, #tpu.memory_space<vmem>>
    %dma_start3A_708 = arith.constant 40 : i32
    %dma_start3A_709 = tpu.memref_slice %arg2[%dma_start3A_708, %multiple_of3A_138] : memref<128x100000xf32, #tpu.memory_space<any>> -> memref<8x128xf32, #tpu.memory_space<any>>
    tpu.enqueue_dma source(%dma_start3A_709 : memref<8x128xf32, #tpu.memory_space<any>>) target(%dma_start3A_707 : memref<8x128xf32, #tpu.memory_space<vmem>>) target_semaphore(%arg7 : memref<!tpu.dma_semaphore, #tpu.memory_space<semaphore_mem>>)
    %dma_start3A_710 = arith.constant 47 : i32
    %dma_start3A_711 = arith.constant 0 : i32
    %dma_start3A_712 = arith.constant 0 : i32
    %dma_start3A_713 = tpu.memref_slice %arg6[%dma_start3A_710, %dma_start3A_711, %dma_start3A_712] : memref<128x8x128xf32, #tpu.memory_space<vmem>> -> memref<1x8x128xf32, #tpu.memory_space<vmem>>
    %dma_start3A_714 = tpu.memref_squeeze %dma_start3A_713 : memref<1x8x128xf32, #tpu.memory_space<vmem>> -> memref<8x128xf32, #tpu.memory_space<vmem>>
    %dma_start3A_715 = arith.constant 40 : i32
    %dma_start3A_716 = tpu.memref_slice %arg2[%dma_start3A_715, %multiple_of3A_141] : memref<128x100000xf32, #tpu.memory_space<any>> -> memref<8x128xf32, #tpu.memory_space<any>>
    tpu.enqueue_dma source(%dma_start3A_716 : memref<8x128xf32, #tpu.memory_space<any>>) target(%dma_start3A_714 : memref<8x128xf32, #tpu.memory_space<vmem>>) target_semaphore(%arg7 : memref<!tpu.dma_semaphore, #tpu.memory_space<semaphore_mem>>)
    %dma_start3A_717 = arith.constant 48 : i32
    %dma_start3A_718 = arith.constant 0 : i32
    %dma_start3A_719 = arith.constant 0 : i32
    %dma_start3A_720 = tpu.memref_slice %arg6[%dma_start3A_717, %dma_start3A_718, %dma_start3A_719] : memref<128x8x128xf32, #tpu.memory_space<vmem>> -> memref<1x8x128xf32, #tpu.memory_space<vmem>>
    %dma_start3A_721 = tpu.memref_squeeze %dma_start3A_720 : memref<1x8x128xf32, #tpu.memory_space<vmem>> -> memref<8x128xf32, #tpu.memory_space<vmem>>
    %dma_start3A_722 = arith.constant 48 : i32
    %dma_start3A_723 = tpu.memref_slice %arg2[%dma_start3A_722, %multiple_of3A_144] : memref<128x100000xf32, #tpu.memory_space<any>> -> memref<8x128xf32, #tpu.memory_space<any>>
    tpu.enqueue_dma source(%dma_start3A_723 : memref<8x128xf32, #tpu.memory_space<any>>) target(%dma_start3A_721 : memref<8x128xf32, #tpu.memory_space<vmem>>) target_semaphore(%arg7 : memref<!tpu.dma_semaphore, #tpu.memory_space<semaphore_mem>>)
    %dma_start3A_724 = arith.constant 49 : i32
    %dma_start3A_725 = arith.constant 0 : i32
    %dma_start3A_726 = arith.constant 0 : i32
    %dma_start3A_727 = tpu.memref_slice %arg6[%dma_start3A_724, %dma_start3A_725, %dma_start3A_726] : memref<128x8x128xf32, #tpu.memory_space<vmem>> -> memref<1x8x128xf32, #tpu.memory_space<vmem>>
    %dma_start3A_728 = tpu.memref_squeeze %dma_start3A_727 : memref<1x8x128xf32, #tpu.memory_space<vmem>> -> memref<8x128xf32, #tpu.memory_space<vmem>>
    %dma_start3A_729 = arith.constant 48 : i32
    %dma_start3A_730 = tpu.memref_slice %arg2[%dma_start3A_729, %multiple_of3A_147] : memref<128x100000xf32, #tpu.memory_space<any>> -> memref<8x128xf32, #tpu.memory_space<any>>
    tpu.enqueue_dma source(%dma_start3A_730 : memref<8x128xf32, #tpu.memory_space<any>>) target(%dma_start3A_728 : memref<8x128xf32, #tpu.memory_space<vmem>>) target_semaphore(%arg7 : memref<!tpu.dma_semaphore, #tpu.memory_space<semaphore_mem>>)
    %dma_start3A_731 = arith.constant 50 : i32
    %dma_start3A_732 = arith.constant 0 : i32
    %dma_start3A_733 = arith.constant 0 : i32
    %dma_start3A_734 = tpu.memref_slice %arg6[%dma_start3A_731, %dma_start3A_732, %dma_start3A_733] : memref<128x8x128xf32, #tpu.memory_space<vmem>> -> memref<1x8x128xf32, #tpu.memory_space<vmem>>
    %dma_start3A_735 = tpu.memref_squeeze %dma_start3A_734 : memref<1x8x128xf32, #tpu.memory_space<vmem>> -> memref<8x128xf32, #tpu.memory_space<vmem>>
    %dma_start3A_736 = arith.constant 48 : i32
    %dma_start3A_737 = tpu.memref_slice %arg2[%dma_start3A_736, %multiple_of3A_150] : memref<128x100000xf32, #tpu.memory_space<any>> -> memref<8x128xf32, #tpu.memory_space<any>>
    tpu.enqueue_dma source(%dma_start3A_737 : memref<8x128xf32, #tpu.memory_space<any>>) target(%dma_start3A_735 : memref<8x128xf32, #tpu.memory_space<vmem>>) target_semaphore(%arg7 : memref<!tpu.dma_semaphore, #tpu.memory_space<semaphore_mem>>)
    %dma_start3A_738 = arith.constant 51 : i32
    %dma_start3A_739 = arith.constant 0 : i32
    %dma_start3A_740 = arith.constant 0 : i32
    %dma_start3A_741 = tpu.memref_slice %arg6[%dma_start3A_738, %dma_start3A_739, %dma_start3A_740] : memref<128x8x128xf32, #tpu.memory_space<vmem>> -> memref<1x8x128xf32, #tpu.memory_space<vmem>>
    %dma_start3A_742 = tpu.memref_squeeze %dma_start3A_741 : memref<1x8x128xf32, #tpu.memory_space<vmem>> -> memref<8x128xf32, #tpu.memory_space<vmem>>
    %dma_start3A_743 = arith.constant 48 : i32
    %dma_start3A_744 = tpu.memref_slice %arg2[%dma_start3A_743, %multiple_of3A_153] : memref<128x100000xf32, #tpu.memory_space<any>> -> memref<8x128xf32, #tpu.memory_space<any>>
    tpu.enqueue_dma source(%dma_start3A_744 : memref<8x128xf32, #tpu.memory_space<any>>) target(%dma_start3A_742 : memref<8x128xf32, #tpu.memory_space<vmem>>) target_semaphore(%arg7 : memref<!tpu.dma_semaphore, #tpu.memory_space<semaphore_mem>>)
    %dma_start3A_745 = arith.constant 52 : i32
    %dma_start3A_746 = arith.constant 0 : i32
    %dma_start3A_747 = arith.constant 0 : i32
    %dma_start3A_748 = tpu.memref_slice %arg6[%dma_start3A_745, %dma_start3A_746, %dma_start3A_747] : memref<128x8x128xf32, #tpu.memory_space<vmem>> -> memref<1x8x128xf32, #tpu.memory_space<vmem>>
    %dma_start3A_749 = tpu.memref_squeeze %dma_start3A_748 : memref<1x8x128xf32, #tpu.memory_space<vmem>> -> memref<8x128xf32, #tpu.memory_space<vmem>>
    %dma_start3A_750 = arith.constant 48 : i32
    %dma_start3A_751 = tpu.memref_slice %arg2[%dma_start3A_750, %multiple_of3A_156] : memref<128x100000xf32, #tpu.memory_space<any>> -> memref<8x128xf32, #tpu.memory_space<any>>
    tpu.enqueue_dma source(%dma_start3A_751 : memref<8x128xf32, #tpu.memory_space<any>>) target(%dma_start3A_749 : memref<8x128xf32, #tpu.memory_space<vmem>>) target_semaphore(%arg7 : memref<!tpu.dma_semaphore, #tpu.memory_space<semaphore_mem>>)
    %dma_start3A_752 = arith.constant 53 : i32
    %dma_start3A_753 = arith.constant 0 : i32
    %dma_start3A_754 = arith.constant 0 : i32
    %dma_start3A_755 = tpu.memref_slice %arg6[%dma_start3A_752, %dma_start3A_753, %dma_start3A_754] : memref<128x8x128xf32, #tpu.memory_space<vmem>> -> memref<1x8x128xf32, #tpu.memory_space<vmem>>
    %dma_start3A_756 = tpu.memref_squeeze %dma_start3A_755 : memref<1x8x128xf32, #tpu.memory_space<vmem>> -> memref<8x128xf32, #tpu.memory_space<vmem>>
    %dma_start3A_757 = arith.constant 48 : i32
    %dma_start3A_758 = tpu.memref_slice %arg2[%dma_start3A_757, %multiple_of3A_159] : memref<128x100000xf32, #tpu.memory_space<any>> -> memref<8x128xf32, #tpu.memory_space<any>>
    tpu.enqueue_dma source(%dma_start3A_758 : memref<8x128xf32, #tpu.memory_space<any>>) target(%dma_start3A_756 : memref<8x128xf32, #tpu.memory_space<vmem>>) target_semaphore(%arg7 : memref<!tpu.dma_semaphore, #tpu.memory_space<semaphore_mem>>)
    %dma_start3A_759 = arith.constant 54 : i32
    %dma_start3A_760 = arith.constant 0 : i32
    %dma_start3A_761 = arith.constant 0 : i32
    %dma_start3A_762 = tpu.memref_slice %arg6[%dma_start3A_759, %dma_start3A_760, %dma_start3A_761] : memref<128x8x128xf32, #tpu.memory_space<vmem>> -> memref<1x8x128xf32, #tpu.memory_space<vmem>>
    %dma_start3A_763 = tpu.memref_squeeze %dma_start3A_762 : memref<1x8x128xf32, #tpu.memory_space<vmem>> -> memref<8x128xf32, #tpu.memory_space<vmem>>
    %dma_start3A_764 = arith.constant 48 : i32
    %dma_start3A_765 = tpu.memref_slice %arg2[%dma_start3A_764, %multiple_of3A_162] : memref<128x100000xf32, #tpu.memory_space<any>> -> memref<8x128xf32, #tpu.memory_space<any>>
    tpu.enqueue_dma source(%dma_start3A_765 : memref<8x128xf32, #tpu.memory_space<any>>) target(%dma_start3A_763 : memref<8x128xf32, #tpu.memory_space<vmem>>) target_semaphore(%arg7 : memref<!tpu.dma_semaphore, #tpu.memory_space<semaphore_mem>>)
    %dma_start3A_766 = arith.constant 55 : i32
    %dma_start3A_767 = arith.constant 0 : i32
    %dma_start3A_768 = arith.constant 0 : i32
    %dma_start3A_769 = tpu.memref_slice %arg6[%dma_start3A_766, %dma_start3A_767, %dma_start3A_768] : memref<128x8x128xf32, #tpu.memory_space<vmem>> -> memref<1x8x128xf32, #tpu.memory_space<vmem>>
    %dma_start3A_770 = tpu.memref_squeeze %dma_start3A_769 : memref<1x8x128xf32, #tpu.memory_space<vmem>> -> memref<8x128xf32, #tpu.memory_space<vmem>>
    %dma_start3A_771 = arith.constant 48 : i32
    %dma_start3A_772 = tpu.memref_slice %arg2[%dma_start3A_771, %multiple_of3A_165] : memref<128x100000xf32, #tpu.memory_space<any>> -> memref<8x128xf32, #tpu.memory_space<any>>
    tpu.enqueue_dma source(%dma_start3A_772 : memref<8x128xf32, #tpu.memory_space<any>>) target(%dma_start3A_770 : memref<8x128xf32, #tpu.memory_space<vmem>>) target_semaphore(%arg7 : memref<!tpu.dma_semaphore, #tpu.memory_space<semaphore_mem>>)
    %dma_start3A_773 = arith.constant 56 : i32
    %dma_start3A_774 = arith.constant 0 : i32
    %dma_start3A_775 = arith.constant 0 : i32
    %dma_start3A_776 = tpu.memref_slice %arg6[%dma_start3A_773, %dma_start3A_774, %dma_start3A_775] : memref<128x8x128xf32, #tpu.memory_space<vmem>> -> memref<1x8x128xf32, #tpu.memory_space<vmem>>
    %dma_start3A_777 = tpu.memref_squeeze %dma_start3A_776 : memref<1x8x128xf32, #tpu.memory_space<vmem>> -> memref<8x128xf32, #tpu.memory_space<vmem>>
    %dma_start3A_778 = arith.constant 56 : i32
    %dma_start3A_779 = tpu.memref_slice %arg2[%dma_start3A_778, %multiple_of3A_168] : memref<128x100000xf32, #tpu.memory_space<any>> -> memref<8x128xf32, #tpu.memory_space<any>>
    tpu.enqueue_dma source(%dma_start3A_779 : memref<8x128xf32, #tpu.memory_space<any>>) target(%dma_start3A_777 : memref<8x128xf32, #tpu.memory_space<vmem>>) target_semaphore(%arg7 : memref<!tpu.dma_semaphore, #tpu.memory_space<semaphore_mem>>)
    %dma_start3A_780 = arith.constant 57 : i32
    %dma_start3A_781 = arith.constant 0 : i32
    %dma_start3A_782 = arith.constant 0 : i32
    %dma_start3A_783 = tpu.memref_slice %arg6[%dma_start3A_780, %dma_start3A_781, %dma_start3A_782] : memref<128x8x128xf32, #tpu.memory_space<vmem>> -> memref<1x8x128xf32, #tpu.memory_space<vmem>>
    %dma_start3A_784 = tpu.memref_squeeze %dma_start3A_783 : memref<1x8x128xf32, #tpu.memory_space<vmem>> -> memref<8x128xf32, #tpu.memory_space<vmem>>
    %dma_start3A_785 = arith.constant 56 : i32
    %dma_start3A_786 = tpu.memref_slice %arg2[%dma_start3A_785, %multiple_of3A_171] : memref<128x100000xf32, #tpu.memory_space<any>> -> memref<8x128xf32, #tpu.memory_space<any>>
    tpu.enqueue_dma source(%dma_start3A_786 : memref<8x128xf32, #tpu.memory_space<any>>) target(%dma_start3A_784 : memref<8x128xf32, #tpu.memory_space<vmem>>) target_semaphore(%arg7 : memref<!tpu.dma_semaphore, #tpu.memory_space<semaphore_mem>>)
    %dma_start3A_787 = arith.constant 58 : i32
    %dma_start3A_788 = arith.constant 0 : i32
    %dma_start3A_789 = arith.constant 0 : i32
    %dma_start3A_790 = tpu.memref_slice %arg6[%dma_start3A_787, %dma_start3A_788, %dma_start3A_789] : memref<128x8x128xf32, #tpu.memory_space<vmem>> -> memref<1x8x128xf32, #tpu.memory_space<vmem>>
    %dma_start3A_791 = tpu.memref_squeeze %dma_start3A_790 : memref<1x8x128xf32, #tpu.memory_space<vmem>> -> memref<8x128xf32, #tpu.memory_space<vmem>>
    %dma_start3A_792 = arith.constant 56 : i32
    %dma_start3A_793 = tpu.memref_slice %arg2[%dma_start3A_792, %multiple_of3A_174] : memref<128x100000xf32, #tpu.memory_space<any>> -> memref<8x128xf32, #tpu.memory_space<any>>
    tpu.enqueue_dma source(%dma_start3A_793 : memref<8x128xf32, #tpu.memory_space<any>>) target(%dma_start3A_791 : memref<8x128xf32, #tpu.memory_space<vmem>>) target_semaphore(%arg7 : memref<!tpu.dma_semaphore, #tpu.memory_space<semaphore_mem>>)
    %dma_start3A_794 = arith.constant 59 : i32
    %dma_start3A_795 = arith.constant 0 : i32
    %dma_start3A_796 = arith.constant 0 : i32
    %dma_start3A_797 = tpu.memref_slice %arg6[%dma_start3A_794, %dma_start3A_795, %dma_start3A_796] : memref<128x8x128xf32, #tpu.memory_space<vmem>> -> memref<1x8x128xf32, #tpu.memory_space<vmem>>
    %dma_start3A_798 = tpu.memref_squeeze %dma_start3A_797 : memref<1x8x128xf32, #tpu.memory_space<vmem>> -> memref<8x128xf32, #tpu.memory_space<vmem>>
    %dma_start3A_799 = arith.constant 56 : i32
    %dma_start3A_800 = tpu.memref_slice %arg2[%dma_start3A_799, %multiple_of3A_177] : memref<128x100000xf32, #tpu.memory_space<any>> -> memref<8x128xf32, #tpu.memory_space<any>>
    tpu.enqueue_dma source(%dma_start3A_800 : memref<8x128xf32, #tpu.memory_space<any>>) target(%dma_start3A_798 : memref<8x128xf32, #tpu.memory_space<vmem>>) target_semaphore(%arg7 : memref<!tpu.dma_semaphore, #tpu.memory_space<semaphore_mem>>)
    %dma_start3A_801 = arith.constant 60 : i32
    %dma_start3A_802 = arith.constant 0 : i32
    %dma_start3A_803 = arith.constant 0 : i32
    %dma_start3A_804 = tpu.memref_slice %arg6[%dma_start3A_801, %dma_start3A_802, %dma_start3A_803] : memref<128x8x128xf32, #tpu.memory_space<vmem>> -> memref<1x8x128xf32, #tpu.memory_space<vmem>>
    %dma_start3A_805 = tpu.memref_squeeze %dma_start3A_804 : memref<1x8x128xf32, #tpu.memory_space<vmem>> -> memref<8x128xf32, #tpu.memory_space<vmem>>
    %dma_start3A_806 = arith.constant 56 : i32
    %dma_start3A_807 = tpu.memref_slice %arg2[%dma_start3A_806, %multiple_of3A_180] : memref<128x100000xf32, #tpu.memory_space<any>> -> memref<8x128xf32, #tpu.memory_space<any>>
    tpu.enqueue_dma source(%dma_start3A_807 : memref<8x128xf32, #tpu.memory_space<any>>) target(%dma_start3A_805 : memref<8x128xf32, #tpu.memory_space<vmem>>) target_semaphore(%arg7 : memref<!tpu.dma_semaphore, #tpu.memory_space<semaphore_mem>>)
    %dma_start3A_808 = arith.constant 61 : i32
    %dma_start3A_809 = arith.constant 0 : i32
    %dma_start3A_810 = arith.constant 0 : i32
    %dma_start3A_811 = tpu.memref_slice %arg6[%dma_start3A_808, %dma_start3A_809, %dma_start3A_810] : memref<128x8x128xf32, #tpu.memory_space<vmem>> -> memref<1x8x128xf32, #tpu.memory_space<vmem>>
    %dma_start3A_812 = tpu.memref_squeeze %dma_start3A_811 : memref<1x8x128xf32, #tpu.memory_space<vmem>> -> memref<8x128xf32, #tpu.memory_space<vmem>>
    %dma_start3A_813 = arith.constant 56 : i32
    %dma_start3A_814 = tpu.memref_slice %arg2[%dma_start3A_813, %multiple_of3A_183] : memref<128x100000xf32, #tpu.memory_space<any>> -> memref<8x128xf32, #tpu.memory_space<any>>
    tpu.enqueue_dma source(%dma_start3A_814 : memref<8x128xf32, #tpu.memory_space<any>>) target(%dma_start3A_812 : memref<8x128xf32, #tpu.memory_space<vmem>>) target_semaphore(%arg7 : memref<!tpu.dma_semaphore, #tpu.memory_space<semaphore_mem>>)
    %dma_start3A_815 = arith.constant 62 : i32
    %dma_start3A_816 = arith.constant 0 : i32
    %dma_start3A_817 = arith.constant 0 : i32
    %dma_start3A_818 = tpu.memref_slice %arg6[%dma_start3A_815, %dma_start3A_816, %dma_start3A_817] : memref<128x8x128xf32, #tpu.memory_space<vmem>> -> memref<1x8x128xf32, #tpu.memory_space<vmem>>
    %dma_start3A_819 = tpu.memref_squeeze %dma_start3A_818 : memref<1x8x128xf32, #tpu.memory_space<vmem>> -> memref<8x128xf32, #tpu.memory_space<vmem>>
    %dma_start3A_820 = arith.constant 56 : i32
    %dma_start3A_821 = tpu.memref_slice %arg2[%dma_start3A_820, %multiple_of3A_186] : memref<128x100000xf32, #tpu.memory_space<any>> -> memref<8x128xf32, #tpu.memory_space<any>>
    tpu.enqueue_dma source(%dma_start3A_821 : memref<8x128xf32, #tpu.memory_space<any>>) target(%dma_start3A_819 : memref<8x128xf32, #tpu.memory_space<vmem>>) target_semaphore(%arg7 : memref<!tpu.dma_semaphore, #tpu.memory_space<semaphore_mem>>)
    %dma_start3A_822 = arith.constant 63 : i32
    %dma_start3A_823 = arith.constant 0 : i32
    %dma_start3A_824 = arith.constant 0 : i32
    %dma_start3A_825 = tpu.memref_slice %arg6[%dma_start3A_822, %dma_start3A_823, %dma_start3A_824] : memref<128x8x128xf32, #tpu.memory_space<vmem>> -> memref<1x8x128xf32, #tpu.memory_space<vmem>>
    %dma_start3A_826 = tpu.memref_squeeze %dma_start3A_825 : memref<1x8x128xf32, #tpu.memory_space<vmem>> -> memref<8x128xf32, #tpu.memory_space<vmem>>
    %dma_start3A_827 = arith.constant 56 : i32
    %dma_start3A_828 = tpu.memref_slice %arg2[%dma_start3A_827, %multiple_of3A_189] : memref<128x100000xf32, #tpu.memory_space<any>> -> memref<8x128xf32, #tpu.memory_space<any>>
    tpu.enqueue_dma source(%dma_start3A_828 : memref<8x128xf32, #tpu.memory_space<any>>) target(%dma_start3A_826 : memref<8x128xf32, #tpu.memory_space<vmem>>) target_semaphore(%arg7 : memref<!tpu.dma_semaphore, #tpu.memory_space<semaphore_mem>>)
    %dma_start3A_829 = arith.constant 64 : i32
    %dma_start3A_830 = arith.constant 0 : i32
    %dma_start3A_831 = arith.constant 0 : i32
    %dma_start3A_832 = tpu.memref_slice %arg6[%dma_start3A_829, %dma_start3A_830, %dma_start3A_831] : memref<128x8x128xf32, #tpu.memory_space<vmem>> -> memref<1x8x128xf32, #tpu.memory_space<vmem>>
    %dma_start3A_833 = tpu.memref_squeeze %dma_start3A_832 : memref<1x8x128xf32, #tpu.memory_space<vmem>> -> memref<8x128xf32, #tpu.memory_space<vmem>>
    %dma_start3A_834 = arith.constant 64 : i32
    %dma_start3A_835 = tpu.memref_slice %arg2[%dma_start3A_834, %multiple_of3A_192] : memref<128x100000xf32, #tpu.memory_space<any>> -> memref<8x128xf32, #tpu.memory_space<any>>
    tpu.enqueue_dma source(%dma_start3A_835 : memref<8x128xf32, #tpu.memory_space<any>>) target(%dma_start3A_833 : memref<8x128xf32, #tpu.memory_space<vmem>>) target_semaphore(%arg7 : memref<!tpu.dma_semaphore, #tpu.memory_space<semaphore_mem>>)
    %dma_start3A_836 = arith.constant 65 : i32
    %dma_start3A_837 = arith.constant 0 : i32
    %dma_start3A_838 = arith.constant 0 : i32
    %dma_start3A_839 = tpu.memref_slice %arg6[%dma_start3A_836, %dma_start3A_837, %dma_start3A_838] : memref<128x8x128xf32, #tpu.memory_space<vmem>> -> memref<1x8x128xf32, #tpu.memory_space<vmem>>
    %dma_start3A_840 = tpu.memref_squeeze %dma_start3A_839 : memref<1x8x128xf32, #tpu.memory_space<vmem>> -> memref<8x128xf32, #tpu.memory_space<vmem>>
    %dma_start3A_841 = arith.constant 64 : i32
    %dma_start3A_842 = tpu.memref_slice %arg2[%dma_start3A_841, %multiple_of3A_195] : memref<128x100000xf32, #tpu.memory_space<any>> -> memref<8x128xf32, #tpu.memory_space<any>>
    tpu.enqueue_dma source(%dma_start3A_842 : memref<8x128xf32, #tpu.memory_space<any>>) target(%dma_start3A_840 : memref<8x128xf32, #tpu.memory_space<vmem>>) target_semaphore(%arg7 : memref<!tpu.dma_semaphore, #tpu.memory_space<semaphore_mem>>)
    %dma_start3A_843 = arith.constant 66 : i32
    %dma_start3A_844 = arith.constant 0 : i32
    %dma_start3A_845 = arith.constant 0 : i32
    %dma_start3A_846 = tpu.memref_slice %arg6[%dma_start3A_843, %dma_start3A_844, %dma_start3A_845] : memref<128x8x128xf32, #tpu.memory_space<vmem>> -> memref<1x8x128xf32, #tpu.memory_space<vmem>>
    %dma_start3A_847 = tpu.memref_squeeze %dma_start3A_846 : memref<1x8x128xf32, #tpu.memory_space<vmem>> -> memref<8x128xf32, #tpu.memory_space<vmem>>
    %dma_start3A_848 = arith.constant 64 : i32
    %dma_start3A_849 = tpu.memref_slice %arg2[%dma_start3A_848, %multiple_of3A_198] : memref<128x100000xf32, #tpu.memory_space<any>> -> memref<8x128xf32, #tpu.memory_space<any>>
    tpu.enqueue_dma source(%dma_start3A_849 : memref<8x128xf32, #tpu.memory_space<any>>) target(%dma_start3A_847 : memref<8x128xf32, #tpu.memory_space<vmem>>) target_semaphore(%arg7 : memref<!tpu.dma_semaphore, #tpu.memory_space<semaphore_mem>>)
    %dma_start3A_850 = arith.constant 67 : i32
    %dma_start3A_851 = arith.constant 0 : i32
    %dma_start3A_852 = arith.constant 0 : i32
    %dma_start3A_853 = tpu.memref_slice %arg6[%dma_start3A_850, %dma_start3A_851, %dma_start3A_852] : memref<128x8x128xf32, #tpu.memory_space<vmem>> -> memref<1x8x128xf32, #tpu.memory_space<vmem>>
    %dma_start3A_854 = tpu.memref_squeeze %dma_start3A_853 : memref<1x8x128xf32, #tpu.memory_space<vmem>> -> memref<8x128xf32, #tpu.memory_space<vmem>>
    %dma_start3A_855 = arith.constant 64 : i32
    %dma_start3A_856 = tpu.memref_slice %arg2[%dma_start3A_855, %multiple_of3A_201] : memref<128x100000xf32, #tpu.memory_space<any>> -> memref<8x128xf32, #tpu.memory_space<any>>
    tpu.enqueue_dma source(%dma_start3A_856 : memref<8x128xf32, #tpu.memory_space<any>>) target(%dma_start3A_854 : memref<8x128xf32, #tpu.memory_space<vmem>>) target_semaphore(%arg7 : memref<!tpu.dma_semaphore, #tpu.memory_space<semaphore_mem>>)
    %dma_start3A_857 = arith.constant 68 : i32
    %dma_start3A_858 = arith.constant 0 : i32
    %dma_start3A_859 = arith.constant 0 : i32
    %dma_start3A_860 = tpu.memref_slice %arg6[%dma_start3A_857, %dma_start3A_858, %dma_start3A_859] : memref<128x8x128xf32, #tpu.memory_space<vmem>> -> memref<1x8x128xf32, #tpu.memory_space<vmem>>
    %dma_start3A_861 = tpu.memref_squeeze %dma_start3A_860 : memref<1x8x128xf32, #tpu.memory_space<vmem>> -> memref<8x128xf32, #tpu.memory_space<vmem>>
    %dma_start3A_862 = arith.constant 64 : i32
    %dma_start3A_863 = tpu.memref_slice %arg2[%dma_start3A_862, %multiple_of3A_204] : memref<128x100000xf32, #tpu.memory_space<any>> -> memref<8x128xf32, #tpu.memory_space<any>>
    tpu.enqueue_dma source(%dma_start3A_863 : memref<8x128xf32, #tpu.memory_space<any>>) target(%dma_start3A_861 : memref<8x128xf32, #tpu.memory_space<vmem>>) target_semaphore(%arg7 : memref<!tpu.dma_semaphore, #tpu.memory_space<semaphore_mem>>)
    %dma_start3A_864 = arith.constant 69 : i32
    %dma_start3A_865 = arith.constant 0 : i32
    %dma_start3A_866 = arith.constant 0 : i32
    %dma_start3A_867 = tpu.memref_slice %arg6[%dma_start3A_864, %dma_start3A_865, %dma_start3A_866] : memref<128x8x128xf32, #tpu.memory_space<vmem>> -> memref<1x8x128xf32, #tpu.memory_space<vmem>>
    %dma_start3A_868 = tpu.memref_squeeze %dma_start3A_867 : memref<1x8x128xf32, #tpu.memory_space<vmem>> -> memref<8x128xf32, #tpu.memory_space<vmem>>
    %dma_start3A_869 = arith.constant 64 : i32
    %dma_start3A_870 = tpu.memref_slice %arg2[%dma_start3A_869, %multiple_of3A_207] : memref<128x100000xf32, #tpu.memory_space<any>> -> memref<8x128xf32, #tpu.memory_space<any>>
    tpu.enqueue_dma source(%dma_start3A_870 : memref<8x128xf32, #tpu.memory_space<any>>) target(%dma_start3A_868 : memref<8x128xf32, #tpu.memory_space<vmem>>) target_semaphore(%arg7 : memref<!tpu.dma_semaphore, #tpu.memory_space<semaphore_mem>>)
    %dma_start3A_871 = arith.constant 70 : i32
    %dma_start3A_872 = arith.constant 0 : i32
    %dma_start3A_873 = arith.constant 0 : i32
    %dma_start3A_874 = tpu.memref_slice %arg6[%dma_start3A_871, %dma_start3A_872, %dma_start3A_873] : memref<128x8x128xf32, #tpu.memory_space<vmem>> -> memref<1x8x128xf32, #tpu.memory_space<vmem>>
    %dma_start3A_875 = tpu.memref_squeeze %dma_start3A_874 : memref<1x8x128xf32, #tpu.memory_space<vmem>> -> memref<8x128xf32, #tpu.memory_space<vmem>>
    %dma_start3A_876 = arith.constant 64 : i32
    %dma_start3A_877 = tpu.memref_slice %arg2[%dma_start3A_876, %multiple_of3A_210] : memref<128x100000xf32, #tpu.memory_space<any>> -> memref<8x128xf32, #tpu.memory_space<any>>
    tpu.enqueue_dma source(%dma_start3A_877 : memref<8x128xf32, #tpu.memory_space<any>>) target(%dma_start3A_875 : memref<8x128xf32, #tpu.memory_space<vmem>>) target_semaphore(%arg7 : memref<!tpu.dma_semaphore, #tpu.memory_space<semaphore_mem>>)
    %dma_start3A_878 = arith.constant 71 : i32
    %dma_start3A_879 = arith.constant 0 : i32
    %dma_start3A_880 = arith.constant 0 : i32
    %dma_start3A_881 = tpu.memref_slice %arg6[%dma_start3A_878, %dma_start3A_879, %dma_start3A_880] : memref<128x8x128xf32, #tpu.memory_space<vmem>> -> memref<1x8x128xf32, #tpu.memory_space<vmem>>
    %dma_start3A_882 = tpu.memref_squeeze %dma_start3A_881 : memref<1x8x128xf32, #tpu.memory_space<vmem>> -> memref<8x128xf32, #tpu.memory_space<vmem>>
    %dma_start3A_883 = arith.constant 64 : i32
    %dma_start3A_884 = tpu.memref_slice %arg2[%dma_start3A_883, %multiple_of3A_213] : memref<128x100000xf32, #tpu.memory_space<any>> -> memref<8x128xf32, #tpu.memory_space<any>>
    tpu.enqueue_dma source(%dma_start3A_884 : memref<8x128xf32, #tpu.memory_space<any>>) target(%dma_start3A_882 : memref<8x128xf32, #tpu.memory_space<vmem>>) target_semaphore(%arg7 : memref<!tpu.dma_semaphore, #tpu.memory_space<semaphore_mem>>)
    %dma_start3A_885 = arith.constant 72 : i32
    %dma_start3A_886 = arith.constant 0 : i32
    %dma_start3A_887 = arith.constant 0 : i32
    %dma_start3A_888 = tpu.memref_slice %arg6[%dma_start3A_885, %dma_start3A_886, %dma_start3A_887] : memref<128x8x128xf32, #tpu.memory_space<vmem>> -> memref<1x8x128xf32, #tpu.memory_space<vmem>>
    %dma_start3A_889 = tpu.memref_squeeze %dma_start3A_888 : memref<1x8x128xf32, #tpu.memory_space<vmem>> -> memref<8x128xf32, #tpu.memory_space<vmem>>
    %dma_start3A_890 = arith.constant 72 : i32
    %dma_start3A_891 = tpu.memref_slice %arg2[%dma_start3A_890, %multiple_of3A_216] : memref<128x100000xf32, #tpu.memory_space<any>> -> memref<8x128xf32, #tpu.memory_space<any>>
    tpu.enqueue_dma source(%dma_start3A_891 : memref<8x128xf32, #tpu.memory_space<any>>) target(%dma_start3A_889 : memref<8x128xf32, #tpu.memory_space<vmem>>) target_semaphore(%arg7 : memref<!tpu.dma_semaphore, #tpu.memory_space<semaphore_mem>>)
    %dma_start3A_892 = arith.constant 73 : i32
    %dma_start3A_893 = arith.constant 0 : i32
    %dma_start3A_894 = arith.constant 0 : i32
    %dma_start3A_895 = tpu.memref_slice %arg6[%dma_start3A_892, %dma_start3A_893, %dma_start3A_894] : memref<128x8x128xf32, #tpu.memory_space<vmem>> -> memref<1x8x128xf32, #tpu.memory_space<vmem>>
    %dma_start3A_896 = tpu.memref_squeeze %dma_start3A_895 : memref<1x8x128xf32, #tpu.memory_space<vmem>> -> memref<8x128xf32, #tpu.memory_space<vmem>>
    %dma_start3A_897 = arith.constant 72 : i32
    %dma_start3A_898 = tpu.memref_slice %arg2[%dma_start3A_897, %multiple_of3A_219] : memref<128x100000xf32, #tpu.memory_space<any>> -> memref<8x128xf32, #tpu.memory_space<any>>
    tpu.enqueue_dma source(%dma_start3A_898 : memref<8x128xf32, #tpu.memory_space<any>>) target(%dma_start3A_896 : memref<8x128xf32, #tpu.memory_space<vmem>>) target_semaphore(%arg7 : memref<!tpu.dma_semaphore, #tpu.memory_space<semaphore_mem>>)
    %dma_start3A_899 = arith.constant 74 : i32
    %dma_start3A_900 = arith.constant 0 : i32
    %dma_start3A_901 = arith.constant 0 : i32
    %dma_start3A_902 = tpu.memref_slice %arg6[%dma_start3A_899, %dma_start3A_900, %dma_start3A_901] : memref<128x8x128xf32, #tpu.memory_space<vmem>> -> memref<1x8x128xf32, #tpu.memory_space<vmem>>
    %dma_start3A_903 = tpu.memref_squeeze %dma_start3A_902 : memref<1x8x128xf32, #tpu.memory_space<vmem>> -> memref<8x128xf32, #tpu.memory_space<vmem>>
    %dma_start3A_904 = arith.constant 72 : i32
    %dma_start3A_905 = tpu.memref_slice %arg2[%dma_start3A_904, %multiple_of3A_222] : memref<128x100000xf32, #tpu.memory_space<any>> -> memref<8x128xf32, #tpu.memory_space<any>>
    tpu.enqueue_dma source(%dma_start3A_905 : memref<8x128xf32, #tpu.memory_space<any>>) target(%dma_start3A_903 : memref<8x128xf32, #tpu.memory_space<vmem>>) target_semaphore(%arg7 : memref<!tpu.dma_semaphore, #tpu.memory_space<semaphore_mem>>)
    %dma_start3A_906 = arith.constant 75 : i32
    %dma_start3A_907 = arith.constant 0 : i32
    %dma_start3A_908 = arith.constant 0 : i32
    %dma_start3A_909 = tpu.memref_slice %arg6[%dma_start3A_906, %dma_start3A_907, %dma_start3A_908] : memref<128x8x128xf32, #tpu.memory_space<vmem>> -> memref<1x8x128xf32, #tpu.memory_space<vmem>>
    %dma_start3A_910 = tpu.memref_squeeze %dma_start3A_909 : memref<1x8x128xf32, #tpu.memory_space<vmem>> -> memref<8x128xf32, #tpu.memory_space<vmem>>
    %dma_start3A_911 = arith.constant 72 : i32
    %dma_start3A_912 = tpu.memref_slice %arg2[%dma_start3A_911, %multiple_of3A_225] : memref<128x100000xf32, #tpu.memory_space<any>> -> memref<8x128xf32, #tpu.memory_space<any>>
    tpu.enqueue_dma source(%dma_start3A_912 : memref<8x128xf32, #tpu.memory_space<any>>) target(%dma_start3A_910 : memref<8x128xf32, #tpu.memory_space<vmem>>) target_semaphore(%arg7 : memref<!tpu.dma_semaphore, #tpu.memory_space<semaphore_mem>>)
    %dma_start3A_913 = arith.constant 76 : i32
    %dma_start3A_914 = arith.constant 0 : i32
    %dma_start3A_915 = arith.constant 0 : i32
    %dma_start3A_916 = tpu.memref_slice %arg6[%dma_start3A_913, %dma_start3A_914, %dma_start3A_915] : memref<128x8x128xf32, #tpu.memory_space<vmem>> -> memref<1x8x128xf32, #tpu.memory_space<vmem>>
    %dma_start3A_917 = tpu.memref_squeeze %dma_start3A_916 : memref<1x8x128xf32, #tpu.memory_space<vmem>> -> memref<8x128xf32, #tpu.memory_space<vmem>>
    %dma_start3A_918 = arith.constant 72 : i32
    %dma_start3A_919 = tpu.memref_slice %arg2[%dma_start3A_918, %multiple_of3A_228] : memref<128x100000xf32, #tpu.memory_space<any>> -> memref<8x128xf32, #tpu.memory_space<any>>
    tpu.enqueue_dma source(%dma_start3A_919 : memref<8x128xf32, #tpu.memory_space<any>>) target(%dma_start3A_917 : memref<8x128xf32, #tpu.memory_space<vmem>>) target_semaphore(%arg7 : memref<!tpu.dma_semaphore, #tpu.memory_space<semaphore_mem>>)
    %dma_start3A_920 = arith.constant 77 : i32
    %dma_start3A_921 = arith.constant 0 : i32
    %dma_start3A_922 = arith.constant 0 : i32
    %dma_start3A_923 = tpu.memref_slice %arg6[%dma_start3A_920, %dma_start3A_921, %dma_start3A_922] : memref<128x8x128xf32, #tpu.memory_space<vmem>> -> memref<1x8x128xf32, #tpu.memory_space<vmem>>
    %dma_start3A_924 = tpu.memref_squeeze %dma_start3A_923 : memref<1x8x128xf32, #tpu.memory_space<vmem>> -> memref<8x128xf32, #tpu.memory_space<vmem>>
    %dma_start3A_925 = arith.constant 72 : i32
    %dma_start3A_926 = tpu.memref_slice %arg2[%dma_start3A_925, %multiple_of3A_231] : memref<128x100000xf32, #tpu.memory_space<any>> -> memref<8x128xf32, #tpu.memory_space<any>>
    tpu.enqueue_dma source(%dma_start3A_926 : memref<8x128xf32, #tpu.memory_space<any>>) target(%dma_start3A_924 : memref<8x128xf32, #tpu.memory_space<vmem>>) target_semaphore(%arg7 : memref<!tpu.dma_semaphore, #tpu.memory_space<semaphore_mem>>)
    %dma_start3A_927 = arith.constant 78 : i32
    %dma_start3A_928 = arith.constant 0 : i32
    %dma_start3A_929 = arith.constant 0 : i32
    %dma_start3A_930 = tpu.memref_slice %arg6[%dma_start3A_927, %dma_start3A_928, %dma_start3A_929] : memref<128x8x128xf32, #tpu.memory_space<vmem>> -> memref<1x8x128xf32, #tpu.memory_space<vmem>>
    %dma_start3A_931 = tpu.memref_squeeze %dma_start3A_930 : memref<1x8x128xf32, #tpu.memory_space<vmem>> -> memref<8x128xf32, #tpu.memory_space<vmem>>
    %dma_start3A_932 = arith.constant 72 : i32
    %dma_start3A_933 = tpu.memref_slice %arg2[%dma_start3A_932, %multiple_of3A_234] : memref<128x100000xf32, #tpu.memory_space<any>> -> memref<8x128xf32, #tpu.memory_space<any>>
    tpu.enqueue_dma source(%dma_start3A_933 : memref<8x128xf32, #tpu.memory_space<any>>) target(%dma_start3A_931 : memref<8x128xf32, #tpu.memory_space<vmem>>) target_semaphore(%arg7 : memref<!tpu.dma_semaphore, #tpu.memory_space<semaphore_mem>>)
    %dma_start3A_934 = arith.constant 79 : i32
    %dma_start3A_935 = arith.constant 0 : i32
    %dma_start3A_936 = arith.constant 0 : i32
    %dma_start3A_937 = tpu.memref_slice %arg6[%dma_start3A_934, %dma_start3A_935, %dma_start3A_936] : memref<128x8x128xf32, #tpu.memory_space<vmem>> -> memref<1x8x128xf32, #tpu.memory_space<vmem>>
    %dma_start3A_938 = tpu.memref_squeeze %dma_start3A_937 : memref<1x8x128xf32, #tpu.memory_space<vmem>> -> memref<8x128xf32, #tpu.memory_space<vmem>>
    %dma_start3A_939 = arith.constant 72 : i32
    %dma_start3A_940 = tpu.memref_slice %arg2[%dma_start3A_939, %multiple_of3A_237] : memref<128x100000xf32, #tpu.memory_space<any>> -> memref<8x128xf32, #tpu.memory_space<any>>
    tpu.enqueue_dma source(%dma_start3A_940 : memref<8x128xf32, #tpu.memory_space<any>>) target(%dma_start3A_938 : memref<8x128xf32, #tpu.memory_space<vmem>>) target_semaphore(%arg7 : memref<!tpu.dma_semaphore, #tpu.memory_space<semaphore_mem>>)
    %dma_start3A_941 = arith.constant 80 : i32
    %dma_start3A_942 = arith.constant 0 : i32
    %dma_start3A_943 = arith.constant 0 : i32
    %dma_start3A_944 = tpu.memref_slice %arg6[%dma_start3A_941, %dma_start3A_942, %dma_start3A_943] : memref<128x8x128xf32, #tpu.memory_space<vmem>> -> memref<1x8x128xf32, #tpu.memory_space<vmem>>
    %dma_start3A_945 = tpu.memref_squeeze %dma_start3A_944 : memref<1x8x128xf32, #tpu.memory_space<vmem>> -> memref<8x128xf32, #tpu.memory_space<vmem>>
    %dma_start3A_946 = arith.constant 80 : i32
    %dma_start3A_947 = tpu.memref_slice %arg2[%dma_start3A_946, %multiple_of3A_240] : memref<128x100000xf32, #tpu.memory_space<any>> -> memref<8x128xf32, #tpu.memory_space<any>>
    tpu.enqueue_dma source(%dma_start3A_947 : memref<8x128xf32, #tpu.memory_space<any>>) target(%dma_start3A_945 : memref<8x128xf32, #tpu.memory_space<vmem>>) target_semaphore(%arg7 : memref<!tpu.dma_semaphore, #tpu.memory_space<semaphore_mem>>)
    %dma_start3A_948 = arith.constant 81 : i32
    %dma_start3A_949 = arith.constant 0 : i32
    %dma_start3A_950 = arith.constant 0 : i32
    %dma_start3A_951 = tpu.memref_slice %arg6[%dma_start3A_948, %dma_start3A_949, %dma_start3A_950] : memref<128x8x128xf32, #tpu.memory_space<vmem>> -> memref<1x8x128xf32, #tpu.memory_space<vmem>>
    %dma_start3A_952 = tpu.memref_squeeze %dma_start3A_951 : memref<1x8x128xf32, #tpu.memory_space<vmem>> -> memref<8x128xf32, #tpu.memory_space<vmem>>
    %dma_start3A_953 = arith.constant 80 : i32
    %dma_start3A_954 = tpu.memref_slice %arg2[%dma_start3A_953, %multiple_of3A_243] : memref<128x100000xf32, #tpu.memory_space<any>> -> memref<8x128xf32, #tpu.memory_space<any>>
    tpu.enqueue_dma source(%dma_start3A_954 : memref<8x128xf32, #tpu.memory_space<any>>) target(%dma_start3A_952 : memref<8x128xf32, #tpu.memory_space<vmem>>) target_semaphore(%arg7 : memref<!tpu.dma_semaphore, #tpu.memory_space<semaphore_mem>>)
    %dma_start3A_955 = arith.constant 82 : i32
    %dma_start3A_956 = arith.constant 0 : i32
    %dma_start3A_957 = arith.constant 0 : i32
    %dma_start3A_958 = tpu.memref_slice %arg6[%dma_start3A_955, %dma_start3A_956, %dma_start3A_957] : memref<128x8x128xf32, #tpu.memory_space<vmem>> -> memref<1x8x128xf32, #tpu.memory_space<vmem>>
    %dma_start3A_959 = tpu.memref_squeeze %dma_start3A_958 : memref<1x8x128xf32, #tpu.memory_space<vmem>> -> memref<8x128xf32, #tpu.memory_space<vmem>>
    %dma_start3A_960 = arith.constant 80 : i32
    %dma_start3A_961 = tpu.memref_slice %arg2[%dma_start3A_960, %multiple_of3A_246] : memref<128x100000xf32, #tpu.memory_space<any>> -> memref<8x128xf32, #tpu.memory_space<any>>
    tpu.enqueue_dma source(%dma_start3A_961 : memref<8x128xf32, #tpu.memory_space<any>>) target(%dma_start3A_959 : memref<8x128xf32, #tpu.memory_space<vmem>>) target_semaphore(%arg7 : memref<!tpu.dma_semaphore, #tpu.memory_space<semaphore_mem>>)
    %dma_start3A_962 = arith.constant 83 : i32
    %dma_start3A_963 = arith.constant 0 : i32
    %dma_start3A_964 = arith.constant 0 : i32
    %dma_start3A_965 = tpu.memref_slice %arg6[%dma_start3A_962, %dma_start3A_963, %dma_start3A_964] : memref<128x8x128xf32, #tpu.memory_space<vmem>> -> memref<1x8x128xf32, #tpu.memory_space<vmem>>
    %dma_start3A_966 = tpu.memref_squeeze %dma_start3A_965 : memref<1x8x128xf32, #tpu.memory_space<vmem>> -> memref<8x128xf32, #tpu.memory_space<vmem>>
    %dma_start3A_967 = arith.constant 80 : i32
    %dma_start3A_968 = tpu.memref_slice %arg2[%dma_start3A_967, %multiple_of3A_249] : memref<128x100000xf32, #tpu.memory_space<any>> -> memref<8x128xf32, #tpu.memory_space<any>>
    tpu.enqueue_dma source(%dma_start3A_968 : memref<8x128xf32, #tpu.memory_space<any>>) target(%dma_start3A_966 : memref<8x128xf32, #tpu.memory_space<vmem>>) target_semaphore(%arg7 : memref<!tpu.dma_semaphore, #tpu.memory_space<semaphore_mem>>)
    %dma_start3A_969 = arith.constant 84 : i32
    %dma_start3A_970 = arith.constant 0 : i32
    %dma_start3A_971 = arith.constant 0 : i32
    %dma_start3A_972 = tpu.memref_slice %arg6[%dma_start3A_969, %dma_start3A_970, %dma_start3A_971] : memref<128x8x128xf32, #tpu.memory_space<vmem>> -> memref<1x8x128xf32, #tpu.memory_space<vmem>>
    %dma_start3A_973 = tpu.memref_squeeze %dma_start3A_972 : memref<1x8x128xf32, #tpu.memory_space<vmem>> -> memref<8x128xf32, #tpu.memory_space<vmem>>
    %dma_start3A_974 = arith.constant 80 : i32
    %dma_start3A_975 = tpu.memref_slice %arg2[%dma_start3A_974, %multiple_of3A_252] : memref<128x100000xf32, #tpu.memory_space<any>> -> memref<8x128xf32, #tpu.memory_space<any>>
    tpu.enqueue_dma source(%dma_start3A_975 : memref<8x128xf32, #tpu.memory_space<any>>) target(%dma_start3A_973 : memref<8x128xf32, #tpu.memory_space<vmem>>) target_semaphore(%arg7 : memref<!tpu.dma_semaphore, #tpu.memory_space<semaphore_mem>>)
    %dma_start3A_976 = arith.constant 85 : i32
    %dma_start3A_977 = arith.constant 0 : i32
    %dma_start3A_978 = arith.constant 0 : i32
    %dma_start3A_979 = tpu.memref_slice %arg6[%dma_start3A_976, %dma_start3A_977, %dma_start3A_978] : memref<128x8x128xf32, #tpu.memory_space<vmem>> -> memref<1x8x128xf32, #tpu.memory_space<vmem>>
    %dma_start3A_980 = tpu.memref_squeeze %dma_start3A_979 : memref<1x8x128xf32, #tpu.memory_space<vmem>> -> memref<8x128xf32, #tpu.memory_space<vmem>>
    %dma_start3A_981 = arith.constant 80 : i32
    %dma_start3A_982 = tpu.memref_slice %arg2[%dma_start3A_981, %multiple_of3A_255] : memref<128x100000xf32, #tpu.memory_space<any>> -> memref<8x128xf32, #tpu.memory_space<any>>
    tpu.enqueue_dma source(%dma_start3A_982 : memref<8x128xf32, #tpu.memory_space<any>>) target(%dma_start3A_980 : memref<8x128xf32, #tpu.memory_space<vmem>>) target_semaphore(%arg7 : memref<!tpu.dma_semaphore, #tpu.memory_space<semaphore_mem>>)
    %dma_start3A_983 = arith.constant 86 : i32
    %dma_start3A_984 = arith.constant 0 : i32
    %dma_start3A_985 = arith.constant 0 : i32
    %dma_start3A_986 = tpu.memref_slice %arg6[%dma_start3A_983, %dma_start3A_984, %dma_start3A_985] : memref<128x8x128xf32, #tpu.memory_space<vmem>> -> memref<1x8x128xf32, #tpu.memory_space<vmem>>
    %dma_start3A_987 = tpu.memref_squeeze %dma_start3A_986 : memref<1x8x128xf32, #tpu.memory_space<vmem>> -> memref<8x128xf32, #tpu.memory_space<vmem>>
    %dma_start3A_988 = arith.constant 80 : i32
    %dma_start3A_989 = tpu.memref_slice %arg2[%dma_start3A_988, %multiple_of3A_258] : memref<128x100000xf32, #tpu.memory_space<any>> -> memref<8x128xf32, #tpu.memory_space<any>>
    tpu.enqueue_dma source(%dma_start3A_989 : memref<8x128xf32, #tpu.memory_space<any>>) target(%dma_start3A_987 : memref<8x128xf32, #tpu.memory_space<vmem>>) target_semaphore(%arg7 : memref<!tpu.dma_semaphore, #tpu.memory_space<semaphore_mem>>)
    %dma_start3A_990 = arith.constant 87 : i32
    %dma_start3A_991 = arith.constant 0 : i32
    %dma_start3A_992 = arith.constant 0 : i32
    %dma_start3A_993 = tpu.memref_slice %arg6[%dma_start3A_990, %dma_start3A_991, %dma_start3A_992] : memref<128x8x128xf32, #tpu.memory_space<vmem>> -> memref<1x8x128xf32, #tpu.memory_space<vmem>>
    %dma_start3A_994 = tpu.memref_squeeze %dma_start3A_993 : memref<1x8x128xf32, #tpu.memory_space<vmem>> -> memref<8x128xf32, #tpu.memory_space<vmem>>
    %dma_start3A_995 = arith.constant 80 : i32
    %dma_start3A_996 = tpu.memref_slice %arg2[%dma_start3A_995, %multiple_of3A_261] : memref<128x100000xf32, #tpu.memory_space<any>> -> memref<8x128xf32, #tpu.memory_space<any>>
    tpu.enqueue_dma source(%dma_start3A_996 : memref<8x128xf32, #tpu.memory_space<any>>) target(%dma_start3A_994 : memref<8x128xf32, #tpu.memory_space<vmem>>) target_semaphore(%arg7 : memref<!tpu.dma_semaphore, #tpu.memory_space<semaphore_mem>>)
    %dma_start3A_997 = arith.constant 88 : i32
    %dma_start3A_998 = arith.constant 0 : i32
    %dma_start3A_999 = arith.constant 0 : i32
    %dma_start3A_1000 = tpu.memref_slice %arg6[%dma_start3A_997, %dma_start3A_998, %dma_start3A_999] : memref<128x8x128xf32, #tpu.memory_space<vmem>> -> memref<1x8x128xf32, #tpu.memory_space<vmem>>
    %dma_start3A_1001 = tpu.memref_squeeze %dma_start3A_1000 : memref<1x8x128xf32, #tpu.memory_space<vmem>> -> memref<8x128xf32, #tpu.memory_space<vmem>>
    %dma_start3A_1002 = arith.constant 88 : i32
    %dma_start3A_1003 = tpu.memref_slice %arg2[%dma_start3A_1002, %multiple_of3A_264] : memref<128x100000xf32, #tpu.memory_space<any>> -> memref<8x128xf32, #tpu.memory_space<any>>
    tpu.enqueue_dma source(%dma_start3A_1003 : memref<8x128xf32, #tpu.memory_space<any>>) target(%dma_start3A_1001 : memref<8x128xf32, #tpu.memory_space<vmem>>) target_semaphore(%arg7 : memref<!tpu.dma_semaphore, #tpu.memory_space<semaphore_mem>>)
    %dma_start3A_1004 = arith.constant 89 : i32
    %dma_start3A_1005 = arith.constant 0 : i32
    %dma_start3A_1006 = arith.constant 0 : i32
    %dma_start3A_1007 = tpu.memref_slice %arg6[%dma_start3A_1004, %dma_start3A_1005, %dma_start3A_1006] : memref<128x8x128xf32, #tpu.memory_space<vmem>> -> memref<1x8x128xf32, #tpu.memory_space<vmem>>
    %dma_start3A_1008 = tpu.memref_squeeze %dma_start3A_1007 : memref<1x8x128xf32, #tpu.memory_space<vmem>> -> memref<8x128xf32, #tpu.memory_space<vmem>>
    %dma_start3A_1009 = arith.constant 88 : i32
    %dma_start3A_1010 = tpu.memref_slice %arg2[%dma_start3A_1009, %multiple_of3A_267] : memref<128x100000xf32, #tpu.memory_space<any>> -> memref<8x128xf32, #tpu.memory_space<any>>
    tpu.enqueue_dma source(%dma_start3A_1010 : memref<8x128xf32, #tpu.memory_space<any>>) target(%dma_start3A_1008 : memref<8x128xf32, #tpu.memory_space<vmem>>) target_semaphore(%arg7 : memref<!tpu.dma_semaphore, #tpu.memory_space<semaphore_mem>>)
    %dma_start3A_1011 = arith.constant 90 : i32
    %dma_start3A_1012 = arith.constant 0 : i32
    %dma_start3A_1013 = arith.constant 0 : i32
    %dma_start3A_1014 = tpu.memref_slice %arg6[%dma_start3A_1011, %dma_start3A_1012, %dma_start3A_1013] : memref<128x8x128xf32, #tpu.memory_space<vmem>> -> memref<1x8x128xf32, #tpu.memory_space<vmem>>
    %dma_start3A_1015 = tpu.memref_squeeze %dma_start3A_1014 : memref<1x8x128xf32, #tpu.memory_space<vmem>> -> memref<8x128xf32, #tpu.memory_space<vmem>>
    %dma_start3A_1016 = arith.constant 88 : i32
    %dma_start3A_1017 = tpu.memref_slice %arg2[%dma_start3A_1016, %multiple_of3A_270] : memref<128x100000xf32, #tpu.memory_space<any>> -> memref<8x128xf32, #tpu.memory_space<any>>
    tpu.enqueue_dma source(%dma_start3A_1017 : memref<8x128xf32, #tpu.memory_space<any>>) target(%dma_start3A_1015 : memref<8x128xf32, #tpu.memory_space<vmem>>) target_semaphore(%arg7 : memref<!tpu.dma_semaphore, #tpu.memory_space<semaphore_mem>>)
    %dma_start3A_1018 = arith.constant 91 : i32
    %dma_start3A_1019 = arith.constant 0 : i32
    %dma_start3A_1020 = arith.constant 0 : i32
    %dma_start3A_1021 = tpu.memref_slice %arg6[%dma_start3A_1018, %dma_start3A_1019, %dma_start3A_1020] : memref<128x8x128xf32, #tpu.memory_space<vmem>> -> memref<1x8x128xf32, #tpu.memory_space<vmem>>
    %dma_start3A_1022 = tpu.memref_squeeze %dma_start3A_1021 : memref<1x8x128xf32, #tpu.memory_space<vmem>> -> memref<8x128xf32, #tpu.memory_space<vmem>>
    %dma_start3A_1023 = arith.constant 88 : i32
    %dma_start3A_1024 = tpu.memref_slice %arg2[%dma_start3A_1023, %multiple_of3A_273] : memref<128x100000xf32, #tpu.memory_space<any>> -> memref<8x128xf32, #tpu.memory_space<any>>
    tpu.enqueue_dma source(%dma_start3A_1024 : memref<8x128xf32, #tpu.memory_space<any>>) target(%dma_start3A_1022 : memref<8x128xf32, #tpu.memory_space<vmem>>) target_semaphore(%arg7 : memref<!tpu.dma_semaphore, #tpu.memory_space<semaphore_mem>>)
    %dma_start3A_1025 = arith.constant 92 : i32
    %dma_start3A_1026 = arith.constant 0 : i32
    %dma_start3A_1027 = arith.constant 0 : i32
    %dma_start3A_1028 = tpu.memref_slice %arg6[%dma_start3A_1025, %dma_start3A_1026, %dma_start3A_1027] : memref<128x8x128xf32, #tpu.memory_space<vmem>> -> memref<1x8x128xf32, #tpu.memory_space<vmem>>
    %dma_start3A_1029 = tpu.memref_squeeze %dma_start3A_1028 : memref<1x8x128xf32, #tpu.memory_space<vmem>> -> memref<8x128xf32, #tpu.memory_space<vmem>>
    %dma_start3A_1030 = arith.constant 88 : i32
    %dma_start3A_1031 = tpu.memref_slice %arg2[%dma_start3A_1030, %multiple_of3A_276] : memref<128x100000xf32, #tpu.memory_space<any>> -> memref<8x128xf32, #tpu.memory_space<any>>
    tpu.enqueue_dma source(%dma_start3A_1031 : memref<8x128xf32, #tpu.memory_space<any>>) target(%dma_start3A_1029 : memref<8x128xf32, #tpu.memory_space<vmem>>) target_semaphore(%arg7 : memref<!tpu.dma_semaphore, #tpu.memory_space<semaphore_mem>>)
    %dma_start3A_1032 = arith.constant 93 : i32
    %dma_start3A_1033 = arith.constant 0 : i32
    %dma_start3A_1034 = arith.constant 0 : i32
    %dma_start3A_1035 = tpu.memref_slice %arg6[%dma_start3A_1032, %dma_start3A_1033, %dma_start3A_1034] : memref<128x8x128xf32, #tpu.memory_space<vmem>> -> memref<1x8x128xf32, #tpu.memory_space<vmem>>
    %dma_start3A_1036 = tpu.memref_squeeze %dma_start3A_1035 : memref<1x8x128xf32, #tpu.memory_space<vmem>> -> memref<8x128xf32, #tpu.memory_space<vmem>>
    %dma_start3A_1037 = arith.constant 88 : i32
    %dma_start3A_1038 = tpu.memref_slice %arg2[%dma_start3A_1037, %multiple_of3A_279] : memref<128x100000xf32, #tpu.memory_space<any>> -> memref<8x128xf32, #tpu.memory_space<any>>
    tpu.enqueue_dma source(%dma_start3A_1038 : memref<8x128xf32, #tpu.memory_space<any>>) target(%dma_start3A_1036 : memref<8x128xf32, #tpu.memory_space<vmem>>) target_semaphore(%arg7 : memref<!tpu.dma_semaphore, #tpu.memory_space<semaphore_mem>>)
    %dma_start3A_1039 = arith.constant 94 : i32
    %dma_start3A_1040 = arith.constant 0 : i32
    %dma_start3A_1041 = arith.constant 0 : i32
    %dma_start3A_1042 = tpu.memref_slice %arg6[%dma_start3A_1039, %dma_start3A_1040, %dma_start3A_1041] : memref<128x8x128xf32, #tpu.memory_space<vmem>> -> memref<1x8x128xf32, #tpu.memory_space<vmem>>
    %dma_start3A_1043 = tpu.memref_squeeze %dma_start3A_1042 : memref<1x8x128xf32, #tpu.memory_space<vmem>> -> memref<8x128xf32, #tpu.memory_space<vmem>>
    %dma_start3A_1044 = arith.constant 88 : i32
    %dma_start3A_1045 = tpu.memref_slice %arg2[%dma_start3A_1044, %multiple_of3A_282] : memref<128x100000xf32, #tpu.memory_space<any>> -> memref<8x128xf32, #tpu.memory_space<any>>
    tpu.enqueue_dma source(%dma_start3A_1045 : memref<8x128xf32, #tpu.memory_space<any>>) target(%dma_start3A_1043 : memref<8x128xf32, #tpu.memory_space<vmem>>) target_semaphore(%arg7 : memref<!tpu.dma_semaphore, #tpu.memory_space<semaphore_mem>>)
    %dma_start3A_1046 = arith.constant 95 : i32
    %dma_start3A_1047 = arith.constant 0 : i32
    %dma_start3A_1048 = arith.constant 0 : i32
    %dma_start3A_1049 = tpu.memref_slice %arg6[%dma_start3A_1046, %dma_start3A_1047, %dma_start3A_1048] : memref<128x8x128xf32, #tpu.memory_space<vmem>> -> memref<1x8x128xf32, #tpu.memory_space<vmem>>
    %dma_start3A_1050 = tpu.memref_squeeze %dma_start3A_1049 : memref<1x8x128xf32, #tpu.memory_space<vmem>> -> memref<8x128xf32, #tpu.memory_space<vmem>>
    %dma_start3A_1051 = arith.constant 88 : i32
    %dma_start3A_1052 = tpu.memref_slice %arg2[%dma_start3A_1051, %multiple_of3A_285] : memref<128x100000xf32, #tpu.memory_space<any>> -> memref<8x128xf32, #tpu.memory_space<any>>
    tpu.enqueue_dma source(%dma_start3A_1052 : memref<8x128xf32, #tpu.memory_space<any>>) target(%dma_start3A_1050 : memref<8x128xf32, #tpu.memory_space<vmem>>) target_semaphore(%arg7 : memref<!tpu.dma_semaphore, #tpu.memory_space<semaphore_mem>>)
    %dma_start3A_1053 = arith.constant 96 : i32
    %dma_start3A_1054 = arith.constant 0 : i32
    %dma_start3A_1055 = arith.constant 0 : i32
    %dma_start3A_1056 = tpu.memref_slice %arg6[%dma_start3A_1053, %dma_start3A_1054, %dma_start3A_1055] : memref<128x8x128xf32, #tpu.memory_space<vmem>> -> memref<1x8x128xf32, #tpu.memory_space<vmem>>
    %dma_start3A_1057 = tpu.memref_squeeze %dma_start3A_1056 : memref<1x8x128xf32, #tpu.memory_space<vmem>> -> memref<8x128xf32, #tpu.memory_space<vmem>>
    %dma_start3A_1058 = arith.constant 96 : i32
    %dma_start3A_1059 = tpu.memref_slice %arg2[%dma_start3A_1058, %multiple_of3A_288] : memref<128x100000xf32, #tpu.memory_space<any>> -> memref<8x128xf32, #tpu.memory_space<any>>
    tpu.enqueue_dma source(%dma_start3A_1059 : memref<8x128xf32, #tpu.memory_space<any>>) target(%dma_start3A_1057 : memref<8x128xf32, #tpu.memory_space<vmem>>) target_semaphore(%arg7 : memref<!tpu.dma_semaphore, #tpu.memory_space<semaphore_mem>>)
    %dma_start3A_1060 = arith.constant 97 : i32
    %dma_start3A_1061 = arith.constant 0 : i32
    %dma_start3A_1062 = arith.constant 0 : i32
    %dma_start3A_1063 = tpu.memref_slice %arg6[%dma_start3A_1060, %dma_start3A_1061, %dma_start3A_1062] : memref<128x8x128xf32, #tpu.memory_space<vmem>> -> memref<1x8x128xf32, #tpu.memory_space<vmem>>
    %dma_start3A_1064 = tpu.memref_squeeze %dma_start3A_1063 : memref<1x8x128xf32, #tpu.memory_space<vmem>> -> memref<8x128xf32, #tpu.memory_space<vmem>>
    %dma_start3A_1065 = arith.constant 96 : i32
    %dma_start3A_1066 = tpu.memref_slice %arg2[%dma_start3A_1065, %multiple_of3A_291] : memref<128x100000xf32, #tpu.memory_space<any>> -> memref<8x128xf32, #tpu.memory_space<any>>
    tpu.enqueue_dma source(%dma_start3A_1066 : memref<8x128xf32, #tpu.memory_space<any>>) target(%dma_start3A_1064 : memref<8x128xf32, #tpu.memory_space<vmem>>) target_semaphore(%arg7 : memref<!tpu.dma_semaphore, #tpu.memory_space<semaphore_mem>>)
    %dma_start3A_1067 = arith.constant 98 : i32
    %dma_start3A_1068 = arith.constant 0 : i32
    %dma_start3A_1069 = arith.constant 0 : i32
    %dma_start3A_1070 = tpu.memref_slice %arg6[%dma_start3A_1067, %dma_start3A_1068, %dma_start3A_1069] : memref<128x8x128xf32, #tpu.memory_space<vmem>> -> memref<1x8x128xf32, #tpu.memory_space<vmem>>
    %dma_start3A_1071 = tpu.memref_squeeze %dma_start3A_1070 : memref<1x8x128xf32, #tpu.memory_space<vmem>> -> memref<8x128xf32, #tpu.memory_space<vmem>>
    %dma_start3A_1072 = arith.constant 96 : i32
    %dma_start3A_1073 = tpu.memref_slice %arg2[%dma_start3A_1072, %multiple_of3A_294] : memref<128x100000xf32, #tpu.memory_space<any>> -> memref<8x128xf32, #tpu.memory_space<any>>
    tpu.enqueue_dma source(%dma_start3A_1073 : memref<8x128xf32, #tpu.memory_space<any>>) target(%dma_start3A_1071 : memref<8x128xf32, #tpu.memory_space<vmem>>) target_semaphore(%arg7 : memref<!tpu.dma_semaphore, #tpu.memory_space<semaphore_mem>>)
    %dma_start3A_1074 = arith.constant 99 : i32
    %dma_start3A_1075 = arith.constant 0 : i32
    %dma_start3A_1076 = arith.constant 0 : i32
    %dma_start3A_1077 = tpu.memref_slice %arg6[%dma_start3A_1074, %dma_start3A_1075, %dma_start3A_1076] : memref<128x8x128xf32, #tpu.memory_space<vmem>> -> memref<1x8x128xf32, #tpu.memory_space<vmem>>
    %dma_start3A_1078 = tpu.memref_squeeze %dma_start3A_1077 : memref<1x8x128xf32, #tpu.memory_space<vmem>> -> memref<8x128xf32, #tpu.memory_space<vmem>>
    %dma_start3A_1079 = arith.constant 96 : i32
    %dma_start3A_1080 = tpu.memref_slice %arg2[%dma_start3A_1079, %multiple_of3A_297] : memref<128x100000xf32, #tpu.memory_space<any>> -> memref<8x128xf32, #tpu.memory_space<any>>
    tpu.enqueue_dma source(%dma_start3A_1080 : memref<8x128xf32, #tpu.memory_space<any>>) target(%dma_start3A_1078 : memref<8x128xf32, #tpu.memory_space<vmem>>) target_semaphore(%arg7 : memref<!tpu.dma_semaphore, #tpu.memory_space<semaphore_mem>>)
    %dma_start3A_1081 = arith.constant 100 : i32
    %dma_start3A_1082 = arith.constant 0 : i32
    %dma_start3A_1083 = arith.constant 0 : i32
    %dma_start3A_1084 = tpu.memref_slice %arg6[%dma_start3A_1081, %dma_start3A_1082, %dma_start3A_1083] : memref<128x8x128xf32, #tpu.memory_space<vmem>> -> memref<1x8x128xf32, #tpu.memory_space<vmem>>
    %dma_start3A_1085 = tpu.memref_squeeze %dma_start3A_1084 : memref<1x8x128xf32, #tpu.memory_space<vmem>> -> memref<8x128xf32, #tpu.memory_space<vmem>>
    %dma_start3A_1086 = arith.constant 96 : i32
    %dma_start3A_1087 = tpu.memref_slice %arg2[%dma_start3A_1086, %multiple_of3A_300] : memref<128x100000xf32, #tpu.memory_space<any>> -> memref<8x128xf32, #tpu.memory_space<any>>
    tpu.enqueue_dma source(%dma_start3A_1087 : memref<8x128xf32, #tpu.memory_space<any>>) target(%dma_start3A_1085 : memref<8x128xf32, #tpu.memory_space<vmem>>) target_semaphore(%arg7 : memref<!tpu.dma_semaphore, #tpu.memory_space<semaphore_mem>>)
    %dma_start3A_1088 = arith.constant 101 : i32
    %dma_start3A_1089 = arith.constant 0 : i32
    %dma_start3A_1090 = arith.constant 0 : i32
    %dma_start3A_1091 = tpu.memref_slice %arg6[%dma_start3A_1088, %dma_start3A_1089, %dma_start3A_1090] : memref<128x8x128xf32, #tpu.memory_space<vmem>> -> memref<1x8x128xf32, #tpu.memory_space<vmem>>
    %dma_start3A_1092 = tpu.memref_squeeze %dma_start3A_1091 : memref<1x8x128xf32, #tpu.memory_space<vmem>> -> memref<8x128xf32, #tpu.memory_space<vmem>>
    %dma_start3A_1093 = arith.constant 96 : i32
    %dma_start3A_1094 = tpu.memref_slice %arg2[%dma_start3A_1093, %multiple_of3A_303] : memref<128x100000xf32, #tpu.memory_space<any>> -> memref<8x128xf32, #tpu.memory_space<any>>
    tpu.enqueue_dma source(%dma_start3A_1094 : memref<8x128xf32, #tpu.memory_space<any>>) target(%dma_start3A_1092 : memref<8x128xf32, #tpu.memory_space<vmem>>) target_semaphore(%arg7 : memref<!tpu.dma_semaphore, #tpu.memory_space<semaphore_mem>>)
    %dma_start3A_1095 = arith.constant 102 : i32
    %dma_start3A_1096 = arith.constant 0 : i32
    %dma_start3A_1097 = arith.constant 0 : i32
    %dma_start3A_1098 = tpu.memref_slice %arg6[%dma_start3A_1095, %dma_start3A_1096, %dma_start3A_1097] : memref<128x8x128xf32, #tpu.memory_space<vmem>> -> memref<1x8x128xf32, #tpu.memory_space<vmem>>
    %dma_start3A_1099 = tpu.memref_squeeze %dma_start3A_1098 : memref<1x8x128xf32, #tpu.memory_space<vmem>> -> memref<8x128xf32, #tpu.memory_space<vmem>>
    %dma_start3A_1100 = arith.constant 96 : i32
    %dma_start3A_1101 = tpu.memref_slice %arg2[%dma_start3A_1100, %multiple_of3A_306] : memref<128x100000xf32, #tpu.memory_space<any>> -> memref<8x128xf32, #tpu.memory_space<any>>
    tpu.enqueue_dma source(%dma_start3A_1101 : memref<8x128xf32, #tpu.memory_space<any>>) target(%dma_start3A_1099 : memref<8x128xf32, #tpu.memory_space<vmem>>) target_semaphore(%arg7 : memref<!tpu.dma_semaphore, #tpu.memory_space<semaphore_mem>>)
    %dma_start3A_1102 = arith.constant 103 : i32
    %dma_start3A_1103 = arith.constant 0 : i32
    %dma_start3A_1104 = arith.constant 0 : i32
    %dma_start3A_1105 = tpu.memref_slice %arg6[%dma_start3A_1102, %dma_start3A_1103, %dma_start3A_1104] : memref<128x8x128xf32, #tpu.memory_space<vmem>> -> memref<1x8x128xf32, #tpu.memory_space<vmem>>
    %dma_start3A_1106 = tpu.memref_squeeze %dma_start3A_1105 : memref<1x8x128xf32, #tpu.memory_space<vmem>> -> memref<8x128xf32, #tpu.memory_space<vmem>>
    %dma_start3A_1107 = arith.constant 96 : i32
    %dma_start3A_1108 = tpu.memref_slice %arg2[%dma_start3A_1107, %multiple_of3A_309] : memref<128x100000xf32, #tpu.memory_space<any>> -> memref<8x128xf32, #tpu.memory_space<any>>
    tpu.enqueue_dma source(%dma_start3A_1108 : memref<8x128xf32, #tpu.memory_space<any>>) target(%dma_start3A_1106 : memref<8x128xf32, #tpu.memory_space<vmem>>) target_semaphore(%arg7 : memref<!tpu.dma_semaphore, #tpu.memory_space<semaphore_mem>>)
    %dma_start3A_1109 = arith.constant 104 : i32
    %dma_start3A_1110 = arith.constant 0 : i32
    %dma_start3A_1111 = arith.constant 0 : i32
    %dma_start3A_1112 = tpu.memref_slice %arg6[%dma_start3A_1109, %dma_start3A_1110, %dma_start3A_1111] : memref<128x8x128xf32, #tpu.memory_space<vmem>> -> memref<1x8x128xf32, #tpu.memory_space<vmem>>
    %dma_start3A_1113 = tpu.memref_squeeze %dma_start3A_1112 : memref<1x8x128xf32, #tpu.memory_space<vmem>> -> memref<8x128xf32, #tpu.memory_space<vmem>>
    %dma_start3A_1114 = arith.constant 104 : i32
    %dma_start3A_1115 = tpu.memref_slice %arg2[%dma_start3A_1114, %multiple_of3A_312] : memref<128x100000xf32, #tpu.memory_space<any>> -> memref<8x128xf32, #tpu.memory_space<any>>
    tpu.enqueue_dma source(%dma_start3A_1115 : memref<8x128xf32, #tpu.memory_space<any>>) target(%dma_start3A_1113 : memref<8x128xf32, #tpu.memory_space<vmem>>) target_semaphore(%arg7 : memref<!tpu.dma_semaphore, #tpu.memory_space<semaphore_mem>>)
    %dma_start3A_1116 = arith.constant 105 : i32
    %dma_start3A_1117 = arith.constant 0 : i32
    %dma_start3A_1118 = arith.constant 0 : i32
    %dma_start3A_1119 = tpu.memref_slice %arg6[%dma_start3A_1116, %dma_start3A_1117, %dma_start3A_1118] : memref<128x8x128xf32, #tpu.memory_space<vmem>> -> memref<1x8x128xf32, #tpu.memory_space<vmem>>
    %dma_start3A_1120 = tpu.memref_squeeze %dma_start3A_1119 : memref<1x8x128xf32, #tpu.memory_space<vmem>> -> memref<8x128xf32, #tpu.memory_space<vmem>>
    %dma_start3A_1121 = arith.constant 104 : i32
    %dma_start3A_1122 = tpu.memref_slice %arg2[%dma_start3A_1121, %multiple_of3A_315] : memref<128x100000xf32, #tpu.memory_space<any>> -> memref<8x128xf32, #tpu.memory_space<any>>
    tpu.enqueue_dma source(%dma_start3A_1122 : memref<8x128xf32, #tpu.memory_space<any>>) target(%dma_start3A_1120 : memref<8x128xf32, #tpu.memory_space<vmem>>) target_semaphore(%arg7 : memref<!tpu.dma_semaphore, #tpu.memory_space<semaphore_mem>>)
    %dma_start3A_1123 = arith.constant 106 : i32
    %dma_start3A_1124 = arith.constant 0 : i32
    %dma_start3A_1125 = arith.constant 0 : i32
    %dma_start3A_1126 = tpu.memref_slice %arg6[%dma_start3A_1123, %dma_start3A_1124, %dma_start3A_1125] : memref<128x8x128xf32, #tpu.memory_space<vmem>> -> memref<1x8x128xf32, #tpu.memory_space<vmem>>
    %dma_start3A_1127 = tpu.memref_squeeze %dma_start3A_1126 : memref<1x8x128xf32, #tpu.memory_space<vmem>> -> memref<8x128xf32, #tpu.memory_space<vmem>>
    %dma_start3A_1128 = arith.constant 104 : i32
    %dma_start3A_1129 = tpu.memref_slice %arg2[%dma_start3A_1128, %multiple_of3A_318] : memref<128x100000xf32, #tpu.memory_space<any>> -> memref<8x128xf32, #tpu.memory_space<any>>
    tpu.enqueue_dma source(%dma_start3A_1129 : memref<8x128xf32, #tpu.memory_space<any>>) target(%dma_start3A_1127 : memref<8x128xf32, #tpu.memory_space<vmem>>) target_semaphore(%arg7 : memref<!tpu.dma_semaphore, #tpu.memory_space<semaphore_mem>>)
    %dma_start3A_1130 = arith.constant 107 : i32
    %dma_start3A_1131 = arith.constant 0 : i32
    %dma_start3A_1132 = arith.constant 0 : i32
    %dma_start3A_1133 = tpu.memref_slice %arg6[%dma_start3A_1130, %dma_start3A_1131, %dma_start3A_1132] : memref<128x8x128xf32, #tpu.memory_space<vmem>> -> memref<1x8x128xf32, #tpu.memory_space<vmem>>
    %dma_start3A_1134 = tpu.memref_squeeze %dma_start3A_1133 : memref<1x8x128xf32, #tpu.memory_space<vmem>> -> memref<8x128xf32, #tpu.memory_space<vmem>>
    %dma_start3A_1135 = arith.constant 104 : i32
    %dma_start3A_1136 = tpu.memref_slice %arg2[%dma_start3A_1135, %multiple_of3A_321] : memref<128x100000xf32, #tpu.memory_space<any>> -> memref<8x128xf32, #tpu.memory_space<any>>
    tpu.enqueue_dma source(%dma_start3A_1136 : memref<8x128xf32, #tpu.memory_space<any>>) target(%dma_start3A_1134 : memref<8x128xf32, #tpu.memory_space<vmem>>) target_semaphore(%arg7 : memref<!tpu.dma_semaphore, #tpu.memory_space<semaphore_mem>>)
    %dma_start3A_1137 = arith.constant 108 : i32
    %dma_start3A_1138 = arith.constant 0 : i32
    %dma_start3A_1139 = arith.constant 0 : i32
    %dma_start3A_1140 = tpu.memref_slice %arg6[%dma_start3A_1137, %dma_start3A_1138, %dma_start3A_1139] : memref<128x8x128xf32, #tpu.memory_space<vmem>> -> memref<1x8x128xf32, #tpu.memory_space<vmem>>
    %dma_start3A_1141 = tpu.memref_squeeze %dma_start3A_1140 : memref<1x8x128xf32, #tpu.memory_space<vmem>> -> memref<8x128xf32, #tpu.memory_space<vmem>>
    %dma_start3A_1142 = arith.constant 104 : i32
    %dma_start3A_1143 = tpu.memref_slice %arg2[%dma_start3A_1142, %multiple_of3A_324] : memref<128x100000xf32, #tpu.memory_space<any>> -> memref<8x128xf32, #tpu.memory_space<any>>
    tpu.enqueue_dma source(%dma_start3A_1143 : memref<8x128xf32, #tpu.memory_space<any>>) target(%dma_start3A_1141 : memref<8x128xf32, #tpu.memory_space<vmem>>) target_semaphore(%arg7 : memref<!tpu.dma_semaphore, #tpu.memory_space<semaphore_mem>>)
    %dma_start3A_1144 = arith.constant 109 : i32
    %dma_start3A_1145 = arith.constant 0 : i32
    %dma_start3A_1146 = arith.constant 0 : i32
    %dma_start3A_1147 = tpu.memref_slice %arg6[%dma_start3A_1144, %dma_start3A_1145, %dma_start3A_1146] : memref<128x8x128xf32, #tpu.memory_space<vmem>> -> memref<1x8x128xf32, #tpu.memory_space<vmem>>
    %dma_start3A_1148 = tpu.memref_squeeze %dma_start3A_1147 : memref<1x8x128xf32, #tpu.memory_space<vmem>> -> memref<8x128xf32, #tpu.memory_space<vmem>>
    %dma_start3A_1149 = arith.constant 104 : i32
    %dma_start3A_1150 = tpu.memref_slice %arg2[%dma_start3A_1149, %multiple_of3A_327] : memref<128x100000xf32, #tpu.memory_space<any>> -> memref<8x128xf32, #tpu.memory_space<any>>
    tpu.enqueue_dma source(%dma_start3A_1150 : memref<8x128xf32, #tpu.memory_space<any>>) target(%dma_start3A_1148 : memref<8x128xf32, #tpu.memory_space<vmem>>) target_semaphore(%arg7 : memref<!tpu.dma_semaphore, #tpu.memory_space<semaphore_mem>>)
    %dma_start3A_1151 = arith.constant 110 : i32
    %dma_start3A_1152 = arith.constant 0 : i32
    %dma_start3A_1153 = arith.constant 0 : i32
    %dma_start3A_1154 = tpu.memref_slice %arg6[%dma_start3A_1151, %dma_start3A_1152, %dma_start3A_1153] : memref<128x8x128xf32, #tpu.memory_space<vmem>> -> memref<1x8x128xf32, #tpu.memory_space<vmem>>
    %dma_start3A_1155 = tpu.memref_squeeze %dma_start3A_1154 : memref<1x8x128xf32, #tpu.memory_space<vmem>> -> memref<8x128xf32, #tpu.memory_space<vmem>>
    %dma_start3A_1156 = arith.constant 104 : i32
    %dma_start3A_1157 = tpu.memref_slice %arg2[%dma_start3A_1156, %multiple_of3A_330] : memref<128x100000xf32, #tpu.memory_space<any>> -> memref<8x128xf32, #tpu.memory_space<any>>
    tpu.enqueue_dma source(%dma_start3A_1157 : memref<8x128xf32, #tpu.memory_space<any>>) target(%dma_start3A_1155 : memref<8x128xf32, #tpu.memory_space<vmem>>) target_semaphore(%arg7 : memref<!tpu.dma_semaphore, #tpu.memory_space<semaphore_mem>>)
    %dma_start3A_1158 = arith.constant 111 : i32
    %dma_start3A_1159 = arith.constant 0 : i32
    %dma_start3A_1160 = arith.constant 0 : i32
    %dma_start3A_1161 = tpu.memref_slice %arg6[%dma_start3A_1158, %dma_start3A_1159, %dma_start3A_1160] : memref<128x8x128xf32, #tpu.memory_space<vmem>> -> memref<1x8x128xf32, #tpu.memory_space<vmem>>
    %dma_start3A_1162 = tpu.memref_squeeze %dma_start3A_1161 : memref<1x8x128xf32, #tpu.memory_space<vmem>> -> memref<8x128xf32, #tpu.memory_space<vmem>>
    %dma_start3A_1163 = arith.constant 104 : i32
    %dma_start3A_1164 = tpu.memref_slice %arg2[%dma_start3A_1163, %multiple_of3A_333] : memref<128x100000xf32, #tpu.memory_space<any>> -> memref<8x128xf32, #tpu.memory_space<any>>
    tpu.enqueue_dma source(%dma_start3A_1164 : memref<8x128xf32, #tpu.memory_space<any>>) target(%dma_start3A_1162 : memref<8x128xf32, #tpu.memory_space<vmem>>) target_semaphore(%arg7 : memref<!tpu.dma_semaphore, #tpu.memory_space<semaphore_mem>>)
    %dma_start3A_1165 = arith.constant 112 : i32
    %dma_start3A_1166 = arith.constant 0 : i32
    %dma_start3A_1167 = arith.constant 0 : i32
    %dma_start3A_1168 = tpu.memref_slice %arg6[%dma_start3A_1165, %dma_start3A_1166, %dma_start3A_1167] : memref<128x8x128xf32, #tpu.memory_space<vmem>> -> memref<1x8x128xf32, #tpu.memory_space<vmem>>
    %dma_start3A_1169 = tpu.memref_squeeze %dma_start3A_1168 : memref<1x8x128xf32, #tpu.memory_space<vmem>> -> memref<8x128xf32, #tpu.memory_space<vmem>>
    %dma_start3A_1170 = arith.constant 112 : i32
    %dma_start3A_1171 = tpu.memref_slice %arg2[%dma_start3A_1170, %multiple_of3A_336] : memref<128x100000xf32, #tpu.memory_space<any>> -> memref<8x128xf32, #tpu.memory_space<any>>
    tpu.enqueue_dma source(%dma_start3A_1171 : memref<8x128xf32, #tpu.memory_space<any>>) target(%dma_start3A_1169 : memref<8x128xf32, #tpu.memory_space<vmem>>) target_semaphore(%arg7 : memref<!tpu.dma_semaphore, #tpu.memory_space<semaphore_mem>>)
    %dma_start3A_1172 = arith.constant 113 : i32
    %dma_start3A_1173 = arith.constant 0 : i32
    %dma_start3A_1174 = arith.constant 0 : i32
    %dma_start3A_1175 = tpu.memref_slice %arg6[%dma_start3A_1172, %dma_start3A_1173, %dma_start3A_1174] : memref<128x8x128xf32, #tpu.memory_space<vmem>> -> memref<1x8x128xf32, #tpu.memory_space<vmem>>
    %dma_start3A_1176 = tpu.memref_squeeze %dma_start3A_1175 : memref<1x8x128xf32, #tpu.memory_space<vmem>> -> memref<8x128xf32, #tpu.memory_space<vmem>>
    %dma_start3A_1177 = arith.constant 112 : i32
    %dma_start3A_1178 = tpu.memref_slice %arg2[%dma_start3A_1177, %multiple_of3A_339] : memref<128x100000xf32, #tpu.memory_space<any>> -> memref<8x128xf32, #tpu.memory_space<any>>
    tpu.enqueue_dma source(%dma_start3A_1178 : memref<8x128xf32, #tpu.memory_space<any>>) target(%dma_start3A_1176 : memref<8x128xf32, #tpu.memory_space<vmem>>) target_semaphore(%arg7 : memref<!tpu.dma_semaphore, #tpu.memory_space<semaphore_mem>>)
    %dma_start3A_1179 = arith.constant 114 : i32
    %dma_start3A_1180 = arith.constant 0 : i32
    %dma_start3A_1181 = arith.constant 0 : i32
    %dma_start3A_1182 = tpu.memref_slice %arg6[%dma_start3A_1179, %dma_start3A_1180, %dma_start3A_1181] : memref<128x8x128xf32, #tpu.memory_space<vmem>> -> memref<1x8x128xf32, #tpu.memory_space<vmem>>
    %dma_start3A_1183 = tpu.memref_squeeze %dma_start3A_1182 : memref<1x8x128xf32, #tpu.memory_space<vmem>> -> memref<8x128xf32, #tpu.memory_space<vmem>>
    %dma_start3A_1184 = arith.constant 112 : i32
    %dma_start3A_1185 = tpu.memref_slice %arg2[%dma_start3A_1184, %multiple_of3A_342] : memref<128x100000xf32, #tpu.memory_space<any>> -> memref<8x128xf32, #tpu.memory_space<any>>
    tpu.enqueue_dma source(%dma_start3A_1185 : memref<8x128xf32, #tpu.memory_space<any>>) target(%dma_start3A_1183 : memref<8x128xf32, #tpu.memory_space<vmem>>) target_semaphore(%arg7 : memref<!tpu.dma_semaphore, #tpu.memory_space<semaphore_mem>>)
    %dma_start3A_1186 = arith.constant 115 : i32
    %dma_start3A_1187 = arith.constant 0 : i32
    %dma_start3A_1188 = arith.constant 0 : i32
    %dma_start3A_1189 = tpu.memref_slice %arg6[%dma_start3A_1186, %dma_start3A_1187, %dma_start3A_1188] : memref<128x8x128xf32, #tpu.memory_space<vmem>> -> memref<1x8x128xf32, #tpu.memory_space<vmem>>
    %dma_start3A_1190 = tpu.memref_squeeze %dma_start3A_1189 : memref<1x8x128xf32, #tpu.memory_space<vmem>> -> memref<8x128xf32, #tpu.memory_space<vmem>>
    %dma_start3A_1191 = arith.constant 112 : i32
    %dma_start3A_1192 = tpu.memref_slice %arg2[%dma_start3A_1191, %multiple_of3A_345] : memref<128x100000xf32, #tpu.memory_space<any>> -> memref<8x128xf32, #tpu.memory_space<any>>
    tpu.enqueue_dma source(%dma_start3A_1192 : memref<8x128xf32, #tpu.memory_space<any>>) target(%dma_start3A_1190 : memref<8x128xf32, #tpu.memory_space<vmem>>) target_semaphore(%arg7 : memref<!tpu.dma_semaphore, #tpu.memory_space<semaphore_mem>>)
    %dma_start3A_1193 = arith.constant 116 : i32
    %dma_start3A_1194 = arith.constant 0 : i32
    %dma_start3A_1195 = arith.constant 0 : i32
    %dma_start3A_1196 = tpu.memref_slice %arg6[%dma_start3A_1193, %dma_start3A_1194, %dma_start3A_1195] : memref<128x8x128xf32, #tpu.memory_space<vmem>> -> memref<1x8x128xf32, #tpu.memory_space<vmem>>
    %dma_start3A_1197 = tpu.memref_squeeze %dma_start3A_1196 : memref<1x8x128xf32, #tpu.memory_space<vmem>> -> memref<8x128xf32, #tpu.memory_space<vmem>>
    %dma_start3A_1198 = arith.constant 112 : i32
    %dma_start3A_1199 = tpu.memref_slice %arg2[%dma_start3A_1198, %multiple_of3A_348] : memref<128x100000xf32, #tpu.memory_space<any>> -> memref<8x128xf32, #tpu.memory_space<any>>
    tpu.enqueue_dma source(%dma_start3A_1199 : memref<8x128xf32, #tpu.memory_space<any>>) target(%dma_start3A_1197 : memref<8x128xf32, #tpu.memory_space<vmem>>) target_semaphore(%arg7 : memref<!tpu.dma_semaphore, #tpu.memory_space<semaphore_mem>>)
    %dma_start3A_1200 = arith.constant 117 : i32
    %dma_start3A_1201 = arith.constant 0 : i32
    %dma_start3A_1202 = arith.constant 0 : i32
    %dma_start3A_1203 = tpu.memref_slice %arg6[%dma_start3A_1200, %dma_start3A_1201, %dma_start3A_1202] : memref<128x8x128xf32, #tpu.memory_space<vmem>> -> memref<1x8x128xf32, #tpu.memory_space<vmem>>
    %dma_start3A_1204 = tpu.memref_squeeze %dma_start3A_1203 : memref<1x8x128xf32, #tpu.memory_space<vmem>> -> memref<8x128xf32, #tpu.memory_space<vmem>>
    %dma_start3A_1205 = arith.constant 112 : i32
    %dma_start3A_1206 = tpu.memref_slice %arg2[%dma_start3A_1205, %multiple_of3A_351] : memref<128x100000xf32, #tpu.memory_space<any>> -> memref<8x128xf32, #tpu.memory_space<any>>
    tpu.enqueue_dma source(%dma_start3A_1206 : memref<8x128xf32, #tpu.memory_space<any>>) target(%dma_start3A_1204 : memref<8x128xf32, #tpu.memory_space<vmem>>) target_semaphore(%arg7 : memref<!tpu.dma_semaphore, #tpu.memory_space<semaphore_mem>>)
    %dma_start3A_1207 = arith.constant 118 : i32
    %dma_start3A_1208 = arith.constant 0 : i32
    %dma_start3A_1209 = arith.constant 0 : i32
    %dma_start3A_1210 = tpu.memref_slice %arg6[%dma_start3A_1207, %dma_start3A_1208, %dma_start3A_1209] : memref<128x8x128xf32, #tpu.memory_space<vmem>> -> memref<1x8x128xf32, #tpu.memory_space<vmem>>
    %dma_start3A_1211 = tpu.memref_squeeze %dma_start3A_1210 : memref<1x8x128xf32, #tpu.memory_space<vmem>> -> memref<8x128xf32, #tpu.memory_space<vmem>>
    %dma_start3A_1212 = arith.constant 112 : i32
    %dma_start3A_1213 = tpu.memref_slice %arg2[%dma_start3A_1212, %multiple_of3A_354] : memref<128x100000xf32, #tpu.memory_space<any>> -> memref<8x128xf32, #tpu.memory_space<any>>
    tpu.enqueue_dma source(%dma_start3A_1213 : memref<8x128xf32, #tpu.memory_space<any>>) target(%dma_start3A_1211 : memref<8x128xf32, #tpu.memory_space<vmem>>) target_semaphore(%arg7 : memref<!tpu.dma_semaphore, #tpu.memory_space<semaphore_mem>>)
    %dma_start3A_1214 = arith.constant 119 : i32
    %dma_start3A_1215 = arith.constant 0 : i32
    %dma_start3A_1216 = arith.constant 0 : i32
    %dma_start3A_1217 = tpu.memref_slice %arg6[%dma_start3A_1214, %dma_start3A_1215, %dma_start3A_1216] : memref<128x8x128xf32, #tpu.memory_space<vmem>> -> memref<1x8x128xf32, #tpu.memory_space<vmem>>
    %dma_start3A_1218 = tpu.memref_squeeze %dma_start3A_1217 : memref<1x8x128xf32, #tpu.memory_space<vmem>> -> memref<8x128xf32, #tpu.memory_space<vmem>>
    %dma_start3A_1219 = arith.constant 112 : i32
    %dma_start3A_1220 = tpu.memref_slice %arg2[%dma_start3A_1219, %multiple_of3A_357] : memref<128x100000xf32, #tpu.memory_space<any>> -> memref<8x128xf32, #tpu.memory_space<any>>
    tpu.enqueue_dma source(%dma_start3A_1220 : memref<8x128xf32, #tpu.memory_space<any>>) target(%dma_start3A_1218 : memref<8x128xf32, #tpu.memory_space<vmem>>) target_semaphore(%arg7 : memref<!tpu.dma_semaphore, #tpu.memory_space<semaphore_mem>>)
    %dma_start3A_1221 = arith.constant 120 : i32
    %dma_start3A_1222 = arith.constant 0 : i32
    %dma_start3A_1223 = arith.constant 0 : i32
    %dma_start3A_1224 = tpu.memref_slice %arg6[%dma_start3A_1221, %dma_start3A_1222, %dma_start3A_1223] : memref<128x8x128xf32, #tpu.memory_space<vmem>> -> memref<1x8x128xf32, #tpu.memory_space<vmem>>
    %dma_start3A_1225 = tpu.memref_squeeze %dma_start3A_1224 : memref<1x8x128xf32, #tpu.memory_space<vmem>> -> memref<8x128xf32, #tpu.memory_space<vmem>>
    %dma_start3A_1226 = arith.constant 120 : i32
    %dma_start3A_1227 = tpu.memref_slice %arg2[%dma_start3A_1226, %multiple_of3A_360] : memref<128x100000xf32, #tpu.memory_space<any>> -> memref<8x128xf32, #tpu.memory_space<any>>
    tpu.enqueue_dma source(%dma_start3A_1227 : memref<8x128xf32, #tpu.memory_space<any>>) target(%dma_start3A_1225 : memref<8x128xf32, #tpu.memory_space<vmem>>) target_semaphore(%arg7 : memref<!tpu.dma_semaphore, #tpu.memory_space<semaphore_mem>>)
    %dma_start3A_1228 = arith.constant 121 : i32
    %dma_start3A_1229 = arith.constant 0 : i32
    %dma_start3A_1230 = arith.constant 0 : i32
    %dma_start3A_1231 = tpu.memref_slice %arg6[%dma_start3A_1228, %dma_start3A_1229, %dma_start3A_1230] : memref<128x8x128xf32, #tpu.memory_space<vmem>> -> memref<1x8x128xf32, #tpu.memory_space<vmem>>
    %dma_start3A_1232 = tpu.memref_squeeze %dma_start3A_1231 : memref<1x8x128xf32, #tpu.memory_space<vmem>> -> memref<8x128xf32, #tpu.memory_space<vmem>>
    %dma_start3A_1233 = arith.constant 120 : i32
    %dma_start3A_1234 = tpu.memref_slice %arg2[%dma_start3A_1233, %multiple_of3A_363] : memref<128x100000xf32, #tpu.memory_space<any>> -> memref<8x128xf32, #tpu.memory_space<any>>
    tpu.enqueue_dma source(%dma_start3A_1234 : memref<8x128xf32, #tpu.memory_space<any>>) target(%dma_start3A_1232 : memref<8x128xf32, #tpu.memory_space<vmem>>) target_semaphore(%arg7 : memref<!tpu.dma_semaphore, #tpu.memory_space<semaphore_mem>>)
    %dma_start3A_1235 = arith.constant 122 : i32
    %dma_start3A_1236 = arith.constant 0 : i32
    %dma_start3A_1237 = arith.constant 0 : i32
    %dma_start3A_1238 = tpu.memref_slice %arg6[%dma_start3A_1235, %dma_start3A_1236, %dma_start3A_1237] : memref<128x8x128xf32, #tpu.memory_space<vmem>> -> memref<1x8x128xf32, #tpu.memory_space<vmem>>
    %dma_start3A_1239 = tpu.memref_squeeze %dma_start3A_1238 : memref<1x8x128xf32, #tpu.memory_space<vmem>> -> memref<8x128xf32, #tpu.memory_space<vmem>>
    %dma_start3A_1240 = arith.constant 120 : i32
    %dma_start3A_1241 = tpu.memref_slice %arg2[%dma_start3A_1240, %multiple_of3A_366] : memref<128x100000xf32, #tpu.memory_space<any>> -> memref<8x128xf32, #tpu.memory_space<any>>
    tpu.enqueue_dma source(%dma_start3A_1241 : memref<8x128xf32, #tpu.memory_space<any>>) target(%dma_start3A_1239 : memref<8x128xf32, #tpu.memory_space<vmem>>) target_semaphore(%arg7 : memref<!tpu.dma_semaphore, #tpu.memory_space<semaphore_mem>>)
    %dma_start3A_1242 = arith.constant 123 : i32
    %dma_start3A_1243 = arith.constant 0 : i32
    %dma_start3A_1244 = arith.constant 0 : i32
    %dma_start3A_1245 = tpu.memref_slice %arg6[%dma_start3A_1242, %dma_start3A_1243, %dma_start3A_1244] : memref<128x8x128xf32, #tpu.memory_space<vmem>> -> memref<1x8x128xf32, #tpu.memory_space<vmem>>
    %dma_start3A_1246 = tpu.memref_squeeze %dma_start3A_1245 : memref<1x8x128xf32, #tpu.memory_space<vmem>> -> memref<8x128xf32, #tpu.memory_space<vmem>>
    %dma_start3A_1247 = arith.constant 120 : i32
    %dma_start3A_1248 = tpu.memref_slice %arg2[%dma_start3A_1247, %multiple_of3A_369] : memref<128x100000xf32, #tpu.memory_space<any>> -> memref<8x128xf32, #tpu.memory_space<any>>
    tpu.enqueue_dma source(%dma_start3A_1248 : memref<8x128xf32, #tpu.memory_space<any>>) target(%dma_start3A_1246 : memref<8x128xf32, #tpu.memory_space<vmem>>) target_semaphore(%arg7 : memref<!tpu.dma_semaphore, #tpu.memory_space<semaphore_mem>>)
    %dma_start3A_1249 = arith.constant 124 : i32
    %dma_start3A_1250 = arith.constant 0 : i32
    %dma_start3A_1251 = arith.constant 0 : i32
    %dma_start3A_1252 = tpu.memref_slice %arg6[%dma_start3A_1249, %dma_start3A_1250, %dma_start3A_1251] : memref<128x8x128xf32, #tpu.memory_space<vmem>> -> memref<1x8x128xf32, #tpu.memory_space<vmem>>
    %dma_start3A_1253 = tpu.memref_squeeze %dma_start3A_1252 : memref<1x8x128xf32, #tpu.memory_space<vmem>> -> memref<8x128xf32, #tpu.memory_space<vmem>>
    %dma_start3A_1254 = arith.constant 120 : i32
    %dma_start3A_1255 = tpu.memref_slice %arg2[%dma_start3A_1254, %multiple_of3A_372] : memref<128x100000xf32, #tpu.memory_space<any>> -> memref<8x128xf32, #tpu.memory_space<any>>
    tpu.enqueue_dma source(%dma_start3A_1255 : memref<8x128xf32, #tpu.memory_space<any>>) target(%dma_start3A_1253 : memref<8x128xf32, #tpu.memory_space<vmem>>) target_semaphore(%arg7 : memref<!tpu.dma_semaphore, #tpu.memory_space<semaphore_mem>>)
    %dma_start3A_1256 = arith.constant 125 : i32
    %dma_start3A_1257 = arith.constant 0 : i32
    %dma_start3A_1258 = arith.constant 0 : i32
    %dma_start3A_1259 = tpu.memref_slice %arg6[%dma_start3A_1256, %dma_start3A_1257, %dma_start3A_1258] : memref<128x8x128xf32, #tpu.memory_space<vmem>> -> memref<1x8x128xf32, #tpu.memory_space<vmem>>
    %dma_start3A_1260 = tpu.memref_squeeze %dma_start3A_1259 : memref<1x8x128xf32, #tpu.memory_space<vmem>> -> memref<8x128xf32, #tpu.memory_space<vmem>>
    %dma_start3A_1261 = arith.constant 120 : i32
    %dma_start3A_1262 = tpu.memref_slice %arg2[%dma_start3A_1261, %multiple_of3A_375] : memref<128x100000xf32, #tpu.memory_space<any>> -> memref<8x128xf32, #tpu.memory_space<any>>
    tpu.enqueue_dma source(%dma_start3A_1262 : memref<8x128xf32, #tpu.memory_space<any>>) target(%dma_start3A_1260 : memref<8x128xf32, #tpu.memory_space<vmem>>) target_semaphore(%arg7 : memref<!tpu.dma_semaphore, #tpu.memory_space<semaphore_mem>>)
    %dma_start3A_1263 = arith.constant 126 : i32
    %dma_start3A_1264 = arith.constant 0 : i32
    %dma_start3A_1265 = arith.constant 0 : i32
    %dma_start3A_1266 = tpu.memref_slice %arg6[%dma_start3A_1263, %dma_start3A_1264, %dma_start3A_1265] : memref<128x8x128xf32, #tpu.memory_space<vmem>> -> memref<1x8x128xf32, #tpu.memory_space<vmem>>
    %dma_start3A_1267 = tpu.memref_squeeze %dma_start3A_1266 : memref<1x8x128xf32, #tpu.memory_space<vmem>> -> memref<8x128xf32, #tpu.memory_space<vmem>>
    %dma_start3A_1268 = arith.constant 120 : i32
    %dma_start3A_1269 = tpu.memref_slice %arg2[%dma_start3A_1268, %multiple_of3A_378] : memref<128x100000xf32, #tpu.memory_space<any>> -> memref<8x128xf32, #tpu.memory_space<any>>
    tpu.enqueue_dma source(%dma_start3A_1269 : memref<8x128xf32, #tpu.memory_space<any>>) target(%dma_start3A_1267 : memref<8x128xf32, #tpu.memory_space<vmem>>) target_semaphore(%arg7 : memref<!tpu.dma_semaphore, #tpu.memory_space<semaphore_mem>>)
    %dma_start3A_1270 = arith.constant 127 : i32
    %dma_start3A_1271 = arith.constant 0 : i32
    %dma_start3A_1272 = arith.constant 0 : i32
    %dma_start3A_1273 = tpu.memref_slice %arg6[%dma_start3A_1270, %dma_start3A_1271, %dma_start3A_1272] : memref<128x8x128xf32, #tpu.memory_space<vmem>> -> memref<1x8x128xf32, #tpu.memory_space<vmem>>
    %dma_start3A_1274 = tpu.memref_squeeze %dma_start3A_1273 : memref<1x8x128xf32, #tpu.memory_space<vmem>> -> memref<8x128xf32, #tpu.memory_space<vmem>>
    %dma_start3A_1275 = arith.constant 120 : i32
    %dma_start3A_1276 = tpu.memref_slice %arg2[%dma_start3A_1275, %multiple_of3A_381] : memref<128x100000xf32, #tpu.memory_space<any>> -> memref<8x128xf32, #tpu.memory_space<any>>
    tpu.enqueue_dma source(%dma_start3A_1276 : memref<8x128xf32, #tpu.memory_space<any>>) target(%dma_start3A_1274 : memref<8x128xf32, #tpu.memory_space<vmem>>) target_semaphore(%arg7 : memref<!tpu.dma_semaphore, #tpu.memory_space<semaphore_mem>>)
    %dma_wait3A = arith.constant 0 : i32
    %dma_wait3A_1277 = arith.constant 0 : i32
    %dma_wait3A_1278 = arith.constant 0 : i32
    %dma_wait3A_1279 = tpu.memref_slice %arg6[%dma_wait3A, %dma_wait3A_1277, %dma_wait3A_1278] : memref<128x8x128xf32, #tpu.memory_space<vmem>> -> memref<1x8x128xf32, #tpu.memory_space<vmem>>
    %dma_wait3A_1280 = tpu.memref_squeeze %dma_wait3A_1279 : memref<1x8x128xf32, #tpu.memory_space<vmem>> -> memref<8x128xf32, #tpu.memory_space<vmem>>
    %dma_wait3A_1281 = arith.constant 0 : i32
    %dma_wait3A_1282 = tpu.memref_slice %arg2[%dma_wait3A_1281, %multiple_of3A] : memref<128x100000xf32, #tpu.memory_space<any>> -> memref<8x128xf32, #tpu.memory_space<any>>
    tpu.wait_dma2 semaphore(%arg7 : memref<!tpu.dma_semaphore, #tpu.memory_space<semaphore_mem>>) src(%dma_wait3A_1282 : memref<8x128xf32, #tpu.memory_space<any>>) dst(%dma_wait3A_1280 : memref<8x128xf32, #tpu.memory_space<vmem>>)
    %dma_wait3A_1283 = arith.constant 1 : i32
    %dma_wait3A_1284 = arith.constant 0 : i32
    %dma_wait3A_1285 = arith.constant 0 : i32
    %dma_wait3A_1286 = tpu.memref_slice %arg6[%dma_wait3A_1283, %dma_wait3A_1284, %dma_wait3A_1285] : memref<128x8x128xf32, #tpu.memory_space<vmem>> -> memref<1x8x128xf32, #tpu.memory_space<vmem>>
    %dma_wait3A_1287 = tpu.memref_squeeze %dma_wait3A_1286 : memref<1x8x128xf32, #tpu.memory_space<vmem>> -> memref<8x128xf32, #tpu.memory_space<vmem>>
    %dma_wait3A_1288 = arith.constant 0 : i32
    %dma_wait3A_1289 = tpu.memref_slice %arg2[%dma_wait3A_1288, %multiple_of3A_3] : memref<128x100000xf32, #tpu.memory_space<any>> -> memref<8x128xf32, #tpu.memory_space<any>>
    tpu.wait_dma2 semaphore(%arg7 : memref<!tpu.dma_semaphore, #tpu.memory_space<semaphore_mem>>) src(%dma_wait3A_1289 : memref<8x128xf32, #tpu.memory_space<any>>) dst(%dma_wait3A_1287 : memref<8x128xf32, #tpu.memory_space<vmem>>)
    %dma_wait3A_1290 = arith.constant 2 : i32
    %dma_wait3A_1291 = arith.constant 0 : i32
    %dma_wait3A_1292 = arith.constant 0 : i32
    %dma_wait3A_1293 = tpu.memref_slice %arg6[%dma_wait3A_1290, %dma_wait3A_1291, %dma_wait3A_1292] : memref<128x8x128xf32, #tpu.memory_space<vmem>> -> memref<1x8x128xf32, #tpu.memory_space<vmem>>
    %dma_wait3A_1294 = tpu.memref_squeeze %dma_wait3A_1293 : memref<1x8x128xf32, #tpu.memory_space<vmem>> -> memref<8x128xf32, #tpu.memory_space<vmem>>
    %dma_wait3A_1295 = arith.constant 0 : i32
    %dma_wait3A_1296 = tpu.memref_slice %arg2[%dma_wait3A_1295, %multiple_of3A_6] : memref<128x100000xf32, #tpu.memory_space<any>> -> memref<8x128xf32, #tpu.memory_space<any>>
    tpu.wait_dma2 semaphore(%arg7 : memref<!tpu.dma_semaphore, #tpu.memory_space<semaphore_mem>>) src(%dma_wait3A_1296 : memref<8x128xf32, #tpu.memory_space<any>>) dst(%dma_wait3A_1294 : memref<8x128xf32, #tpu.memory_space<vmem>>)
    %dma_wait3A_1297 = arith.constant 3 : i32
    %dma_wait3A_1298 = arith.constant 0 : i32
    %dma_wait3A_1299 = arith.constant 0 : i32
    %dma_wait3A_1300 = tpu.memref_slice %arg6[%dma_wait3A_1297, %dma_wait3A_1298, %dma_wait3A_1299] : memref<128x8x128xf32, #tpu.memory_space<vmem>> -> memref<1x8x128xf32, #tpu.memory_space<vmem>>
    %dma_wait3A_1301 = tpu.memref_squeeze %dma_wait3A_1300 : memref<1x8x128xf32, #tpu.memory_space<vmem>> -> memref<8x128xf32, #tpu.memory_space<vmem>>
    %dma_wait3A_1302 = arith.constant 0 : i32
    %dma_wait3A_1303 = tpu.memref_slice %arg2[%dma_wait3A_1302, %multiple_of3A_9] : memref<128x100000xf32, #tpu.memory_space<any>> -> memref<8x128xf32, #tpu.memory_space<any>>
    tpu.wait_dma2 semaphore(%arg7 : memref<!tpu.dma_semaphore, #tpu.memory_space<semaphore_mem>>) src(%dma_wait3A_1303 : memref<8x128xf32, #tpu.memory_space<any>>) dst(%dma_wait3A_1301 : memref<8x128xf32, #tpu.memory_space<vmem>>)
    %dma_wait3A_1304 = arith.constant 4 : i32
    %dma_wait3A_1305 = arith.constant 0 : i32
    %dma_wait3A_1306 = arith.constant 0 : i32
    %dma_wait3A_1307 = tpu.memref_slice %arg6[%dma_wait3A_1304, %dma_wait3A_1305, %dma_wait3A_1306] : memref<128x8x128xf32, #tpu.memory_space<vmem>> -> memref<1x8x128xf32, #tpu.memory_space<vmem>>
    %dma_wait3A_1308 = tpu.memref_squeeze %dma_wait3A_1307 : memref<1x8x128xf32, #tpu.memory_space<vmem>> -> memref<8x128xf32, #tpu.memory_space<vmem>>
    %dma_wait3A_1309 = arith.constant 0 : i32
    %dma_wait3A_1310 = tpu.memref_slice %arg2[%dma_wait3A_1309, %multiple_of3A_12] : memref<128x100000xf32, #tpu.memory_space<any>> -> memref<8x128xf32, #tpu.memory_space<any>>
    tpu.wait_dma2 semaphore(%arg7 : memref<!tpu.dma_semaphore, #tpu.memory_space<semaphore_mem>>) src(%dma_wait3A_1310 : memref<8x128xf32, #tpu.memory_space<any>>) dst(%dma_wait3A_1308 : memref<8x128xf32, #tpu.memory_space<vmem>>)
    %dma_wait3A_1311 = arith.constant 5 : i32
    %dma_wait3A_1312 = arith.constant 0 : i32
    %dma_wait3A_1313 = arith.constant 0 : i32
    %dma_wait3A_1314 = tpu.memref_slice %arg6[%dma_wait3A_1311, %dma_wait3A_1312, %dma_wait3A_1313] : memref<128x8x128xf32, #tpu.memory_space<vmem>> -> memref<1x8x128xf32, #tpu.memory_space<vmem>>
    %dma_wait3A_1315 = tpu.memref_squeeze %dma_wait3A_1314 : memref<1x8x128xf32, #tpu.memory_space<vmem>> -> memref<8x128xf32, #tpu.memory_space<vmem>>
    %dma_wait3A_1316 = arith.constant 0 : i32
    %dma_wait3A_1317 = tpu.memref_slice %arg2[%dma_wait3A_1316, %multiple_of3A_15] : memref<128x100000xf32, #tpu.memory_space<any>> -> memref<8x128xf32, #tpu.memory_space<any>>
    tpu.wait_dma2 semaphore(%arg7 : memref<!tpu.dma_semaphore, #tpu.memory_space<semaphore_mem>>) src(%dma_wait3A_1317 : memref<8x128xf32, #tpu.memory_space<any>>) dst(%dma_wait3A_1315 : memref<8x128xf32, #tpu.memory_space<vmem>>)
    %dma_wait3A_1318 = arith.constant 6 : i32
    %dma_wait3A_1319 = arith.constant 0 : i32
    %dma_wait3A_1320 = arith.constant 0 : i32
    %dma_wait3A_1321 = tpu.memref_slice %arg6[%dma_wait3A_1318, %dma_wait3A_1319, %dma_wait3A_1320] : memref<128x8x128xf32, #tpu.memory_space<vmem>> -> memref<1x8x128xf32, #tpu.memory_space<vmem>>
    %dma_wait3A_1322 = tpu.memref_squeeze %dma_wait3A_1321 : memref<1x8x128xf32, #tpu.memory_space<vmem>> -> memref<8x128xf32, #tpu.memory_space<vmem>>
    %dma_wait3A_1323 = arith.constant 0 : i32
    %dma_wait3A_1324 = tpu.memref_slice %arg2[%dma_wait3A_1323, %multiple_of3A_18] : memref<128x100000xf32, #tpu.memory_space<any>> -> memref<8x128xf32, #tpu.memory_space<any>>
    tpu.wait_dma2 semaphore(%arg7 : memref<!tpu.dma_semaphore, #tpu.memory_space<semaphore_mem>>) src(%dma_wait3A_1324 : memref<8x128xf32, #tpu.memory_space<any>>) dst(%dma_wait3A_1322 : memref<8x128xf32, #tpu.memory_space<vmem>>)
    %dma_wait3A_1325 = arith.constant 7 : i32
    %dma_wait3A_1326 = arith.constant 0 : i32
    %dma_wait3A_1327 = arith.constant 0 : i32
    %dma_wait3A_1328 = tpu.memref_slice %arg6[%dma_wait3A_1325, %dma_wait3A_1326, %dma_wait3A_1327] : memref<128x8x128xf32, #tpu.memory_space<vmem>> -> memref<1x8x128xf32, #tpu.memory_space<vmem>>
    %dma_wait3A_1329 = tpu.memref_squeeze %dma_wait3A_1328 : memref<1x8x128xf32, #tpu.memory_space<vmem>> -> memref<8x128xf32, #tpu.memory_space<vmem>>
    %dma_wait3A_1330 = arith.constant 0 : i32
    %dma_wait3A_1331 = tpu.memref_slice %arg2[%dma_wait3A_1330, %multiple_of3A_21] : memref<128x100000xf32, #tpu.memory_space<any>> -> memref<8x128xf32, #tpu.memory_space<any>>
    tpu.wait_dma2 semaphore(%arg7 : memref<!tpu.dma_semaphore, #tpu.memory_space<semaphore_mem>>) src(%dma_wait3A_1331 : memref<8x128xf32, #tpu.memory_space<any>>) dst(%dma_wait3A_1329 : memref<8x128xf32, #tpu.memory_space<vmem>>)
    %dma_wait3A_1332 = arith.constant 8 : i32
    %dma_wait3A_1333 = arith.constant 0 : i32
    %dma_wait3A_1334 = arith.constant 0 : i32
    %dma_wait3A_1335 = tpu.memref_slice %arg6[%dma_wait3A_1332, %dma_wait3A_1333, %dma_wait3A_1334] : memref<128x8x128xf32, #tpu.memory_space<vmem>> -> memref<1x8x128xf32, #tpu.memory_space<vmem>>
    %dma_wait3A_1336 = tpu.memref_squeeze %dma_wait3A_1335 : memref<1x8x128xf32, #tpu.memory_space<vmem>> -> memref<8x128xf32, #tpu.memory_space<vmem>>
    %dma_wait3A_1337 = arith.constant 8 : i32
    %dma_wait3A_1338 = tpu.memref_slice %arg2[%dma_wait3A_1337, %multiple_of3A_24] : memref<128x100000xf32, #tpu.memory_space<any>> -> memref<8x128xf32, #tpu.memory_space<any>>
    tpu.wait_dma2 semaphore(%arg7 : memref<!tpu.dma_semaphore, #tpu.memory_space<semaphore_mem>>) src(%dma_wait3A_1338 : memref<8x128xf32, #tpu.memory_space<any>>) dst(%dma_wait3A_1336 : memref<8x128xf32, #tpu.memory_space<vmem>>)
    %dma_wait3A_1339 = arith.constant 9 : i32
    %dma_wait3A_1340 = arith.constant 0 : i32
    %dma_wait3A_1341 = arith.constant 0 : i32
    %dma_wait3A_1342 = tpu.memref_slice %arg6[%dma_wait3A_1339, %dma_wait3A_1340, %dma_wait3A_1341] : memref<128x8x128xf32, #tpu.memory_space<vmem>> -> memref<1x8x128xf32, #tpu.memory_space<vmem>>
    %dma_wait3A_1343 = tpu.memref_squeeze %dma_wait3A_1342 : memref<1x8x128xf32, #tpu.memory_space<vmem>> -> memref<8x128xf32, #tpu.memory_space<vmem>>
    %dma_wait3A_1344 = arith.constant 8 : i32
    %dma_wait3A_1345 = tpu.memref_slice %arg2[%dma_wait3A_1344, %multiple_of3A_27] : memref<128x100000xf32, #tpu.memory_space<any>> -> memref<8x128xf32, #tpu.memory_space<any>>
    tpu.wait_dma2 semaphore(%arg7 : memref<!tpu.dma_semaphore, #tpu.memory_space<semaphore_mem>>) src(%dma_wait3A_1345 : memref<8x128xf32, #tpu.memory_space<any>>) dst(%dma_wait3A_1343 : memref<8x128xf32, #tpu.memory_space<vmem>>)
    %dma_wait3A_1346 = arith.constant 10 : i32
    %dma_wait3A_1347 = arith.constant 0 : i32
    %dma_wait3A_1348 = arith.constant 0 : i32
    %dma_wait3A_1349 = tpu.memref_slice %arg6[%dma_wait3A_1346, %dma_wait3A_1347, %dma_wait3A_1348] : memref<128x8x128xf32, #tpu.memory_space<vmem>> -> memref<1x8x128xf32, #tpu.memory_space<vmem>>
    %dma_wait3A_1350 = tpu.memref_squeeze %dma_wait3A_1349 : memref<1x8x128xf32, #tpu.memory_space<vmem>> -> memref<8x128xf32, #tpu.memory_space<vmem>>
    %dma_wait3A_1351 = arith.constant 8 : i32
    %dma_wait3A_1352 = tpu.memref_slice %arg2[%dma_wait3A_1351, %multiple_of3A_30] : memref<128x100000xf32, #tpu.memory_space<any>> -> memref<8x128xf32, #tpu.memory_space<any>>
    tpu.wait_dma2 semaphore(%arg7 : memref<!tpu.dma_semaphore, #tpu.memory_space<semaphore_mem>>) src(%dma_wait3A_1352 : memref<8x128xf32, #tpu.memory_space<any>>) dst(%dma_wait3A_1350 : memref<8x128xf32, #tpu.memory_space<vmem>>)
    %dma_wait3A_1353 = arith.constant 11 : i32
    %dma_wait3A_1354 = arith.constant 0 : i32
    %dma_wait3A_1355 = arith.constant 0 : i32
    %dma_wait3A_1356 = tpu.memref_slice %arg6[%dma_wait3A_1353, %dma_wait3A_1354, %dma_wait3A_1355] : memref<128x8x128xf32, #tpu.memory_space<vmem>> -> memref<1x8x128xf32, #tpu.memory_space<vmem>>
    %dma_wait3A_1357 = tpu.memref_squeeze %dma_wait3A_1356 : memref<1x8x128xf32, #tpu.memory_space<vmem>> -> memref<8x128xf32, #tpu.memory_space<vmem>>
    %dma_wait3A_1358 = arith.constant 8 : i32
    %dma_wait3A_1359 = tpu.memref_slice %arg2[%dma_wait3A_1358, %multiple_of3A_33] : memref<128x100000xf32, #tpu.memory_space<any>> -> memref<8x128xf32, #tpu.memory_space<any>>
    tpu.wait_dma2 semaphore(%arg7 : memref<!tpu.dma_semaphore, #tpu.memory_space<semaphore_mem>>) src(%dma_wait3A_1359 : memref<8x128xf32, #tpu.memory_space<any>>) dst(%dma_wait3A_1357 : memref<8x128xf32, #tpu.memory_space<vmem>>)
    %dma_wait3A_1360 = arith.constant 12 : i32
    %dma_wait3A_1361 = arith.constant 0 : i32
    %dma_wait3A_1362 = arith.constant 0 : i32
    %dma_wait3A_1363 = tpu.memref_slice %arg6[%dma_wait3A_1360, %dma_wait3A_1361, %dma_wait3A_1362] : memref<128x8x128xf32, #tpu.memory_space<vmem>> -> memref<1x8x128xf32, #tpu.memory_space<vmem>>
    %dma_wait3A_1364 = tpu.memref_squeeze %dma_wait3A_1363 : memref<1x8x128xf32, #tpu.memory_space<vmem>> -> memref<8x128xf32, #tpu.memory_space<vmem>>
    %dma_wait3A_1365 = arith.constant 8 : i32
    %dma_wait3A_1366 = tpu.memref_slice %arg2[%dma_wait3A_1365, %multiple_of3A_36] : memref<128x100000xf32, #tpu.memory_space<any>> -> memref<8x128xf32, #tpu.memory_space<any>>
    tpu.wait_dma2 semaphore(%arg7 : memref<!tpu.dma_semaphore, #tpu.memory_space<semaphore_mem>>) src(%dma_wait3A_1366 : memref<8x128xf32, #tpu.memory_space<any>>) dst(%dma_wait3A_1364 : memref<8x128xf32, #tpu.memory_space<vmem>>)
    %dma_wait3A_1367 = arith.constant 13 : i32
    %dma_wait3A_1368 = arith.constant 0 : i32
    %dma_wait3A_1369 = arith.constant 0 : i32
    %dma_wait3A_1370 = tpu.memref_slice %arg6[%dma_wait3A_1367, %dma_wait3A_1368, %dma_wait3A_1369] : memref<128x8x128xf32, #tpu.memory_space<vmem>> -> memref<1x8x128xf32, #tpu.memory_space<vmem>>
    %dma_wait3A_1371 = tpu.memref_squeeze %dma_wait3A_1370 : memref<1x8x128xf32, #tpu.memory_space<vmem>> -> memref<8x128xf32, #tpu.memory_space<vmem>>
    %dma_wait3A_1372 = arith.constant 8 : i32
    %dma_wait3A_1373 = tpu.memref_slice %arg2[%dma_wait3A_1372, %multiple_of3A_39] : memref<128x100000xf32, #tpu.memory_space<any>> -> memref<8x128xf32, #tpu.memory_space<any>>
    tpu.wait_dma2 semaphore(%arg7 : memref<!tpu.dma_semaphore, #tpu.memory_space<semaphore_mem>>) src(%dma_wait3A_1373 : memref<8x128xf32, #tpu.memory_space<any>>) dst(%dma_wait3A_1371 : memref<8x128xf32, #tpu.memory_space<vmem>>)
    %dma_wait3A_1374 = arith.constant 14 : i32
    %dma_wait3A_1375 = arith.constant 0 : i32
    %dma_wait3A_1376 = arith.constant 0 : i32
    %dma_wait3A_1377 = tpu.memref_slice %arg6[%dma_wait3A_1374, %dma_wait3A_1375, %dma_wait3A_1376] : memref<128x8x128xf32, #tpu.memory_space<vmem>> -> memref<1x8x128xf32, #tpu.memory_space<vmem>>
    %dma_wait3A_1378 = tpu.memref_squeeze %dma_wait3A_1377 : memref<1x8x128xf32, #tpu.memory_space<vmem>> -> memref<8x128xf32, #tpu.memory_space<vmem>>
    %dma_wait3A_1379 = arith.constant 8 : i32
    %dma_wait3A_1380 = tpu.memref_slice %arg2[%dma_wait3A_1379, %multiple_of3A_42] : memref<128x100000xf32, #tpu.memory_space<any>> -> memref<8x128xf32, #tpu.memory_space<any>>
    tpu.wait_dma2 semaphore(%arg7 : memref<!tpu.dma_semaphore, #tpu.memory_space<semaphore_mem>>) src(%dma_wait3A_1380 : memref<8x128xf32, #tpu.memory_space<any>>) dst(%dma_wait3A_1378 : memref<8x128xf32, #tpu.memory_space<vmem>>)
    %dma_wait3A_1381 = arith.constant 15 : i32
    %dma_wait3A_1382 = arith.constant 0 : i32
    %dma_wait3A_1383 = arith.constant 0 : i32
    %dma_wait3A_1384 = tpu.memref_slice %arg6[%dma_wait3A_1381, %dma_wait3A_1382, %dma_wait3A_1383] : memref<128x8x128xf32, #tpu.memory_space<vmem>> -> memref<1x8x128xf32, #tpu.memory_space<vmem>>
    %dma_wait3A_1385 = tpu.memref_squeeze %dma_wait3A_1384 : memref<1x8x128xf32, #tpu.memory_space<vmem>> -> memref<8x128xf32, #tpu.memory_space<vmem>>
    %dma_wait3A_1386 = arith.constant 8 : i32
    %dma_wait3A_1387 = tpu.memref_slice %arg2[%dma_wait3A_1386, %multiple_of3A_45] : memref<128x100000xf32, #tpu.memory_space<any>> -> memref<8x128xf32, #tpu.memory_space<any>>
    tpu.wait_dma2 semaphore(%arg7 : memref<!tpu.dma_semaphore, #tpu.memory_space<semaphore_mem>>) src(%dma_wait3A_1387 : memref<8x128xf32, #tpu.memory_space<any>>) dst(%dma_wait3A_1385 : memref<8x128xf32, #tpu.memory_space<vmem>>)
    %dma_wait3A_1388 = arith.constant 16 : i32
    %dma_wait3A_1389 = arith.constant 0 : i32
    %dma_wait3A_1390 = arith.constant 0 : i32
    %dma_wait3A_1391 = tpu.memref_slice %arg6[%dma_wait3A_1388, %dma_wait3A_1389, %dma_wait3A_1390] : memref<128x8x128xf32, #tpu.memory_space<vmem>> -> memref<1x8x128xf32, #tpu.memory_space<vmem>>
    %dma_wait3A_1392 = tpu.memref_squeeze %dma_wait3A_1391 : memref<1x8x128xf32, #tpu.memory_space<vmem>> -> memref<8x128xf32, #tpu.memory_space<vmem>>
    %dma_wait3A_1393 = arith.constant 16 : i32
    %dma_wait3A_1394 = tpu.memref_slice %arg2[%dma_wait3A_1393, %multiple_of3A_48] : memref<128x100000xf32, #tpu.memory_space<any>> -> memref<8x128xf32, #tpu.memory_space<any>>
    tpu.wait_dma2 semaphore(%arg7 : memref<!tpu.dma_semaphore, #tpu.memory_space<semaphore_mem>>) src(%dma_wait3A_1394 : memref<8x128xf32, #tpu.memory_space<any>>) dst(%dma_wait3A_1392 : memref<8x128xf32, #tpu.memory_space<vmem>>)
    %dma_wait3A_1395 = arith.constant 17 : i32
    %dma_wait3A_1396 = arith.constant 0 : i32
    %dma_wait3A_1397 = arith.constant 0 : i32
    %dma_wait3A_1398 = tpu.memref_slice %arg6[%dma_wait3A_1395, %dma_wait3A_1396, %dma_wait3A_1397] : memref<128x8x128xf32, #tpu.memory_space<vmem>> -> memref<1x8x128xf32, #tpu.memory_space<vmem>>
    %dma_wait3A_1399 = tpu.memref_squeeze %dma_wait3A_1398 : memref<1x8x128xf32, #tpu.memory_space<vmem>> -> memref<8x128xf32, #tpu.memory_space<vmem>>
    %dma_wait3A_1400 = arith.constant 16 : i32
    %dma_wait3A_1401 = tpu.memref_slice %arg2[%dma_wait3A_1400, %multiple_of3A_51] : memref<128x100000xf32, #tpu.memory_space<any>> -> memref<8x128xf32, #tpu.memory_space<any>>
    tpu.wait_dma2 semaphore(%arg7 : memref<!tpu.dma_semaphore, #tpu.memory_space<semaphore_mem>>) src(%dma_wait3A_1401 : memref<8x128xf32, #tpu.memory_space<any>>) dst(%dma_wait3A_1399 : memref<8x128xf32, #tpu.memory_space<vmem>>)
    %dma_wait3A_1402 = arith.constant 18 : i32
    %dma_wait3A_1403 = arith.constant 0 : i32
    %dma_wait3A_1404 = arith.constant 0 : i32
    %dma_wait3A_1405 = tpu.memref_slice %arg6[%dma_wait3A_1402, %dma_wait3A_1403, %dma_wait3A_1404] : memref<128x8x128xf32, #tpu.memory_space<vmem>> -> memref<1x8x128xf32, #tpu.memory_space<vmem>>
    %dma_wait3A_1406 = tpu.memref_squeeze %dma_wait3A_1405 : memref<1x8x128xf32, #tpu.memory_space<vmem>> -> memref<8x128xf32, #tpu.memory_space<vmem>>
    %dma_wait3A_1407 = arith.constant 16 : i32
    %dma_wait3A_1408 = tpu.memref_slice %arg2[%dma_wait3A_1407, %multiple_of3A_54] : memref<128x100000xf32, #tpu.memory_space<any>> -> memref<8x128xf32, #tpu.memory_space<any>>
    tpu.wait_dma2 semaphore(%arg7 : memref<!tpu.dma_semaphore, #tpu.memory_space<semaphore_mem>>) src(%dma_wait3A_1408 : memref<8x128xf32, #tpu.memory_space<any>>) dst(%dma_wait3A_1406 : memref<8x128xf32, #tpu.memory_space<vmem>>)
    %dma_wait3A_1409 = arith.constant 19 : i32
    %dma_wait3A_1410 = arith.constant 0 : i32
    %dma_wait3A_1411 = arith.constant 0 : i32
    %dma_wait3A_1412 = tpu.memref_slice %arg6[%dma_wait3A_1409, %dma_wait3A_1410, %dma_wait3A_1411] : memref<128x8x128xf32, #tpu.memory_space<vmem>> -> memref<1x8x128xf32, #tpu.memory_space<vmem>>
    %dma_wait3A_1413 = tpu.memref_squeeze %dma_wait3A_1412 : memref<1x8x128xf32, #tpu.memory_space<vmem>> -> memref<8x128xf32, #tpu.memory_space<vmem>>
    %dma_wait3A_1414 = arith.constant 16 : i32
    %dma_wait3A_1415 = tpu.memref_slice %arg2[%dma_wait3A_1414, %multiple_of3A_57] : memref<128x100000xf32, #tpu.memory_space<any>> -> memref<8x128xf32, #tpu.memory_space<any>>
    tpu.wait_dma2 semaphore(%arg7 : memref<!tpu.dma_semaphore, #tpu.memory_space<semaphore_mem>>) src(%dma_wait3A_1415 : memref<8x128xf32, #tpu.memory_space<any>>) dst(%dma_wait3A_1413 : memref<8x128xf32, #tpu.memory_space<vmem>>)
    %dma_wait3A_1416 = arith.constant 20 : i32
    %dma_wait3A_1417 = arith.constant 0 : i32
    %dma_wait3A_1418 = arith.constant 0 : i32
    %dma_wait3A_1419 = tpu.memref_slice %arg6[%dma_wait3A_1416, %dma_wait3A_1417, %dma_wait3A_1418] : memref<128x8x128xf32, #tpu.memory_space<vmem>> -> memref<1x8x128xf32, #tpu.memory_space<vmem>>
    %dma_wait3A_1420 = tpu.memref_squeeze %dma_wait3A_1419 : memref<1x8x128xf32, #tpu.memory_space<vmem>> -> memref<8x128xf32, #tpu.memory_space<vmem>>
    %dma_wait3A_1421 = arith.constant 16 : i32
    %dma_wait3A_1422 = tpu.memref_slice %arg2[%dma_wait3A_1421, %multiple_of3A_60] : memref<128x100000xf32, #tpu.memory_space<any>> -> memref<8x128xf32, #tpu.memory_space<any>>
    tpu.wait_dma2 semaphore(%arg7 : memref<!tpu.dma_semaphore, #tpu.memory_space<semaphore_mem>>) src(%dma_wait3A_1422 : memref<8x128xf32, #tpu.memory_space<any>>) dst(%dma_wait3A_1420 : memref<8x128xf32, #tpu.memory_space<vmem>>)
    %dma_wait3A_1423 = arith.constant 21 : i32
    %dma_wait3A_1424 = arith.constant 0 : i32
    %dma_wait3A_1425 = arith.constant 0 : i32
    %dma_wait3A_1426 = tpu.memref_slice %arg6[%dma_wait3A_1423, %dma_wait3A_1424, %dma_wait3A_1425] : memref<128x8x128xf32, #tpu.memory_space<vmem>> -> memref<1x8x128xf32, #tpu.memory_space<vmem>>
    %dma_wait3A_1427 = tpu.memref_squeeze %dma_wait3A_1426 : memref<1x8x128xf32, #tpu.memory_space<vmem>> -> memref<8x128xf32, #tpu.memory_space<vmem>>
    %dma_wait3A_1428 = arith.constant 16 : i32
    %dma_wait3A_1429 = tpu.memref_slice %arg2[%dma_wait3A_1428, %multiple_of3A_63] : memref<128x100000xf32, #tpu.memory_space<any>> -> memref<8x128xf32, #tpu.memory_space<any>>
    tpu.wait_dma2 semaphore(%arg7 : memref<!tpu.dma_semaphore, #tpu.memory_space<semaphore_mem>>) src(%dma_wait3A_1429 : memref<8x128xf32, #tpu.memory_space<any>>) dst(%dma_wait3A_1427 : memref<8x128xf32, #tpu.memory_space<vmem>>)
    %dma_wait3A_1430 = arith.constant 22 : i32
    %dma_wait3A_1431 = arith.constant 0 : i32
    %dma_wait3A_1432 = arith.constant 0 : i32
    %dma_wait3A_1433 = tpu.memref_slice %arg6[%dma_wait3A_1430, %dma_wait3A_1431, %dma_wait3A_1432] : memref<128x8x128xf32, #tpu.memory_space<vmem>> -> memref<1x8x128xf32, #tpu.memory_space<vmem>>
    %dma_wait3A_1434 = tpu.memref_squeeze %dma_wait3A_1433 : memref<1x8x128xf32, #tpu.memory_space<vmem>> -> memref<8x128xf32, #tpu.memory_space<vmem>>
    %dma_wait3A_1435 = arith.constant 16 : i32
    %dma_wait3A_1436 = tpu.memref_slice %arg2[%dma_wait3A_1435, %multiple_of3A_66] : memref<128x100000xf32, #tpu.memory_space<any>> -> memref<8x128xf32, #tpu.memory_space<any>>
    tpu.wait_dma2 semaphore(%arg7 : memref<!tpu.dma_semaphore, #tpu.memory_space<semaphore_mem>>) src(%dma_wait3A_1436 : memref<8x128xf32, #tpu.memory_space<any>>) dst(%dma_wait3A_1434 : memref<8x128xf32, #tpu.memory_space<vmem>>)
    %dma_wait3A_1437 = arith.constant 23 : i32
    %dma_wait3A_1438 = arith.constant 0 : i32
    %dma_wait3A_1439 = arith.constant 0 : i32
    %dma_wait3A_1440 = tpu.memref_slice %arg6[%dma_wait3A_1437, %dma_wait3A_1438, %dma_wait3A_1439] : memref<128x8x128xf32, #tpu.memory_space<vmem>> -> memref<1x8x128xf32, #tpu.memory_space<vmem>>
    %dma_wait3A_1441 = tpu.memref_squeeze %dma_wait3A_1440 : memref<1x8x128xf32, #tpu.memory_space<vmem>> -> memref<8x128xf32, #tpu.memory_space<vmem>>
    %dma_wait3A_1442 = arith.constant 16 : i32
    %dma_wait3A_1443 = tpu.memref_slice %arg2[%dma_wait3A_1442, %multiple_of3A_69] : memref<128x100000xf32, #tpu.memory_space<any>> -> memref<8x128xf32, #tpu.memory_space<any>>
    tpu.wait_dma2 semaphore(%arg7 : memref<!tpu.dma_semaphore, #tpu.memory_space<semaphore_mem>>) src(%dma_wait3A_1443 : memref<8x128xf32, #tpu.memory_space<any>>) dst(%dma_wait3A_1441 : memref<8x128xf32, #tpu.memory_space<vmem>>)
    %dma_wait3A_1444 = arith.constant 24 : i32
    %dma_wait3A_1445 = arith.constant 0 : i32
    %dma_wait3A_1446 = arith.constant 0 : i32
    %dma_wait3A_1447 = tpu.memref_slice %arg6[%dma_wait3A_1444, %dma_wait3A_1445, %dma_wait3A_1446] : memref<128x8x128xf32, #tpu.memory_space<vmem>> -> memref<1x8x128xf32, #tpu.memory_space<vmem>>
    %dma_wait3A_1448 = tpu.memref_squeeze %dma_wait3A_1447 : memref<1x8x128xf32, #tpu.memory_space<vmem>> -> memref<8x128xf32, #tpu.memory_space<vmem>>
    %dma_wait3A_1449 = arith.constant 24 : i32
    %dma_wait3A_1450 = tpu.memref_slice %arg2[%dma_wait3A_1449, %multiple_of3A_72] : memref<128x100000xf32, #tpu.memory_space<any>> -> memref<8x128xf32, #tpu.memory_space<any>>
    tpu.wait_dma2 semaphore(%arg7 : memref<!tpu.dma_semaphore, #tpu.memory_space<semaphore_mem>>) src(%dma_wait3A_1450 : memref<8x128xf32, #tpu.memory_space<any>>) dst(%dma_wait3A_1448 : memref<8x128xf32, #tpu.memory_space<vmem>>)
    %dma_wait3A_1451 = arith.constant 25 : i32
    %dma_wait3A_1452 = arith.constant 0 : i32
    %dma_wait3A_1453 = arith.constant 0 : i32
    %dma_wait3A_1454 = tpu.memref_slice %arg6[%dma_wait3A_1451, %dma_wait3A_1452, %dma_wait3A_1453] : memref<128x8x128xf32, #tpu.memory_space<vmem>> -> memref<1x8x128xf32, #tpu.memory_space<vmem>>
    %dma_wait3A_1455 = tpu.memref_squeeze %dma_wait3A_1454 : memref<1x8x128xf32, #tpu.memory_space<vmem>> -> memref<8x128xf32, #tpu.memory_space<vmem>>
    %dma_wait3A_1456 = arith.constant 24 : i32
    %dma_wait3A_1457 = tpu.memref_slice %arg2[%dma_wait3A_1456, %multiple_of3A_75] : memref<128x100000xf32, #tpu.memory_space<any>> -> memref<8x128xf32, #tpu.memory_space<any>>
    tpu.wait_dma2 semaphore(%arg7 : memref<!tpu.dma_semaphore, #tpu.memory_space<semaphore_mem>>) src(%dma_wait3A_1457 : memref<8x128xf32, #tpu.memory_space<any>>) dst(%dma_wait3A_1455 : memref<8x128xf32, #tpu.memory_space<vmem>>)
    %dma_wait3A_1458 = arith.constant 26 : i32
    %dma_wait3A_1459 = arith.constant 0 : i32
    %dma_wait3A_1460 = arith.constant 0 : i32
    %dma_wait3A_1461 = tpu.memref_slice %arg6[%dma_wait3A_1458, %dma_wait3A_1459, %dma_wait3A_1460] : memref<128x8x128xf32, #tpu.memory_space<vmem>> -> memref<1x8x128xf32, #tpu.memory_space<vmem>>
    %dma_wait3A_1462 = tpu.memref_squeeze %dma_wait3A_1461 : memref<1x8x128xf32, #tpu.memory_space<vmem>> -> memref<8x128xf32, #tpu.memory_space<vmem>>
    %dma_wait3A_1463 = arith.constant 24 : i32
    %dma_wait3A_1464 = tpu.memref_slice %arg2[%dma_wait3A_1463, %multiple_of3A_78] : memref<128x100000xf32, #tpu.memory_space<any>> -> memref<8x128xf32, #tpu.memory_space<any>>
    tpu.wait_dma2 semaphore(%arg7 : memref<!tpu.dma_semaphore, #tpu.memory_space<semaphore_mem>>) src(%dma_wait3A_1464 : memref<8x128xf32, #tpu.memory_space<any>>) dst(%dma_wait3A_1462 : memref<8x128xf32, #tpu.memory_space<vmem>>)
    %dma_wait3A_1465 = arith.constant 27 : i32
    %dma_wait3A_1466 = arith.constant 0 : i32
    %dma_wait3A_1467 = arith.constant 0 : i32
    %dma_wait3A_1468 = tpu.memref_slice %arg6[%dma_wait3A_1465, %dma_wait3A_1466, %dma_wait3A_1467] : memref<128x8x128xf32, #tpu.memory_space<vmem>> -> memref<1x8x128xf32, #tpu.memory_space<vmem>>
    %dma_wait3A_1469 = tpu.memref_squeeze %dma_wait3A_1468 : memref<1x8x128xf32, #tpu.memory_space<vmem>> -> memref<8x128xf32, #tpu.memory_space<vmem>>
    %dma_wait3A_1470 = arith.constant 24 : i32
    %dma_wait3A_1471 = tpu.memref_slice %arg2[%dma_wait3A_1470, %multiple_of3A_81] : memref<128x100000xf32, #tpu.memory_space<any>> -> memref<8x128xf32, #tpu.memory_space<any>>
    tpu.wait_dma2 semaphore(%arg7 : memref<!tpu.dma_semaphore, #tpu.memory_space<semaphore_mem>>) src(%dma_wait3A_1471 : memref<8x128xf32, #tpu.memory_space<any>>) dst(%dma_wait3A_1469 : memref<8x128xf32, #tpu.memory_space<vmem>>)
    %dma_wait3A_1472 = arith.constant 28 : i32
    %dma_wait3A_1473 = arith.constant 0 : i32
    %dma_wait3A_1474 = arith.constant 0 : i32
    %dma_wait3A_1475 = tpu.memref_slice %arg6[%dma_wait3A_1472, %dma_wait3A_1473, %dma_wait3A_1474] : memref<128x8x128xf32, #tpu.memory_space<vmem>> -> memref<1x8x128xf32, #tpu.memory_space<vmem>>
    %dma_wait3A_1476 = tpu.memref_squeeze %dma_wait3A_1475 : memref<1x8x128xf32, #tpu.memory_space<vmem>> -> memref<8x128xf32, #tpu.memory_space<vmem>>
    %dma_wait3A_1477 = arith.constant 24 : i32
    %dma_wait3A_1478 = tpu.memref_slice %arg2[%dma_wait3A_1477, %multiple_of3A_84] : memref<128x100000xf32, #tpu.memory_space<any>> -> memref<8x128xf32, #tpu.memory_space<any>>
    tpu.wait_dma2 semaphore(%arg7 : memref<!tpu.dma_semaphore, #tpu.memory_space<semaphore_mem>>) src(%dma_wait3A_1478 : memref<8x128xf32, #tpu.memory_space<any>>) dst(%dma_wait3A_1476 : memref<8x128xf32, #tpu.memory_space<vmem>>)
    %dma_wait3A_1479 = arith.constant 29 : i32
    %dma_wait3A_1480 = arith.constant 0 : i32
    %dma_wait3A_1481 = arith.constant 0 : i32
    %dma_wait3A_1482 = tpu.memref_slice %arg6[%dma_wait3A_1479, %dma_wait3A_1480, %dma_wait3A_1481] : memref<128x8x128xf32, #tpu.memory_space<vmem>> -> memref<1x8x128xf32, #tpu.memory_space<vmem>>
    %dma_wait3A_1483 = tpu.memref_squeeze %dma_wait3A_1482 : memref<1x8x128xf32, #tpu.memory_space<vmem>> -> memref<8x128xf32, #tpu.memory_space<vmem>>
    %dma_wait3A_1484 = arith.constant 24 : i32
    %dma_wait3A_1485 = tpu.memref_slice %arg2[%dma_wait3A_1484, %multiple_of3A_87] : memref<128x100000xf32, #tpu.memory_space<any>> -> memref<8x128xf32, #tpu.memory_space<any>>
    tpu.wait_dma2 semaphore(%arg7 : memref<!tpu.dma_semaphore, #tpu.memory_space<semaphore_mem>>) src(%dma_wait3A_1485 : memref<8x128xf32, #tpu.memory_space<any>>) dst(%dma_wait3A_1483 : memref<8x128xf32, #tpu.memory_space<vmem>>)
    %dma_wait3A_1486 = arith.constant 30 : i32
    %dma_wait3A_1487 = arith.constant 0 : i32
    %dma_wait3A_1488 = arith.constant 0 : i32
    %dma_wait3A_1489 = tpu.memref_slice %arg6[%dma_wait3A_1486, %dma_wait3A_1487, %dma_wait3A_1488] : memref<128x8x128xf32, #tpu.memory_space<vmem>> -> memref<1x8x128xf32, #tpu.memory_space<vmem>>
    %dma_wait3A_1490 = tpu.memref_squeeze %dma_wait3A_1489 : memref<1x8x128xf32, #tpu.memory_space<vmem>> -> memref<8x128xf32, #tpu.memory_space<vmem>>
    %dma_wait3A_1491 = arith.constant 24 : i32
    %dma_wait3A_1492 = tpu.memref_slice %arg2[%dma_wait3A_1491, %multiple_of3A_90] : memref<128x100000xf32, #tpu.memory_space<any>> -> memref<8x128xf32, #tpu.memory_space<any>>
    tpu.wait_dma2 semaphore(%arg7 : memref<!tpu.dma_semaphore, #tpu.memory_space<semaphore_mem>>) src(%dma_wait3A_1492 : memref<8x128xf32, #tpu.memory_space<any>>) dst(%dma_wait3A_1490 : memref<8x128xf32, #tpu.memory_space<vmem>>)
    %dma_wait3A_1493 = arith.constant 31 : i32
    %dma_wait3A_1494 = arith.constant 0 : i32
    %dma_wait3A_1495 = arith.constant 0 : i32
    %dma_wait3A_1496 = tpu.memref_slice %arg6[%dma_wait3A_1493, %dma_wait3A_1494, %dma_wait3A_1495] : memref<128x8x128xf32, #tpu.memory_space<vmem>> -> memref<1x8x128xf32, #tpu.memory_space<vmem>>
    %dma_wait3A_1497 = tpu.memref_squeeze %dma_wait3A_1496 : memref<1x8x128xf32, #tpu.memory_space<vmem>> -> memref<8x128xf32, #tpu.memory_space<vmem>>
    %dma_wait3A_1498 = arith.constant 24 : i32
    %dma_wait3A_1499 = tpu.memref_slice %arg2[%dma_wait3A_1498, %multiple_of3A_93] : memref<128x100000xf32, #tpu.memory_space<any>> -> memref<8x128xf32, #tpu.memory_space<any>>
    tpu.wait_dma2 semaphore(%arg7 : memref<!tpu.dma_semaphore, #tpu.memory_space<semaphore_mem>>) src(%dma_wait3A_1499 : memref<8x128xf32, #tpu.memory_space<any>>) dst(%dma_wait3A_1497 : memref<8x128xf32, #tpu.memory_space<vmem>>)
    %dma_wait3A_1500 = arith.constant 32 : i32
    %dma_wait3A_1501 = arith.constant 0 : i32
    %dma_wait3A_1502 = arith.constant 0 : i32
    %dma_wait3A_1503 = tpu.memref_slice %arg6[%dma_wait3A_1500, %dma_wait3A_1501, %dma_wait3A_1502] : memref<128x8x128xf32, #tpu.memory_space<vmem>> -> memref<1x8x128xf32, #tpu.memory_space<vmem>>
    %dma_wait3A_1504 = tpu.memref_squeeze %dma_wait3A_1503 : memref<1x8x128xf32, #tpu.memory_space<vmem>> -> memref<8x128xf32, #tpu.memory_space<vmem>>
    %dma_wait3A_1505 = arith.constant 32 : i32
    %dma_wait3A_1506 = tpu.memref_slice %arg2[%dma_wait3A_1505, %multiple_of3A_96] : memref<128x100000xf32, #tpu.memory_space<any>> -> memref<8x128xf32, #tpu.memory_space<any>>
    tpu.wait_dma2 semaphore(%arg7 : memref<!tpu.dma_semaphore, #tpu.memory_space<semaphore_mem>>) src(%dma_wait3A_1506 : memref<8x128xf32, #tpu.memory_space<any>>) dst(%dma_wait3A_1504 : memref<8x128xf32, #tpu.memory_space<vmem>>)
    %dma_wait3A_1507 = arith.constant 33 : i32
    %dma_wait3A_1508 = arith.constant 0 : i32
    %dma_wait3A_1509 = arith.constant 0 : i32
    %dma_wait3A_1510 = tpu.memref_slice %arg6[%dma_wait3A_1507, %dma_wait3A_1508, %dma_wait3A_1509] : memref<128x8x128xf32, #tpu.memory_space<vmem>> -> memref<1x8x128xf32, #tpu.memory_space<vmem>>
    %dma_wait3A_1511 = tpu.memref_squeeze %dma_wait3A_1510 : memref<1x8x128xf32, #tpu.memory_space<vmem>> -> memref<8x128xf32, #tpu.memory_space<vmem>>
    %dma_wait3A_1512 = arith.constant 32 : i32
    %dma_wait3A_1513 = tpu.memref_slice %arg2[%dma_wait3A_1512, %multiple_of3A_99] : memref<128x100000xf32, #tpu.memory_space<any>> -> memref<8x128xf32, #tpu.memory_space<any>>
    tpu.wait_dma2 semaphore(%arg7 : memref<!tpu.dma_semaphore, #tpu.memory_space<semaphore_mem>>) src(%dma_wait3A_1513 : memref<8x128xf32, #tpu.memory_space<any>>) dst(%dma_wait3A_1511 : memref<8x128xf32, #tpu.memory_space<vmem>>)
    %dma_wait3A_1514 = arith.constant 34 : i32
    %dma_wait3A_1515 = arith.constant 0 : i32
    %dma_wait3A_1516 = arith.constant 0 : i32
    %dma_wait3A_1517 = tpu.memref_slice %arg6[%dma_wait3A_1514, %dma_wait3A_1515, %dma_wait3A_1516] : memref<128x8x128xf32, #tpu.memory_space<vmem>> -> memref<1x8x128xf32, #tpu.memory_space<vmem>>
    %dma_wait3A_1518 = tpu.memref_squeeze %dma_wait3A_1517 : memref<1x8x128xf32, #tpu.memory_space<vmem>> -> memref<8x128xf32, #tpu.memory_space<vmem>>
    %dma_wait3A_1519 = arith.constant 32 : i32
    %dma_wait3A_1520 = tpu.memref_slice %arg2[%dma_wait3A_1519, %multiple_of3A_102] : memref<128x100000xf32, #tpu.memory_space<any>> -> memref<8x128xf32, #tpu.memory_space<any>>
    tpu.wait_dma2 semaphore(%arg7 : memref<!tpu.dma_semaphore, #tpu.memory_space<semaphore_mem>>) src(%dma_wait3A_1520 : memref<8x128xf32, #tpu.memory_space<any>>) dst(%dma_wait3A_1518 : memref<8x128xf32, #tpu.memory_space<vmem>>)
    %dma_wait3A_1521 = arith.constant 35 : i32
    %dma_wait3A_1522 = arith.constant 0 : i32
    %dma_wait3A_1523 = arith.constant 0 : i32
    %dma_wait3A_1524 = tpu.memref_slice %arg6[%dma_wait3A_1521, %dma_wait3A_1522, %dma_wait3A_1523] : memref<128x8x128xf32, #tpu.memory_space<vmem>> -> memref<1x8x128xf32, #tpu.memory_space<vmem>>
    %dma_wait3A_1525 = tpu.memref_squeeze %dma_wait3A_1524 : memref<1x8x128xf32, #tpu.memory_space<vmem>> -> memref<8x128xf32, #tpu.memory_space<vmem>>
    %dma_wait3A_1526 = arith.constant 32 : i32
    %dma_wait3A_1527 = tpu.memref_slice %arg2[%dma_wait3A_1526, %multiple_of3A_105] : memref<128x100000xf32, #tpu.memory_space<any>> -> memref<8x128xf32, #tpu.memory_space<any>>
    tpu.wait_dma2 semaphore(%arg7 : memref<!tpu.dma_semaphore, #tpu.memory_space<semaphore_mem>>) src(%dma_wait3A_1527 : memref<8x128xf32, #tpu.memory_space<any>>) dst(%dma_wait3A_1525 : memref<8x128xf32, #tpu.memory_space<vmem>>)
    %dma_wait3A_1528 = arith.constant 36 : i32
    %dma_wait3A_1529 = arith.constant 0 : i32
    %dma_wait3A_1530 = arith.constant 0 : i32
    %dma_wait3A_1531 = tpu.memref_slice %arg6[%dma_wait3A_1528, %dma_wait3A_1529, %dma_wait3A_1530] : memref<128x8x128xf32, #tpu.memory_space<vmem>> -> memref<1x8x128xf32, #tpu.memory_space<vmem>>
    %dma_wait3A_1532 = tpu.memref_squeeze %dma_wait3A_1531 : memref<1x8x128xf32, #tpu.memory_space<vmem>> -> memref<8x128xf32, #tpu.memory_space<vmem>>
    %dma_wait3A_1533 = arith.constant 32 : i32
    %dma_wait3A_1534 = tpu.memref_slice %arg2[%dma_wait3A_1533, %multiple_of3A_108] : memref<128x100000xf32, #tpu.memory_space<any>> -> memref<8x128xf32, #tpu.memory_space<any>>
    tpu.wait_dma2 semaphore(%arg7 : memref<!tpu.dma_semaphore, #tpu.memory_space<semaphore_mem>>) src(%dma_wait3A_1534 : memref<8x128xf32, #tpu.memory_space<any>>) dst(%dma_wait3A_1532 : memref<8x128xf32, #tpu.memory_space<vmem>>)
    %dma_wait3A_1535 = arith.constant 37 : i32
    %dma_wait3A_1536 = arith.constant 0 : i32
    %dma_wait3A_1537 = arith.constant 0 : i32
    %dma_wait3A_1538 = tpu.memref_slice %arg6[%dma_wait3A_1535, %dma_wait3A_1536, %dma_wait3A_1537] : memref<128x8x128xf32, #tpu.memory_space<vmem>> -> memref<1x8x128xf32, #tpu.memory_space<vmem>>
    %dma_wait3A_1539 = tpu.memref_squeeze %dma_wait3A_1538 : memref<1x8x128xf32, #tpu.memory_space<vmem>> -> memref<8x128xf32, #tpu.memory_space<vmem>>
    %dma_wait3A_1540 = arith.constant 32 : i32
    %dma_wait3A_1541 = tpu.memref_slice %arg2[%dma_wait3A_1540, %multiple_of3A_111] : memref<128x100000xf32, #tpu.memory_space<any>> -> memref<8x128xf32, #tpu.memory_space<any>>
    tpu.wait_dma2 semaphore(%arg7 : memref<!tpu.dma_semaphore, #tpu.memory_space<semaphore_mem>>) src(%dma_wait3A_1541 : memref<8x128xf32, #tpu.memory_space<any>>) dst(%dma_wait3A_1539 : memref<8x128xf32, #tpu.memory_space<vmem>>)
    %dma_wait3A_1542 = arith.constant 38 : i32
    %dma_wait3A_1543 = arith.constant 0 : i32
    %dma_wait3A_1544 = arith.constant 0 : i32
    %dma_wait3A_1545 = tpu.memref_slice %arg6[%dma_wait3A_1542, %dma_wait3A_1543, %dma_wait3A_1544] : memref<128x8x128xf32, #tpu.memory_space<vmem>> -> memref<1x8x128xf32, #tpu.memory_space<vmem>>
    %dma_wait3A_1546 = tpu.memref_squeeze %dma_wait3A_1545 : memref<1x8x128xf32, #tpu.memory_space<vmem>> -> memref<8x128xf32, #tpu.memory_space<vmem>>
    %dma_wait3A_1547 = arith.constant 32 : i32
    %dma_wait3A_1548 = tpu.memref_slice %arg2[%dma_wait3A_1547, %multiple_of3A_114] : memref<128x100000xf32, #tpu.memory_space<any>> -> memref<8x128xf32, #tpu.memory_space<any>>
    tpu.wait_dma2 semaphore(%arg7 : memref<!tpu.dma_semaphore, #tpu.memory_space<semaphore_mem>>) src(%dma_wait3A_1548 : memref<8x128xf32, #tpu.memory_space<any>>) dst(%dma_wait3A_1546 : memref<8x128xf32, #tpu.memory_space<vmem>>)
    %dma_wait3A_1549 = arith.constant 39 : i32
    %dma_wait3A_1550 = arith.constant 0 : i32
    %dma_wait3A_1551 = arith.constant 0 : i32
    %dma_wait3A_1552 = tpu.memref_slice %arg6[%dma_wait3A_1549, %dma_wait3A_1550, %dma_wait3A_1551] : memref<128x8x128xf32, #tpu.memory_space<vmem>> -> memref<1x8x128xf32, #tpu.memory_space<vmem>>
    %dma_wait3A_1553 = tpu.memref_squeeze %dma_wait3A_1552 : memref<1x8x128xf32, #tpu.memory_space<vmem>> -> memref<8x128xf32, #tpu.memory_space<vmem>>
    %dma_wait3A_1554 = arith.constant 32 : i32
    %dma_wait3A_1555 = tpu.memref_slice %arg2[%dma_wait3A_1554, %multiple_of3A_117] : memref<128x100000xf32, #tpu.memory_space<any>> -> memref<8x128xf32, #tpu.memory_space<any>>
    tpu.wait_dma2 semaphore(%arg7 : memref<!tpu.dma_semaphore, #tpu.memory_space<semaphore_mem>>) src(%dma_wait3A_1555 : memref<8x128xf32, #tpu.memory_space<any>>) dst(%dma_wait3A_1553 : memref<8x128xf32, #tpu.memory_space<vmem>>)
    %dma_wait3A_1556 = arith.constant 40 : i32
    %dma_wait3A_1557 = arith.constant 0 : i32
    %dma_wait3A_1558 = arith.constant 0 : i32
    %dma_wait3A_1559 = tpu.memref_slice %arg6[%dma_wait3A_1556, %dma_wait3A_1557, %dma_wait3A_1558] : memref<128x8x128xf32, #tpu.memory_space<vmem>> -> memref<1x8x128xf32, #tpu.memory_space<vmem>>
    %dma_wait3A_1560 = tpu.memref_squeeze %dma_wait3A_1559 : memref<1x8x128xf32, #tpu.memory_space<vmem>> -> memref<8x128xf32, #tpu.memory_space<vmem>>
    %dma_wait3A_1561 = arith.constant 40 : i32
    %dma_wait3A_1562 = tpu.memref_slice %arg2[%dma_wait3A_1561, %multiple_of3A_120] : memref<128x100000xf32, #tpu.memory_space<any>> -> memref<8x128xf32, #tpu.memory_space<any>>
    tpu.wait_dma2 semaphore(%arg7 : memref<!tpu.dma_semaphore, #tpu.memory_space<semaphore_mem>>) src(%dma_wait3A_1562 : memref<8x128xf32, #tpu.memory_space<any>>) dst(%dma_wait3A_1560 : memref<8x128xf32, #tpu.memory_space<vmem>>)
    %dma_wait3A_1563 = arith.constant 41 : i32
    %dma_wait3A_1564 = arith.constant 0 : i32
    %dma_wait3A_1565 = arith.constant 0 : i32
    %dma_wait3A_1566 = tpu.memref_slice %arg6[%dma_wait3A_1563, %dma_wait3A_1564, %dma_wait3A_1565] : memref<128x8x128xf32, #tpu.memory_space<vmem>> -> memref<1x8x128xf32, #tpu.memory_space<vmem>>
    %dma_wait3A_1567 = tpu.memref_squeeze %dma_wait3A_1566 : memref<1x8x128xf32, #tpu.memory_space<vmem>> -> memref<8x128xf32, #tpu.memory_space<vmem>>
    %dma_wait3A_1568 = arith.constant 40 : i32
    %dma_wait3A_1569 = tpu.memref_slice %arg2[%dma_wait3A_1568, %multiple_of3A_123] : memref<128x100000xf32, #tpu.memory_space<any>> -> memref<8x128xf32, #tpu.memory_space<any>>
    tpu.wait_dma2 semaphore(%arg7 : memref<!tpu.dma_semaphore, #tpu.memory_space<semaphore_mem>>) src(%dma_wait3A_1569 : memref<8x128xf32, #tpu.memory_space<any>>) dst(%dma_wait3A_1567 : memref<8x128xf32, #tpu.memory_space<vmem>>)
    %dma_wait3A_1570 = arith.constant 42 : i32
    %dma_wait3A_1571 = arith.constant 0 : i32
    %dma_wait3A_1572 = arith.constant 0 : i32
    %dma_wait3A_1573 = tpu.memref_slice %arg6[%dma_wait3A_1570, %dma_wait3A_1571, %dma_wait3A_1572] : memref<128x8x128xf32, #tpu.memory_space<vmem>> -> memref<1x8x128xf32, #tpu.memory_space<vmem>>
    %dma_wait3A_1574 = tpu.memref_squeeze %dma_wait3A_1573 : memref<1x8x128xf32, #tpu.memory_space<vmem>> -> memref<8x128xf32, #tpu.memory_space<vmem>>
    %dma_wait3A_1575 = arith.constant 40 : i32
    %dma_wait3A_1576 = tpu.memref_slice %arg2[%dma_wait3A_1575, %multiple_of3A_126] : memref<128x100000xf32, #tpu.memory_space<any>> -> memref<8x128xf32, #tpu.memory_space<any>>
    tpu.wait_dma2 semaphore(%arg7 : memref<!tpu.dma_semaphore, #tpu.memory_space<semaphore_mem>>) src(%dma_wait3A_1576 : memref<8x128xf32, #tpu.memory_space<any>>) dst(%dma_wait3A_1574 : memref<8x128xf32, #tpu.memory_space<vmem>>)
    %dma_wait3A_1577 = arith.constant 43 : i32
    %dma_wait3A_1578 = arith.constant 0 : i32
    %dma_wait3A_1579 = arith.constant 0 : i32
    %dma_wait3A_1580 = tpu.memref_slice %arg6[%dma_wait3A_1577, %dma_wait3A_1578, %dma_wait3A_1579] : memref<128x8x128xf32, #tpu.memory_space<vmem>> -> memref<1x8x128xf32, #tpu.memory_space<vmem>>
    %dma_wait3A_1581 = tpu.memref_squeeze %dma_wait3A_1580 : memref<1x8x128xf32, #tpu.memory_space<vmem>> -> memref<8x128xf32, #tpu.memory_space<vmem>>
    %dma_wait3A_1582 = arith.constant 40 : i32
    %dma_wait3A_1583 = tpu.memref_slice %arg2[%dma_wait3A_1582, %multiple_of3A_129] : memref<128x100000xf32, #tpu.memory_space<any>> -> memref<8x128xf32, #tpu.memory_space<any>>
    tpu.wait_dma2 semaphore(%arg7 : memref<!tpu.dma_semaphore, #tpu.memory_space<semaphore_mem>>) src(%dma_wait3A_1583 : memref<8x128xf32, #tpu.memory_space<any>>) dst(%dma_wait3A_1581 : memref<8x128xf32, #tpu.memory_space<vmem>>)
    %dma_wait3A_1584 = arith.constant 44 : i32
    %dma_wait3A_1585 = arith.constant 0 : i32
    %dma_wait3A_1586 = arith.constant 0 : i32
    %dma_wait3A_1587 = tpu.memref_slice %arg6[%dma_wait3A_1584, %dma_wait3A_1585, %dma_wait3A_1586] : memref<128x8x128xf32, #tpu.memory_space<vmem>> -> memref<1x8x128xf32, #tpu.memory_space<vmem>>
    %dma_wait3A_1588 = tpu.memref_squeeze %dma_wait3A_1587 : memref<1x8x128xf32, #tpu.memory_space<vmem>> -> memref<8x128xf32, #tpu.memory_space<vmem>>
    %dma_wait3A_1589 = arith.constant 40 : i32
    %dma_wait3A_1590 = tpu.memref_slice %arg2[%dma_wait3A_1589, %multiple_of3A_132] : memref<128x100000xf32, #tpu.memory_space<any>> -> memref<8x128xf32, #tpu.memory_space<any>>
    tpu.wait_dma2 semaphore(%arg7 : memref<!tpu.dma_semaphore, #tpu.memory_space<semaphore_mem>>) src(%dma_wait3A_1590 : memref<8x128xf32, #tpu.memory_space<any>>) dst(%dma_wait3A_1588 : memref<8x128xf32, #tpu.memory_space<vmem>>)
    %dma_wait3A_1591 = arith.constant 45 : i32
    %dma_wait3A_1592 = arith.constant 0 : i32
    %dma_wait3A_1593 = arith.constant 0 : i32
    %dma_wait3A_1594 = tpu.memref_slice %arg6[%dma_wait3A_1591, %dma_wait3A_1592, %dma_wait3A_1593] : memref<128x8x128xf32, #tpu.memory_space<vmem>> -> memref<1x8x128xf32, #tpu.memory_space<vmem>>
    %dma_wait3A_1595 = tpu.memref_squeeze %dma_wait3A_1594 : memref<1x8x128xf32, #tpu.memory_space<vmem>> -> memref<8x128xf32, #tpu.memory_space<vmem>>
    %dma_wait3A_1596 = arith.constant 40 : i32
    %dma_wait3A_1597 = tpu.memref_slice %arg2[%dma_wait3A_1596, %multiple_of3A_135] : memref<128x100000xf32, #tpu.memory_space<any>> -> memref<8x128xf32, #tpu.memory_space<any>>
    tpu.wait_dma2 semaphore(%arg7 : memref<!tpu.dma_semaphore, #tpu.memory_space<semaphore_mem>>) src(%dma_wait3A_1597 : memref<8x128xf32, #tpu.memory_space<any>>) dst(%dma_wait3A_1595 : memref<8x128xf32, #tpu.memory_space<vmem>>)
    %dma_wait3A_1598 = arith.constant 46 : i32
    %dma_wait3A_1599 = arith.constant 0 : i32
    %dma_wait3A_1600 = arith.constant 0 : i32
    %dma_wait3A_1601 = tpu.memref_slice %arg6[%dma_wait3A_1598, %dma_wait3A_1599, %dma_wait3A_1600] : memref<128x8x128xf32, #tpu.memory_space<vmem>> -> memref<1x8x128xf32, #tpu.memory_space<vmem>>
    %dma_wait3A_1602 = tpu.memref_squeeze %dma_wait3A_1601 : memref<1x8x128xf32, #tpu.memory_space<vmem>> -> memref<8x128xf32, #tpu.memory_space<vmem>>
    %dma_wait3A_1603 = arith.constant 40 : i32
    %dma_wait3A_1604 = tpu.memref_slice %arg2[%dma_wait3A_1603, %multiple_of3A_138] : memref<128x100000xf32, #tpu.memory_space<any>> -> memref<8x128xf32, #tpu.memory_space<any>>
    tpu.wait_dma2 semaphore(%arg7 : memref<!tpu.dma_semaphore, #tpu.memory_space<semaphore_mem>>) src(%dma_wait3A_1604 : memref<8x128xf32, #tpu.memory_space<any>>) dst(%dma_wait3A_1602 : memref<8x128xf32, #tpu.memory_space<vmem>>)
    %dma_wait3A_1605 = arith.constant 47 : i32
    %dma_wait3A_1606 = arith.constant 0 : i32
    %dma_wait3A_1607 = arith.constant 0 : i32
    %dma_wait3A_1608 = tpu.memref_slice %arg6[%dma_wait3A_1605, %dma_wait3A_1606, %dma_wait3A_1607] : memref<128x8x128xf32, #tpu.memory_space<vmem>> -> memref<1x8x128xf32, #tpu.memory_space<vmem>>
    %dma_wait3A_1609 = tpu.memref_squeeze %dma_wait3A_1608 : memref<1x8x128xf32, #tpu.memory_space<vmem>> -> memref<8x128xf32, #tpu.memory_space<vmem>>
    %dma_wait3A_1610 = arith.constant 40 : i32
    %dma_wait3A_1611 = tpu.memref_slice %arg2[%dma_wait3A_1610, %multiple_of3A_141] : memref<128x100000xf32, #tpu.memory_space<any>> -> memref<8x128xf32, #tpu.memory_space<any>>
    tpu.wait_dma2 semaphore(%arg7 : memref<!tpu.dma_semaphore, #tpu.memory_space<semaphore_mem>>) src(%dma_wait3A_1611 : memref<8x128xf32, #tpu.memory_space<any>>) dst(%dma_wait3A_1609 : memref<8x128xf32, #tpu.memory_space<vmem>>)
    %dma_wait3A_1612 = arith.constant 48 : i32
    %dma_wait3A_1613 = arith.constant 0 : i32
    %dma_wait3A_1614 = arith.constant 0 : i32
    %dma_wait3A_1615 = tpu.memref_slice %arg6[%dma_wait3A_1612, %dma_wait3A_1613, %dma_wait3A_1614] : memref<128x8x128xf32, #tpu.memory_space<vmem>> -> memref<1x8x128xf32, #tpu.memory_space<vmem>>
    %dma_wait3A_1616 = tpu.memref_squeeze %dma_wait3A_1615 : memref<1x8x128xf32, #tpu.memory_space<vmem>> -> memref<8x128xf32, #tpu.memory_space<vmem>>
    %dma_wait3A_1617 = arith.constant 48 : i32
    %dma_wait3A_1618 = tpu.memref_slice %arg2[%dma_wait3A_1617, %multiple_of3A_144] : memref<128x100000xf32, #tpu.memory_space<any>> -> memref<8x128xf32, #tpu.memory_space<any>>
    tpu.wait_dma2 semaphore(%arg7 : memref<!tpu.dma_semaphore, #tpu.memory_space<semaphore_mem>>) src(%dma_wait3A_1618 : memref<8x128xf32, #tpu.memory_space<any>>) dst(%dma_wait3A_1616 : memref<8x128xf32, #tpu.memory_space<vmem>>)
    %dma_wait3A_1619 = arith.constant 49 : i32
    %dma_wait3A_1620 = arith.constant 0 : i32
    %dma_wait3A_1621 = arith.constant 0 : i32
    %dma_wait3A_1622 = tpu.memref_slice %arg6[%dma_wait3A_1619, %dma_wait3A_1620, %dma_wait3A_1621] : memref<128x8x128xf32, #tpu.memory_space<vmem>> -> memref<1x8x128xf32, #tpu.memory_space<vmem>>
    %dma_wait3A_1623 = tpu.memref_squeeze %dma_wait3A_1622 : memref<1x8x128xf32, #tpu.memory_space<vmem>> -> memref<8x128xf32, #tpu.memory_space<vmem>>
    %dma_wait3A_1624 = arith.constant 48 : i32
    %dma_wait3A_1625 = tpu.memref_slice %arg2[%dma_wait3A_1624, %multiple_of3A_147] : memref<128x100000xf32, #tpu.memory_space<any>> -> memref<8x128xf32, #tpu.memory_space<any>>
    tpu.wait_dma2 semaphore(%arg7 : memref<!tpu.dma_semaphore, #tpu.memory_space<semaphore_mem>>) src(%dma_wait3A_1625 : memref<8x128xf32, #tpu.memory_space<any>>) dst(%dma_wait3A_1623 : memref<8x128xf32, #tpu.memory_space<vmem>>)
    %dma_wait3A_1626 = arith.constant 50 : i32
    %dma_wait3A_1627 = arith.constant 0 : i32
    %dma_wait3A_1628 = arith.constant 0 : i32
    %dma_wait3A_1629 = tpu.memref_slice %arg6[%dma_wait3A_1626, %dma_wait3A_1627, %dma_wait3A_1628] : memref<128x8x128xf32, #tpu.memory_space<vmem>> -> memref<1x8x128xf32, #tpu.memory_space<vmem>>
    %dma_wait3A_1630 = tpu.memref_squeeze %dma_wait3A_1629 : memref<1x8x128xf32, #tpu.memory_space<vmem>> -> memref<8x128xf32, #tpu.memory_space<vmem>>
    %dma_wait3A_1631 = arith.constant 48 : i32
    %dma_wait3A_1632 = tpu.memref_slice %arg2[%dma_wait3A_1631, %multiple_of3A_150] : memref<128x100000xf32, #tpu.memory_space<any>> -> memref<8x128xf32, #tpu.memory_space<any>>
    tpu.wait_dma2 semaphore(%arg7 : memref<!tpu.dma_semaphore, #tpu.memory_space<semaphore_mem>>) src(%dma_wait3A_1632 : memref<8x128xf32, #tpu.memory_space<any>>) dst(%dma_wait3A_1630 : memref<8x128xf32, #tpu.memory_space<vmem>>)
    %dma_wait3A_1633 = arith.constant 51 : i32
    %dma_wait3A_1634 = arith.constant 0 : i32
    %dma_wait3A_1635 = arith.constant 0 : i32
    %dma_wait3A_1636 = tpu.memref_slice %arg6[%dma_wait3A_1633, %dma_wait3A_1634, %dma_wait3A_1635] : memref<128x8x128xf32, #tpu.memory_space<vmem>> -> memref<1x8x128xf32, #tpu.memory_space<vmem>>
    %dma_wait3A_1637 = tpu.memref_squeeze %dma_wait3A_1636 : memref<1x8x128xf32, #tpu.memory_space<vmem>> -> memref<8x128xf32, #tpu.memory_space<vmem>>
    %dma_wait3A_1638 = arith.constant 48 : i32
    %dma_wait3A_1639 = tpu.memref_slice %arg2[%dma_wait3A_1638, %multiple_of3A_153] : memref<128x100000xf32, #tpu.memory_space<any>> -> memref<8x128xf32, #tpu.memory_space<any>>
    tpu.wait_dma2 semaphore(%arg7 : memref<!tpu.dma_semaphore, #tpu.memory_space<semaphore_mem>>) src(%dma_wait3A_1639 : memref<8x128xf32, #tpu.memory_space<any>>) dst(%dma_wait3A_1637 : memref<8x128xf32, #tpu.memory_space<vmem>>)
    %dma_wait3A_1640 = arith.constant 52 : i32
    %dma_wait3A_1641 = arith.constant 0 : i32
    %dma_wait3A_1642 = arith.constant 0 : i32
    %dma_wait3A_1643 = tpu.memref_slice %arg6[%dma_wait3A_1640, %dma_wait3A_1641, %dma_wait3A_1642] : memref<128x8x128xf32, #tpu.memory_space<vmem>> -> memref<1x8x128xf32, #tpu.memory_space<vmem>>
    %dma_wait3A_1644 = tpu.memref_squeeze %dma_wait3A_1643 : memref<1x8x128xf32, #tpu.memory_space<vmem>> -> memref<8x128xf32, #tpu.memory_space<vmem>>
    %dma_wait3A_1645 = arith.constant 48 : i32
    %dma_wait3A_1646 = tpu.memref_slice %arg2[%dma_wait3A_1645, %multiple_of3A_156] : memref<128x100000xf32, #tpu.memory_space<any>> -> memref<8x128xf32, #tpu.memory_space<any>>
    tpu.wait_dma2 semaphore(%arg7 : memref<!tpu.dma_semaphore, #tpu.memory_space<semaphore_mem>>) src(%dma_wait3A_1646 : memref<8x128xf32, #tpu.memory_space<any>>) dst(%dma_wait3A_1644 : memref<8x128xf32, #tpu.memory_space<vmem>>)
    %dma_wait3A_1647 = arith.constant 53 : i32
    %dma_wait3A_1648 = arith.constant 0 : i32
    %dma_wait3A_1649 = arith.constant 0 : i32
    %dma_wait3A_1650 = tpu.memref_slice %arg6[%dma_wait3A_1647, %dma_wait3A_1648, %dma_wait3A_1649] : memref<128x8x128xf32, #tpu.memory_space<vmem>> -> memref<1x8x128xf32, #tpu.memory_space<vmem>>
    %dma_wait3A_1651 = tpu.memref_squeeze %dma_wait3A_1650 : memref<1x8x128xf32, #tpu.memory_space<vmem>> -> memref<8x128xf32, #tpu.memory_space<vmem>>
    %dma_wait3A_1652 = arith.constant 48 : i32
    %dma_wait3A_1653 = tpu.memref_slice %arg2[%dma_wait3A_1652, %multiple_of3A_159] : memref<128x100000xf32, #tpu.memory_space<any>> -> memref<8x128xf32, #tpu.memory_space<any>>
    tpu.wait_dma2 semaphore(%arg7 : memref<!tpu.dma_semaphore, #tpu.memory_space<semaphore_mem>>) src(%dma_wait3A_1653 : memref<8x128xf32, #tpu.memory_space<any>>) dst(%dma_wait3A_1651 : memref<8x128xf32, #tpu.memory_space<vmem>>)
    %dma_wait3A_1654 = arith.constant 54 : i32
    %dma_wait3A_1655 = arith.constant 0 : i32
    %dma_wait3A_1656 = arith.constant 0 : i32
    %dma_wait3A_1657 = tpu.memref_slice %arg6[%dma_wait3A_1654, %dma_wait3A_1655, %dma_wait3A_1656] : memref<128x8x128xf32, #tpu.memory_space<vmem>> -> memref<1x8x128xf32, #tpu.memory_space<vmem>>
    %dma_wait3A_1658 = tpu.memref_squeeze %dma_wait3A_1657 : memref<1x8x128xf32, #tpu.memory_space<vmem>> -> memref<8x128xf32, #tpu.memory_space<vmem>>
    %dma_wait3A_1659 = arith.constant 48 : i32
    %dma_wait3A_1660 = tpu.memref_slice %arg2[%dma_wait3A_1659, %multiple_of3A_162] : memref<128x100000xf32, #tpu.memory_space<any>> -> memref<8x128xf32, #tpu.memory_space<any>>
    tpu.wait_dma2 semaphore(%arg7 : memref<!tpu.dma_semaphore, #tpu.memory_space<semaphore_mem>>) src(%dma_wait3A_1660 : memref<8x128xf32, #tpu.memory_space<any>>) dst(%dma_wait3A_1658 : memref<8x128xf32, #tpu.memory_space<vmem>>)
    %dma_wait3A_1661 = arith.constant 55 : i32
    %dma_wait3A_1662 = arith.constant 0 : i32
    %dma_wait3A_1663 = arith.constant 0 : i32
    %dma_wait3A_1664 = tpu.memref_slice %arg6[%dma_wait3A_1661, %dma_wait3A_1662, %dma_wait3A_1663] : memref<128x8x128xf32, #tpu.memory_space<vmem>> -> memref<1x8x128xf32, #tpu.memory_space<vmem>>
    %dma_wait3A_1665 = tpu.memref_squeeze %dma_wait3A_1664 : memref<1x8x128xf32, #tpu.memory_space<vmem>> -> memref<8x128xf32, #tpu.memory_space<vmem>>
    %dma_wait3A_1666 = arith.constant 48 : i32
    %dma_wait3A_1667 = tpu.memref_slice %arg2[%dma_wait3A_1666, %multiple_of3A_165] : memref<128x100000xf32, #tpu.memory_space<any>> -> memref<8x128xf32, #tpu.memory_space<any>>
    tpu.wait_dma2 semaphore(%arg7 : memref<!tpu.dma_semaphore, #tpu.memory_space<semaphore_mem>>) src(%dma_wait3A_1667 : memref<8x128xf32, #tpu.memory_space<any>>) dst(%dma_wait3A_1665 : memref<8x128xf32, #tpu.memory_space<vmem>>)
    %dma_wait3A_1668 = arith.constant 56 : i32
    %dma_wait3A_1669 = arith.constant 0 : i32
    %dma_wait3A_1670 = arith.constant 0 : i32
    %dma_wait3A_1671 = tpu.memref_slice %arg6[%dma_wait3A_1668, %dma_wait3A_1669, %dma_wait3A_1670] : memref<128x8x128xf32, #tpu.memory_space<vmem>> -> memref<1x8x128xf32, #tpu.memory_space<vmem>>
    %dma_wait3A_1672 = tpu.memref_squeeze %dma_wait3A_1671 : memref<1x8x128xf32, #tpu.memory_space<vmem>> -> memref<8x128xf32, #tpu.memory_space<vmem>>
    %dma_wait3A_1673 = arith.constant 56 : i32
    %dma_wait3A_1674 = tpu.memref_slice %arg2[%dma_wait3A_1673, %multiple_of3A_168] : memref<128x100000xf32, #tpu.memory_space<any>> -> memref<8x128xf32, #tpu.memory_space<any>>
    tpu.wait_dma2 semaphore(%arg7 : memref<!tpu.dma_semaphore, #tpu.memory_space<semaphore_mem>>) src(%dma_wait3A_1674 : memref<8x128xf32, #tpu.memory_space<any>>) dst(%dma_wait3A_1672 : memref<8x128xf32, #tpu.memory_space<vmem>>)
    %dma_wait3A_1675 = arith.constant 57 : i32
    %dma_wait3A_1676 = arith.constant 0 : i32
    %dma_wait3A_1677 = arith.constant 0 : i32
    %dma_wait3A_1678 = tpu.memref_slice %arg6[%dma_wait3A_1675, %dma_wait3A_1676, %dma_wait3A_1677] : memref<128x8x128xf32, #tpu.memory_space<vmem>> -> memref<1x8x128xf32, #tpu.memory_space<vmem>>
    %dma_wait3A_1679 = tpu.memref_squeeze %dma_wait3A_1678 : memref<1x8x128xf32, #tpu.memory_space<vmem>> -> memref<8x128xf32, #tpu.memory_space<vmem>>
    %dma_wait3A_1680 = arith.constant 56 : i32
    %dma_wait3A_1681 = tpu.memref_slice %arg2[%dma_wait3A_1680, %multiple_of3A_171] : memref<128x100000xf32, #tpu.memory_space<any>> -> memref<8x128xf32, #tpu.memory_space<any>>
    tpu.wait_dma2 semaphore(%arg7 : memref<!tpu.dma_semaphore, #tpu.memory_space<semaphore_mem>>) src(%dma_wait3A_1681 : memref<8x128xf32, #tpu.memory_space<any>>) dst(%dma_wait3A_1679 : memref<8x128xf32, #tpu.memory_space<vmem>>)
    %dma_wait3A_1682 = arith.constant 58 : i32
    %dma_wait3A_1683 = arith.constant 0 : i32
    %dma_wait3A_1684 = arith.constant 0 : i32
    %dma_wait3A_1685 = tpu.memref_slice %arg6[%dma_wait3A_1682, %dma_wait3A_1683, %dma_wait3A_1684] : memref<128x8x128xf32, #tpu.memory_space<vmem>> -> memref<1x8x128xf32, #tpu.memory_space<vmem>>
    %dma_wait3A_1686 = tpu.memref_squeeze %dma_wait3A_1685 : memref<1x8x128xf32, #tpu.memory_space<vmem>> -> memref<8x128xf32, #tpu.memory_space<vmem>>
    %dma_wait3A_1687 = arith.constant 56 : i32
    %dma_wait3A_1688 = tpu.memref_slice %arg2[%dma_wait3A_1687, %multiple_of3A_174] : memref<128x100000xf32, #tpu.memory_space<any>> -> memref<8x128xf32, #tpu.memory_space<any>>
    tpu.wait_dma2 semaphore(%arg7 : memref<!tpu.dma_semaphore, #tpu.memory_space<semaphore_mem>>) src(%dma_wait3A_1688 : memref<8x128xf32, #tpu.memory_space<any>>) dst(%dma_wait3A_1686 : memref<8x128xf32, #tpu.memory_space<vmem>>)
    %dma_wait3A_1689 = arith.constant 59 : i32
    %dma_wait3A_1690 = arith.constant 0 : i32
    %dma_wait3A_1691 = arith.constant 0 : i32
    %dma_wait3A_1692 = tpu.memref_slice %arg6[%dma_wait3A_1689, %dma_wait3A_1690, %dma_wait3A_1691] : memref<128x8x128xf32, #tpu.memory_space<vmem>> -> memref<1x8x128xf32, #tpu.memory_space<vmem>>
    %dma_wait3A_1693 = tpu.memref_squeeze %dma_wait3A_1692 : memref<1x8x128xf32, #tpu.memory_space<vmem>> -> memref<8x128xf32, #tpu.memory_space<vmem>>
    %dma_wait3A_1694 = arith.constant 56 : i32
    %dma_wait3A_1695 = tpu.memref_slice %arg2[%dma_wait3A_1694, %multiple_of3A_177] : memref<128x100000xf32, #tpu.memory_space<any>> -> memref<8x128xf32, #tpu.memory_space<any>>
    tpu.wait_dma2 semaphore(%arg7 : memref<!tpu.dma_semaphore, #tpu.memory_space<semaphore_mem>>) src(%dma_wait3A_1695 : memref<8x128xf32, #tpu.memory_space<any>>) dst(%dma_wait3A_1693 : memref<8x128xf32, #tpu.memory_space<vmem>>)
    %dma_wait3A_1696 = arith.constant 60 : i32
    %dma_wait3A_1697 = arith.constant 0 : i32
    %dma_wait3A_1698 = arith.constant 0 : i32
    %dma_wait3A_1699 = tpu.memref_slice %arg6[%dma_wait3A_1696, %dma_wait3A_1697, %dma_wait3A_1698] : memref<128x8x128xf32, #tpu.memory_space<vmem>> -> memref<1x8x128xf32, #tpu.memory_space<vmem>>
    %dma_wait3A_1700 = tpu.memref_squeeze %dma_wait3A_1699 : memref<1x8x128xf32, #tpu.memory_space<vmem>> -> memref<8x128xf32, #tpu.memory_space<vmem>>
    %dma_wait3A_1701 = arith.constant 56 : i32
    %dma_wait3A_1702 = tpu.memref_slice %arg2[%dma_wait3A_1701, %multiple_of3A_180] : memref<128x100000xf32, #tpu.memory_space<any>> -> memref<8x128xf32, #tpu.memory_space<any>>
    tpu.wait_dma2 semaphore(%arg7 : memref<!tpu.dma_semaphore, #tpu.memory_space<semaphore_mem>>) src(%dma_wait3A_1702 : memref<8x128xf32, #tpu.memory_space<any>>) dst(%dma_wait3A_1700 : memref<8x128xf32, #tpu.memory_space<vmem>>)
    %dma_wait3A_1703 = arith.constant 61 : i32
    %dma_wait3A_1704 = arith.constant 0 : i32
    %dma_wait3A_1705 = arith.constant 0 : i32
    %dma_wait3A_1706 = tpu.memref_slice %arg6[%dma_wait3A_1703, %dma_wait3A_1704, %dma_wait3A_1705] : memref<128x8x128xf32, #tpu.memory_space<vmem>> -> memref<1x8x128xf32, #tpu.memory_space<vmem>>
    %dma_wait3A_1707 = tpu.memref_squeeze %dma_wait3A_1706 : memref<1x8x128xf32, #tpu.memory_space<vmem>> -> memref<8x128xf32, #tpu.memory_space<vmem>>
    %dma_wait3A_1708 = arith.constant 56 : i32
    %dma_wait3A_1709 = tpu.memref_slice %arg2[%dma_wait3A_1708, %multiple_of3A_183] : memref<128x100000xf32, #tpu.memory_space<any>> -> memref<8x128xf32, #tpu.memory_space<any>>
    tpu.wait_dma2 semaphore(%arg7 : memref<!tpu.dma_semaphore, #tpu.memory_space<semaphore_mem>>) src(%dma_wait3A_1709 : memref<8x128xf32, #tpu.memory_space<any>>) dst(%dma_wait3A_1707 : memref<8x128xf32, #tpu.memory_space<vmem>>)
    %dma_wait3A_1710 = arith.constant 62 : i32
    %dma_wait3A_1711 = arith.constant 0 : i32
    %dma_wait3A_1712 = arith.constant 0 : i32
    %dma_wait3A_1713 = tpu.memref_slice %arg6[%dma_wait3A_1710, %dma_wait3A_1711, %dma_wait3A_1712] : memref<128x8x128xf32, #tpu.memory_space<vmem>> -> memref<1x8x128xf32, #tpu.memory_space<vmem>>
    %dma_wait3A_1714 = tpu.memref_squeeze %dma_wait3A_1713 : memref<1x8x128xf32, #tpu.memory_space<vmem>> -> memref<8x128xf32, #tpu.memory_space<vmem>>
    %dma_wait3A_1715 = arith.constant 56 : i32
    %dma_wait3A_1716 = tpu.memref_slice %arg2[%dma_wait3A_1715, %multiple_of3A_186] : memref<128x100000xf32, #tpu.memory_space<any>> -> memref<8x128xf32, #tpu.memory_space<any>>
    tpu.wait_dma2 semaphore(%arg7 : memref<!tpu.dma_semaphore, #tpu.memory_space<semaphore_mem>>) src(%dma_wait3A_1716 : memref<8x128xf32, #tpu.memory_space<any>>) dst(%dma_wait3A_1714 : memref<8x128xf32, #tpu.memory_space<vmem>>)
    %dma_wait3A_1717 = arith.constant 63 : i32
    %dma_wait3A_1718 = arith.constant 0 : i32
    %dma_wait3A_1719 = arith.constant 0 : i32
    %dma_wait3A_1720 = tpu.memref_slice %arg6[%dma_wait3A_1717, %dma_wait3A_1718, %dma_wait3A_1719] : memref<128x8x128xf32, #tpu.memory_space<vmem>> -> memref<1x8x128xf32, #tpu.memory_space<vmem>>
    %dma_wait3A_1721 = tpu.memref_squeeze %dma_wait3A_1720 : memref<1x8x128xf32, #tpu.memory_space<vmem>> -> memref<8x128xf32, #tpu.memory_space<vmem>>
    %dma_wait3A_1722 = arith.constant 56 : i32
    %dma_wait3A_1723 = tpu.memref_slice %arg2[%dma_wait3A_1722, %multiple_of3A_189] : memref<128x100000xf32, #tpu.memory_space<any>> -> memref<8x128xf32, #tpu.memory_space<any>>
    tpu.wait_dma2 semaphore(%arg7 : memref<!tpu.dma_semaphore, #tpu.memory_space<semaphore_mem>>) src(%dma_wait3A_1723 : memref<8x128xf32, #tpu.memory_space<any>>) dst(%dma_wait3A_1721 : memref<8x128xf32, #tpu.memory_space<vmem>>)
    %dma_wait3A_1724 = arith.constant 64 : i32
    %dma_wait3A_1725 = arith.constant 0 : i32
    %dma_wait3A_1726 = arith.constant 0 : i32
    %dma_wait3A_1727 = tpu.memref_slice %arg6[%dma_wait3A_1724, %dma_wait3A_1725, %dma_wait3A_1726] : memref<128x8x128xf32, #tpu.memory_space<vmem>> -> memref<1x8x128xf32, #tpu.memory_space<vmem>>
    %dma_wait3A_1728 = tpu.memref_squeeze %dma_wait3A_1727 : memref<1x8x128xf32, #tpu.memory_space<vmem>> -> memref<8x128xf32, #tpu.memory_space<vmem>>
    %dma_wait3A_1729 = arith.constant 64 : i32
    %dma_wait3A_1730 = tpu.memref_slice %arg2[%dma_wait3A_1729, %multiple_of3A_192] : memref<128x100000xf32, #tpu.memory_space<any>> -> memref<8x128xf32, #tpu.memory_space<any>>
    tpu.wait_dma2 semaphore(%arg7 : memref<!tpu.dma_semaphore, #tpu.memory_space<semaphore_mem>>) src(%dma_wait3A_1730 : memref<8x128xf32, #tpu.memory_space<any>>) dst(%dma_wait3A_1728 : memref<8x128xf32, #tpu.memory_space<vmem>>)
    %dma_wait3A_1731 = arith.constant 65 : i32
    %dma_wait3A_1732 = arith.constant 0 : i32
    %dma_wait3A_1733 = arith.constant 0 : i32
    %dma_wait3A_1734 = tpu.memref_slice %arg6[%dma_wait3A_1731, %dma_wait3A_1732, %dma_wait3A_1733] : memref<128x8x128xf32, #tpu.memory_space<vmem>> -> memref<1x8x128xf32, #tpu.memory_space<vmem>>
    %dma_wait3A_1735 = tpu.memref_squeeze %dma_wait3A_1734 : memref<1x8x128xf32, #tpu.memory_space<vmem>> -> memref<8x128xf32, #tpu.memory_space<vmem>>
    %dma_wait3A_1736 = arith.constant 64 : i32
    %dma_wait3A_1737 = tpu.memref_slice %arg2[%dma_wait3A_1736, %multiple_of3A_195] : memref<128x100000xf32, #tpu.memory_space<any>> -> memref<8x128xf32, #tpu.memory_space<any>>
    tpu.wait_dma2 semaphore(%arg7 : memref<!tpu.dma_semaphore, #tpu.memory_space<semaphore_mem>>) src(%dma_wait3A_1737 : memref<8x128xf32, #tpu.memory_space<any>>) dst(%dma_wait3A_1735 : memref<8x128xf32, #tpu.memory_space<vmem>>)
    %dma_wait3A_1738 = arith.constant 66 : i32
    %dma_wait3A_1739 = arith.constant 0 : i32
    %dma_wait3A_1740 = arith.constant 0 : i32
    %dma_wait3A_1741 = tpu.memref_slice %arg6[%dma_wait3A_1738, %dma_wait3A_1739, %dma_wait3A_1740] : memref<128x8x128xf32, #tpu.memory_space<vmem>> -> memref<1x8x128xf32, #tpu.memory_space<vmem>>
    %dma_wait3A_1742 = tpu.memref_squeeze %dma_wait3A_1741 : memref<1x8x128xf32, #tpu.memory_space<vmem>> -> memref<8x128xf32, #tpu.memory_space<vmem>>
    %dma_wait3A_1743 = arith.constant 64 : i32
    %dma_wait3A_1744 = tpu.memref_slice %arg2[%dma_wait3A_1743, %multiple_of3A_198] : memref<128x100000xf32, #tpu.memory_space<any>> -> memref<8x128xf32, #tpu.memory_space<any>>
    tpu.wait_dma2 semaphore(%arg7 : memref<!tpu.dma_semaphore, #tpu.memory_space<semaphore_mem>>) src(%dma_wait3A_1744 : memref<8x128xf32, #tpu.memory_space<any>>) dst(%dma_wait3A_1742 : memref<8x128xf32, #tpu.memory_space<vmem>>)
    %dma_wait3A_1745 = arith.constant 67 : i32
    %dma_wait3A_1746 = arith.constant 0 : i32
    %dma_wait3A_1747 = arith.constant 0 : i32
    %dma_wait3A_1748 = tpu.memref_slice %arg6[%dma_wait3A_1745, %dma_wait3A_1746, %dma_wait3A_1747] : memref<128x8x128xf32, #tpu.memory_space<vmem>> -> memref<1x8x128xf32, #tpu.memory_space<vmem>>
    %dma_wait3A_1749 = tpu.memref_squeeze %dma_wait3A_1748 : memref<1x8x128xf32, #tpu.memory_space<vmem>> -> memref<8x128xf32, #tpu.memory_space<vmem>>
    %dma_wait3A_1750 = arith.constant 64 : i32
    %dma_wait3A_1751 = tpu.memref_slice %arg2[%dma_wait3A_1750, %multiple_of3A_201] : memref<128x100000xf32, #tpu.memory_space<any>> -> memref<8x128xf32, #tpu.memory_space<any>>
    tpu.wait_dma2 semaphore(%arg7 : memref<!tpu.dma_semaphore, #tpu.memory_space<semaphore_mem>>) src(%dma_wait3A_1751 : memref<8x128xf32, #tpu.memory_space<any>>) dst(%dma_wait3A_1749 : memref<8x128xf32, #tpu.memory_space<vmem>>)
    %dma_wait3A_1752 = arith.constant 68 : i32
    %dma_wait3A_1753 = arith.constant 0 : i32
    %dma_wait3A_1754 = arith.constant 0 : i32
    %dma_wait3A_1755 = tpu.memref_slice %arg6[%dma_wait3A_1752, %dma_wait3A_1753, %dma_wait3A_1754] : memref<128x8x128xf32, #tpu.memory_space<vmem>> -> memref<1x8x128xf32, #tpu.memory_space<vmem>>
    %dma_wait3A_1756 = tpu.memref_squeeze %dma_wait3A_1755 : memref<1x8x128xf32, #tpu.memory_space<vmem>> -> memref<8x128xf32, #tpu.memory_space<vmem>>
    %dma_wait3A_1757 = arith.constant 64 : i32
    %dma_wait3A_1758 = tpu.memref_slice %arg2[%dma_wait3A_1757, %multiple_of3A_204] : memref<128x100000xf32, #tpu.memory_space<any>> -> memref<8x128xf32, #tpu.memory_space<any>>
    tpu.wait_dma2 semaphore(%arg7 : memref<!tpu.dma_semaphore, #tpu.memory_space<semaphore_mem>>) src(%dma_wait3A_1758 : memref<8x128xf32, #tpu.memory_space<any>>) dst(%dma_wait3A_1756 : memref<8x128xf32, #tpu.memory_space<vmem>>)
    %dma_wait3A_1759 = arith.constant 69 : i32
    %dma_wait3A_1760 = arith.constant 0 : i32
    %dma_wait3A_1761 = arith.constant 0 : i32
    %dma_wait3A_1762 = tpu.memref_slice %arg6[%dma_wait3A_1759, %dma_wait3A_1760, %dma_wait3A_1761] : memref<128x8x128xf32, #tpu.memory_space<vmem>> -> memref<1x8x128xf32, #tpu.memory_space<vmem>>
    %dma_wait3A_1763 = tpu.memref_squeeze %dma_wait3A_1762 : memref<1x8x128xf32, #tpu.memory_space<vmem>> -> memref<8x128xf32, #tpu.memory_space<vmem>>
    %dma_wait3A_1764 = arith.constant 64 : i32
    %dma_wait3A_1765 = tpu.memref_slice %arg2[%dma_wait3A_1764, %multiple_of3A_207] : memref<128x100000xf32, #tpu.memory_space<any>> -> memref<8x128xf32, #tpu.memory_space<any>>
    tpu.wait_dma2 semaphore(%arg7 : memref<!tpu.dma_semaphore, #tpu.memory_space<semaphore_mem>>) src(%dma_wait3A_1765 : memref<8x128xf32, #tpu.memory_space<any>>) dst(%dma_wait3A_1763 : memref<8x128xf32, #tpu.memory_space<vmem>>)
    %dma_wait3A_1766 = arith.constant 70 : i32
    %dma_wait3A_1767 = arith.constant 0 : i32
    %dma_wait3A_1768 = arith.constant 0 : i32
    %dma_wait3A_1769 = tpu.memref_slice %arg6[%dma_wait3A_1766, %dma_wait3A_1767, %dma_wait3A_1768] : memref<128x8x128xf32, #tpu.memory_space<vmem>> -> memref<1x8x128xf32, #tpu.memory_space<vmem>>
    %dma_wait3A_1770 = tpu.memref_squeeze %dma_wait3A_1769 : memref<1x8x128xf32, #tpu.memory_space<vmem>> -> memref<8x128xf32, #tpu.memory_space<vmem>>
    %dma_wait3A_1771 = arith.constant 64 : i32
    %dma_wait3A_1772 = tpu.memref_slice %arg2[%dma_wait3A_1771, %multiple_of3A_210] : memref<128x100000xf32, #tpu.memory_space<any>> -> memref<8x128xf32, #tpu.memory_space<any>>
    tpu.wait_dma2 semaphore(%arg7 : memref<!tpu.dma_semaphore, #tpu.memory_space<semaphore_mem>>) src(%dma_wait3A_1772 : memref<8x128xf32, #tpu.memory_space<any>>) dst(%dma_wait3A_1770 : memref<8x128xf32, #tpu.memory_space<vmem>>)
    %dma_wait3A_1773 = arith.constant 71 : i32
    %dma_wait3A_1774 = arith.constant 0 : i32
    %dma_wait3A_1775 = arith.constant 0 : i32
    %dma_wait3A_1776 = tpu.memref_slice %arg6[%dma_wait3A_1773, %dma_wait3A_1774, %dma_wait3A_1775] : memref<128x8x128xf32, #tpu.memory_space<vmem>> -> memref<1x8x128xf32, #tpu.memory_space<vmem>>
    %dma_wait3A_1777 = tpu.memref_squeeze %dma_wait3A_1776 : memref<1x8x128xf32, #tpu.memory_space<vmem>> -> memref<8x128xf32, #tpu.memory_space<vmem>>
    %dma_wait3A_1778 = arith.constant 64 : i32
    %dma_wait3A_1779 = tpu.memref_slice %arg2[%dma_wait3A_1778, %multiple_of3A_213] : memref<128x100000xf32, #tpu.memory_space<any>> -> memref<8x128xf32, #tpu.memory_space<any>>
    tpu.wait_dma2 semaphore(%arg7 : memref<!tpu.dma_semaphore, #tpu.memory_space<semaphore_mem>>) src(%dma_wait3A_1779 : memref<8x128xf32, #tpu.memory_space<any>>) dst(%dma_wait3A_1777 : memref<8x128xf32, #tpu.memory_space<vmem>>)
    %dma_wait3A_1780 = arith.constant 72 : i32
    %dma_wait3A_1781 = arith.constant 0 : i32
    %dma_wait3A_1782 = arith.constant 0 : i32
    %dma_wait3A_1783 = tpu.memref_slice %arg6[%dma_wait3A_1780, %dma_wait3A_1781, %dma_wait3A_1782] : memref<128x8x128xf32, #tpu.memory_space<vmem>> -> memref<1x8x128xf32, #tpu.memory_space<vmem>>
    %dma_wait3A_1784 = tpu.memref_squeeze %dma_wait3A_1783 : memref<1x8x128xf32, #tpu.memory_space<vmem>> -> memref<8x128xf32, #tpu.memory_space<vmem>>
    %dma_wait3A_1785 = arith.constant 72 : i32
    %dma_wait3A_1786 = tpu.memref_slice %arg2[%dma_wait3A_1785, %multiple_of3A_216] : memref<128x100000xf32, #tpu.memory_space<any>> -> memref<8x128xf32, #tpu.memory_space<any>>
    tpu.wait_dma2 semaphore(%arg7 : memref<!tpu.dma_semaphore, #tpu.memory_space<semaphore_mem>>) src(%dma_wait3A_1786 : memref<8x128xf32, #tpu.memory_space<any>>) dst(%dma_wait3A_1784 : memref<8x128xf32, #tpu.memory_space<vmem>>)
    %dma_wait3A_1787 = arith.constant 73 : i32
    %dma_wait3A_1788 = arith.constant 0 : i32
    %dma_wait3A_1789 = arith.constant 0 : i32
    %dma_wait3A_1790 = tpu.memref_slice %arg6[%dma_wait3A_1787, %dma_wait3A_1788, %dma_wait3A_1789] : memref<128x8x128xf32, #tpu.memory_space<vmem>> -> memref<1x8x128xf32, #tpu.memory_space<vmem>>
    %dma_wait3A_1791 = tpu.memref_squeeze %dma_wait3A_1790 : memref<1x8x128xf32, #tpu.memory_space<vmem>> -> memref<8x128xf32, #tpu.memory_space<vmem>>
    %dma_wait3A_1792 = arith.constant 72 : i32
    %dma_wait3A_1793 = tpu.memref_slice %arg2[%dma_wait3A_1792, %multiple_of3A_219] : memref<128x100000xf32, #tpu.memory_space<any>> -> memref<8x128xf32, #tpu.memory_space<any>>
    tpu.wait_dma2 semaphore(%arg7 : memref<!tpu.dma_semaphore, #tpu.memory_space<semaphore_mem>>) src(%dma_wait3A_1793 : memref<8x128xf32, #tpu.memory_space<any>>) dst(%dma_wait3A_1791 : memref<8x128xf32, #tpu.memory_space<vmem>>)
    %dma_wait3A_1794 = arith.constant 74 : i32
    %dma_wait3A_1795 = arith.constant 0 : i32
    %dma_wait3A_1796 = arith.constant 0 : i32
    %dma_wait3A_1797 = tpu.memref_slice %arg6[%dma_wait3A_1794, %dma_wait3A_1795, %dma_wait3A_1796] : memref<128x8x128xf32, #tpu.memory_space<vmem>> -> memref<1x8x128xf32, #tpu.memory_space<vmem>>
    %dma_wait3A_1798 = tpu.memref_squeeze %dma_wait3A_1797 : memref<1x8x128xf32, #tpu.memory_space<vmem>> -> memref<8x128xf32, #tpu.memory_space<vmem>>
    %dma_wait3A_1799 = arith.constant 72 : i32
    %dma_wait3A_1800 = tpu.memref_slice %arg2[%dma_wait3A_1799, %multiple_of3A_222] : memref<128x100000xf32, #tpu.memory_space<any>> -> memref<8x128xf32, #tpu.memory_space<any>>
    tpu.wait_dma2 semaphore(%arg7 : memref<!tpu.dma_semaphore, #tpu.memory_space<semaphore_mem>>) src(%dma_wait3A_1800 : memref<8x128xf32, #tpu.memory_space<any>>) dst(%dma_wait3A_1798 : memref<8x128xf32, #tpu.memory_space<vmem>>)
    %dma_wait3A_1801 = arith.constant 75 : i32
    %dma_wait3A_1802 = arith.constant 0 : i32
    %dma_wait3A_1803 = arith.constant 0 : i32
    %dma_wait3A_1804 = tpu.memref_slice %arg6[%dma_wait3A_1801, %dma_wait3A_1802, %dma_wait3A_1803] : memref<128x8x128xf32, #tpu.memory_space<vmem>> -> memref<1x8x128xf32, #tpu.memory_space<vmem>>
    %dma_wait3A_1805 = tpu.memref_squeeze %dma_wait3A_1804 : memref<1x8x128xf32, #tpu.memory_space<vmem>> -> memref<8x128xf32, #tpu.memory_space<vmem>>
    %dma_wait3A_1806 = arith.constant 72 : i32
    %dma_wait3A_1807 = tpu.memref_slice %arg2[%dma_wait3A_1806, %multiple_of3A_225] : memref<128x100000xf32, #tpu.memory_space<any>> -> memref<8x128xf32, #tpu.memory_space<any>>
    tpu.wait_dma2 semaphore(%arg7 : memref<!tpu.dma_semaphore, #tpu.memory_space<semaphore_mem>>) src(%dma_wait3A_1807 : memref<8x128xf32, #tpu.memory_space<any>>) dst(%dma_wait3A_1805 : memref<8x128xf32, #tpu.memory_space<vmem>>)
    %dma_wait3A_1808 = arith.constant 76 : i32
    %dma_wait3A_1809 = arith.constant 0 : i32
    %dma_wait3A_1810 = arith.constant 0 : i32
    %dma_wait3A_1811 = tpu.memref_slice %arg6[%dma_wait3A_1808, %dma_wait3A_1809, %dma_wait3A_1810] : memref<128x8x128xf32, #tpu.memory_space<vmem>> -> memref<1x8x128xf32, #tpu.memory_space<vmem>>
    %dma_wait3A_1812 = tpu.memref_squeeze %dma_wait3A_1811 : memref<1x8x128xf32, #tpu.memory_space<vmem>> -> memref<8x128xf32, #tpu.memory_space<vmem>>
    %dma_wait3A_1813 = arith.constant 72 : i32
    %dma_wait3A_1814 = tpu.memref_slice %arg2[%dma_wait3A_1813, %multiple_of3A_228] : memref<128x100000xf32, #tpu.memory_space<any>> -> memref<8x128xf32, #tpu.memory_space<any>>
    tpu.wait_dma2 semaphore(%arg7 : memref<!tpu.dma_semaphore, #tpu.memory_space<semaphore_mem>>) src(%dma_wait3A_1814 : memref<8x128xf32, #tpu.memory_space<any>>) dst(%dma_wait3A_1812 : memref<8x128xf32, #tpu.memory_space<vmem>>)
    %dma_wait3A_1815 = arith.constant 77 : i32
    %dma_wait3A_1816 = arith.constant 0 : i32
    %dma_wait3A_1817 = arith.constant 0 : i32
    %dma_wait3A_1818 = tpu.memref_slice %arg6[%dma_wait3A_1815, %dma_wait3A_1816, %dma_wait3A_1817] : memref<128x8x128xf32, #tpu.memory_space<vmem>> -> memref<1x8x128xf32, #tpu.memory_space<vmem>>
    %dma_wait3A_1819 = tpu.memref_squeeze %dma_wait3A_1818 : memref<1x8x128xf32, #tpu.memory_space<vmem>> -> memref<8x128xf32, #tpu.memory_space<vmem>>
    %dma_wait3A_1820 = arith.constant 72 : i32
    %dma_wait3A_1821 = tpu.memref_slice %arg2[%dma_wait3A_1820, %multiple_of3A_231] : memref<128x100000xf32, #tpu.memory_space<any>> -> memref<8x128xf32, #tpu.memory_space<any>>
    tpu.wait_dma2 semaphore(%arg7 : memref<!tpu.dma_semaphore, #tpu.memory_space<semaphore_mem>>) src(%dma_wait3A_1821 : memref<8x128xf32, #tpu.memory_space<any>>) dst(%dma_wait3A_1819 : memref<8x128xf32, #tpu.memory_space<vmem>>)
    %dma_wait3A_1822 = arith.constant 78 : i32
    %dma_wait3A_1823 = arith.constant 0 : i32
    %dma_wait3A_1824 = arith.constant 0 : i32
    %dma_wait3A_1825 = tpu.memref_slice %arg6[%dma_wait3A_1822, %dma_wait3A_1823, %dma_wait3A_1824] : memref<128x8x128xf32, #tpu.memory_space<vmem>> -> memref<1x8x128xf32, #tpu.memory_space<vmem>>
    %dma_wait3A_1826 = tpu.memref_squeeze %dma_wait3A_1825 : memref<1x8x128xf32, #tpu.memory_space<vmem>> -> memref<8x128xf32, #tpu.memory_space<vmem>>
    %dma_wait3A_1827 = arith.constant 72 : i32
    %dma_wait3A_1828 = tpu.memref_slice %arg2[%dma_wait3A_1827, %multiple_of3A_234] : memref<128x100000xf32, #tpu.memory_space<any>> -> memref<8x128xf32, #tpu.memory_space<any>>
    tpu.wait_dma2 semaphore(%arg7 : memref<!tpu.dma_semaphore, #tpu.memory_space<semaphore_mem>>) src(%dma_wait3A_1828 : memref<8x128xf32, #tpu.memory_space<any>>) dst(%dma_wait3A_1826 : memref<8x128xf32, #tpu.memory_space<vmem>>)
    %dma_wait3A_1829 = arith.constant 79 : i32
    %dma_wait3A_1830 = arith.constant 0 : i32
    %dma_wait3A_1831 = arith.constant 0 : i32
    %dma_wait3A_1832 = tpu.memref_slice %arg6[%dma_wait3A_1829, %dma_wait3A_1830, %dma_wait3A_1831] : memref<128x8x128xf32, #tpu.memory_space<vmem>> -> memref<1x8x128xf32, #tpu.memory_space<vmem>>
    %dma_wait3A_1833 = tpu.memref_squeeze %dma_wait3A_1832 : memref<1x8x128xf32, #tpu.memory_space<vmem>> -> memref<8x128xf32, #tpu.memory_space<vmem>>
    %dma_wait3A_1834 = arith.constant 72 : i32
    %dma_wait3A_1835 = tpu.memref_slice %arg2[%dma_wait3A_1834, %multiple_of3A_237] : memref<128x100000xf32, #tpu.memory_space<any>> -> memref<8x128xf32, #tpu.memory_space<any>>
    tpu.wait_dma2 semaphore(%arg7 : memref<!tpu.dma_semaphore, #tpu.memory_space<semaphore_mem>>) src(%dma_wait3A_1835 : memref<8x128xf32, #tpu.memory_space<any>>) dst(%dma_wait3A_1833 : memref<8x128xf32, #tpu.memory_space<vmem>>)
    %dma_wait3A_1836 = arith.constant 80 : i32
    %dma_wait3A_1837 = arith.constant 0 : i32
    %dma_wait3A_1838 = arith.constant 0 : i32
    %dma_wait3A_1839 = tpu.memref_slice %arg6[%dma_wait3A_1836, %dma_wait3A_1837, %dma_wait3A_1838] : memref<128x8x128xf32, #tpu.memory_space<vmem>> -> memref<1x8x128xf32, #tpu.memory_space<vmem>>
    %dma_wait3A_1840 = tpu.memref_squeeze %dma_wait3A_1839 : memref<1x8x128xf32, #tpu.memory_space<vmem>> -> memref<8x128xf32, #tpu.memory_space<vmem>>
    %dma_wait3A_1841 = arith.constant 80 : i32
    %dma_wait3A_1842 = tpu.memref_slice %arg2[%dma_wait3A_1841, %multiple_of3A_240] : memref<128x100000xf32, #tpu.memory_space<any>> -> memref<8x128xf32, #tpu.memory_space<any>>
    tpu.wait_dma2 semaphore(%arg7 : memref<!tpu.dma_semaphore, #tpu.memory_space<semaphore_mem>>) src(%dma_wait3A_1842 : memref<8x128xf32, #tpu.memory_space<any>>) dst(%dma_wait3A_1840 : memref<8x128xf32, #tpu.memory_space<vmem>>)
    %dma_wait3A_1843 = arith.constant 81 : i32
    %dma_wait3A_1844 = arith.constant 0 : i32
    %dma_wait3A_1845 = arith.constant 0 : i32
    %dma_wait3A_1846 = tpu.memref_slice %arg6[%dma_wait3A_1843, %dma_wait3A_1844, %dma_wait3A_1845] : memref<128x8x128xf32, #tpu.memory_space<vmem>> -> memref<1x8x128xf32, #tpu.memory_space<vmem>>
    %dma_wait3A_1847 = tpu.memref_squeeze %dma_wait3A_1846 : memref<1x8x128xf32, #tpu.memory_space<vmem>> -> memref<8x128xf32, #tpu.memory_space<vmem>>
    %dma_wait3A_1848 = arith.constant 80 : i32
    %dma_wait3A_1849 = tpu.memref_slice %arg2[%dma_wait3A_1848, %multiple_of3A_243] : memref<128x100000xf32, #tpu.memory_space<any>> -> memref<8x128xf32, #tpu.memory_space<any>>
    tpu.wait_dma2 semaphore(%arg7 : memref<!tpu.dma_semaphore, #tpu.memory_space<semaphore_mem>>) src(%dma_wait3A_1849 : memref<8x128xf32, #tpu.memory_space<any>>) dst(%dma_wait3A_1847 : memref<8x128xf32, #tpu.memory_space<vmem>>)
    %dma_wait3A_1850 = arith.constant 82 : i32
    %dma_wait3A_1851 = arith.constant 0 : i32
    %dma_wait3A_1852 = arith.constant 0 : i32
    %dma_wait3A_1853 = tpu.memref_slice %arg6[%dma_wait3A_1850, %dma_wait3A_1851, %dma_wait3A_1852] : memref<128x8x128xf32, #tpu.memory_space<vmem>> -> memref<1x8x128xf32, #tpu.memory_space<vmem>>
    %dma_wait3A_1854 = tpu.memref_squeeze %dma_wait3A_1853 : memref<1x8x128xf32, #tpu.memory_space<vmem>> -> memref<8x128xf32, #tpu.memory_space<vmem>>
    %dma_wait3A_1855 = arith.constant 80 : i32
    %dma_wait3A_1856 = tpu.memref_slice %arg2[%dma_wait3A_1855, %multiple_of3A_246] : memref<128x100000xf32, #tpu.memory_space<any>> -> memref<8x128xf32, #tpu.memory_space<any>>
    tpu.wait_dma2 semaphore(%arg7 : memref<!tpu.dma_semaphore, #tpu.memory_space<semaphore_mem>>) src(%dma_wait3A_1856 : memref<8x128xf32, #tpu.memory_space<any>>) dst(%dma_wait3A_1854 : memref<8x128xf32, #tpu.memory_space<vmem>>)
    %dma_wait3A_1857 = arith.constant 83 : i32
    %dma_wait3A_1858 = arith.constant 0 : i32
    %dma_wait3A_1859 = arith.constant 0 : i32
    %dma_wait3A_1860 = tpu.memref_slice %arg6[%dma_wait3A_1857, %dma_wait3A_1858, %dma_wait3A_1859] : memref<128x8x128xf32, #tpu.memory_space<vmem>> -> memref<1x8x128xf32, #tpu.memory_space<vmem>>
    %dma_wait3A_1861 = tpu.memref_squeeze %dma_wait3A_1860 : memref<1x8x128xf32, #tpu.memory_space<vmem>> -> memref<8x128xf32, #tpu.memory_space<vmem>>
    %dma_wait3A_1862 = arith.constant 80 : i32
    %dma_wait3A_1863 = tpu.memref_slice %arg2[%dma_wait3A_1862, %multiple_of3A_249] : memref<128x100000xf32, #tpu.memory_space<any>> -> memref<8x128xf32, #tpu.memory_space<any>>
    tpu.wait_dma2 semaphore(%arg7 : memref<!tpu.dma_semaphore, #tpu.memory_space<semaphore_mem>>) src(%dma_wait3A_1863 : memref<8x128xf32, #tpu.memory_space<any>>) dst(%dma_wait3A_1861 : memref<8x128xf32, #tpu.memory_space<vmem>>)
    %dma_wait3A_1864 = arith.constant 84 : i32
    %dma_wait3A_1865 = arith.constant 0 : i32
    %dma_wait3A_1866 = arith.constant 0 : i32
    %dma_wait3A_1867 = tpu.memref_slice %arg6[%dma_wait3A_1864, %dma_wait3A_1865, %dma_wait3A_1866] : memref<128x8x128xf32, #tpu.memory_space<vmem>> -> memref<1x8x128xf32, #tpu.memory_space<vmem>>
    %dma_wait3A_1868 = tpu.memref_squeeze %dma_wait3A_1867 : memref<1x8x128xf32, #tpu.memory_space<vmem>> -> memref<8x128xf32, #tpu.memory_space<vmem>>
    %dma_wait3A_1869 = arith.constant 80 : i32
    %dma_wait3A_1870 = tpu.memref_slice %arg2[%dma_wait3A_1869, %multiple_of3A_252] : memref<128x100000xf32, #tpu.memory_space<any>> -> memref<8x128xf32, #tpu.memory_space<any>>
    tpu.wait_dma2 semaphore(%arg7 : memref<!tpu.dma_semaphore, #tpu.memory_space<semaphore_mem>>) src(%dma_wait3A_1870 : memref<8x128xf32, #tpu.memory_space<any>>) dst(%dma_wait3A_1868 : memref<8x128xf32, #tpu.memory_space<vmem>>)
    %dma_wait3A_1871 = arith.constant 85 : i32
    %dma_wait3A_1872 = arith.constant 0 : i32
    %dma_wait3A_1873 = arith.constant 0 : i32
    %dma_wait3A_1874 = tpu.memref_slice %arg6[%dma_wait3A_1871, %dma_wait3A_1872, %dma_wait3A_1873] : memref<128x8x128xf32, #tpu.memory_space<vmem>> -> memref<1x8x128xf32, #tpu.memory_space<vmem>>
    %dma_wait3A_1875 = tpu.memref_squeeze %dma_wait3A_1874 : memref<1x8x128xf32, #tpu.memory_space<vmem>> -> memref<8x128xf32, #tpu.memory_space<vmem>>
    %dma_wait3A_1876 = arith.constant 80 : i32
    %dma_wait3A_1877 = tpu.memref_slice %arg2[%dma_wait3A_1876, %multiple_of3A_255] : memref<128x100000xf32, #tpu.memory_space<any>> -> memref<8x128xf32, #tpu.memory_space<any>>
    tpu.wait_dma2 semaphore(%arg7 : memref<!tpu.dma_semaphore, #tpu.memory_space<semaphore_mem>>) src(%dma_wait3A_1877 : memref<8x128xf32, #tpu.memory_space<any>>) dst(%dma_wait3A_1875 : memref<8x128xf32, #tpu.memory_space<vmem>>)
    %dma_wait3A_1878 = arith.constant 86 : i32
    %dma_wait3A_1879 = arith.constant 0 : i32
    %dma_wait3A_1880 = arith.constant 0 : i32
    %dma_wait3A_1881 = tpu.memref_slice %arg6[%dma_wait3A_1878, %dma_wait3A_1879, %dma_wait3A_1880] : memref<128x8x128xf32, #tpu.memory_space<vmem>> -> memref<1x8x128xf32, #tpu.memory_space<vmem>>
    %dma_wait3A_1882 = tpu.memref_squeeze %dma_wait3A_1881 : memref<1x8x128xf32, #tpu.memory_space<vmem>> -> memref<8x128xf32, #tpu.memory_space<vmem>>
    %dma_wait3A_1883 = arith.constant 80 : i32
    %dma_wait3A_1884 = tpu.memref_slice %arg2[%dma_wait3A_1883, %multiple_of3A_258] : memref<128x100000xf32, #tpu.memory_space<any>> -> memref<8x128xf32, #tpu.memory_space<any>>
    tpu.wait_dma2 semaphore(%arg7 : memref<!tpu.dma_semaphore, #tpu.memory_space<semaphore_mem>>) src(%dma_wait3A_1884 : memref<8x128xf32, #tpu.memory_space<any>>) dst(%dma_wait3A_1882 : memref<8x128xf32, #tpu.memory_space<vmem>>)
    %dma_wait3A_1885 = arith.constant 87 : i32
    %dma_wait3A_1886 = arith.constant 0 : i32
    %dma_wait3A_1887 = arith.constant 0 : i32
    %dma_wait3A_1888 = tpu.memref_slice %arg6[%dma_wait3A_1885, %dma_wait3A_1886, %dma_wait3A_1887] : memref<128x8x128xf32, #tpu.memory_space<vmem>> -> memref<1x8x128xf32, #tpu.memory_space<vmem>>
    %dma_wait3A_1889 = tpu.memref_squeeze %dma_wait3A_1888 : memref<1x8x128xf32, #tpu.memory_space<vmem>> -> memref<8x128xf32, #tpu.memory_space<vmem>>
    %dma_wait3A_1890 = arith.constant 80 : i32
    %dma_wait3A_1891 = tpu.memref_slice %arg2[%dma_wait3A_1890, %multiple_of3A_261] : memref<128x100000xf32, #tpu.memory_space<any>> -> memref<8x128xf32, #tpu.memory_space<any>>
    tpu.wait_dma2 semaphore(%arg7 : memref<!tpu.dma_semaphore, #tpu.memory_space<semaphore_mem>>) src(%dma_wait3A_1891 : memref<8x128xf32, #tpu.memory_space<any>>) dst(%dma_wait3A_1889 : memref<8x128xf32, #tpu.memory_space<vmem>>)
    %dma_wait3A_1892 = arith.constant 88 : i32
    %dma_wait3A_1893 = arith.constant 0 : i32
    %dma_wait3A_1894 = arith.constant 0 : i32
    %dma_wait3A_1895 = tpu.memref_slice %arg6[%dma_wait3A_1892, %dma_wait3A_1893, %dma_wait3A_1894] : memref<128x8x128xf32, #tpu.memory_space<vmem>> -> memref<1x8x128xf32, #tpu.memory_space<vmem>>
    %dma_wait3A_1896 = tpu.memref_squeeze %dma_wait3A_1895 : memref<1x8x128xf32, #tpu.memory_space<vmem>> -> memref<8x128xf32, #tpu.memory_space<vmem>>
    %dma_wait3A_1897 = arith.constant 88 : i32
    %dma_wait3A_1898 = tpu.memref_slice %arg2[%dma_wait3A_1897, %multiple_of3A_264] : memref<128x100000xf32, #tpu.memory_space<any>> -> memref<8x128xf32, #tpu.memory_space<any>>
    tpu.wait_dma2 semaphore(%arg7 : memref<!tpu.dma_semaphore, #tpu.memory_space<semaphore_mem>>) src(%dma_wait3A_1898 : memref<8x128xf32, #tpu.memory_space<any>>) dst(%dma_wait3A_1896 : memref<8x128xf32, #tpu.memory_space<vmem>>)
    %dma_wait3A_1899 = arith.constant 89 : i32
    %dma_wait3A_1900 = arith.constant 0 : i32
    %dma_wait3A_1901 = arith.constant 0 : i32
    %dma_wait3A_1902 = tpu.memref_slice %arg6[%dma_wait3A_1899, %dma_wait3A_1900, %dma_wait3A_1901] : memref<128x8x128xf32, #tpu.memory_space<vmem>> -> memref<1x8x128xf32, #tpu.memory_space<vmem>>
    %dma_wait3A_1903 = tpu.memref_squeeze %dma_wait3A_1902 : memref<1x8x128xf32, #tpu.memory_space<vmem>> -> memref<8x128xf32, #tpu.memory_space<vmem>>
    %dma_wait3A_1904 = arith.constant 88 : i32
    %dma_wait3A_1905 = tpu.memref_slice %arg2[%dma_wait3A_1904, %multiple_of3A_267] : memref<128x100000xf32, #tpu.memory_space<any>> -> memref<8x128xf32, #tpu.memory_space<any>>
    tpu.wait_dma2 semaphore(%arg7 : memref<!tpu.dma_semaphore, #tpu.memory_space<semaphore_mem>>) src(%dma_wait3A_1905 : memref<8x128xf32, #tpu.memory_space<any>>) dst(%dma_wait3A_1903 : memref<8x128xf32, #tpu.memory_space<vmem>>)
    %dma_wait3A_1906 = arith.constant 90 : i32
    %dma_wait3A_1907 = arith.constant 0 : i32
    %dma_wait3A_1908 = arith.constant 0 : i32
    %dma_wait3A_1909 = tpu.memref_slice %arg6[%dma_wait3A_1906, %dma_wait3A_1907, %dma_wait3A_1908] : memref<128x8x128xf32, #tpu.memory_space<vmem>> -> memref<1x8x128xf32, #tpu.memory_space<vmem>>
    %dma_wait3A_1910 = tpu.memref_squeeze %dma_wait3A_1909 : memref<1x8x128xf32, #tpu.memory_space<vmem>> -> memref<8x128xf32, #tpu.memory_space<vmem>>
    %dma_wait3A_1911 = arith.constant 88 : i32
    %dma_wait3A_1912 = tpu.memref_slice %arg2[%dma_wait3A_1911, %multiple_of3A_270] : memref<128x100000xf32, #tpu.memory_space<any>> -> memref<8x128xf32, #tpu.memory_space<any>>
    tpu.wait_dma2 semaphore(%arg7 : memref<!tpu.dma_semaphore, #tpu.memory_space<semaphore_mem>>) src(%dma_wait3A_1912 : memref<8x128xf32, #tpu.memory_space<any>>) dst(%dma_wait3A_1910 : memref<8x128xf32, #tpu.memory_space<vmem>>)
    %dma_wait3A_1913 = arith.constant 91 : i32
    %dma_wait3A_1914 = arith.constant 0 : i32
    %dma_wait3A_1915 = arith.constant 0 : i32
    %dma_wait3A_1916 = tpu.memref_slice %arg6[%dma_wait3A_1913, %dma_wait3A_1914, %dma_wait3A_1915] : memref<128x8x128xf32, #tpu.memory_space<vmem>> -> memref<1x8x128xf32, #tpu.memory_space<vmem>>
    %dma_wait3A_1917 = tpu.memref_squeeze %dma_wait3A_1916 : memref<1x8x128xf32, #tpu.memory_space<vmem>> -> memref<8x128xf32, #tpu.memory_space<vmem>>
    %dma_wait3A_1918 = arith.constant 88 : i32
    %dma_wait3A_1919 = tpu.memref_slice %arg2[%dma_wait3A_1918, %multiple_of3A_273] : memref<128x100000xf32, #tpu.memory_space<any>> -> memref<8x128xf32, #tpu.memory_space<any>>
    tpu.wait_dma2 semaphore(%arg7 : memref<!tpu.dma_semaphore, #tpu.memory_space<semaphore_mem>>) src(%dma_wait3A_1919 : memref<8x128xf32, #tpu.memory_space<any>>) dst(%dma_wait3A_1917 : memref<8x128xf32, #tpu.memory_space<vmem>>)
    %dma_wait3A_1920 = arith.constant 92 : i32
    %dma_wait3A_1921 = arith.constant 0 : i32
    %dma_wait3A_1922 = arith.constant 0 : i32
    %dma_wait3A_1923 = tpu.memref_slice %arg6[%dma_wait3A_1920, %dma_wait3A_1921, %dma_wait3A_1922] : memref<128x8x128xf32, #tpu.memory_space<vmem>> -> memref<1x8x128xf32, #tpu.memory_space<vmem>>
    %dma_wait3A_1924 = tpu.memref_squeeze %dma_wait3A_1923 : memref<1x8x128xf32, #tpu.memory_space<vmem>> -> memref<8x128xf32, #tpu.memory_space<vmem>>
    %dma_wait3A_1925 = arith.constant 88 : i32
    %dma_wait3A_1926 = tpu.memref_slice %arg2[%dma_wait3A_1925, %multiple_of3A_276] : memref<128x100000xf32, #tpu.memory_space<any>> -> memref<8x128xf32, #tpu.memory_space<any>>
    tpu.wait_dma2 semaphore(%arg7 : memref<!tpu.dma_semaphore, #tpu.memory_space<semaphore_mem>>) src(%dma_wait3A_1926 : memref<8x128xf32, #tpu.memory_space<any>>) dst(%dma_wait3A_1924 : memref<8x128xf32, #tpu.memory_space<vmem>>)
    %dma_wait3A_1927 = arith.constant 93 : i32
    %dma_wait3A_1928 = arith.constant 0 : i32
    %dma_wait3A_1929 = arith.constant 0 : i32
    %dma_wait3A_1930 = tpu.memref_slice %arg6[%dma_wait3A_1927, %dma_wait3A_1928, %dma_wait3A_1929] : memref<128x8x128xf32, #tpu.memory_space<vmem>> -> memref<1x8x128xf32, #tpu.memory_space<vmem>>
    %dma_wait3A_1931 = tpu.memref_squeeze %dma_wait3A_1930 : memref<1x8x128xf32, #tpu.memory_space<vmem>> -> memref<8x128xf32, #tpu.memory_space<vmem>>
    %dma_wait3A_1932 = arith.constant 88 : i32
    %dma_wait3A_1933 = tpu.memref_slice %arg2[%dma_wait3A_1932, %multiple_of3A_279] : memref<128x100000xf32, #tpu.memory_space<any>> -> memref<8x128xf32, #tpu.memory_space<any>>
    tpu.wait_dma2 semaphore(%arg7 : memref<!tpu.dma_semaphore, #tpu.memory_space<semaphore_mem>>) src(%dma_wait3A_1933 : memref<8x128xf32, #tpu.memory_space<any>>) dst(%dma_wait3A_1931 : memref<8x128xf32, #tpu.memory_space<vmem>>)
    %dma_wait3A_1934 = arith.constant 94 : i32
    %dma_wait3A_1935 = arith.constant 0 : i32
    %dma_wait3A_1936 = arith.constant 0 : i32
    %dma_wait3A_1937 = tpu.memref_slice %arg6[%dma_wait3A_1934, %dma_wait3A_1935, %dma_wait3A_1936] : memref<128x8x128xf32, #tpu.memory_space<vmem>> -> memref<1x8x128xf32, #tpu.memory_space<vmem>>
    %dma_wait3A_1938 = tpu.memref_squeeze %dma_wait3A_1937 : memref<1x8x128xf32, #tpu.memory_space<vmem>> -> memref<8x128xf32, #tpu.memory_space<vmem>>
    %dma_wait3A_1939 = arith.constant 88 : i32
    %dma_wait3A_1940 = tpu.memref_slice %arg2[%dma_wait3A_1939, %multiple_of3A_282] : memref<128x100000xf32, #tpu.memory_space<any>> -> memref<8x128xf32, #tpu.memory_space<any>>
    tpu.wait_dma2 semaphore(%arg7 : memref<!tpu.dma_semaphore, #tpu.memory_space<semaphore_mem>>) src(%dma_wait3A_1940 : memref<8x128xf32, #tpu.memory_space<any>>) dst(%dma_wait3A_1938 : memref<8x128xf32, #tpu.memory_space<vmem>>)
    %dma_wait3A_1941 = arith.constant 95 : i32
    %dma_wait3A_1942 = arith.constant 0 : i32
    %dma_wait3A_1943 = arith.constant 0 : i32
    %dma_wait3A_1944 = tpu.memref_slice %arg6[%dma_wait3A_1941, %dma_wait3A_1942, %dma_wait3A_1943] : memref<128x8x128xf32, #tpu.memory_space<vmem>> -> memref<1x8x128xf32, #tpu.memory_space<vmem>>
    %dma_wait3A_1945 = tpu.memref_squeeze %dma_wait3A_1944 : memref<1x8x128xf32, #tpu.memory_space<vmem>> -> memref<8x128xf32, #tpu.memory_space<vmem>>
    %dma_wait3A_1946 = arith.constant 88 : i32
    %dma_wait3A_1947 = tpu.memref_slice %arg2[%dma_wait3A_1946, %multiple_of3A_285] : memref<128x100000xf32, #tpu.memory_space<any>> -> memref<8x128xf32, #tpu.memory_space<any>>
    tpu.wait_dma2 semaphore(%arg7 : memref<!tpu.dma_semaphore, #tpu.memory_space<semaphore_mem>>) src(%dma_wait3A_1947 : memref<8x128xf32, #tpu.memory_space<any>>) dst(%dma_wait3A_1945 : memref<8x128xf32, #tpu.memory_space<vmem>>)
    %dma_wait3A_1948 = arith.constant 96 : i32
    %dma_wait3A_1949 = arith.constant 0 : i32
    %dma_wait3A_1950 = arith.constant 0 : i32
    %dma_wait3A_1951 = tpu.memref_slice %arg6[%dma_wait3A_1948, %dma_wait3A_1949, %dma_wait3A_1950] : memref<128x8x128xf32, #tpu.memory_space<vmem>> -> memref<1x8x128xf32, #tpu.memory_space<vmem>>
    %dma_wait3A_1952 = tpu.memref_squeeze %dma_wait3A_1951 : memref<1x8x128xf32, #tpu.memory_space<vmem>> -> memref<8x128xf32, #tpu.memory_space<vmem>>
    %dma_wait3A_1953 = arith.constant 96 : i32
    %dma_wait3A_1954 = tpu.memref_slice %arg2[%dma_wait3A_1953, %multiple_of3A_288] : memref<128x100000xf32, #tpu.memory_space<any>> -> memref<8x128xf32, #tpu.memory_space<any>>
    tpu.wait_dma2 semaphore(%arg7 : memref<!tpu.dma_semaphore, #tpu.memory_space<semaphore_mem>>) src(%dma_wait3A_1954 : memref<8x128xf32, #tpu.memory_space<any>>) dst(%dma_wait3A_1952 : memref<8x128xf32, #tpu.memory_space<vmem>>)
    %dma_wait3A_1955 = arith.constant 97 : i32
    %dma_wait3A_1956 = arith.constant 0 : i32
    %dma_wait3A_1957 = arith.constant 0 : i32
    %dma_wait3A_1958 = tpu.memref_slice %arg6[%dma_wait3A_1955, %dma_wait3A_1956, %dma_wait3A_1957] : memref<128x8x128xf32, #tpu.memory_space<vmem>> -> memref<1x8x128xf32, #tpu.memory_space<vmem>>
    %dma_wait3A_1959 = tpu.memref_squeeze %dma_wait3A_1958 : memref<1x8x128xf32, #tpu.memory_space<vmem>> -> memref<8x128xf32, #tpu.memory_space<vmem>>
    %dma_wait3A_1960 = arith.constant 96 : i32
    %dma_wait3A_1961 = tpu.memref_slice %arg2[%dma_wait3A_1960, %multiple_of3A_291] : memref<128x100000xf32, #tpu.memory_space<any>> -> memref<8x128xf32, #tpu.memory_space<any>>
    tpu.wait_dma2 semaphore(%arg7 : memref<!tpu.dma_semaphore, #tpu.memory_space<semaphore_mem>>) src(%dma_wait3A_1961 : memref<8x128xf32, #tpu.memory_space<any>>) dst(%dma_wait3A_1959 : memref<8x128xf32, #tpu.memory_space<vmem>>)
    %dma_wait3A_1962 = arith.constant 98 : i32
    %dma_wait3A_1963 = arith.constant 0 : i32
    %dma_wait3A_1964 = arith.constant 0 : i32
    %dma_wait3A_1965 = tpu.memref_slice %arg6[%dma_wait3A_1962, %dma_wait3A_1963, %dma_wait3A_1964] : memref<128x8x128xf32, #tpu.memory_space<vmem>> -> memref<1x8x128xf32, #tpu.memory_space<vmem>>
    %dma_wait3A_1966 = tpu.memref_squeeze %dma_wait3A_1965 : memref<1x8x128xf32, #tpu.memory_space<vmem>> -> memref<8x128xf32, #tpu.memory_space<vmem>>
    %dma_wait3A_1967 = arith.constant 96 : i32
    %dma_wait3A_1968 = tpu.memref_slice %arg2[%dma_wait3A_1967, %multiple_of3A_294] : memref<128x100000xf32, #tpu.memory_space<any>> -> memref<8x128xf32, #tpu.memory_space<any>>
    tpu.wait_dma2 semaphore(%arg7 : memref<!tpu.dma_semaphore, #tpu.memory_space<semaphore_mem>>) src(%dma_wait3A_1968 : memref<8x128xf32, #tpu.memory_space<any>>) dst(%dma_wait3A_1966 : memref<8x128xf32, #tpu.memory_space<vmem>>)
    %dma_wait3A_1969 = arith.constant 99 : i32
    %dma_wait3A_1970 = arith.constant 0 : i32
    %dma_wait3A_1971 = arith.constant 0 : i32
    %dma_wait3A_1972 = tpu.memref_slice %arg6[%dma_wait3A_1969, %dma_wait3A_1970, %dma_wait3A_1971] : memref<128x8x128xf32, #tpu.memory_space<vmem>> -> memref<1x8x128xf32, #tpu.memory_space<vmem>>
    %dma_wait3A_1973 = tpu.memref_squeeze %dma_wait3A_1972 : memref<1x8x128xf32, #tpu.memory_space<vmem>> -> memref<8x128xf32, #tpu.memory_space<vmem>>
    %dma_wait3A_1974 = arith.constant 96 : i32
    %dma_wait3A_1975 = tpu.memref_slice %arg2[%dma_wait3A_1974, %multiple_of3A_297] : memref<128x100000xf32, #tpu.memory_space<any>> -> memref<8x128xf32, #tpu.memory_space<any>>
    tpu.wait_dma2 semaphore(%arg7 : memref<!tpu.dma_semaphore, #tpu.memory_space<semaphore_mem>>) src(%dma_wait3A_1975 : memref<8x128xf32, #tpu.memory_space<any>>) dst(%dma_wait3A_1973 : memref<8x128xf32, #tpu.memory_space<vmem>>)
    %dma_wait3A_1976 = arith.constant 100 : i32
    %dma_wait3A_1977 = arith.constant 0 : i32
    %dma_wait3A_1978 = arith.constant 0 : i32
    %dma_wait3A_1979 = tpu.memref_slice %arg6[%dma_wait3A_1976, %dma_wait3A_1977, %dma_wait3A_1978] : memref<128x8x128xf32, #tpu.memory_space<vmem>> -> memref<1x8x128xf32, #tpu.memory_space<vmem>>
    %dma_wait3A_1980 = tpu.memref_squeeze %dma_wait3A_1979 : memref<1x8x128xf32, #tpu.memory_space<vmem>> -> memref<8x128xf32, #tpu.memory_space<vmem>>
    %dma_wait3A_1981 = arith.constant 96 : i32
    %dma_wait3A_1982 = tpu.memref_slice %arg2[%dma_wait3A_1981, %multiple_of3A_300] : memref<128x100000xf32, #tpu.memory_space<any>> -> memref<8x128xf32, #tpu.memory_space<any>>
    tpu.wait_dma2 semaphore(%arg7 : memref<!tpu.dma_semaphore, #tpu.memory_space<semaphore_mem>>) src(%dma_wait3A_1982 : memref<8x128xf32, #tpu.memory_space<any>>) dst(%dma_wait3A_1980 : memref<8x128xf32, #tpu.memory_space<vmem>>)
    %dma_wait3A_1983 = arith.constant 101 : i32
    %dma_wait3A_1984 = arith.constant 0 : i32
    %dma_wait3A_1985 = arith.constant 0 : i32
    %dma_wait3A_1986 = tpu.memref_slice %arg6[%dma_wait3A_1983, %dma_wait3A_1984, %dma_wait3A_1985] : memref<128x8x128xf32, #tpu.memory_space<vmem>> -> memref<1x8x128xf32, #tpu.memory_space<vmem>>
    %dma_wait3A_1987 = tpu.memref_squeeze %dma_wait3A_1986 : memref<1x8x128xf32, #tpu.memory_space<vmem>> -> memref<8x128xf32, #tpu.memory_space<vmem>>
    %dma_wait3A_1988 = arith.constant 96 : i32
    %dma_wait3A_1989 = tpu.memref_slice %arg2[%dma_wait3A_1988, %multiple_of3A_303] : memref<128x100000xf32, #tpu.memory_space<any>> -> memref<8x128xf32, #tpu.memory_space<any>>
    tpu.wait_dma2 semaphore(%arg7 : memref<!tpu.dma_semaphore, #tpu.memory_space<semaphore_mem>>) src(%dma_wait3A_1989 : memref<8x128xf32, #tpu.memory_space<any>>) dst(%dma_wait3A_1987 : memref<8x128xf32, #tpu.memory_space<vmem>>)
    %dma_wait3A_1990 = arith.constant 102 : i32
    %dma_wait3A_1991 = arith.constant 0 : i32
    %dma_wait3A_1992 = arith.constant 0 : i32
    %dma_wait3A_1993 = tpu.memref_slice %arg6[%dma_wait3A_1990, %dma_wait3A_1991, %dma_wait3A_1992] : memref<128x8x128xf32, #tpu.memory_space<vmem>> -> memref<1x8x128xf32, #tpu.memory_space<vmem>>
    %dma_wait3A_1994 = tpu.memref_squeeze %dma_wait3A_1993 : memref<1x8x128xf32, #tpu.memory_space<vmem>> -> memref<8x128xf32, #tpu.memory_space<vmem>>
    %dma_wait3A_1995 = arith.constant 96 : i32
    %dma_wait3A_1996 = tpu.memref_slice %arg2[%dma_wait3A_1995, %multiple_of3A_306] : memref<128x100000xf32, #tpu.memory_space<any>> -> memref<8x128xf32, #tpu.memory_space<any>>
    tpu.wait_dma2 semaphore(%arg7 : memref<!tpu.dma_semaphore, #tpu.memory_space<semaphore_mem>>) src(%dma_wait3A_1996 : memref<8x128xf32, #tpu.memory_space<any>>) dst(%dma_wait3A_1994 : memref<8x128xf32, #tpu.memory_space<vmem>>)
    %dma_wait3A_1997 = arith.constant 103 : i32
    %dma_wait3A_1998 = arith.constant 0 : i32
    %dma_wait3A_1999 = arith.constant 0 : i32
    %dma_wait3A_2000 = tpu.memref_slice %arg6[%dma_wait3A_1997, %dma_wait3A_1998, %dma_wait3A_1999] : memref<128x8x128xf32, #tpu.memory_space<vmem>> -> memref<1x8x128xf32, #tpu.memory_space<vmem>>
    %dma_wait3A_2001 = tpu.memref_squeeze %dma_wait3A_2000 : memref<1x8x128xf32, #tpu.memory_space<vmem>> -> memref<8x128xf32, #tpu.memory_space<vmem>>
    %dma_wait3A_2002 = arith.constant 96 : i32
    %dma_wait3A_2003 = tpu.memref_slice %arg2[%dma_wait3A_2002, %multiple_of3A_309] : memref<128x100000xf32, #tpu.memory_space<any>> -> memref<8x128xf32, #tpu.memory_space<any>>
    tpu.wait_dma2 semaphore(%arg7 : memref<!tpu.dma_semaphore, #tpu.memory_space<semaphore_mem>>) src(%dma_wait3A_2003 : memref<8x128xf32, #tpu.memory_space<any>>) dst(%dma_wait3A_2001 : memref<8x128xf32, #tpu.memory_space<vmem>>)
    %dma_wait3A_2004 = arith.constant 104 : i32
    %dma_wait3A_2005 = arith.constant 0 : i32
    %dma_wait3A_2006 = arith.constant 0 : i32
    %dma_wait3A_2007 = tpu.memref_slice %arg6[%dma_wait3A_2004, %dma_wait3A_2005, %dma_wait3A_2006] : memref<128x8x128xf32, #tpu.memory_space<vmem>> -> memref<1x8x128xf32, #tpu.memory_space<vmem>>
    %dma_wait3A_2008 = tpu.memref_squeeze %dma_wait3A_2007 : memref<1x8x128xf32, #tpu.memory_space<vmem>> -> memref<8x128xf32, #tpu.memory_space<vmem>>
    %dma_wait3A_2009 = arith.constant 104 : i32
    %dma_wait3A_2010 = tpu.memref_slice %arg2[%dma_wait3A_2009, %multiple_of3A_312] : memref<128x100000xf32, #tpu.memory_space<any>> -> memref<8x128xf32, #tpu.memory_space<any>>
    tpu.wait_dma2 semaphore(%arg7 : memref<!tpu.dma_semaphore, #tpu.memory_space<semaphore_mem>>) src(%dma_wait3A_2010 : memref<8x128xf32, #tpu.memory_space<any>>) dst(%dma_wait3A_2008 : memref<8x128xf32, #tpu.memory_space<vmem>>)
    %dma_wait3A_2011 = arith.constant 105 : i32
    %dma_wait3A_2012 = arith.constant 0 : i32
    %dma_wait3A_2013 = arith.constant 0 : i32
    %dma_wait3A_2014 = tpu.memref_slice %arg6[%dma_wait3A_2011, %dma_wait3A_2012, %dma_wait3A_2013] : memref<128x8x128xf32, #tpu.memory_space<vmem>> -> memref<1x8x128xf32, #tpu.memory_space<vmem>>
    %dma_wait3A_2015 = tpu.memref_squeeze %dma_wait3A_2014 : memref<1x8x128xf32, #tpu.memory_space<vmem>> -> memref<8x128xf32, #tpu.memory_space<vmem>>
    %dma_wait3A_2016 = arith.constant 104 : i32
    %dma_wait3A_2017 = tpu.memref_slice %arg2[%dma_wait3A_2016, %multiple_of3A_315] : memref<128x100000xf32, #tpu.memory_space<any>> -> memref<8x128xf32, #tpu.memory_space<any>>
    tpu.wait_dma2 semaphore(%arg7 : memref<!tpu.dma_semaphore, #tpu.memory_space<semaphore_mem>>) src(%dma_wait3A_2017 : memref<8x128xf32, #tpu.memory_space<any>>) dst(%dma_wait3A_2015 : memref<8x128xf32, #tpu.memory_space<vmem>>)
    %dma_wait3A_2018 = arith.constant 106 : i32
    %dma_wait3A_2019 = arith.constant 0 : i32
    %dma_wait3A_2020 = arith.constant 0 : i32
    %dma_wait3A_2021 = tpu.memref_slice %arg6[%dma_wait3A_2018, %dma_wait3A_2019, %dma_wait3A_2020] : memref<128x8x128xf32, #tpu.memory_space<vmem>> -> memref<1x8x128xf32, #tpu.memory_space<vmem>>
    %dma_wait3A_2022 = tpu.memref_squeeze %dma_wait3A_2021 : memref<1x8x128xf32, #tpu.memory_space<vmem>> -> memref<8x128xf32, #tpu.memory_space<vmem>>
    %dma_wait3A_2023 = arith.constant 104 : i32
    %dma_wait3A_2024 = tpu.memref_slice %arg2[%dma_wait3A_2023, %multiple_of3A_318] : memref<128x100000xf32, #tpu.memory_space<any>> -> memref<8x128xf32, #tpu.memory_space<any>>
    tpu.wait_dma2 semaphore(%arg7 : memref<!tpu.dma_semaphore, #tpu.memory_space<semaphore_mem>>) src(%dma_wait3A_2024 : memref<8x128xf32, #tpu.memory_space<any>>) dst(%dma_wait3A_2022 : memref<8x128xf32, #tpu.memory_space<vmem>>)
    %dma_wait3A_2025 = arith.constant 107 : i32
    %dma_wait3A_2026 = arith.constant 0 : i32
    %dma_wait3A_2027 = arith.constant 0 : i32
    %dma_wait3A_2028 = tpu.memref_slice %arg6[%dma_wait3A_2025, %dma_wait3A_2026, %dma_wait3A_2027] : memref<128x8x128xf32, #tpu.memory_space<vmem>> -> memref<1x8x128xf32, #tpu.memory_space<vmem>>
    %dma_wait3A_2029 = tpu.memref_squeeze %dma_wait3A_2028 : memref<1x8x128xf32, #tpu.memory_space<vmem>> -> memref<8x128xf32, #tpu.memory_space<vmem>>
    %dma_wait3A_2030 = arith.constant 104 : i32
    %dma_wait3A_2031 = tpu.memref_slice %arg2[%dma_wait3A_2030, %multiple_of3A_321] : memref<128x100000xf32, #tpu.memory_space<any>> -> memref<8x128xf32, #tpu.memory_space<any>>
    tpu.wait_dma2 semaphore(%arg7 : memref<!tpu.dma_semaphore, #tpu.memory_space<semaphore_mem>>) src(%dma_wait3A_2031 : memref<8x128xf32, #tpu.memory_space<any>>) dst(%dma_wait3A_2029 : memref<8x128xf32, #tpu.memory_space<vmem>>)
    %dma_wait3A_2032 = arith.constant 108 : i32
    %dma_wait3A_2033 = arith.constant 0 : i32
    %dma_wait3A_2034 = arith.constant 0 : i32
    %dma_wait3A_2035 = tpu.memref_slice %arg6[%dma_wait3A_2032, %dma_wait3A_2033, %dma_wait3A_2034] : memref<128x8x128xf32, #tpu.memory_space<vmem>> -> memref<1x8x128xf32, #tpu.memory_space<vmem>>
    %dma_wait3A_2036 = tpu.memref_squeeze %dma_wait3A_2035 : memref<1x8x128xf32, #tpu.memory_space<vmem>> -> memref<8x128xf32, #tpu.memory_space<vmem>>
    %dma_wait3A_2037 = arith.constant 104 : i32
    %dma_wait3A_2038 = tpu.memref_slice %arg2[%dma_wait3A_2037, %multiple_of3A_324] : memref<128x100000xf32, #tpu.memory_space<any>> -> memref<8x128xf32, #tpu.memory_space<any>>
    tpu.wait_dma2 semaphore(%arg7 : memref<!tpu.dma_semaphore, #tpu.memory_space<semaphore_mem>>) src(%dma_wait3A_2038 : memref<8x128xf32, #tpu.memory_space<any>>) dst(%dma_wait3A_2036 : memref<8x128xf32, #tpu.memory_space<vmem>>)
    %dma_wait3A_2039 = arith.constant 109 : i32
    %dma_wait3A_2040 = arith.constant 0 : i32
    %dma_wait3A_2041 = arith.constant 0 : i32
    %dma_wait3A_2042 = tpu.memref_slice %arg6[%dma_wait3A_2039, %dma_wait3A_2040, %dma_wait3A_2041] : memref<128x8x128xf32, #tpu.memory_space<vmem>> -> memref<1x8x128xf32, #tpu.memory_space<vmem>>
    %dma_wait3A_2043 = tpu.memref_squeeze %dma_wait3A_2042 : memref<1x8x128xf32, #tpu.memory_space<vmem>> -> memref<8x128xf32, #tpu.memory_space<vmem>>
    %dma_wait3A_2044 = arith.constant 104 : i32
    %dma_wait3A_2045 = tpu.memref_slice %arg2[%dma_wait3A_2044, %multiple_of3A_327] : memref<128x100000xf32, #tpu.memory_space<any>> -> memref<8x128xf32, #tpu.memory_space<any>>
    tpu.wait_dma2 semaphore(%arg7 : memref<!tpu.dma_semaphore, #tpu.memory_space<semaphore_mem>>) src(%dma_wait3A_2045 : memref<8x128xf32, #tpu.memory_space<any>>) dst(%dma_wait3A_2043 : memref<8x128xf32, #tpu.memory_space<vmem>>)
    %dma_wait3A_2046 = arith.constant 110 : i32
    %dma_wait3A_2047 = arith.constant 0 : i32
    %dma_wait3A_2048 = arith.constant 0 : i32
    %dma_wait3A_2049 = tpu.memref_slice %arg6[%dma_wait3A_2046, %dma_wait3A_2047, %dma_wait3A_2048] : memref<128x8x128xf32, #tpu.memory_space<vmem>> -> memref<1x8x128xf32, #tpu.memory_space<vmem>>
    %dma_wait3A_2050 = tpu.memref_squeeze %dma_wait3A_2049 : memref<1x8x128xf32, #tpu.memory_space<vmem>> -> memref<8x128xf32, #tpu.memory_space<vmem>>
    %dma_wait3A_2051 = arith.constant 104 : i32
    %dma_wait3A_2052 = tpu.memref_slice %arg2[%dma_wait3A_2051, %multiple_of3A_330] : memref<128x100000xf32, #tpu.memory_space<any>> -> memref<8x128xf32, #tpu.memory_space<any>>
    tpu.wait_dma2 semaphore(%arg7 : memref<!tpu.dma_semaphore, #tpu.memory_space<semaphore_mem>>) src(%dma_wait3A_2052 : memref<8x128xf32, #tpu.memory_space<any>>) dst(%dma_wait3A_2050 : memref<8x128xf32, #tpu.memory_space<vmem>>)
    %dma_wait3A_2053 = arith.constant 111 : i32
    %dma_wait3A_2054 = arith.constant 0 : i32
    %dma_wait3A_2055 = arith.constant 0 : i32
    %dma_wait3A_2056 = tpu.memref_slice %arg6[%dma_wait3A_2053, %dma_wait3A_2054, %dma_wait3A_2055] : memref<128x8x128xf32, #tpu.memory_space<vmem>> -> memref<1x8x128xf32, #tpu.memory_space<vmem>>
    %dma_wait3A_2057 = tpu.memref_squeeze %dma_wait3A_2056 : memref<1x8x128xf32, #tpu.memory_space<vmem>> -> memref<8x128xf32, #tpu.memory_space<vmem>>
    %dma_wait3A_2058 = arith.constant 104 : i32
    %dma_wait3A_2059 = tpu.memref_slice %arg2[%dma_wait3A_2058, %multiple_of3A_333] : memref<128x100000xf32, #tpu.memory_space<any>> -> memref<8x128xf32, #tpu.memory_space<any>>
    tpu.wait_dma2 semaphore(%arg7 : memref<!tpu.dma_semaphore, #tpu.memory_space<semaphore_mem>>) src(%dma_wait3A_2059 : memref<8x128xf32, #tpu.memory_space<any>>) dst(%dma_wait3A_2057 : memref<8x128xf32, #tpu.memory_space<vmem>>)
    %dma_wait3A_2060 = arith.constant 112 : i32
    %dma_wait3A_2061 = arith.constant 0 : i32
    %dma_wait3A_2062 = arith.constant 0 : i32
    %dma_wait3A_2063 = tpu.memref_slice %arg6[%dma_wait3A_2060, %dma_wait3A_2061, %dma_wait3A_2062] : memref<128x8x128xf32, #tpu.memory_space<vmem>> -> memref<1x8x128xf32, #tpu.memory_space<vmem>>
    %dma_wait3A_2064 = tpu.memref_squeeze %dma_wait3A_2063 : memref<1x8x128xf32, #tpu.memory_space<vmem>> -> memref<8x128xf32, #tpu.memory_space<vmem>>
    %dma_wait3A_2065 = arith.constant 112 : i32
    %dma_wait3A_2066 = tpu.memref_slice %arg2[%dma_wait3A_2065, %multiple_of3A_336] : memref<128x100000xf32, #tpu.memory_space<any>> -> memref<8x128xf32, #tpu.memory_space<any>>
    tpu.wait_dma2 semaphore(%arg7 : memref<!tpu.dma_semaphore, #tpu.memory_space<semaphore_mem>>) src(%dma_wait3A_2066 : memref<8x128xf32, #tpu.memory_space<any>>) dst(%dma_wait3A_2064 : memref<8x128xf32, #tpu.memory_space<vmem>>)
    %dma_wait3A_2067 = arith.constant 113 : i32
    %dma_wait3A_2068 = arith.constant 0 : i32
    %dma_wait3A_2069 = arith.constant 0 : i32
    %dma_wait3A_2070 = tpu.memref_slice %arg6[%dma_wait3A_2067, %dma_wait3A_2068, %dma_wait3A_2069] : memref<128x8x128xf32, #tpu.memory_space<vmem>> -> memref<1x8x128xf32, #tpu.memory_space<vmem>>
    %dma_wait3A_2071 = tpu.memref_squeeze %dma_wait3A_2070 : memref<1x8x128xf32, #tpu.memory_space<vmem>> -> memref<8x128xf32, #tpu.memory_space<vmem>>
    %dma_wait3A_2072 = arith.constant 112 : i32
    %dma_wait3A_2073 = tpu.memref_slice %arg2[%dma_wait3A_2072, %multiple_of3A_339] : memref<128x100000xf32, #tpu.memory_space<any>> -> memref<8x128xf32, #tpu.memory_space<any>>
    tpu.wait_dma2 semaphore(%arg7 : memref<!tpu.dma_semaphore, #tpu.memory_space<semaphore_mem>>) src(%dma_wait3A_2073 : memref<8x128xf32, #tpu.memory_space<any>>) dst(%dma_wait3A_2071 : memref<8x128xf32, #tpu.memory_space<vmem>>)
    %dma_wait3A_2074 = arith.constant 114 : i32
    %dma_wait3A_2075 = arith.constant 0 : i32
    %dma_wait3A_2076 = arith.constant 0 : i32
    %dma_wait3A_2077 = tpu.memref_slice %arg6[%dma_wait3A_2074, %dma_wait3A_2075, %dma_wait3A_2076] : memref<128x8x128xf32, #tpu.memory_space<vmem>> -> memref<1x8x128xf32, #tpu.memory_space<vmem>>
    %dma_wait3A_2078 = tpu.memref_squeeze %dma_wait3A_2077 : memref<1x8x128xf32, #tpu.memory_space<vmem>> -> memref<8x128xf32, #tpu.memory_space<vmem>>
    %dma_wait3A_2079 = arith.constant 112 : i32
    %dma_wait3A_2080 = tpu.memref_slice %arg2[%dma_wait3A_2079, %multiple_of3A_342] : memref<128x100000xf32, #tpu.memory_space<any>> -> memref<8x128xf32, #tpu.memory_space<any>>
    tpu.wait_dma2 semaphore(%arg7 : memref<!tpu.dma_semaphore, #tpu.memory_space<semaphore_mem>>) src(%dma_wait3A_2080 : memref<8x128xf32, #tpu.memory_space<any>>) dst(%dma_wait3A_2078 : memref<8x128xf32, #tpu.memory_space<vmem>>)
    %dma_wait3A_2081 = arith.constant 115 : i32
    %dma_wait3A_2082 = arith.constant 0 : i32
    %dma_wait3A_2083 = arith.constant 0 : i32
    %dma_wait3A_2084 = tpu.memref_slice %arg6[%dma_wait3A_2081, %dma_wait3A_2082, %dma_wait3A_2083] : memref<128x8x128xf32, #tpu.memory_space<vmem>> -> memref<1x8x128xf32, #tpu.memory_space<vmem>>
    %dma_wait3A_2085 = tpu.memref_squeeze %dma_wait3A_2084 : memref<1x8x128xf32, #tpu.memory_space<vmem>> -> memref<8x128xf32, #tpu.memory_space<vmem>>
    %dma_wait3A_2086 = arith.constant 112 : i32
    %dma_wait3A_2087 = tpu.memref_slice %arg2[%dma_wait3A_2086, %multiple_of3A_345] : memref<128x100000xf32, #tpu.memory_space<any>> -> memref<8x128xf32, #tpu.memory_space<any>>
    tpu.wait_dma2 semaphore(%arg7 : memref<!tpu.dma_semaphore, #tpu.memory_space<semaphore_mem>>) src(%dma_wait3A_2087 : memref<8x128xf32, #tpu.memory_space<any>>) dst(%dma_wait3A_2085 : memref<8x128xf32, #tpu.memory_space<vmem>>)
    %dma_wait3A_2088 = arith.constant 116 : i32
    %dma_wait3A_2089 = arith.constant 0 : i32
    %dma_wait3A_2090 = arith.constant 0 : i32
    %dma_wait3A_2091 = tpu.memref_slice %arg6[%dma_wait3A_2088, %dma_wait3A_2089, %dma_wait3A_2090] : memref<128x8x128xf32, #tpu.memory_space<vmem>> -> memref<1x8x128xf32, #tpu.memory_space<vmem>>
    %dma_wait3A_2092 = tpu.memref_squeeze %dma_wait3A_2091 : memref<1x8x128xf32, #tpu.memory_space<vmem>> -> memref<8x128xf32, #tpu.memory_space<vmem>>
    %dma_wait3A_2093 = arith.constant 112 : i32
    %dma_wait3A_2094 = tpu.memref_slice %arg2[%dma_wait3A_2093, %multiple_of3A_348] : memref<128x100000xf32, #tpu.memory_space<any>> -> memref<8x128xf32, #tpu.memory_space<any>>
    tpu.wait_dma2 semaphore(%arg7 : memref<!tpu.dma_semaphore, #tpu.memory_space<semaphore_mem>>) src(%dma_wait3A_2094 : memref<8x128xf32, #tpu.memory_space<any>>) dst(%dma_wait3A_2092 : memref<8x128xf32, #tpu.memory_space<vmem>>)
    %dma_wait3A_2095 = arith.constant 117 : i32
    %dma_wait3A_2096 = arith.constant 0 : i32
    %dma_wait3A_2097 = arith.constant 0 : i32
    %dma_wait3A_2098 = tpu.memref_slice %arg6[%dma_wait3A_2095, %dma_wait3A_2096, %dma_wait3A_2097] : memref<128x8x128xf32, #tpu.memory_space<vmem>> -> memref<1x8x128xf32, #tpu.memory_space<vmem>>
    %dma_wait3A_2099 = tpu.memref_squeeze %dma_wait3A_2098 : memref<1x8x128xf32, #tpu.memory_space<vmem>> -> memref<8x128xf32, #tpu.memory_space<vmem>>
    %dma_wait3A_2100 = arith.constant 112 : i32
    %dma_wait3A_2101 = tpu.memref_slice %arg2[%dma_wait3A_2100, %multiple_of3A_351] : memref<128x100000xf32, #tpu.memory_space<any>> -> memref<8x128xf32, #tpu.memory_space<any>>
    tpu.wait_dma2 semaphore(%arg7 : memref<!tpu.dma_semaphore, #tpu.memory_space<semaphore_mem>>) src(%dma_wait3A_2101 : memref<8x128xf32, #tpu.memory_space<any>>) dst(%dma_wait3A_2099 : memref<8x128xf32, #tpu.memory_space<vmem>>)
    %dma_wait3A_2102 = arith.constant 118 : i32
    %dma_wait3A_2103 = arith.constant 0 : i32
    %dma_wait3A_2104 = arith.constant 0 : i32
    %dma_wait3A_2105 = tpu.memref_slice %arg6[%dma_wait3A_2102, %dma_wait3A_2103, %dma_wait3A_2104] : memref<128x8x128xf32, #tpu.memory_space<vmem>> -> memref<1x8x128xf32, #tpu.memory_space<vmem>>
    %dma_wait3A_2106 = tpu.memref_squeeze %dma_wait3A_2105 : memref<1x8x128xf32, #tpu.memory_space<vmem>> -> memref<8x128xf32, #tpu.memory_space<vmem>>
    %dma_wait3A_2107 = arith.constant 112 : i32
    %dma_wait3A_2108 = tpu.memref_slice %arg2[%dma_wait3A_2107, %multiple_of3A_354] : memref<128x100000xf32, #tpu.memory_space<any>> -> memref<8x128xf32, #tpu.memory_space<any>>
    tpu.wait_dma2 semaphore(%arg7 : memref<!tpu.dma_semaphore, #tpu.memory_space<semaphore_mem>>) src(%dma_wait3A_2108 : memref<8x128xf32, #tpu.memory_space<any>>) dst(%dma_wait3A_2106 : memref<8x128xf32, #tpu.memory_space<vmem>>)
    %dma_wait3A_2109 = arith.constant 119 : i32
    %dma_wait3A_2110 = arith.constant 0 : i32
    %dma_wait3A_2111 = arith.constant 0 : i32
    %dma_wait3A_2112 = tpu.memref_slice %arg6[%dma_wait3A_2109, %dma_wait3A_2110, %dma_wait3A_2111] : memref<128x8x128xf32, #tpu.memory_space<vmem>> -> memref<1x8x128xf32, #tpu.memory_space<vmem>>
    %dma_wait3A_2113 = tpu.memref_squeeze %dma_wait3A_2112 : memref<1x8x128xf32, #tpu.memory_space<vmem>> -> memref<8x128xf32, #tpu.memory_space<vmem>>
    %dma_wait3A_2114 = arith.constant 112 : i32
    %dma_wait3A_2115 = tpu.memref_slice %arg2[%dma_wait3A_2114, %multiple_of3A_357] : memref<128x100000xf32, #tpu.memory_space<any>> -> memref<8x128xf32, #tpu.memory_space<any>>
    tpu.wait_dma2 semaphore(%arg7 : memref<!tpu.dma_semaphore, #tpu.memory_space<semaphore_mem>>) src(%dma_wait3A_2115 : memref<8x128xf32, #tpu.memory_space<any>>) dst(%dma_wait3A_2113 : memref<8x128xf32, #tpu.memory_space<vmem>>)
    %dma_wait3A_2116 = arith.constant 120 : i32
    %dma_wait3A_2117 = arith.constant 0 : i32
    %dma_wait3A_2118 = arith.constant 0 : i32
    %dma_wait3A_2119 = tpu.memref_slice %arg6[%dma_wait3A_2116, %dma_wait3A_2117, %dma_wait3A_2118] : memref<128x8x128xf32, #tpu.memory_space<vmem>> -> memref<1x8x128xf32, #tpu.memory_space<vmem>>
    %dma_wait3A_2120 = tpu.memref_squeeze %dma_wait3A_2119 : memref<1x8x128xf32, #tpu.memory_space<vmem>> -> memref<8x128xf32, #tpu.memory_space<vmem>>
    %dma_wait3A_2121 = arith.constant 120 : i32
    %dma_wait3A_2122 = tpu.memref_slice %arg2[%dma_wait3A_2121, %multiple_of3A_360] : memref<128x100000xf32, #tpu.memory_space<any>> -> memref<8x128xf32, #tpu.memory_space<any>>
    tpu.wait_dma2 semaphore(%arg7 : memref<!tpu.dma_semaphore, #tpu.memory_space<semaphore_mem>>) src(%dma_wait3A_2122 : memref<8x128xf32, #tpu.memory_space<any>>) dst(%dma_wait3A_2120 : memref<8x128xf32, #tpu.memory_space<vmem>>)
    %dma_wait3A_2123 = arith.constant 121 : i32
    %dma_wait3A_2124 = arith.constant 0 : i32
    %dma_wait3A_2125 = arith.constant 0 : i32
    %dma_wait3A_2126 = tpu.memref_slice %arg6[%dma_wait3A_2123, %dma_wait3A_2124, %dma_wait3A_2125] : memref<128x8x128xf32, #tpu.memory_space<vmem>> -> memref<1x8x128xf32, #tpu.memory_space<vmem>>
    %dma_wait3A_2127 = tpu.memref_squeeze %dma_wait3A_2126 : memref<1x8x128xf32, #tpu.memory_space<vmem>> -> memref<8x128xf32, #tpu.memory_space<vmem>>
    %dma_wait3A_2128 = arith.constant 120 : i32
    %dma_wait3A_2129 = tpu.memref_slice %arg2[%dma_wait3A_2128, %multiple_of3A_363] : memref<128x100000xf32, #tpu.memory_space<any>> -> memref<8x128xf32, #tpu.memory_space<any>>
    tpu.wait_dma2 semaphore(%arg7 : memref<!tpu.dma_semaphore, #tpu.memory_space<semaphore_mem>>) src(%dma_wait3A_2129 : memref<8x128xf32, #tpu.memory_space<any>>) dst(%dma_wait3A_2127 : memref<8x128xf32, #tpu.memory_space<vmem>>)
    %dma_wait3A_2130 = arith.constant 122 : i32
    %dma_wait3A_2131 = arith.constant 0 : i32
    %dma_wait3A_2132 = arith.constant 0 : i32
    %dma_wait3A_2133 = tpu.memref_slice %arg6[%dma_wait3A_2130, %dma_wait3A_2131, %dma_wait3A_2132] : memref<128x8x128xf32, #tpu.memory_space<vmem>> -> memref<1x8x128xf32, #tpu.memory_space<vmem>>
    %dma_wait3A_2134 = tpu.memref_squeeze %dma_wait3A_2133 : memref<1x8x128xf32, #tpu.memory_space<vmem>> -> memref<8x128xf32, #tpu.memory_space<vmem>>
    %dma_wait3A_2135 = arith.constant 120 : i32
    %dma_wait3A_2136 = tpu.memref_slice %arg2[%dma_wait3A_2135, %multiple_of3A_366] : memref<128x100000xf32, #tpu.memory_space<any>> -> memref<8x128xf32, #tpu.memory_space<any>>
    tpu.wait_dma2 semaphore(%arg7 : memref<!tpu.dma_semaphore, #tpu.memory_space<semaphore_mem>>) src(%dma_wait3A_2136 : memref<8x128xf32, #tpu.memory_space<any>>) dst(%dma_wait3A_2134 : memref<8x128xf32, #tpu.memory_space<vmem>>)
    %dma_wait3A_2137 = arith.constant 123 : i32
    %dma_wait3A_2138 = arith.constant 0 : i32
    %dma_wait3A_2139 = arith.constant 0 : i32
    %dma_wait3A_2140 = tpu.memref_slice %arg6[%dma_wait3A_2137, %dma_wait3A_2138, %dma_wait3A_2139] : memref<128x8x128xf32, #tpu.memory_space<vmem>> -> memref<1x8x128xf32, #tpu.memory_space<vmem>>
    %dma_wait3A_2141 = tpu.memref_squeeze %dma_wait3A_2140 : memref<1x8x128xf32, #tpu.memory_space<vmem>> -> memref<8x128xf32, #tpu.memory_space<vmem>>
    %dma_wait3A_2142 = arith.constant 120 : i32
    %dma_wait3A_2143 = tpu.memref_slice %arg2[%dma_wait3A_2142, %multiple_of3A_369] : memref<128x100000xf32, #tpu.memory_space<any>> -> memref<8x128xf32, #tpu.memory_space<any>>
    tpu.wait_dma2 semaphore(%arg7 : memref<!tpu.dma_semaphore, #tpu.memory_space<semaphore_mem>>) src(%dma_wait3A_2143 : memref<8x128xf32, #tpu.memory_space<any>>) dst(%dma_wait3A_2141 : memref<8x128xf32, #tpu.memory_space<vmem>>)
    %dma_wait3A_2144 = arith.constant 124 : i32
    %dma_wait3A_2145 = arith.constant 0 : i32
    %dma_wait3A_2146 = arith.constant 0 : i32
    %dma_wait3A_2147 = tpu.memref_slice %arg6[%dma_wait3A_2144, %dma_wait3A_2145, %dma_wait3A_2146] : memref<128x8x128xf32, #tpu.memory_space<vmem>> -> memref<1x8x128xf32, #tpu.memory_space<vmem>>
    %dma_wait3A_2148 = tpu.memref_squeeze %dma_wait3A_2147 : memref<1x8x128xf32, #tpu.memory_space<vmem>> -> memref<8x128xf32, #tpu.memory_space<vmem>>
    %dma_wait3A_2149 = arith.constant 120 : i32
    %dma_wait3A_2150 = tpu.memref_slice %arg2[%dma_wait3A_2149, %multiple_of3A_372] : memref<128x100000xf32, #tpu.memory_space<any>> -> memref<8x128xf32, #tpu.memory_space<any>>
    tpu.wait_dma2 semaphore(%arg7 : memref<!tpu.dma_semaphore, #tpu.memory_space<semaphore_mem>>) src(%dma_wait3A_2150 : memref<8x128xf32, #tpu.memory_space<any>>) dst(%dma_wait3A_2148 : memref<8x128xf32, #tpu.memory_space<vmem>>)
    %dma_wait3A_2151 = arith.constant 125 : i32
    %dma_wait3A_2152 = arith.constant 0 : i32
    %dma_wait3A_2153 = arith.constant 0 : i32
    %dma_wait3A_2154 = tpu.memref_slice %arg6[%dma_wait3A_2151, %dma_wait3A_2152, %dma_wait3A_2153] : memref<128x8x128xf32, #tpu.memory_space<vmem>> -> memref<1x8x128xf32, #tpu.memory_space<vmem>>
    %dma_wait3A_2155 = tpu.memref_squeeze %dma_wait3A_2154 : memref<1x8x128xf32, #tpu.memory_space<vmem>> -> memref<8x128xf32, #tpu.memory_space<vmem>>
    %dma_wait3A_2156 = arith.constant 120 : i32
    %dma_wait3A_2157 = tpu.memref_slice %arg2[%dma_wait3A_2156, %multiple_of3A_375] : memref<128x100000xf32, #tpu.memory_space<any>> -> memref<8x128xf32, #tpu.memory_space<any>>
    tpu.wait_dma2 semaphore(%arg7 : memref<!tpu.dma_semaphore, #tpu.memory_space<semaphore_mem>>) src(%dma_wait3A_2157 : memref<8x128xf32, #tpu.memory_space<any>>) dst(%dma_wait3A_2155 : memref<8x128xf32, #tpu.memory_space<vmem>>)
    %dma_wait3A_2158 = arith.constant 126 : i32
    %dma_wait3A_2159 = arith.constant 0 : i32
    %dma_wait3A_2160 = arith.constant 0 : i32
    %dma_wait3A_2161 = tpu.memref_slice %arg6[%dma_wait3A_2158, %dma_wait3A_2159, %dma_wait3A_2160] : memref<128x8x128xf32, #tpu.memory_space<vmem>> -> memref<1x8x128xf32, #tpu.memory_space<vmem>>
    %dma_wait3A_2162 = tpu.memref_squeeze %dma_wait3A_2161 : memref<1x8x128xf32, #tpu.memory_space<vmem>> -> memref<8x128xf32, #tpu.memory_space<vmem>>
    %dma_wait3A_2163 = arith.constant 120 : i32
    %dma_wait3A_2164 = tpu.memref_slice %arg2[%dma_wait3A_2163, %multiple_of3A_378] : memref<128x100000xf32, #tpu.memory_space<any>> -> memref<8x128xf32, #tpu.memory_space<any>>
    tpu.wait_dma2 semaphore(%arg7 : memref<!tpu.dma_semaphore, #tpu.memory_space<semaphore_mem>>) src(%dma_wait3A_2164 : memref<8x128xf32, #tpu.memory_space<any>>) dst(%dma_wait3A_2162 : memref<8x128xf32, #tpu.memory_space<vmem>>)
    %dma_wait3A_2165 = arith.constant 127 : i32
    %dma_wait3A_2166 = arith.constant 0 : i32
    %dma_wait3A_2167 = arith.constant 0 : i32
    %dma_wait3A_2168 = tpu.memref_slice %arg6[%dma_wait3A_2165, %dma_wait3A_2166, %dma_wait3A_2167] : memref<128x8x128xf32, #tpu.memory_space<vmem>> -> memref<1x8x128xf32, #tpu.memory_space<vmem>>
    %dma_wait3A_2169 = tpu.memref_squeeze %dma_wait3A_2168 : memref<1x8x128xf32, #tpu.memory_space<vmem>> -> memref<8x128xf32, #tpu.memory_space<vmem>>
    %dma_wait3A_2170 = arith.constant 120 : i32
    %dma_wait3A_2171 = tpu.memref_slice %arg2[%dma_wait3A_2170, %multiple_of3A_381] : memref<128x100000xf32, #tpu.memory_space<any>> -> memref<8x128xf32, #tpu.memory_space<any>>
    tpu.wait_dma2 semaphore(%arg7 : memref<!tpu.dma_semaphore, #tpu.memory_space<semaphore_mem>>) src(%dma_wait3A_2171 : memref<8x128xf32, #tpu.memory_space<any>>) dst(%dma_wait3A_2169 : memref<8x128xf32, #tpu.memory_space<vmem>>)
    %iota3A = tpu.iota {dimensions = array<i32: 1>} : vector<128x8x128xi32>
    %iota3A_2172 = tpu.iota {dimensions = array<i32: 0>} : vector<128x8x128xi32>
    %jit3A = arith.constant 8 : i32
    %eq3A = arith.constant 0 : i32
    %eq3A_2173 = arith.cmpi eq, %jit3A, %eq3A : i32
    %jit3A_2174 = arith.constant 1 : i32
    %select_n3A = arith.select %eq3A_2173, %jit3A_2174, %jit3A : i32
    %rem3A = vector.broadcast %select_n3A : i32 to vector<128x8x128xi32>
    %rem3A_2175 = arith.remsi %iota3A_2172, %rem3A : vector<128x8x128xi32>
    %ne3A = arith.constant 0 : i32
    %ne3A_2176 = vector.broadcast %ne3A : i32 to vector<128x8x128xi32>
    %ne3A_2177 = arith.cmpi ne, %rem3A_2175, %ne3A_2176 : vector<128x8x128xi32>
    %lt3A = arith.constant 0 : i32
    %lt3A_2178 = vector.broadcast %lt3A : i32 to vector<128x8x128xi32>
    %lt3A_2179 = arith.cmpi slt, %rem3A_2175, %lt3A_2178 : vector<128x8x128xi32>
    %lt3A_2180 = arith.constant 0 : i32
    %lt3A_2181 = arith.cmpi slt, %select_n3A, %lt3A_2180 : i32
    %ne3A_2182 = vector.broadcast %lt3A_2181 : i1 to vector<128x8x128xi1>
    %ne3A_2183 = vector.broadcast %ne3A_2182 : vector<128x8x128xi1> to vector<128x8x128xi1>
    %ne3A_2184 = arith.xori %lt3A_2179, %ne3A_2183 : vector<128x8x128xi1>
    %and3A = arith.andi %ne3A_2184, %ne3A_2177 : vector<128x8x128xi1>
    %add3A = vector.broadcast %select_n3A : i32 to vector<128x8x128xi32>
    %add3A_2185 = arith.addi %rem3A_2175, %add3A : vector<128x8x128xi32>
    %select_n3A_2186 = arith.select %and3A, %add3A_2185, %rem3A_2175 : vector<128x8x128xi1>, vector<128x8x128xi32>
    %iota3A_2187 = tpu.iota {dimensions = array<i32: 2>} : vector<128x8x128xi32>
    %eq3A_2188 = arith.cmpi eq, %iota3A, %select_n3A_2186 : vector<128x8x128xi32>
    %get3A_2189 = arith.constant 0 : index
    %get3A_2190 = arith.constant 0 : index
    %get3A_2191 = arith.constant 0 : index
    %get3A_2192 = vector.load %arg3[%get3A_2189, %get3A_2190, %get3A_2191] : memref<128x1x1xi32, #tpu.memory_space<vmem>>, vector<128x1x1xi32>
    %eq3A_2193 = vector.broadcast %get3A_2192 : vector<128x1x1xi32> to vector<128x8x128xi32>
    %eq3A_2194 = arith.cmpi eq, %iota3A_2187, %eq3A_2193 : vector<128x8x128xi32>
    %and3A_2195 = arith.andi %eq3A_2188, %eq3A_2194 : vector<128x8x128xi1>
    %get3A_2196 = arith.constant 0 : index
    %get3A_2197 = arith.constant 0 : index
    %get3A_2198 = arith.constant 0 : index
    %get3A_2199 = vector.load %arg6[%get3A_2196, %get3A_2197, %get3A_2198] : memref<128x8x128xf32, #tpu.memory_space<vmem>>, vector<128x8x128xf32>
    %jit3A_2200 = arith.constant 0.000000e+00 : f32
    %broadcast_in_dim3A = vector.broadcast %jit3A_2200 : f32 to vector<128x8x128xf32>
    %select_n3A_2201 = arith.select %and3A_2195, %get3A_2199, %broadcast_in_dim3A : vector<128x8x128xi1>, vector<128x8x128xf32>
    %reduce_sum3A = arith.constant dense<0.000000e+00> : vector<128xf32>
    %reduce_sum3A_2202 = vector.multi_reduction <add>, %select_n3A_2201, %reduce_sum3A [1, 2] : vector<128x8x128xf32> to vector<128xf32>
    %reshape3A = vector.shape_cast %reduce_sum3A_2202 : vector<128xf32> to vector<128x1xf32>
    %swap3A = arith.constant 0 : index
    %swap3A_2203 = arith.constant 0 : index
    %swap3A_2204 = vector.load %arg4[%swap3A, %swap3A_2203] : memref<128x1xf32, #tpu.memory_space<vmem>>, vector<128x1xf32>
    tpu.vector_store %arg4[%swap3A, %swap3A_2203], %reshape3A {strides = array<i32>} : memref<128x1xf32, #tpu.memory_space<vmem>>, vector<128x1xf32>,
    %slice3A = vector.extract_strided_slice %reshape3A {offsets = [64, 0], sizes = [64, 1], strides = [1, 1]} : vector<128x1xf32> to vector<64x1xf32>
    %broadcast_in_dim3A_2205 = vector.shape_cast %slice3A : vector<64x1xf32> to vector<64x1xf32>
    %broadcast_in_dim3A_2206 = vector.broadcast %broadcast_in_dim3A_2205 : vector<64x1xf32> to vector<64x128xf32>
    %swap3A_2207 = arith.constant 0 : index
    %swap3A_2208 = arith.constant 0 : index
    %swap3A_2209 = vector.load %arg5[%swap3A_2207, %swap3A_2208] : memref<64x128xf32, #tpu.memory_space<vmem>>, vector<64x128xf32>
    tpu.vector_store %arg5[%swap3A_2207, %swap3A_2208], %broadcast_in_dim3A_2206 {strides = array<i32>} : memref<64x128xf32, #tpu.memory_space<vmem>>, vector<64x128xf32>,
    return
  }
  func.func @transform_1(%arg0: i32, %arg1: memref<128xi32, #tpu.memory_space<smem>>) -> (i32, i32, i32) {
    %c0_i32 = arith.constant 0 : i32
    %c0_i32_0 = arith.constant 0 : i32
    %c0_i32_1 = arith.constant 0 : i32
    %c0_i32_2 = arith.constant 0 : i32
    return %c0_i32, %c0_i32_0, %c0_i32_1 : i32, i32, i32
  }
  func.func @transform_2(%arg0: i32, %arg1: memref<128xi32, #tpu.memory_space<smem>>) -> (i32, i32) {
    %c0_i32 = arith.constant 0 : i32
    %c0_i32_0 = arith.constant 0 : i32
    %c0_i32_1 = arith.constant 0 : i32
    return %c0_i32, %c0_i32_0 : i32, i32
  }
  func.func @transform_3(%arg0: i32, %arg1: memref<128xi32, #tpu.memory_space<smem>>) -> (i32, i32) {
    %c0_i32 = arith.constant 0 : i32
    %c0_i32_0 = arith.constant 0 : i32
    %c0_i32_1 = arith.constant 0 : i32
    return %c0_i32, %c0_i32_0 : i32, i32
  }
}

</mosaic_0001>

<sc_bundles>
// kernel: kernel.6.cloned.1.call-start
scs
__scs_entry_jumppad:
0x0: {  	(pc) =	sbr.rel $0x88, $3  }
0x1: {  	(tag) =	ssettag $0x0;
	lr =	simm.s32 $0x1  }
0x2: {  	[smem:$0x3F9F] =	sst lr;
	_ =	strace $0xD0000000  }
0x3: {  	_ = 	snop  }
0x4: {  	_ = 	snop  }
0x5: {  	_ = 	snop  }
0x6: {  	_ = 	snop  }
0x7: {  	_ = 	snop  }
__scs_overlays_trampoline_lowered:
0x8: {  	[smem:$0x3FAE] =	sst s0  }
0x9: {  	[smem:$0x3FAF] =	sst s1  }
0xa: {  	[smem:$0x3FB0] =	sst s2  }
0xb: {  	[smem:$0x3FB1] =	sst s3  }
0xc: {  	[smem:$0x3FB2] =	sst s4  }
0xd: {  	[smem:$0x3FB3] =	sst s5  }
0xe: {  	[smem:$0x3FB4] =	sst s6  }
0xf: {  	[smem:$0x3FB5] =	sst s7  }
0x10: {  	[smem:$0x3FB6] =	sst s8  }
0x11: {  	[smem:$0x3FB7] =	sst s9;
	s0 =	simm.s32 @!p0 $0x0  }
0x12: {  	s1 =	sld [smem:$0x3F9D];
	s0 =	simm.s32 @p0 $0x1  }
0x13: {  	[smem:$0x3FB8] =	sst s0;
	s0 =	simm.s32 @!p1 $0x0  }
0x14: {  	s2 =	sld [smem:$0x3F9C];
	s0 =	simm.s32 @p1 $0x1  }
0x15: {  	[smem:$0x3FB9] =	sst s0;
	s0 =	simm.s32 @!p2 $0x0  }
0x16: {  	s3 =	sld [smem:$0x3FDB];
	s0 =	simm.s32 @p2 $0x1  }
0x17: {  	s4 =	simm.s32 $0x1BF5;
	[smem:$0x3FBB] =	sst s0  }
0x18: {  	s0 =	sld [smem:$0x3F9E];
	_ =	swait.ge [sflag:s4], $0x0  }
0x19: {  	s7 =	sld [smem:$0x3F9F]  }
0x1a: {  	s8 =	sadd.s32 $0xFFFFE003, lr  }
0x1b: {  	s9 =	sadd.s32 $0xFFFFFEF7, lr;
	s5 =	simm.s32 $0xFFFFFFFF;
	p2 =	slt.u32 s8, $0xFFFFF086  }
0x1c: {  	p1 =	slt.u32 s9, $0xF7A;
	s5 =	simm.s32 @!p2 $0x0  }
0x1d: {  	s5 =	simm.s32 @p1 $0x1;
	p0 =	seq.s32 s7, s2  }
0x1e: {  	s7 =	smul.u32 @!p0 $0xF7A, s2;
	p2 =	seq.s32 @!p0 s5, $0x0  }
0x1f: {  	s9 =	smul.u32 $0xF7A, s1;
	s8 =	simm.s32 @!p0 $0x1BF5;
	p2 =	por !p2, p0  }
0x20: {  	[sflag:s8] =	ssyncset.s32 @!p0 $0xFFFFF086;
	s6 =	sadd.s32 @!p0 s3, s7;
	s7 =	simm.s32 @!p0 $0x108  }
0x21: {  	s3 =	sadd.s32 s3, s9;
	s6 =	sadd.s32 @!p0 $0x88, s6;
	s7 =	simm.s32 @p2 $0x1082  }
0x22: {  	[simem:s7], [sflag:s8] =	dma.local @!p0 [hbm:s6], $0xF7A  }
0x23: {  	s9 =	sor.u32 $0xD0000000, s2;
	s6 =	simm.s32 $0x108;
	_ =	swait.ge @!p0 [sflag:s8], $0x0  }
0x24: {  	s3 =	sadd.s32 $0x88, s3;
	s6 =	simm.s32 @!p1 $0x1082;
	[sflag:s4] =	ssyncset.s32 $0xFFFFF086  }
0x25: {  	[simem:s6], [sflag:s4] =	dma.local [hbm:s3], $0xF7A  }
0x26: {  	[smem:$0x3F9F] =	sst s1;
	(tag) =	ssettag s2;
	_ =	strace s9  }
0x27: {  	s1 =	sld [smem:$0x3FAF]  }
0x28: {  	s2 =	sld [smem:$0x3FB0]  }
0x29: {  	s4 =	sld [smem:$0x3FB2]  }
0x2a: {  	p0 =	seq.s32 s5, $0x0;
	s5 =	sld [smem:$0x3FB3]  }
0x2b: {  	s6 =	sld [smem:$0x3FB4]  }
0x2c: {  	s7 =	sld [smem:$0x3FB5]  }
0x2d: {  	s3 =	simm.s32 $0x108;
	s8 =	sld [smem:$0x3FB6]  }
0x2e: {  	s3 =	simm.s32 @!p0 $0x1082;
	s9 =	sld [smem:$0x3FB7]  }
0x2f: {  	lr =	sadd.s32 s0, s3;
	s0 =	sld [smem:$0x3FAE]  }
0x30: {  	s3 =	sld [smem:$0x3FB1]  }
0x31: {  	[smem:$0x3FBA] =	sst s10  }
0x32: {  	s10 =	sld [smem:$0x3FB8];
	_ =	sdelay $0x3  }
0x33: {  	p0 =	seq.s32 s10, $0x1;
	s10 =	sld [smem:$0x3FBA];
	_ =	sdelay $0x3  }
0x34: {  	[smem:$0x3FBA] =	sst s10  }
0x35: {  	s10 =	sld [smem:$0x3FB9];
	_ =	sdelay $0x3  }
0x36: {  	p1 =	seq.s32 s10, $0x1;
	s10 =	sld [smem:$0x3FBA];
	_ =	sdelay $0x3  }
0x37: {  	[smem:$0x3FBA] =	sst s10  }
0x38: {  	s10 =	sld [smem:$0x3FBB]  }
0x39: {  	_ = 	snop;
	(pc) =	sbr.ind lr, $3  }
0x3a: {  	_ = 	snop  }
0x3b: {  	_ = 	snop  }
0x3c: {  	p2 =	seq.s32 s10, $0x1;
	s10 =	sld [smem:$0x3FBA]  }
0x3d: {  	_ =	shalt  }
0x3e: {  	_ =	shalt  }
0x3f: {  	_ =	shalt  }
0x40: {  	_ =	shalt  }
0x41: {  	_ =	shalt  }
0x42: {  	_ =	shalt  }
0x43: {  	_ =	shalt  }
0x44: {  	_ =	shalt  }
0x45: {  	_ =	shalt  }
0x46: {  	_ =	shalt  }
0x47: {  	_ =	shalt  }
0x48: {  	_ =	shalt  }
0x49: {  	_ =	shalt  }
0x4a: {  	_ =	shalt  }
0x4b: {  	_ =	shalt  }
0x4c: {  	_ =	shalt  }
0x4d: {  	_ =	shalt  }
0x4e: {  	_ =	shalt  }
0x4f: {  	_ =	shalt  }
0x50: {  	_ =	shalt  }
0x51: {  	_ =	shalt  }
0x52: {  	_ =	shalt  }
0x53: {  	_ =	shalt  }
0x54: {  	_ =	shalt  }
0x55: {  	_ =	shalt  }
0x56: {  	_ =	shalt  }
0x57: {  	_ =	shalt  }
0x58: {  	_ =	shalt  }
0x59: {  	_ =	shalt  }
0x5a: {  	_ =	shalt  }
0x5b: {  	_ =	shalt  }
0x5c: {  	_ =	shalt  }
0x5d: {  	_ =	shalt  }
0x5e: {  	_ =	shalt  }
0x5f: {  	_ =	shalt  }
0x60: {  	_ =	shalt  }
0x61: {  	_ =	shalt  }
0x62: {  	_ =	shalt  }
0x63: {  	_ =	shalt  }
0x64: {  	_ =	shalt  }
0x65: {  	_ =	shalt  }
0x66: {  	_ =	shalt  }
0x67: {  	_ =	shalt  }
0x68: {  	_ =	shalt  }
0x69: {  	_ =	shalt  }
0x6a: {  	_ =	shalt  }
0x6b: {  	_ =	shalt  }
0x6c: {  	_ =	shalt  }
0x6d: {  	_ =	shalt  }
0x6e: {  	_ =	shalt  }
0x6f: {  	_ =	shalt  }
0x70: {  	_ =	shalt  }
0x71: {  	_ =	shalt  }
0x72: {  	_ =	shalt  }
0x73: {  	_ =	shalt  }
0x74: {  	_ =	shalt  }
0x75: {  	_ =	shalt  }
0x76: {  	_ =	shalt  }
0x77: {  	_ =	shalt  }
0x78: {  	_ =	shalt  }
0x79: {  	_ =	shalt  }
0x7a: {  	_ =	shalt  }
0x7b: {  	_ =	shalt  }
0x7c: {  	_ =	shalt  }
0x7d: {  	_ =	shalt  }
0x7e: {  	_ =	shalt  }
0x7f: {  	_ =	shalt  }
0x80: {  	_ =	shalt  }
0x81: {  	_ =	shalt  }
0x82: {  	_ =	shalt  }
0x83: {  	_ =	shalt  }
0x84: {  	_ =	shalt  }
0x85: {  	_ =	shalt  }
0x86: {  	_ =	shalt  }
0x87: {  	_ =	shalt  }
.Lfunc_end0:
.L_simem_size_0:
called_computation_lowered:
.L_overlay_start_0:
0x88: {  	s2 =	sld [smem:$0x3FD9]  }
0x89: {  	s3 =	sld [smem:$0x3FFE];
	_ =	sdelay $0x1  }
0x8a: {  	s1 =	srdreg.scid  }
0x8b: {  	s0 =	sand.u32 $0x1, s1  }
0x8c: {  	s16 =	sshll.u32 s0, $0xA;
	s2 =	sadd.s32 s3, s2  }
0x8d: {  	s2 =	sadd.s32 s2, s16  }
0x8e: {  	[smem:$0x3FC6] =	sst s2  }
0x8f: {  	_ = 	snop  }
0x90: {  	(tm) =	ssettm $0x1  }
0x91: {  	s17 =	sld [smem:$0x3FFB];
	_ =	sdelay $0x3  }
0x92: {  	_ =	strace s17  }
0x93: {  	s2 =	sld [smem:$0x3FFC];
	_ =	sdelay $0x3  }
0x94: {  	_ =	strace s2  }
0x95: {  	s2 =	sld [smem:$0x3FFD];
	_ =	sdelay $0x3  }
0x96: {  	_ =	strace s2  }
0x97: {  	_ =	strace $0x8FFFFFFF  }
0x98: {  	s18 =	sld [smem:$0x3FDB];
	_ =	sdelay $0x1  }
0x99: {  	s19 =	simm.s32 $_scs_section_size  }
0x9a: {  	s4 =	simm.s32 $_size__tile_overlayer_lowered;
	s5 =	simm.s32 $_tile_overlayer_lowered  }
0x9b: {  	s22 =	simm.s32 $0x1BFF;
	s21 =	sshll.u32 s5, $0x1;
	s2 =	sadd.s32 s19, s18  }
0x9c: {  	s6 =	simm.s32 $0x0;
	s20 =	sshll.u32 s4, $0x1;
	s4 =	sadd.s32 s21, s2  }
0x9d: {  	[timem:s6], [sflag:s22] =	dma.local [hbm:s4], s20  }
0x9e: {  	_ =	swait.ge [sflag:s22], s20  }
0x9f: {  	s3 =	ssub.s32 $0x0, s20;
	[sflag:s22] =	ssyncset.done $0x0  }
0xa0: {  	[sflag:s22] =	ssyncadd.s32 s3;
	_ =	sdelay $0x1  }
0xa1: {  	s23 =	simm.s32 $0x1B8B  }
0xa2: {  	_ =	swait.ge [sflag:s23], $0x1  }
0xa3: {  	[sflag:s23] =	ssyncset.done $0x0  }
0xa4: {  	s25 =	simm.s32 $0x1B8E;
	s24 =	sld [smem:$0x3FFE];
	[sflag:s23] =	ssyncadd.s32 $0xFFFFFFFF  }
0xa5: {  	s26 =	simm.s32 $execute0_lowered;
	[smem:$0x3FD2] =	sst s25  }
0xa6: {  	s4 =	sshll.u32 s26, $0x1;
	_ =	strace $0x80000046;
	[dreg:$0x1] =	wrdreg $0xFFFFFFFF  }
0xa7: {  	s28 =	simm.s32 $_size_execute0_lowered;
	s2 =	sadd.s32 s2, s4;
	[dreg:$0x0] =	wrdreg $0x0  }
0xa8: {  	s4 =	sshll.u32 s28, $0x1;
	[dreg:$0x2] =	wrdreg s2  }
0xa9: {  	[dreg:$0x3] =	wrdreg s4  }
0xaa: {  	[dreg:$0x4] =	wrdreg $0xC0  }
0xab: {  	_ =	task [dreg:s6], $0x5FFFF  }
0xac: {  	[dreg:$0x1] =	wrdreg $0xFFFFFFFF  }
0xad: {  	[dreg:$0x0] =	wrdreg $0x60  }
0xae: {  	[dreg:$0x2] =	wrdreg s24  }
0xaf: {  	[dreg:$0x3] =	wrdreg $0x9  }
0xb0: {  	_ =	task.clear_ibuf [dreg:s6], $0x4FFFF;
	_ =	strace $0x90000046  }
0xb1: {  	s29 =	simm.s32 $0x9;
	_ =	strace $0x80000048  }
0xb2: {  	_ =	swait.ge [sflag:s29], $0x1  }
0xb3: {  	[sflag:s29] =	ssyncadd.s32 $0xFFFFFFFF  }
0xb4: {  	_ =	strace $0x90000048  }
0xb5: {  	_ =	sfence  }
0xb6: {  	s30 =	sld [smem:$0x0];
	_ =	sdelay $0x2  }
0xb7: {  	s31 =	sshll.u32 s1, $0xD;
	s1 =	sshrl.u32 s1, $0x2  }
0xb8: {  	s3 =	sand.u32 $0x4000, s31;
	s1 =	sadd.s32 s1, s30  }
0xb9: {  	s0 =	sor.u32 s3, s0;
	s1 =	sshll.u32 s1, $0x11  }
0xba: {  	s0 =	sor.u32 s1, s0  }
0xbb: {  	s0 =	sadd.s32 $0x8F2B, s0  }
0xbc: {  	[sflag:s0] =	ssyncadd.remote.s32 $0x1  }
0xbd: {  	_ =	sfence.sel $0xFFFF  }
0xbe: {  	[dreg:$0x0] =	wrdreg $0xFFFFFFFF;
	(pc) =	sbr.abs _section_cstart, $3  }
0xbf: {  	[dreg:$0x1] =	wrdreg $0xFFFFFFFF  }
0xc0: {  	_ =	task.clear_ibuf [dreg:s6], $0x2FFFF;
	_ =	strace $0x9FFFFFFF  }
0xc1: {  	(tm) =	ssettm $0x7FFFFFFF  }
tec
execute0_lowered:
.L_overlay_start_1:
0x0: {  	(tag) =	ssettag $0x1  }
0x1: {  	s0 =	srdreg.scid  }
0x2: {  	s7 =	stileid.u32;
	s1 =	rddreg [dreg:$0x0];
	s2 =	simm.s32 $0x0  }
0x3: {  	s19 =	simm.s32 $0x3;
	s21 =	simm.s32 $0x800;
	s28 =	simm.s32 $0x0  }
0x4: {  	s0 =	sand.u32 $0x1, s0;
	s3 =	sshll.u32 s7, $0x1;
	[smem:$0x7FF] =	sst s2  }
0x5: {  	s6 =	sadd.s32 $0x1200, s1;
	s7 =	sshrl.u32 s7, $0x2;
	s3 =	sor.u32 s0, s3  }
0x6: {  	_ =	strace $0x80000047;
	s0 =	ssub.s32 $0x2, s0;
	s22 =	smul.u32 $0x6180, s7  }
0x7: {  	s7 =	smul.u32 $0x30C00, s7;
	s4 =	sand.u32 $0x7, s3;
	s3 =	sshll.u32 s3, $0x7  }
0x8: {  	s5 =	sshll.u32 s4, $0x7;
	s8 =	smul.u32 $0xC3800, s4;
	s23 =	sadd.s32 $0x1380, s22  }
0x9: {  	s24 =	sadd.s32 $0x2700, s22;
	s25 =	sadd.s32 $0x3A80, s22;
	s5 =	sadd.s32 s5, s1  }
0xa: {  	v4 =	vlaneseq.u32;
	s26 =	sadd.s32 $0x4E00, s22;
	s1 =	sadd.s32 s3, s1;
	s3 =	sadd.s32 $0x188200, s5  }
0xb: {  	v0 =	vor.u32 s22, v4;
	s22 =	simm.s32 $0xA400;
	s4 =	sadd.s32 $0x188600, s5;
	s31 =	sadd.s32 $0x61C000, s8  }
0xc: {  	s30 =	sshrl.u32 s0, $0x1;
	s8 =	sadd.s32 $0x188A00, s1;
	s9 =	sadd.s32 $0x188A10, s1  }
0xd: {  	s0 =	ssub.s32 s0, s30;
	s11 =	sadd.s32 $0x188A20, s1;
	s12 =	sadd.s32 $0x188A30, s1  }
0xe: {  	s18 =	smax.u32 s0, $0x1;
	s14 =	sadd.s32 $0x188A40, s1;
	s15 =	sadd.s32 $0x188A50, s1  }
0xf: {  	s16 =	sadd.s32 $0x188A60, s1;
	s7 =	sadd.s32 s7, s31;
	s5 =	sshrl.u32 s31, $0x3  }
0x10: {  	s17 =	sadd.s32 $0x188A70, s1;
	s7 =	sshrl.u32 s7, $0x3;
	s13 =	sadd.s32 s6, s5  }
0x11: {  	s5 =	sadd.s32 s6, s7;
	s6 =	sadd.s32 s23, s13;
	s7 =	sadd.s32 s24, s13  }
0x12: {  	v5 =	vimm.s32 $0x0;
	v1 =	vor.u32 s23, v4;
	s10 =	sadd.s32 s25, s13;
	s13 =	sadd.s32 s26, s13;
	s23 =	simm.s32 $0x1  }
0x13: {  	v2 =	vor.u32 s24, v4;
	v3 =	vor.u32 s25, v4;
	v4 =	vor.u32 s26, v4;
	s24 =	simm.s32 $0x2;
	s25 =	simm.s32 $0x14000;
	s26 =	simm.s32 $0x4  }
.LBB2_1:
0x14: {  	[tilespmem:s2], [sflag:$0x3] =	stream.linear.gather [hbm4b:s3+s2], $0x400, $0x38;
	[tilespmem:$0x14080] =	vst v63  }
0x15: {  	_ =	swait.ge [sflag:s19], $0x400  }
0x16: {  	[sflag:s19] =	ssyncset.done $0x0  }
0x17: {  	s0 =	simm.s32 $0x400;
	[sflag:s19] =	ssyncadd.s32 $0xFFFFFC00  }
0x18: {  	[tilespmem:s0], [sflag:$0x3] =	stream.linear.gather [hbm4b:s4+s2], $0x400, $0x38;
	[tilespmem:$0x14080] =	vst v63  }
0x19: {  	_ =	swait.ge [sflag:s19], $0x400  }
0x1a: {  	[sflag:s19] =	ssyncset.done $0x0  }
0x1b: {  	[sflag:s19] =	ssyncadd.s32 $0xFFFFFC00  }
0x1c: {  	v20 =	vld [tilespmem:$0x0]  }
0x1d: {  	v18 =	vld [tilespmem:$0x80]  }
0x1e: {  	v16 =	vld [tilespmem:$0x100]  }
0x1f: {  	v14 =	vld [tilespmem:$0x180]  }
0x20: {  	v12 =	vld [tilespmem:$0x200]  }
0x21: {  	v10 =	vld [tilespmem:$0x280]  }
0x22: {  	v8 =	vld [tilespmem:$0x300]  }
0x23: {  	v6 =	vld [tilespmem:$0x380]  }
0x24: {  	v21 =	vld [tilespmem:$0x400]  }
0x25: {  	v19 =	vld [tilespmem:$0x480]  }
0x26: {  	v17 =	vld [tilespmem:$0x500]  }
0x27: {  	v15 =	vld [tilespmem:$0x580]  }
0x28: {  	v13 =	vld [tilespmem:$0x600]  }
0x29: {  	v11 =	vld [tilespmem:$0x680]  }
0x2a: {  	v9 =	vld [tilespmem:$0x700]  }
0x2b: {  	v7 =	vld [tilespmem:$0x780];
	[tilespmem:s21], [sflag:$0x1] =	stream.linear.gather [hbm4b:s5+s2], $0x9C00, $0x38  }
0x2c: {  	s20 =	sand.u32 $0x7, s2  }
0x2d: {  	[tilespmem:s22], [sflag:$0x2] =	stream.linear.gather [hbm4b:s6+s2], $0x9C00, $0x38;
	[tilespmem:$0x14080] =	vst v63  }
0x2e: {  	s0 =	sshll.u32 s20, $0x4;
	_ =	swait.ge [sflag:s23], $0x9C00  }
0x2f: {  	s1 =	sand.u32 $0x70, s2;
	s0 =	sadd.s32 $0x0, s0;
	[sflag:s23] =	ssyncset.done $0x0  }
0x30: {  	s29 =	sand.u32 $0xFC00, s2;
	s0 =	sor.u32 $0x380, s0;
	[sflag:s23] =	ssyncadd.s32 $0xFFFF6400  }
0x31: {  	s1 =	sor.u32 s1, s29;
	v22 =	vld [tilespmem:s0+$0x800]  }
0x32: {  	v23 =	vld [tilespmem:s1+$0x800]  }
0x33: {  	v24 =	vld [tilespmem:s1+$0x880]  }
0x34: {  	v27 =	vld [tilespmem:s1+$0xA00]  }
0x35: {  	v29 =	vimm.s32 $0x0;
	v31 =	vld [tilespmem:s1+$0xA80]  }
0x36: {  	v28 =	vimm.s32 $0x0;
	vm0 =	vlt.s32 v0, v21;
	vm2 =	vlt.s32 v0, v7;
	v25 =	vld [tilespmem:s1+$0x900]  }
0x37: {  	vm5 =	vlt.s32 v0, v19;
	vm7 =	vlt.s32 v0, v17;
	vm8 =	vlt.s32 v0, v15;
	v26 =	vld [tilespmem:s1+$0x980]  }
0x38: {  	vm10 =	vlt.s32 v0, v13;
	vm11 =	vlt.s32 v0, v11;
	vm13 =	vlt.s32 v0, v9;
	v32 =	vld [tilespmem:s1+$0xB00]  }
0x39: {  	vm1 =	veq.f32 v22, v6;
	vm3 =	veq.f32 v23, v20;
	vm4 =	vgt.f32 v22, v6  }
0x3a: {  	vm9 =	veq.f32 v27, v12;
	vm12 =	veq.f32 v31, v10;
	vm1 =	vmand vm2, vm1  }
0x3b: {  	vm2 =	veq.f32 v24, v18;
	vm6 =	vmand vm0, vm3;
	vm0 =	vmand vm10, vm9  }
0x3c: {  	vm10 =	vgt.f32 v25, v16;
	vm9 =	vgt.f32 v26, v14;
	vm1 =	vmor vm4, vm1  }
0x3d: {  	vm4 =	veq.f32 v25, v16;
	vm2 =	vmand vm5, vm2;
	vm5 =	veq.f32 v32, v8  }
0x3e: {  	v25 =	vimm.s32 $0x0;
	v22 =	vsel vm1, $0x1, v5;
	vm1 =	veq.f32 v26, v14  }
0x3f: {  	vm3 =	vmand vm7, vm4;
	vm7 =	vgt.f32 v24, v18;
	vm5 =	vmand vm13, vm5  }
0x40: {  	v24 =	vimm.s32 $0x0;
	v26 =	vimm.s32 $0x0;
	v22 =	vadd.s32 v22, v5  }
0x41: {  	s30 =	simm.s32 $0x10;
	s29 =	simm.s32 $0x1;
	vm4 =	vmand vm8, vm1;
	vm1 =	vmand vm11, vm12;
	vm11 =	vgt.f32 v23, v20  }
0x42: {  	s31 =	simm.s32 $0x0;
	v30 =	vmovc v0;
	s0 =	sand.u32 $0x7, s29;
	s1 =	simm.s32 $0x20;
	vm8 =	vgt.f32 v27, v12;
	v23 =	vimm.s32 $0x0;
	v27 =	vimm.s32 $0x0  }
.LBB2_2:
0x43: {  	p0 =	sne.s32 s1, $0x1370;
	s0 =	sshll.u32 s0, $0x4;
	vm6 =	vmor vm11, vm6;
	vm11 =	vgt.f32 v31, v10;
	vm12 =	vgt.f32 v32, v8;
	s31 =	sadd.s32 $0x80, s31  }
0x44: {  	s30 =	sand.u32 $0x70, s30;
	vm2 =	vmor vm7, vm2;
	vm3 =	vmor vm10, vm3;
	vm4 =	vmor vm9, vm4;
	s0 =	sadd.s32 s0, s31;
	s20 =	sand.u32 $0xFC00, s31  }
0x45: {  	vm0 =	vmor vm8, vm0;
	vm1 =	vmor vm11, vm1;
	vm5 =	vmor vm12, vm5;
	s20 =	sor.u32 s30, s20;
	s0 =	sor.u32 $0x380, s0;
	s30 =	smov.u32 s1  }
0x46: {  	v31 =	vsel vm6, $0x1, v5;
	v33 =	vsel vm2, $0x1, v5;
	v34 =	vsel vm3, $0x1, v5;
	v32 =	vld [tilespmem:s0+$0x800]  }
0x47: {  	v36 =	vsel vm4, $0x1, v5;
	v37 =	vsel vm0, $0x1, v5;
	v38 =	vsel vm1, $0x1, v5;
	v35 =	vld [tilespmem:s20+$0x800]  }
0x48: {  	v23 =	vadd.s32 v31, v23;
	v27 =	vadd.s32 v33, v27;
	v31 =	vsel vm5, $0x1, v5;
	v39 =	vld [tilespmem:s20+$0x880]  }
0x49: {  	v24 =	vadd.s32 v34, v24;
	v25 =	vadd.s32 v36, v25;
	v29 =	vadd.s32 v37, v29;
	v33 =	vld [tilespmem:s20+$0x900]  }
0x4a: {  	v30 =	vadd.s32 $0x10, v30;
	v28 =	vadd.s32 v38, v28;
	v26 =	vadd.s32 v31, v26;
	v34 =	vld [tilespmem:s20+$0x980]  }
0x4b: {  	vm0 =	vlt.s32 v30, v21;
	vm2 =	vlt.s32 v30, v7;
	v36 =	vld [tilespmem:s20+$0xA00];
	vm1 =	veq.f32 v32, v6  }
0x4c: {  	vm4 =	vgt.f32 v32, v6;
	vm3 =	veq.f32 v35, v20;
	v31 =	vld [tilespmem:s20+$0xA80];
	vm1 =	vmand vm2, vm1  }
0x4d: {  	vm5 =	vlt.s32 v30, v19;
	vm2 =	veq.f32 v39, v18;
	v32 =	vld [tilespmem:s20+$0xB00];
	vm1 =	vmor vm4, vm1  }
0x4e: {  	vm7 =	vlt.s32 v30, v17;
	vm4 =	veq.f32 v33, v16;
	v37 =	vsel vm1, $0x1, v5  }
0x4f: {  	vm8 =	vlt.s32 v30, v15;
	vm1 =	veq.f32 v34, v14;
	v22 =	vadd.s32 v37, v22  }
0x50: {  	vm10 =	vlt.s32 v30, v13;
	vm11 =	vlt.s32 v30, v11;
	vm9 =	veq.f32 v36, v12  }
.Ltmp0:
0x51: {  	vm13 =	vlt.s32 v30, v9;
	vm6 =	vmand vm0, vm3;
	vm12 =	veq.f32 v31, v10;
	(pc) =	sbr.rel @p0 .LBB2_2-.Ltmp0, $4  }
0x52: {  	vm2 =	vmand vm5, vm2;
	vm3 =	vmand vm7, vm4;
	vm5 =	veq.f32 v32, v8  }
0x53: {  	vm4 =	vmand vm8, vm1;
	vm0 =	vmand vm10, vm9;
	vm1 =	vmand vm11, vm12  }
0x54: {  	s29 =	sadd.s32 $0x1, s29;
	vm7 =	vgt.f32 v39, v18;
	vm11 =	vgt.f32 v35, v20;
	vm5 =	vmand vm13, vm5  }
0x55: {  	s1 =	sadd.s32 $0x10, s1;
	s0 =	sand.u32 $0x7, s29;
	vm8 =	vgt.f32 v36, v12;
	vm10 =	vgt.f32 v33, v16;
	vm9 =	vgt.f32 v34, v14  }
0x56: {  	vm6 =	vmor vm11, vm6;
	vm11 =	vgt.f32 v31, v10  }
0x57: {  	s0 =	sshll.u32 s0, $0x4;
	s1 =	sadd.s32 $0x80, s31;
	vm12 =	vgt.f32 v32, v8;
	vm2 =	vmor vm7, vm2;
	vm3 =	vmor vm10, vm3  }
0x58: {  	vm4 =	vmor vm9, vm4;
	vm0 =	vmor vm8, vm0;
	vm13 =	vlt.s32 v1, v9;
	s0 =	sadd.s32 s0, s1  }
0x59: {  	s20 =	sand.u32 $0x70, s30;
	s1 =	sand.u32 $0xFC00, s1;
	vm1 =	vmor vm11, vm1;
	vm5 =	vmor vm12, vm5;
	v53 =	vsel vm6, $0x1, v5;
	s0 =	sor.u32 $0x380, s0  }
0x5a: {  	v33 =	vsel vm2, $0x1, v5;
	v34 =	vsel vm3, $0x1, v5;
	v36 =	vsel vm4, $0x1, v5;
	s1 =	sor.u32 s20, s1;
	v31 =	vld [tilespmem:s0+$0x800]  }
0x5b: {  	v37 =	vsel vm0, $0x1, v5;
	v38 =	vsel vm1, $0x1, v5;
	v23 =	vadd.s32 v53, v23;
	v35 =	vld [tilespmem:s1+$0x800]  }
0x5c: {  	v27 =	vadd.s32 v33, v27;
	v54 =	vsel vm5, $0x1, v5;
	v34 =	vadd.s32 v34, v24;
	v39 =	vld [tilespmem:s1+$0x880]  }
0x5d: {  	v36 =	vadd.s32 v36, v25;
	v25 =	vadd.s32 $0x10, v30;
	v30 =	vadd.s32 v54, v26;
	v26 =	vld [tilespmem:s1+$0xA00]  }
0x5e: {  	v29 =	vadd.s32 v37, v29;
	v28 =	vadd.s32 v38, v28;
	vm0 =	vlt.s32 v25, v21;
	v56 =	vld [tilespmem:s1+$0xA80]  }
0x5f: {  	v55 =	vld [tilespmem:s1+$0x900];
	vm2 =	vlt.s32 v25, v7;
	vm5 =	vlt.s32 v25, v19;
	vm6 =	vlt.s32 v25, v17  }
0x60: {  	v24 =	vld [tilespmem:s1+$0x980];
	vm7 =	vlt.s32 v25, v15;
	vm9 =	vlt.s32 v25, v13;
	vm10 =	vlt.s32 v25, v11  }
0x61: {  	vm11 =	vlt.s32 v25, v9;
	vm1 =	veq.f32 v31, v6;
	vm3 =	veq.f32 v35, v20  }
0x62: {  	vm4 =	vgt.f32 v31, v6;
	vm8 =	veq.f32 v26, v12;
	vm1 =	vmand vm2, vm1  }
0x63: {  	vm2 =	veq.f32 v39, v18;
	vm0 =	vmand vm0, vm3;
	vm3 =	veq.f32 v56, v10  }
0x64: {  	v31 =	vld [tilespmem:s1+$0xB00];
	vm1 =	vmor vm4, vm1;
	vm4 =	veq.f32 v55, v16;
	vm2 =	vmand vm5, vm2  }
0x65: {  	vm3 =	vmand vm10, vm3;
	vm10 =	vgt.f32 v24, v14;
	v57 =	vsel vm1, $0x1, v5  }
0x66: {  	vm1 =	veq.f32 v24, v14;
	vm4 =	vmand vm6, vm4;
	vm6 =	vmand vm9, vm8  }
0x67: {  	s29 =	simm.s32 $0x0;
	vm8 =	vgt.f32 v39, v18;
	vm9 =	vgt.f32 v55, v16;
	v37 =	vadd.s32 v57, v22  }
0x68: {  	s20 =	sand.u32 $0x7, s29;
	vm1 =	vmand vm7, vm1;
	vm7 =	vgt.f32 v35, v20;
	vm2 =	vmor vm8, vm2  }
0x69: {  	[tilespmem:s21], [sflag:$0x1] =	stream.linear.gather [hbm4b:s7+s29], $0x9C00, $0x38;
	vm4 =	vmor vm9, vm4;
	vm8 =	vlt.s32 v1, v15;
	vm5 =	veq.f32 v31, v8;
	[tilespmem:$0x14080] =	vst v63  }
0x6a: {  	s0 =	sshll.u32 s20, $0x4;
	_ =	swait.ge [sflag:s24], $0x9C00;
	vm0 =	vmor vm7, vm0;
	vm7 =	vgt.f32 v56, v10;
	vm12 =	vgt.f32 v31, v8  }
0x6b: {  	s20 =	sand.u32 $0xFC00, s29;
	s0 =	sadd.s32 $0x0, s0;
	[sflag:s24] =	ssyncset.done $0x0;
	vm1 =	vmor vm10, vm1;
	v24 =	vsel vm2, $0x1, v5;
	v25 =	vsel vm4, $0x1, v5  }
0x6c: {  	s0 =	sor.u32 $0x380, s0;
	s1 =	sand.u32 $0x70, s29;
	[sflag:s24] =	ssyncadd.s32 $0xFFFF6400;
	vm2 =	vlt.s32 v1, v7;
	vm10 =	vlt.s32 v1, v13;
	vm5 =	vmand vm11, vm5  }
0x6d: {  	s1 =	sor.u32 s1, s20;
	v58 =	vld [tilespmem:s0+$0xA400];
	vm11 =	vgt.f32 v26, v12;
	vm3 =	vmor vm7, vm3;
	v22 =	vsel vm0, $0x1, v5  }
0x6e: {  	v59 =	vld [tilespmem:s1+$0xA400];
	v26 =	vsel vm1, $0x1, v5;
	v24 =	vadd.s32 v24, v27;
	v25 =	vadd.s32 v25, v34  }
0x6f: {  	v63 =	vld [tilespmem:s1+$0xA600];
	vm0 =	vlt.s32 v1, v21;
	vm7 =	vlt.s32 v1, v17;
	vm6 =	vmor vm11, vm6  }
0x70: {  	v61 =	vld [tilespmem:s1+$0xA480];
	vm5 =	vmor vm12, vm5;
	v60 =	vsel vm3, $0x1, v5;
	v23 =	vadd.s32 v22, v23  }
0x71: {  	v62 =	vld [tilespmem:s1+$0xA500];
	v26 =	vadd.s32 v26, v36;
	vm11 =	vlt.s32 v1, v11;
	v31 =	vsel vm6, $0x1, v5  }
0x72: {  	v32 =	vld [tilespmem:s1+$0xA700];
	v22 =	vsel vm5, $0x1, v5;
	v27 =	vadd.s32 v60, v28;
	vm5 =	vlt.s32 v1, v19  }
0x73: {  	v29 =	vadd.s32 v31, v29;
	v22 =	vadd.s32 v22, v30;
	vm1 =	veq.f32 v58, v6  }
0x74: {  	v30 =	vld [tilespmem:s1+$0xA580];
	vm3 =	veq.f32 v59, v20;
	vm4 =	vgt.f32 v58, v6;
	vm9 =	veq.f32 v63, v12  }
0x75: {  	v31 =	vld [tilespmem:s1+$0xA680];
	vm1 =	vmand vm2, vm1;
	vm2 =	veq.f32 v61, v18;
	vm6 =	vmand vm0, vm3  }
0x76: {  	vm0 =	vmand vm10, vm9;
	vm10 =	vgt.f32 v62, v16;
	vm1 =	vmor vm4, vm1  }
0x77: {  	vm4 =	veq.f32 v62, v16;
	vm2 =	vmand vm5, vm2;
	vm5 =	veq.f32 v32, v8  }
0x78: {  	v28 =	vsel vm1, $0x1, v5;
	vm3 =	vmand vm7, vm4;
	vm7 =	vgt.f32 v61, v18  }
0x79: {  	vm5 =	vmand vm13, vm5;
	v28 =	vadd.s32 v28, v37;
	vm1 =	veq.f32 v30, v14  }
0x7a: {  	s30 =	simm.s32 $0x1;
	vm12 =	veq.f32 v31, v10;
	vm9 =	vgt.f32 v30, v14;
	vm4 =	vmand vm8, vm1  }
0x7b: {  	s31 =	simm.s32 $0x20;
	s0 =	sand.u32 $0x7, s30;
	s1 =	simm.s32 $0x10;
	v30 =	vmovc v1;
	vm1 =	vmand vm11, vm12;
	vm11 =	vgt.f32 v59, v20;
	vm8 =	vgt.f32 v63, v12  }
.LBB2_4:
0x7c: {  	p0 =	sne.s32 s31, $0x1370;
	s0 =	sshll.u32 s0, $0x4;
	vm6 =	vmor vm11, vm6;
	vm11 =	vgt.f32 v31, v10;
	vm12 =	vgt.f32 v32, v8;
	s29 =	sadd.s32 $0x80, s29  }
0x7d: {  	s1 =	sand.u32 $0x70, s1;
	vm2 =	vmor vm7, vm2;
	vm3 =	vmor vm10, vm3;
	vm4 =	vmor vm9, vm4;
	s0 =	sadd.s32 s0, s29;
	s20 =	sand.u32 $0xFC00, s29  }
0x7e: {  	vm0 =	vmor vm8, vm0;
	vm1 =	vmor vm11, vm1;
	vm5 =	vmor vm12, vm5;
	s20 =	sor.u32 s1, s20;
	s0 =	sor.u32 $0x380, s0;
	s1 =	smov.u32 s31  }
0x7f: {  	v31 =	vsel vm6, $0x1, v5;
	v33 =	vsel vm2, $0x1, v5;
	v34 =	vsel vm3, $0x1, v5;
	v32 =	vld [tilespmem:s0+$0xA400]  }
0x80: {  	v36 =	vsel vm4, $0x1, v5;
	v37 =	vsel vm0, $0x1, v5;
	v38 =	vsel vm1, $0x1, v5;
	v35 =	vld [tilespmem:s20+$0xA400]  }
0x81: {  	v23 =	vadd.s32 v31, v23;
	v24 =	vadd.s32 v33, v24;
	v31 =	vsel vm5, $0x1, v5;
	v39 =	vld [tilespmem:s20+$0xA480]  }
0x82: {  	v25 =	vadd.s32 v34, v25;
	v26 =	vadd.s32 v36, v26;
	v29 =	vadd.s32 v37, v29;
	v33 =	vld [tilespmem:s20+$0xA500]  }
0x83: {  	v30 =	vadd.s32 $0x10, v30;
	v27 =	vadd.s32 v38, v27;
	v22 =	vadd.s32 v31, v22;
	v34 =	vld [tilespmem:s20+$0xA580]  }
0x84: {  	vm0 =	vlt.s32 v30, v21;
	vm2 =	vlt.s32 v30, v7;
	v36 =	vld [tilespmem:s20+$0xA600];
	vm1 =	veq.f32 v32, v6  }
0x85: {  	vm4 =	vgt.f32 v32, v6;
	vm3 =	veq.f32 v35, v20;
	v31 =	vld [tilespmem:s20+$0xA680];
	vm1 =	vmand vm2, vm1  }
0x86: {  	vm5 =	vlt.s32 v30, v19;
	vm2 =	veq.f32 v39, v18;
	v32 =	vld [tilespmem:s20+$0xA700];
	vm1 =	vmor vm4, vm1  }
0x87: {  	vm7 =	vlt.s32 v30, v17;
	vm4 =	veq.f32 v33, v16;
	v37 =	vsel vm1, $0x1, v5  }
0x88: {  	vm8 =	vlt.s32 v30, v15;
	vm1 =	veq.f32 v34, v14;
	v28 =	vadd.s32 v37, v28  }
0x89: {  	vm10 =	vlt.s32 v30, v13;
	vm11 =	vlt.s32 v30, v11;
	vm9 =	veq.f32 v36, v12  }
.Ltmp1:
0x8a: {  	vm13 =	vlt.s32 v30, v9;
	vm6 =	vmand vm0, vm3;
	vm12 =	veq.f32 v31, v10;
	(pc) =	sbr.rel @p0 .LBB2_4-.Ltmp1, $4  }
0x8b: {  	vm2 =	vmand vm5, vm2;
	vm3 =	vmand vm7, vm4;
	vm5 =	veq.f32 v32, v8  }
0x8c: {  	vm4 =	vmand vm8, vm1;
	vm0 =	vmand vm10, vm9;
	vm1 =	vmand vm11, vm12  }
0x8d: {  	s30 =	sadd.s32 $0x1, s30;
	vm7 =	vgt.f32 v39, v18;
	vm11 =	vgt.f32 v35, v20;
	vm5 =	vmand vm13, vm5  }
0x8e: {  	s31 =	sadd.s32 $0x10, s31;
	s0 =	sand.u32 $0x7, s30;
	vm8 =	vgt.f32 v36, v12;
	vm10 =	vgt.f32 v33, v16;
	vm9 =	vgt.f32 v34, v14  }
0x8f: {  	vm6 =	vmor vm11, vm6;
	vm11 =	vgt.f32 v31, v10  }
0x90: {  	s0 =	sshll.u32 s0, $0x4;
	s20 =	sadd.s32 $0x80, s29;
	vm12 =	vgt.f32 v32, v8;
	vm2 =	vmor vm7, vm2;
	vm3 =	vmor vm10, vm3  }
0x91: {  	vm4 =	vmor vm9, vm4;
	vm0 =	vmor vm8, vm0;
	v30 =	vadd.s32 $0x10, v30;
	s0 =	sadd.s32 s0, s20  }
0x92: {  	s1 =	sand.u32 $0x70, s1;
	vm13 =	vlt.s32 v2, v9;
	s20 =	sand.u32 $0xFC00, s20;
	vm1 =	vmor vm11, vm1;
	vm5 =	vmor vm12, vm5;
	s0 =	sor.u32 $0x380, s0  }
0x93: {  	v47 =	vsel vm6, $0x1, v5;
	v33 =	vsel vm2, $0x1, v5;
	v34 =	vsel vm3, $0x1, v5;
	s1 =	sor.u32 s1, s20;
	v31 =	vld [tilespmem:s0+$0xA400]  }
0x94: {  	v36 =	vsel vm4, $0x1, v5;
	v37 =	vsel vm0, $0x1, v5;
	vm0 =	vlt.s32 v30, v21;
	v35 =	vld [tilespmem:s1+$0xA400]  }
0x95: {  	vm2 =	vlt.s32 v30, v7;
	vm6 =	vlt.s32 v30, v17;
	vm7 =	vlt.s32 v30, v15;
	v39 =	vld [tilespmem:s1+$0xA480]  }
0x96: {  	vm9 =	vlt.s32 v30, v13;
	vm10 =	vlt.s32 v30, v11;
	vm11 =	vlt.s32 v30, v9;
	v51 =	vld [tilespmem:s1+$0xA600]  }
0x97: {  	v38 =	vsel vm1, $0x1, v5;
	v23 =	vadd.s32 v47, v23;
	v24 =	vadd.s32 v33, v24;
	v52 =	vld [tilespmem:s1+$0xA680]  }
0x98: {  	v48 =	vsel vm5, $0x1, v5;
	v25 =	vadd.s32 v34, v25;
	v26 =	vadd.s32 v36, v26;
	v49 =	vld [tilespmem:s1+$0xA500]  }
0x99: {  	v29 =	vadd.s32 v37, v29;
	vm5 =	vlt.s32 v30, v19;
	v50 =	vld [tilespmem:s1+$0xA580];
	v27 =	vadd.s32 v38, v27  }
0x9a: {  	v22 =	vadd.s32 v48, v22;
	vm1 =	veq.f32 v31, v6;
	vm3 =	veq.f32 v35, v20  }
0x9b: {  	vm4 =	vgt.f32 v31, v6;
	vm8 =	veq.f32 v51, v12;
	vm1 =	vmand vm2, vm1  }
0x9c: {  	vm2 =	veq.f32 v39, v18;
	vm0 =	vmand vm0, vm3;
	vm3 =	veq.f32 v52, v10  }
0x9d: {  	v31 =	vld [tilespmem:s1+$0xA700];
	vm1 =	vmor vm4, vm1;
	vm4 =	veq.f32 v49, v16;
	vm2 =	vmand vm5, vm2  }
0x9e: {  	vm3 =	vmand vm10, vm3;
	vm10 =	vgt.f32 v50, v14;
	v53 =	vsel vm1, $0x1, v5  }
0x9f: {  	vm1 =	veq.f32 v50, v14;
	vm4 =	vmand vm6, vm4;
	vm6 =	vmand vm9, vm8  }
0xa0: {  	s29 =	simm.s32 $0x0;
	vm8 =	vgt.f32 v39, v18;
	vm9 =	vgt.f32 v49, v16;
	v28 =	vadd.s32 v53, v28  }
0xa1: {  	s20 =	sand.u32 $0x7, s29;
	vm1 =	vmand vm7, vm1;
	vm7 =	vgt.f32 v35, v20;
	vm2 =	vmor vm8, vm2  }
0xa2: {  	[tilespmem:s22], [sflag:$0x2] =	stream.linear.gather [hbm4b:s10+s29], $0x9C00, $0x38;
	vm4 =	vmor vm9, vm4;
	vm8 =	vlt.s32 v2, v15;
	vm5 =	veq.f32 v31, v8;
	[tilespmem:$0x14080] =	vst v63  }
0xa3: {  	s0 =	sshll.u32 s20, $0x4;
	_ =	swait.ge [sflag:s23], $0x9C00;
	vm0 =	vmor vm7, vm0;
	vm7 =	vgt.f32 v52, v10;
	vm12 =	vgt.f32 v31, v8  }
0xa4: {  	s20 =	sand.u32 $0xFC00, s29;
	s0 =	sadd.s32 $0x0, s0;
	[sflag:s23] =	ssyncset.done $0x0;
	vm1 =	vmor vm10, vm1;
	v31 =	vsel vm2, $0x1, v5;
	v55 =	vsel vm4, $0x1, v5  }
0xa5: {  	s0 =	sor.u32 $0x380, s0;
	s1 =	sand.u32 $0x70, s29;
	[sflag:s23] =	ssyncadd.s32 $0xFFFF6400;
	vm2 =	vlt.s32 v2, v7;
	vm10 =	vlt.s32 v2, v13;
	vm5 =	vmand vm11, vm5  }
0xa6: {  	s1 =	sor.u32 s1, s20;
	v54 =	vld [tilespmem:s0+$0x800];
	vm11 =	vgt.f32 v51, v12;
	vm3 =	vmor vm7, vm3;
	v30 =	vsel vm0, $0x1, v5  }
0xa7: {  	v58 =	vld [tilespmem:s1+$0x800];
	v56 =	vsel vm1, $0x1, v5;
	v24 =	vadd.s32 v31, v24;
	v25 =	vadd.s32 v55, v25  }
0xa8: {  	v62 =	vld [tilespmem:s1+$0xA00];
	vm0 =	vlt.s32 v2, v21;
	vm7 =	vlt.s32 v2, v17;
	vm6 =	vmor vm11, vm6  }
0xa9: {  	v60 =	vld [tilespmem:s1+$0x900];
	vm5 =	vmor vm12, vm5;
	v59 =	vsel vm3, $0x1, v5;
	v23 =	vadd.s32 v30, v23  }
0xaa: {  	v61 =	vld [tilespmem:s1+$0x980];
	v26 =	vadd.s32 v56, v26;
	vm11 =	vlt.s32 v2, v11;
	v57 =	vsel vm6, $0x1, v5  }
0xab: {  	v30 =	vld [tilespmem:s1+$0x880];
	v31 =	vsel vm5, $0x1, v5;
	v27 =	vadd.s32 v59, v27;
	vm5 =	vlt.s32 v2, v19  }
0xac: {  	v29 =	vadd.s32 v57, v29;
	v22 =	vadd.s32 v31, v22;
	vm1 =	veq.f32 v54, v6  }
0xad: {  	v32 =	vld [tilespmem:s1+$0xB00];
	vm3 =	veq.f32 v58, v20;
	vm4 =	vgt.f32 v54, v6;
	vm9 =	veq.f32 v62, v12  }
0xae: {  	v31 =	vld [tilespmem:s1+$0xA80];
	vm1 =	vmand vm2, vm1;
	vm6 =	vmand vm0, vm3;
	vm0 =	vmand vm10, vm9  }
0xaf: {  	vm10 =	vgt.f32 v60, v16;
	vm9 =	vgt.f32 v61, v14;
	vm1 =	vmor vm4, vm1  }
0xb0: {  	vm4 =	veq.f32 v60, v16;
	vm2 =	veq.f32 v30, v18;
	v63 =	vsel vm1, $0x1, v5  }
0xb1: {  	vm1 =	veq.f32 v61, v14;
	vm3 =	vmand vm7, vm4;
	vm7 =	vgt.f32 v30, v18  }
0xb2: {  	v28 =	vadd.s32 v63, v28;
	vm2 =	vmand vm5, vm2;
	vm5 =	veq.f32 v32, v8  }
0xb3: {  	s30 =	simm.s32 $0x1;
	vm4 =	vmand vm8, vm1;
	vm8 =	vgt.f32 v62, v12;
	vm12 =	veq.f32 v31, v10  }
0xb4: {  	s31 =	simm.s32 $0x20;
	s0 =	sand.u32 $0x7, s30;
	s1 =	simm.s32 $0x10;
	v30 =	vmovc v2;
	vm5 =	vmand vm13, vm5;
	vm1 =	vmand vm11, vm12;
	vm11 =	vgt.f32 v58, v20  }
.LBB2_6:
0xb5: {  	p0 =	sne.s32 s31, $0x1370;
	s0 =	sshll.u32 s0, $0x4;
	vm6 =	vmor vm11, vm6;
	vm11 =	vgt.f32 v31, v10;
	vm12 =	vgt.f32 v32, v8;
	s29 =	sadd.s32 $0x80, s29  }
0xb6: {  	s1 =	sand.u32 $0x70, s1;
	vm2 =	vmor vm7, vm2;
	vm3 =	vmor vm10, vm3;
	vm4 =	vmor vm9, vm4;
	s0 =	sadd.s32 s0, s29;
	s20 =	sand.u32 $0xFC00, s29  }
0xb7: {  	vm0 =	vmor vm8, vm0;
	vm1 =	vmor vm11, vm1;
	vm5 =	vmor vm12, vm5;
	s20 =	sor.u32 s1, s20;
	s0 =	sor.u32 $0x380, s0;
	s1 =	smov.u32 s31  }
0xb8: {  	v31 =	vsel vm6, $0x1, v5;
	v33 =	vsel vm2, $0x1, v5;
	v34 =	vsel vm3, $0x1, v5;
	v32 =	vld [tilespmem:s0+$0x800]  }
0xb9: {  	v36 =	vsel vm4, $0x1, v5;
	v37 =	vsel vm0, $0x1, v5;
	v38 =	vsel vm1, $0x1, v5;
	v35 =	vld [tilespmem:s20+$0x800]  }
0xba: {  	v23 =	vadd.s32 v31, v23;
	v24 =	vadd.s32 v33, v24;
	v31 =	vsel vm5, $0x1, v5;
	v39 =	vld [tilespmem:s20+$0x880]  }
0xbb: {  	v25 =	vadd.s32 v34, v25;
	v26 =	vadd.s32 v36, v26;
	v29 =	vadd.s32 v37, v29;
	v33 =	vld [tilespmem:s20+$0x900]  }
0xbc: {  	v30 =	vadd.s32 $0x10, v30;
	v27 =	vadd.s32 v38, v27;
	v22 =	vadd.s32 v31, v22;
	v34 =	vld [tilespmem:s20+$0x980]  }
0xbd: {  	vm0 =	vlt.s32 v30, v21;
	vm2 =	vlt.s32 v30, v7;
	v36 =	vld [tilespmem:s20+$0xA00];
	vm1 =	veq.f32 v32, v6  }
0xbe: {  	vm4 =	vgt.f32 v32, v6;
	vm3 =	veq.f32 v35, v20;
	v31 =	vld [tilespmem:s20+$0xA80];
	vm1 =	vmand vm2, vm1  }
0xbf: {  	vm5 =	vlt.s32 v30, v19;
	vm2 =	veq.f32 v39, v18;
	v32 =	vld [tilespmem:s20+$0xB00];
	vm1 =	vmor vm4, vm1  }
0xc0: {  	vm7 =	vlt.s32 v30, v17;
	vm4 =	veq.f32 v33, v16;
	v37 =	vsel vm1, $0x1, v5  }
0xc1: {  	vm8 =	vlt.s32 v30, v15;
	vm1 =	veq.f32 v34, v14;
	v28 =	vadd.s32 v37, v28  }
0xc2: {  	vm10 =	vlt.s32 v30, v13;
	vm11 =	vlt.s32 v30, v11;
	vm9 =	veq.f32 v36, v12  }
.Ltmp2:
0xc3: {  	vm13 =	vlt.s32 v30, v9;
	vm6 =	vmand vm0, vm3;
	vm12 =	veq.f32 v31, v10;
	(pc) =	sbr.rel @p0 .LBB2_6-.Ltmp2, $4  }
0xc4: {  	vm2 =	vmand vm5, vm2;
	vm3 =	vmand vm7, vm4;
	vm5 =	veq.f32 v32, v8  }
0xc5: {  	vm4 =	vmand vm8, vm1;
	vm0 =	vmand vm10, vm9;
	vm1 =	vmand vm11, vm12  }
0xc6: {  	s30 =	sadd.s32 $0x1, s30;
	vm7 =	vgt.f32 v39, v18;
	vm11 =	vgt.f32 v35, v20;
	vm5 =	vmand vm13, vm5  }
0xc7: {  	s31 =	sadd.s32 $0x10, s31;
	s0 =	sand.u32 $0x7, s30;
	vm8 =	vgt.f32 v36, v12;
	vm10 =	vgt.f32 v33, v16;
	vm9 =	vgt.f32 v34, v14  }
0xc8: {  	vm6 =	vmor vm11, vm6;
	vm11 =	vgt.f32 v31, v10  }
0xc9: {  	s0 =	sshll.u32 s0, $0x4;
	s20 =	sadd.s32 $0x80, s29;
	vm12 =	vgt.f32 v32, v8;
	vm2 =	vmor vm7, vm2;
	vm3 =	vmor vm10, vm3  }
0xca: {  	vm4 =	vmor vm9, vm4;
	vm0 =	vmor vm8, vm0;
	v30 =	vadd.s32 $0x10, v30;
	s0 =	sadd.s32 s0, s20  }
0xcb: {  	s1 =	sand.u32 $0x70, s1;
	vm13 =	vlt.s32 v3, v9;
	s20 =	sand.u32 $0xFC00, s20;
	vm1 =	vmor vm11, vm1;
	vm5 =	vmor vm12, vm5;
	s0 =	sor.u32 $0x380, s0  }
0xcc: {  	v47 =	vsel vm6, $0x1, v5;
	v33 =	vsel vm2, $0x1, v5;
	v34 =	vsel vm3, $0x1, v5;
	s1 =	sor.u32 s1, s20;
	v31 =	vld [tilespmem:s0+$0x800]  }
0xcd: {  	v36 =	vsel vm4, $0x1, v5;
	v37 =	vsel vm0, $0x1, v5;
	vm0 =	vlt.s32 v30, v21;
	v35 =	vld [tilespmem:s1+$0x800]  }
0xce: {  	vm2 =	vlt.s32 v30, v7;
	vm6 =	vlt.s32 v30, v17;
	vm7 =	vlt.s32 v30, v15;
	v39 =	vld [tilespmem:s1+$0x880]  }
0xcf: {  	vm9 =	vlt.s32 v30, v13;
	vm10 =	vlt.s32 v30, v11;
	vm11 =	vlt.s32 v30, v9;
	v51 =	vld [tilespmem:s1+$0xA00]  }
0xd0: {  	v38 =	vsel vm1, $0x1, v5;
	v23 =	vadd.s32 v47, v23;
	v24 =	vadd.s32 v33, v24;
	v52 =	vld [tilespmem:s1+$0xA80]  }
0xd1: {  	v48 =	vsel vm5, $0x1, v5;
	v25 =	vadd.s32 v34, v25;
	v26 =	vadd.s32 v36, v26;
	v49 =	vld [tilespmem:s1+$0x900]  }
0xd2: {  	v29 =	vadd.s32 v37, v29;
	vm5 =	vlt.s32 v30, v19;
	v50 =	vld [tilespmem:s1+$0x980];
	v27 =	vadd.s32 v38, v27  }
0xd3: {  	v22 =	vadd.s32 v48, v22;
	vm1 =	veq.f32 v31, v6;
	vm3 =	veq.f32 v35, v20  }
0xd4: {  	vm4 =	vgt.f32 v31, v6;
	vm8 =	veq.f32 v51, v12;
	vm1 =	vmand vm2, vm1  }
0xd5: {  	vm2 =	veq.f32 v39, v18;
	vm0 =	vmand vm0, vm3;
	vm3 =	veq.f32 v52, v10  }
0xd6: {  	v31 =	vld [tilespmem:s1+$0xB00];
	vm1 =	vmor vm4, vm1;
	vm4 =	veq.f32 v49, v16;
	vm2 =	vmand vm5, vm2  }
0xd7: {  	vm3 =	vmand vm10, vm3;
	vm10 =	vgt.f32 v50, v14;
	v53 =	vsel vm1, $0x1, v5  }
0xd8: {  	vm1 =	veq.f32 v50, v14;
	vm4 =	vmand vm6, vm4;
	vm6 =	vmand vm9, vm8  }
0xd9: {  	s29 =	simm.s32 $0x0;
	vm8 =	vgt.f32 v39, v18;
	vm9 =	vgt.f32 v49, v16;
	v28 =	vadd.s32 v53, v28  }
0xda: {  	s20 =	sand.u32 $0x7, s29;
	vm1 =	vmand vm7, vm1;
	vm7 =	vgt.f32 v35, v20;
	vm2 =	vmor vm8, vm2  }
0xdb: {  	[tilespmem:s21], [sflag:$0x1] =	stream.linear.gather [hbm4b:s13+s29], $0x9C00, $0x38;
	vm4 =	vmor vm9, vm4;
	vm8 =	vlt.s32 v3, v15;
	vm5 =	veq.f32 v31, v8;
	[tilespmem:$0x14080] =	vst v63  }
0xdc: {  	s0 =	sshll.u32 s20, $0x4;
	_ =	swait.ge [sflag:s24], $0x9C00;
	vm0 =	vmor vm7, vm0;
	vm7 =	vgt.f32 v52, v10;
	vm12 =	vgt.f32 v31, v8  }
0xdd: {  	s20 =	sand.u32 $0xFC00, s29;
	s0 =	sadd.s32 $0x0, s0;
	[sflag:s24] =	ssyncset.done $0x0;
	vm1 =	vmor vm10, vm1;
	v31 =	vsel vm2, $0x1, v5;
	v55 =	vsel vm4, $0x1, v5  }
0xde: {  	s0 =	sor.u32 $0x380, s0;
	s1 =	sand.u32 $0x70, s29;
	[sflag:s24] =	ssyncadd.s32 $0xFFFF6400;
	vm2 =	vlt.s32 v3, v7;
	vm10 =	vlt.s32 v3, v13;
	vm5 =	vmand vm11, vm5  }
0xdf: {  	s1 =	sor.u32 s1, s20;
	v54 =	vld [tilespmem:s0+$0xA400];
	vm11 =	vgt.f32 v51, v12;
	vm3 =	vmor vm7, vm3;
	v30 =	vsel vm0, $0x1, v5  }
0xe0: {  	v58 =	vld [tilespmem:s1+$0xA400];
	v56 =	vsel vm1, $0x1, v5;
	v24 =	vadd.s32 v31, v24;
	v25 =	vadd.s32 v55, v25  }
0xe1: {  	v62 =	vld [tilespmem:s1+$0xA600];
	vm0 =	vlt.s32 v3, v21;
	vm7 =	vlt.s32 v3, v17;
	vm6 =	vmor vm11, vm6  }
0xe2: {  	v60 =	vld [tilespmem:s1+$0xA500];
	vm5 =	vmor vm12, vm5;
	v59 =	vsel vm3, $0x1, v5;
	v23 =	vadd.s32 v30, v23  }
0xe3: {  	v61 =	vld [tilespmem:s1+$0xA580];
	v26 =	vadd.s32 v56, v26;
	vm11 =	vlt.s32 v3, v11;
	v57 =	vsel vm6, $0x1, v5  }
0xe4: {  	v30 =	vld [tilespmem:s1+$0xA480];
	v31 =	vsel vm5, $0x1, v5;
	v27 =	vadd.s32 v59, v27;
	vm5 =	vlt.s32 v3, v19  }
0xe5: {  	v29 =	vadd.s32 v57, v29;
	v22 =	vadd.s32 v31, v22;
	vm1 =	veq.f32 v54, v6  }
0xe6: {  	v32 =	vld [tilespmem:s1+$0xA700];
	vm3 =	veq.f32 v58, v20;
	vm4 =	vgt.f32 v54, v6;
	vm9 =	veq.f32 v62, v12  }
0xe7: {  	v31 =	vld [tilespmem:s1+$0xA680];
	vm1 =	vmand vm2, vm1;
	vm6 =	vmand vm0, vm3;
	vm0 =	vmand vm10, vm9  }
0xe8: {  	vm10 =	vgt.f32 v60, v16;
	vm9 =	vgt.f32 v61, v14;
	vm1 =	vmor vm4, vm1  }
0xe9: {  	vm4 =	veq.f32 v60, v16;
	vm2 =	veq.f32 v30, v18;
	v63 =	vsel vm1, $0x1, v5  }
0xea: {  	vm1 =	veq.f32 v61, v14;
	vm3 =	vmand vm7, vm4;
	vm7 =	vgt.f32 v30, v18  }
0xeb: {  	v28 =	vadd.s32 v63, v28;
	vm2 =	vmand vm5, vm2;
	vm5 =	veq.f32 v32, v8  }
0xec: {  	s30 =	simm.s32 $0x1;
	vm4 =	vmand vm8, vm1;
	vm8 =	vgt.f32 v62, v12;
	vm12 =	veq.f32 v31, v10  }
0xed: {  	s31 =	simm.s32 $0x20;
	s0 =	sand.u32 $0x7, s30;
	s1 =	simm.s32 $0x10;
	v30 =	vmovc v3;
	vm5 =	vmand vm13, vm5;
	vm1 =	vmand vm11, vm12;
	vm11 =	vgt.f32 v58, v20  }
.LBB2_8:
0xee: {  	p0 =	sne.s32 s31, $0x1370;
	s0 =	sshll.u32 s0, $0x4;
	vm6 =	vmor vm11, vm6;
	vm11 =	vgt.f32 v31, v10;
	vm12 =	vgt.f32 v32, v8;
	s29 =	sadd.s32 $0x80, s29  }
0xef: {  	s1 =	sand.u32 $0x70, s1;
	vm2 =	vmor vm7, vm2;
	vm3 =	vmor vm10, vm3;
	vm4 =	vmor vm9, vm4;
	s0 =	sadd.s32 s0, s29;
	s20 =	sand.u32 $0xFC00, s29  }
0xf0: {  	vm0 =	vmor vm8, vm0;
	vm1 =	vmor vm11, vm1;
	vm5 =	vmor vm12, vm5;
	s20 =	sor.u32 s1, s20;
	s0 =	sor.u32 $0x380, s0;
	s1 =	smov.u32 s31  }
0xf1: {  	v31 =	vsel vm6, $0x1, v5;
	v33 =	vsel vm2, $0x1, v5;
	v34 =	vsel vm3, $0x1, v5;
	v32 =	vld [tilespmem:s0+$0xA400]  }
0xf2: {  	v36 =	vsel vm4, $0x1, v5;
	v37 =	vsel vm0, $0x1, v5;
	v38 =	vsel vm1, $0x1, v5;
	v35 =	vld [tilespmem:s20+$0xA400]  }
0xf3: {  	v23 =	vadd.s32 v31, v23;
	v24 =	vadd.s32 v33, v24;
	v31 =	vsel vm5, $0x1, v5;
	v39 =	vld [tilespmem:s20+$0xA480]  }
0xf4: {  	v25 =	vadd.s32 v34, v25;
	v26 =	vadd.s32 v36, v26;
	v29 =	vadd.s32 v37, v29;
	v33 =	vld [tilespmem:s20+$0xA500]  }
0xf5: {  	v30 =	vadd.s32 $0x10, v30;
	v27 =	vadd.s32 v38, v27;
	v22 =	vadd.s32 v31, v22;
	v34 =	vld [tilespmem:s20+$0xA580]  }
0xf6: {  	vm0 =	vlt.s32 v30, v21;
	vm2 =	vlt.s32 v30, v7;
	v36 =	vld [tilespmem:s20+$0xA600];
	vm1 =	veq.f32 v32, v6  }
0xf7: {  	vm4 =	vgt.f32 v32, v6;
	vm3 =	veq.f32 v35, v20;
	v31 =	vld [tilespmem:s20+$0xA680];
	vm1 =	vmand vm2, vm1  }
0xf8: {  	vm5 =	vlt.s32 v30, v19;
	vm2 =	veq.f32 v39, v18;
	v32 =	vld [tilespmem:s20+$0xA700];
	vm1 =	vmor vm4, vm1  }
0xf9: {  	vm7 =	vlt.s32 v30, v17;
	vm4 =	veq.f32 v33, v16;
	v37 =	vsel vm1, $0x1, v5  }
0xfa: {  	vm8 =	vlt.s32 v30, v15;
	vm1 =	veq.f32 v34, v14;
	v28 =	vadd.s32 v37, v28  }
0xfb: {  	vm10 =	vlt.s32 v30, v13;
	vm11 =	vlt.s32 v30, v11;
	vm9 =	veq.f32 v36, v12  }
.Ltmp3:
0xfc: {  	vm13 =	vlt.s32 v30, v9;
	vm6 =	vmand vm0, vm3;
	vm12 =	veq.f32 v31, v10;
	(pc) =	sbr.rel @p0 .LBB2_8-.Ltmp3, $4  }
0xfd: {  	vm2 =	vmand vm5, vm2;
	vm3 =	vmand vm7, vm4;
	vm5 =	veq.f32 v32, v8  }
0xfe: {  	vm4 =	vmand vm8, vm1;
	vm0 =	vmand vm10, vm9;
	vm1 =	vmand vm11, vm12  }
0xff: {  	s30 =	sadd.s32 $0x1, s30;
	vm7 =	vgt.f32 v39, v18;
	vm11 =	vgt.f32 v35, v20;
	vm5 =	vmand vm13, vm5  }
0x100: {  	s31 =	sadd.s32 $0x10, s31;
	s0 =	sand.u32 $0x7, s30;
	vm8 =	vgt.f32 v36, v12;
	vm10 =	vgt.f32 v33, v16;
	vm9 =	vgt.f32 v34, v14  }
0x101: {  	vm6 =	vmor vm11, vm6;
	vm11 =	vgt.f32 v31, v10  }
0x102: {  	s0 =	sshll.u32 s0, $0x4;
	s20 =	sadd.s32 $0x80, s29;
	vm12 =	vgt.f32 v32, v8;
	vm2 =	vmor vm7, vm2;
	vm3 =	vmor vm10, vm3  }
0x103: {  	vm4 =	vmor vm9, vm4;
	vm0 =	vmor vm8, vm0;
	vm13 =	vlt.s32 v4, v9;
	s0 =	sadd.s32 s0, s20  }
0x104: {  	s1 =	sand.u32 $0x70, s1;
	s20 =	sand.u32 $0xFC00, s20;
	vm1 =	vmor vm11, vm1;
	vm5 =	vmor vm12, vm5;
	v48 =	vsel vm6, $0x1, v5;
	s0 =	sor.u32 $0x380, s0  }
0x105: {  	v33 =	vsel vm2, $0x1, v5;
	v34 =	vsel vm3, $0x1, v5;
	v36 =	vsel vm4, $0x1, v5;
	s1 =	sor.u32 s1, s20;
	v31 =	vld [tilespmem:s0+$0xA400]  }
0x106: {  	v37 =	vsel vm0, $0x1, v5;
	v38 =	vsel vm1, $0x1, v5;
	v23 =	vadd.s32 v48, v23;
	v35 =	vld [tilespmem:s1+$0xA400]  }
0x107: {  	v24 =	vadd.s32 v33, v24;
	v49 =	vsel vm5, $0x1, v5;
	v25 =	vadd.s32 v34, v25;
	v39 =	vld [tilespmem:s1+$0xA480]  }
0x108: {  	v26 =	vadd.s32 v36, v26;
	v52 =	vadd.s32 v38, v27;
	v27 =	vadd.s32 $0x10, v30;
	v30 =	vld [tilespmem:s1+$0xA600]  }
0x109: {  	v29 =	vadd.s32 v37, v29;
	v22 =	vadd.s32 v49, v22;
	v53 =	vld [tilespmem:s1+$0xA680];
	vm0 =	vlt.s32 v27, v21  }
0x10a: {  	v50 =	vld [tilespmem:s1+$0xA500];
	vm2 =	vlt.s32 v27, v7;
	vm5 =	vlt.s32 v27, v19;
	vm6 =	vlt.s32 v27, v17  }
0x10b: {  	v51 =	vld [tilespmem:s1+$0xA580];
	vm7 =	vlt.s32 v27, v15;
	vm9 =	vlt.s32 v27, v13;
	vm10 =	vlt.s32 v27, v11  }
0x10c: {  	vm11 =	vlt.s32 v27, v9;
	vm1 =	veq.f32 v31, v6;
	vm3 =	veq.f32 v35, v20  }
0x10d: {  	vm4 =	vgt.f32 v31, v6;
	vm8 =	veq.f32 v30, v12;
	vm1 =	vmand vm2, vm1  }
0x10e: {  	vm2 =	veq.f32 v39, v18;
	vm0 =	vmand vm0, vm3;
	vm3 =	veq.f32 v53, v10  }
0x10f: {  	v31 =	vld [tilespmem:s1+$0xA700];
	vm1 =	vmor vm4, vm1;
	vm4 =	veq.f32 v50, v16;
	vm2 =	vmand vm5, vm2  }
0x110: {  	vm3 =	vmand vm10, vm3;
	vm10 =	vgt.f32 v51, v14;
	v54 =	vsel vm1, $0x1, v5  }
0x111: {  	vm1 =	veq.f32 v51, v14;
	vm4 =	vmand vm6, vm4;
	vm6 =	vmand vm9, vm8  }
0x112: {  	s29 =	simm.s32 $0x0;
	vm8 =	vgt.f32 v39, v18;
	vm9 =	vgt.f32 v50, v16;
	v37 =	vadd.s32 v54, v28  }
0x113: {  	s20 =	sand.u32 $0x7, s29;
	vm1 =	vmand vm7, vm1;
	vm7 =	vgt.f32 v35, v20;
	vm2 =	vmor vm8, vm2  }
0x114: {  	s0 =	sshll.u32 s20, $0x4;
	_ =	swait.ge [sflag:s23], $0x9C00;
	vm4 =	vmor vm9, vm4;
	vm8 =	vlt.s32 v4, v15;
	vm5 =	veq.f32 v31, v8  }
0x115: {  	s20 =	sand.u32 $0xFC00, s29;
	s0 =	sadd.s32 $0x0, s0;
	[sflag:s23] =	ssyncset.done $0x0;
	vm0 =	vmor vm7, vm0;
	vm7 =	vgt.f32 v53, v10;
	vm12 =	vgt.f32 v31, v8  }
0x116: {  	s0 =	sor.u32 $0x380, s0;
	s1 =	sand.u32 $0x70, s29;
	[sflag:s23] =	ssyncadd.s32 $0xFFFF6400;
	vm1 =	vmor vm10, vm1;
	v28 =	vsel vm2, $0x1, v5;
	vm2 =	vlt.s32 v4, v7  }
0x117: {  	s1 =	sor.u32 s1, s20;
	v55 =	vld [tilespmem:s0+$0x800];
	vm5 =	vmand vm11, vm5;
	vm11 =	vgt.f32 v30, v12;
	vm3 =	vmor vm7, vm3  }
0x118: {  	v58 =	vld [tilespmem:s1+$0x800];
	v27 =	vsel vm0, $0x1, v5;
	v30 =	vsel vm4, $0x1, v5;
	v56 =	vsel vm1, $0x1, v5  }
0x119: {  	v28 =	vadd.s32 v28, v24;
	vm0 =	vlt.s32 v4, v21;
	vm6 =	vmor vm11, vm6  }
0x11a: {  	v63 =	vld [tilespmem:s1+$0xA00];
	vm5 =	vmor vm12, vm5;
	v59 =	vsel vm3, $0x1, v5;
	v31 =	vadd.s32 v27, v23  }
0x11b: {  	v60 =	vld [tilespmem:s1+$0x880];
	v27 =	vadd.s32 v30, v25;
	v26 =	vadd.s32 v56, v26;
	vm11 =	vlt.s32 v4, v13  }
0x11c: {  	v61 =	vld [tilespmem:s1+$0x900];
	vm12 =	vlt.s32 v4, v11;
	v57 =	vsel vm6, $0x1, v5;
	v23 =	vsel vm5, $0x1, v5  }
0x11d: {  	v24 =	vadd.s32 v59, v52;
	vm1 =	veq.f32 v55, v6;
	vm3 =	veq.f32 v58, v20  }
0x11e: {  	v62 =	vld [tilespmem:s1+$0x980];
	vm4 =	vgt.f32 v55, v6;
	vm5 =	vlt.s32 v4, v19;
	vm6 =	vlt.s32 v4, v17  }
0x11f: {  	v30 =	vld [tilespmem:s1+$0xA80];
	vm10 =	veq.f32 v63, v12;
	v25 =	vadd.s32 v57, v29;
	v22 =	vadd.s32 v23, v22  }
0x120: {  	vm1 =	vmand vm2, vm1;
	vm2 =	veq.f32 v60, v18;
	v29 =	vld [tilespmem:s1+$0xB00];
	vm9 =	vmand vm0, vm3  }
0x121: {  	vm1 =	vmor vm4, vm1;
	vm4 =	veq.f32 v61, v16;
	vm7 =	vmand vm5, vm2  }
0x122: {  	vm2 =	vmand vm11, vm10;
	vm11 =	vgt.f32 v58, v20;
	vm10 =	vgt.f32 v60, v18  }
0x123: {  	v23 =	vsel vm1, $0x1, v5;
	vm1 =	veq.f32 v62, v14;
	vm5 =	vmand vm6, vm4  }
0x124: {  	vm6 =	vgt.f32 v62, v14;
	v23 =	vadd.s32 v23, v37;
	vm0 =	veq.f32 v30, v10  }
0x125: {  	s30 =	simm.s32 $0x1;
	vm3 =	vmand vm8, vm1;
	vm8 =	vgt.f32 v61, v16;
	vm4 =	veq.f32 v29, v8  }
0x126: {  	s31 =	simm.s32 $0x10;
	v32 =	vmovc v4;
	s0 =	sand.u32 $0x7, s30;
	s1 =	simm.s32 $0x20;
	vm1 =	vmand vm12, vm0;
	vm0 =	vmand vm13, vm4;
	vm4 =	vgt.f32 v63, v12  }
.LBB2_10:
0x127: {  	p0 =	sne.s32 s1, $0x1370;
	s0 =	sshll.u32 s0, $0x4;
	vm9 =	vmor vm11, vm9;
	vm11 =	vgt.f32 v30, v10;
	vm12 =	vgt.f32 v29, v8;
	s29 =	sadd.s32 $0x80, s29  }
0x128: {  	s20 =	sand.u32 $0x70, s31;
	vm7 =	vmor vm10, vm7;
	vm5 =	vmor vm8, vm5;
	vm3 =	vmor vm6, vm3;
	s0 =	sadd.s32 s0, s29;
	s31 =	sand.u32 $0xFC00, s29  }
0x129: {  	vm2 =	vmor vm4, vm2;
	vm1 =	vmor vm11, vm1;
	vm0 =	vmor vm12, vm0;
	s20 =	sor.u32 s20, s31;
	s0 =	sor.u32 $0x380, s0;
	s31 =	smov.u32 s1  }
0x12a: {  	v30 =	vsel vm9, $0x1, v5;
	v33 =	vsel vm7, $0x1, v5;
	v34 =	vsel vm5, $0x1, v5;
	v29 =	vld [tilespmem:s0+$0x800]  }
0x12b: {  	v36 =	vsel vm3, $0x1, v5;
	v37 =	vsel vm2, $0x1, v5;
	v38 =	vsel vm1, $0x1, v5;
	v35 =	vld [tilespmem:s20+$0x800]  }
0x12c: {  	v31 =	vadd.s32 v30, v31;
	v28 =	vadd.s32 v33, v28;
	v30 =	vsel vm0, $0x1, v5;
	v39 =	vld [tilespmem:s20+$0x880]  }
0x12d: {  	v27 =	vadd.s32 v34, v27;
	v26 =	vadd.s32 v36, v26;
	v25 =	vadd.s32 v37, v25;
	v33 =	vld [tilespmem:s20+$0x900]  }
0x12e: {  	v32 =	vadd.s32 $0x10, v32;
	v24 =	vadd.s32 v38, v24;
	v22 =	vadd.s32 v30, v22;
	v34 =	vld [tilespmem:s20+$0x980]  }
0x12f: {  	vm2 =	vlt.s32 v32, v7;
	vm0 =	vlt.s32 v32, v21;
	v36 =	vld [tilespmem:s20+$0xA00];
	vm1 =	veq.f32 v29, v6  }
0x130: {  	vm4 =	vgt.f32 v29, v6;
	vm3 =	veq.f32 v35, v20;
	v30 =	vld [tilespmem:s20+$0xA80];
	vm1 =	vmand vm2, vm1  }
0x131: {  	vm5 =	vlt.s32 v32, v19;
	vm2 =	veq.f32 v39, v18;
	v29 =	vld [tilespmem:s20+$0xB00];
	vm1 =	vmor vm4, vm1  }
0x132: {  	vm6 =	vlt.s32 v32, v17;
	vm4 =	veq.f32 v33, v16;
	v37 =	vsel vm1, $0x1, v5  }
0x133: {  	vm8 =	vlt.s32 v32, v15;
	vm1 =	veq.f32 v34, v14;
	v23 =	vadd.s32 v37, v23  }
0x134: {  	vm11 =	vlt.s32 v32, v13;
	vm12 =	vlt.s32 v32, v11;
	vm10 =	veq.f32 v36, v12  }
.Ltmp4:
0x135: {  	vm13 =	vlt.s32 v32, v9;
	vm9 =	vmand vm0, vm3;
	vm0 =	veq.f32 v30, v10;
	(pc) =	sbr.rel @p0 .LBB2_10-.Ltmp4, $4  }
0x136: {  	vm7 =	vmand vm5, vm2;
	vm5 =	vmand vm6, vm4;
	vm4 =	veq.f32 v29, v8  }
0x137: {  	vm3 =	vmand vm8, vm1;
	vm2 =	vmand vm11, vm10;
	vm1 =	vmand vm12, vm0  }
0x138: {  	s30 =	sadd.s32 $0x1, s30;
	vm11 =	vgt.f32 v35, v20;
	vm10 =	vgt.f32 v39, v18;
	vm0 =	vmand vm13, vm4  }
0x139: {  	s1 =	sadd.s32 $0x10, s1;
	s0 =	sand.u32 $0x7, s30;
	vm6 =	vgt.f32 v34, v14;
	vm8 =	vgt.f32 v33, v16;
	vm4 =	vgt.f32 v36, v12  }
0x13a: {  	s1 =	sadd.s32 $0x80, s29  }
0x13b: {  	s20 =	sand.u32 $0x70, s31;
	s29 =	sand.u32 $0xFC00, s1  }
0x13c: {  	s20 =	sor.u32 s20, s29  }
0x13d: {  	v33 =	vld [tilespmem:s20+$0x800]  }
0x13e: {  	s0 =	sshll.u32 s0, $0x4  }
0x13f: {  	s0 =	sadd.s32 s0, s1  }
0x140: {  	s0 =	sor.u32 $0x380, s0  }
0x141: {  	v32 =	vadd.s32 $0x10, v32;
	v34 =	vld [tilespmem:s0+$0x800]  }
0x142: {  	vm12 =	vlt.s32 v32, v21;
	v35 =	vld [tilespmem:s20+$0x880];
	vm13 =	veq.f32 v33, v20  }
0x143: {  	vm9 =	vmor vm11, vm9;
	v36 =	vld [tilespmem:s20+$0x900];
	vm11 =	vmand vm12, vm13;
	vm12 =	vgt.f32 v33, v20  }
0x144: {  	v48 =	vsel vm9, $0x1, v5;
	v47 =	vld [tilespmem:s20+$0x980];
	vm12 =	vmor vm12, vm11  }
0x145: {  	v21 =	vadd.s32 v48, v31;
	v49 =	vld [tilespmem:s20+$0xA00];
	v37 =	vsel vm12, $0x1, v5  }
0x146: {  	v50 =	vld [tilespmem:s20+$0xA80];
	v21 =	vadd.s32 v37, v21  }
0x147: {  	vm14 =	vlt.s32 v32, v19;
	v51 =	vld [tilespmem:s20+$0xB00];
	vm13 =	veq.f32 v35, v18;
	[tilespmem:$0x14000] =	vst v21  }
0x148: {  	vm7 =	vmor vm10, vm7;
	vm15 =	vgt.f32 v35, v18;
	vm9 =	vmand vm14, vm13;
	[hbm4b:s8+s2] =	stream.linear.scatter [tilespmem:s25], [sflag:$0x4], $0x80, $0x38;
	[tilespmem:$0x14080] =	vst v63  }
0x149: {  	v52 =	vsel vm7, $0x1, v5;
	vm12 =	vmor vm15, vm9;
	_ =	swait.ge [sflag:s26], $0x80  }
0x14a: {  	v18 =	vadd.s32 v52, v28;
	v53 =	vsel vm12, $0x1, v5;
	[sflag:s26] =	ssyncset.done $0x0  }
0x14b: {  	v18 =	vadd.s32 v53, v18;
	[sflag:s26] =	ssyncadd.s32 $0xFFFFFF80  }
0x14c: {  	vm13 =	veq.f32 v36, v16;
	vm14 =	vlt.s32 v32, v17;
	[tilespmem:$0x14000] =	vst v18  }
0x14d: {  	vm5 =	vmor vm8, vm5;
	vm7 =	vmand vm14, vm13;
	vm15 =	vgt.f32 v36, v16;
	[hbm4b:s9+s2] =	stream.linear.scatter [tilespmem:s25], [sflag:$0x4], $0x80, $0x38;
	[tilespmem:$0x14080] =	vst v63  }
0x14e: {  	v54 =	vsel vm5, $0x1, v5;
	vm10 =	vmor vm15, vm7;
	_ =	swait.ge [sflag:s26], $0x80  }
0x14f: {  	v16 =	vadd.s32 v54, v27;
	v55 =	vsel vm10, $0x1, v5;
	[sflag:s26] =	ssyncset.done $0x0  }
0x150: {  	v16 =	vadd.s32 v55, v16;
	[sflag:s26] =	ssyncadd.s32 $0xFFFFFF80  }
0x151: {  	vm11 =	veq.f32 v47, v14;
	vm12 =	vlt.s32 v32, v15;
	[tilespmem:$0x14000] =	vst v16  }
0x152: {  	vm3 =	vmor vm6, vm3;
	vm13 =	vgt.f32 v47, v14;
	vm5 =	vmand vm12, vm11;
	[hbm4b:s11+s2] =	stream.linear.scatter [tilespmem:s25], [sflag:$0x4], $0x80, $0x38;
	[tilespmem:$0x14080] =	vst v63  }
0x153: {  	v56 =	vsel vm3, $0x1, v5;
	vm14 =	vmor vm13, vm5;
	_ =	swait.ge [sflag:s26], $0x80  }
0x154: {  	v14 =	vadd.s32 v56, v26;
	v57 =	vsel vm14, $0x1, v5;
	[sflag:s26] =	ssyncset.done $0x0  }
0x155: {  	v14 =	vadd.s32 v57, v14;
	[sflag:s26] =	ssyncadd.s32 $0xFFFFFF80  }
0x156: {  	vm8 =	vlt.s32 v32, v13;
	vm15 =	veq.f32 v49, v12;
	[tilespmem:$0x14000] =	vst v14  }
0x157: {  	vm2 =	vmor vm4, vm2;
	vm9 =	vgt.f32 v49, v12;
	vm3 =	vmand vm8, vm15;
	[hbm4b:s12+s2] =	stream.linear.scatter [tilespmem:s25], [sflag:$0x4], $0x80, $0x38;
	[tilespmem:$0x14080] =	vst v63  }
0x158: {  	v58 =	vsel vm2, $0x1, v5;
	vm10 =	vmor vm9, vm3;
	_ =	swait.ge [sflag:s26], $0x80  }
0x159: {  	v12 =	vadd.s32 v58, v25;
	v59 =	vsel vm10, $0x1, v5;
	[sflag:s26] =	ssyncset.done $0x0  }
0x15a: {  	v12 =	vadd.s32 v59, v12;
	[sflag:s26] =	ssyncadd.s32 $0xFFFFFF80  }
0x15b: {  	vm11 =	vgt.f32 v30, v10;
	vm12 =	vlt.s32 v32, v11;
	vm13 =	veq.f32 v50, v10;
	[tilespmem:$0x14000] =	vst v12  }
0x15c: {  	vm15 =	vgt.f32 v50, v10;
	vm1 =	vmor vm11, vm1;
	vm14 =	vmand vm12, vm13;
	[hbm4b:s14+s2] =	stream.linear.scatter [tilespmem:s25], [sflag:$0x4], $0x80, $0x38;
	[tilespmem:$0x14080] =	vst v63  }
0x15d: {  	v60 =	vsel vm1, $0x1, v5;
	vm6 =	vmor vm15, vm14;
	_ =	swait.ge [sflag:s26], $0x80  }
0x15e: {  	v10 =	vadd.s32 v60, v24;
	v61 =	vsel vm6, $0x1, v5;
	[sflag:s26] =	ssyncset.done $0x0  }
0x15f: {  	v10 =	vadd.s32 v61, v10;
	[sflag:s26] =	ssyncadd.s32 $0xFFFFFF80  }
0x160: {  	vm7 =	vgt.f32 v29, v8;
	vm8 =	vlt.s32 v32, v9;
	vm9 =	veq.f32 v51, v8;
	[tilespmem:$0x14000] =	vst v10  }
0x161: {  	vm0 =	vmor vm7, vm0;
	vm11 =	vgt.f32 v51, v8;
	vm10 =	vmand vm8, vm9;
	[hbm4b:s15+s2] =	stream.linear.scatter [tilespmem:s25], [sflag:$0x4], $0x80, $0x38;
	[tilespmem:$0x14080] =	vst v63  }
0x162: {  	v62 =	vsel vm0, $0x1, v5;
	vm12 =	vmor vm11, vm10;
	_ =	swait.ge [sflag:s26], $0x80  }
0x163: {  	v8 =	vadd.s32 v62, v22;
	v63 =	vsel vm12, $0x1, v5;
	[sflag:s26] =	ssyncset.done $0x0  }
0x164: {  	v8 =	vadd.s32 v63, v8;
	[sflag:s26] =	ssyncadd.s32 $0xFFFFFF80  }
0x165: {  	vm13 =	veq.f32 v34, v6;
	vm14 =	vlt.s32 v32, v7;
	[tilespmem:$0x14000] =	vst v8  }
0x166: {  	vm15 =	vgt.f32 v34, v6;
	vm0 =	vmand vm14, vm13;
	[hbm4b:s16+s2] =	stream.linear.scatter [tilespmem:s25], [sflag:$0x4], $0x80, $0x38;
	[tilespmem:$0x14080] =	vst v63  }
0x167: {  	vm0 =	vmor vm15, vm0;
	_ =	swait.ge [sflag:s26], $0x80  }
0x168: {  	s28 =	sadd.s32 $0x1, s28;
	v6 =	vsel vm0, $0x1, v5;
	[sflag:s26] =	ssyncset.done $0x0  }
0x169: {  	p0 =	sne.s32 s28, s18;
	v6 =	vadd.s32 v6, v23;
	[sflag:s26] =	ssyncadd.s32 $0xFFFFFF80  }
.Ltmp5:
0x16a: {  	[tilespmem:$0x14000] =	vst v6;
	(pc) =	sbr.rel @p0 .LBB2_1-.Ltmp5, $4  }
0x16b: {  	[hbm4b:s17+s2] =	stream.linear.scatter [tilespmem:s25], [sflag:$0x4], $0x80, $0x38;
	[tilespmem:$0x14080] =	vst v63  }
0x16c: {  	_ =	swait.ge [sflag:s26], $0x80  }
0x16d: {  	[sflag:s26] =	ssyncset.done $0x0  }
0x16e: {  	[sflag:s26] =	ssyncadd.s32 $0xFFFFFF80  }
0x16f: {  	_ =	sfence.sel $0x180000  }
0x170: {  	[bflag:$0x0] =	sbarrier.arrive $0xFFFF  }
0x171: {  	_ =	strace $0x90000047  }
0x172: {  	s0 =	stileid.u32;
	[bflag:$0x2] =	sbarrier.arrive $0xFFFF  }
0x173: {  	p0 =	sne.s32 s0, $0x0;
	s0 =	rddreg [dreg:$0x1]  }
0x174: {  	s0 =	sadd.s32 @!p0 $0x100000, s0  }
0x175: {  	[sflag:s0] =	ssyncadd.tile.s32 @!p0 $0x1;
	_ =	shalt  }
.Lfunc_end2:
_tile_overlayer_lowered:
.L_overlay_start_2:
0x176: {  	(tag) =	ssettag $0x2  }
0x177: {  	s0 =	rddreg [dreg:$0x0];
	s2 =	stileid.u32  }
0x178: {  	s1 =	rddreg [dreg:$0x1];
	p0 =	sne.s32 s2, $0x0  }
0x179: {  	s3 =	rddreg [dreg:$0x2];
	[bflag:$0x3] =	sbarrier.arrive $0xFFFF;
	s2 =	simm.s32 @!p0 $0x1C04  }
0x17a: {  	[timem:s3], [sflag:s2] =	dma.local @!p0 [hbm:s0], s1  }
0x17b: {  	s0 =	simm.s32 @!p0 $0x4  }
0x17c: {  	_ =	swait.ge @!p0 [sflag:s0], s1  }
0x17d: {  	s1 =	ssub.s32 @!p0 $0x0, s1;
	[sflag:s0] =	ssyncset.done @!p0 $0x0  }
0x17e: {  	[sflag:s0] =	ssyncadd.s32 @!p0 s1  }
0x17f: {  	[bflag:$0x3] =	sbarrier.arrive $0xFFFF  }
0x180: {  	_ =	shalt  }

</sc_bundles>
